<compile_context>
chip_gen: v7x
topology: tpu7x:2x2x1
jax: 0.10.2.dev20260603
libtpu: 0.0.44.dev20260713+nightly
codegen_flags: <defaults>
</compile_context>

<pallas_src>
import functools

import jax
import jax.numpy as jnp
from jax import lax
from jax.experimental import pallas as pl
from jax.experimental.pallas import tpu as pltpu
from jax.experimental.pallas import tpu_sc as plsc

R = 128
C = 32768
K = 64
NW = 32
ROWS_PER_W = R // NW
NVREG = C // 16


def _sc_body(o_hbm, t_hbm, out_hbm, o_buf, t_buf, d_buf, outv, sem0, sem1):
    cid = lax.axis_index("c")
    sid = lax.axis_index("s")
    wid = sid * 2 + cid
    row0 = wid * ROWS_PER_W

    lane = lax.iota(jnp.int32, 16)
    inf16 = jnp.full((16,), jnp.inf, jnp.float32)
    zero16f = jnp.zeros((16,), jnp.float32)
    zero16i = jnp.zeros((16,), jnp.int32)
    one16i = jnp.ones((16,), jnp.int32)
    sixteen16 = jnp.full((16,), 16, jnp.int32)
    lane0 = lane == 0
    perms = [lane ^ sh for sh in (1, 2, 4, 8)]

    total_vec = zero16f
    cp_o = pltpu.async_copy(o_hbm.at[row0], o_buf, sem0)
    cp_t = pltpu.async_copy(t_hbm.at[row0], t_buf, sem1)
    for r in range(ROWS_PER_W):
        cp_o.wait()
        cp_t.wait()

        def pass1(i, mins):
            m0, m1, m2, m3 = mins
            base = i * 64
            new = []
            for q, m in enumerate((m0, m1, m2, m3)):
                o = o_buf[pl.ds(base + q * 16, 16)]
                t = t_buf[pl.ds(base + q * 16, 16)]
                d = o - t
                d = d * d
                d_buf[pl.ds(base + q * 16, 16)] = d
                new.append(jnp.minimum(m, d))
            return tuple(new)

        m0, m1, m2, m3 = plsc.parallel_loop(
            0, NVREG // 4, unroll=2,
            carry=(inf16, inf16, inf16, inf16))(pass1)
        u_bound = jnp.maximum(jnp.maximum(m0, m1), jnp.maximum(m2, m3))
        for p in perms:
            u_bound = jnp.maximum(
                u_bound, u_bound.at[p].get(mode="promise_in_bounds"))

        if r + 1 < ROWS_PER_W:
            cp_o = pltpu.async_copy(o_hbm.at[row0 + r + 1], o_buf, sem0)
            cp_t = pltpu.async_copy(t_hbm.at[row0 + r + 1], t_buf, sem1)

        def stage_a(i, off):
            base = i * 64
            anyvs = []
            incs = []
            ds = []
            for q in range(4):
                d = d_buf[pl.ds(base + q * 16, 16)]
                pc = plsc.all_reduce_population_count(d <= u_bound)
                anyv = pc > 0
                anyvs.append(anyv)
                incs.append(jnp.where(anyv, sixteen16, zero16i))
                ds.append(d)
            off_lane = off + lane
            p0 = zero16i
            p1 = incs[0]
            p2 = p1 + incs[1]
            p3 = p2 + incs[2]
            for q, part in enumerate((p0, p1, p2, p3)):
                plsc.store_scatter(
                    d_buf, [off_lane + part], ds[q], mask=anyvs[q])
            return off + (p3 + incs[3])

        offa = plsc.parallel_loop(
            0, NVREG // 4, unroll=2, carry=zero16i)(stage_a)
        na = jnp.max(offa)
        for k in range(4):
            plsc.store_scatter(d_buf, [offa + (k * 16) + lane], inf16)

        def stage_b(i, off):
            base = i * 64
            for q in range(4):
                d = d_buf[pl.ds(base + q * 16, 16)]
                msk = d <= u_bound
                mi = jnp.where(msk, one16i, zero16i)
                pos = off + jnp.cumsum(mi) - 1
                plsc.store_scatter(d_buf, [pos], d, mask=msk)
                off = off + plsc.all_reduce_population_count(msk)
            return off

        offb = plsc.parallel_loop(
            0, (na + 63) // 64, unroll=2, carry=zero16i)(stage_b)
        ncand = jnp.max(offb)
        nv4 = (ncand + 63) // 64
        for k in range(4):
            plsc.store_scatter(d_buf, [offb + (k * 16) + lane], inf16)

        def bstep(b, prefix):
            tst = prefix | jnp.left_shift(one16i, 30 - b)

            def cl(j, cnt):
                base = j * 64
                for q in range(4):
                    d = d_buf[pl.ds(base + q * 16, 16)]
                    bits = lax.bitcast_convert_type(d, jnp.int32)
                    cnt = cnt + plsc.all_reduce_population_count(bits < tst)
                return cnt

            cnt = lax.fori_loop(0, nv4, cl, zero16i)
            return jnp.where(cnt >= K, prefix, tst)

        vbits = lax.fori_loop(0, 31, bstep, zero16i)

        def fin(j, carry):
            cv, sv = carry
            base = j * 64
            for q in range(4):
                d = d_buf[pl.ds(base + q * 16, 16)]
                bits = lax.bitcast_convert_type(d, jnp.int32)
                ltm = bits < vbits
                cv = cv + plsc.all_reduce_population_count(ltm)
                sv = sv + jnp.where(ltm, d, zero16f)
            return cv, sv

        cv, sv = plsc.parallel_loop(
            0, nv4, unroll=2, carry=(zero16i, zero16f))(fin)
        vval = lax.bitcast_convert_type(vbits, jnp.float32)
        fill = (jnp.float32(K) - cv.astype(jnp.float32)) * vval
        total_vec = total_vec + sv + jnp.where(lane0, fill, zero16f)

    outv[...] = total_vec
    pltpu.sync_copy(outv, out_hbm.at[wid])


def kernel(output, target):
    mesh = plsc.VectorSubcoreMesh(core_axis_name="c", subcore_axis_name="s")
    run = functools.partial(
        pl.kernel,
        mesh=mesh,
        out_type=jax.ShapeDtypeStruct((NW, 16), jnp.float32),
        scratch_types=[
            pltpu.VMEM((C,), jnp.float32),
            pltpu.VMEM((C,), jnp.float32),
            pltpu.VMEM((C + 64,), jnp.float32),
            pltpu.VMEM((16,), jnp.float32),
            pltpu.SemaphoreType.DMA,
            pltpu.SemaphoreType.DMA,
        ],
        compiler_params=pltpu.CompilerParams(needs_layout_passes=False),
    )(_sc_body)
    partials = run(output, target)
    return jnp.sum(partials) / jnp.float32(R * K)

# --- scband reference (transcript-rebuilt; emitter-appended) ---
"""Pipeline reference for scband-mseoeemloss-36807869726928 (READ-ONLY COPY).

The authoritative reference and input builder live on the scoring server;
editing this copy changes nothing except your own understanding.
"""

import jax, jax.numpy as jnp
import numpy as np


def setup_inputs(seed: int = 0) -> dict:
    key = jax.random.key(seed)
    k1, k2 = jax.random.split(key)
    output = jax.random.normal(k1, (128, 32768), dtype=jnp.float32)
    target = jax.random.normal(k2, (128, 32768), dtype=jnp.float32)
    return {"output": output, "target": target}


def reference(output, target):
    percent = 0.5
    # nn.MSELoss(reduction='none')
    focal_loss = (output - target) ** 2
    # k based on first dim size, topk over LAST dim (torch default), largest=False
    k = int(percent * focal_loss.shape[0])
    # smallest-k via top_k on negated values
    neg_vals, _ = jax.lax.top_k(-focal_loss, k)
    OHEM = -neg_vals
    return OHEM.mean()

if __name__ == "__main__":
    import jax
    _d = setup_inputs()
    print(jax.jit(kernel)(*tuple(_d.values())))

</pallas_src>

<mosaic_0001>
#map = affine_map<(d0, d1) -> (0, 0)>
module attributes {stable_mosaic.version = 14 : i64} {
  func.func @_sc_body(%arg0: i32, %arg1: i32, %arg2: memref<128x32768xf32, #tpu.memory_space<hbm>>, %arg3: memref<128x32768xf32, #tpu.memory_space<hbm>>, %arg4: memref<32x16xf32, #tpu.memory_space<hbm>>, %arg5: memref<32768xf32, #tpu.memory_space<vmem>>, %arg6: memref<32768xf32, #tpu.memory_space<vmem>>, %arg7: memref<32832xf32, #tpu.memory_space<vmem>>, %arg8: memref<16xf32, #tpu.memory_space<vmem>>, %arg9: memref<!tpu.dma_semaphore, #tpu.memory_space<semaphore_mem>>, %arg10: memref<!tpu.dma_semaphore, #tpu.memory_space<semaphore_mem>>) attributes {dimension_semantics = [#tpu.dimension_semantics<core_parallel>, #tpu.dimension_semantics<subcore_parallel>], iteration_bounds = array<i64: 2, 16>, scalar_prefetch = 0 : i64, scratch_operands = 6 : i64, tpu.core_type = #tpu.core_type<sc_vector_subcore>, window_params = [{transform_indices = #map}, {transform_indices = #map}, {transform_indices = #map}]} {
    %mul3A = arith.constant 2 : i32
    %mul3A_0 = arith.muli %arg1, %mul3A : i32
    %add3A = arith.addi %mul3A_0, %arg0 : i32
    %mul3A_1 = arith.constant 4 : i32
    %mul3A_2 = arith.muli %add3A, %mul3A_1 : i32
    %iota3A = tpu.iota {dimensions = array<i32: 0>} : vector<16xi32>
    %broadcast_in_dim3A = arith.constant 0x7F800000 : f32
    %broadcast_in_dim3A_3 = vector.broadcast %broadcast_in_dim3A : f32 to vector<16xf32>
    %broadcast_in_dim3A_4 = arith.constant 0.000000e+00 : f32
    %broadcast_in_dim3A_5 = vector.broadcast %broadcast_in_dim3A_4 : f32 to vector<16xf32>
    %broadcast_in_dim3A_6 = arith.constant 0 : i32
    %broadcast_in_dim3A_7 = vector.broadcast %broadcast_in_dim3A_6 : i32 to vector<16xi32>
    %broadcast_in_dim3A_8 = arith.constant 1 : i32
    %broadcast_in_dim3A_9 = vector.broadcast %broadcast_in_dim3A_8 : i32 to vector<16xi32>
    %broadcast_in_dim3A_10 = arith.constant 16 : i32
    %broadcast_in_dim3A_11 = vector.broadcast %broadcast_in_dim3A_10 : i32 to vector<16xi32>
    %eq3A = arith.constant 0 : i32
    %eq3A_12 = vector.broadcast %eq3A : i32 to vector<16xi32>
    %eq3A_13 = arith.cmpi eq, %iota3A, %eq3A_12 : vector<16xi32>
    %xor3A = arith.constant 1 : i32
    %xor3A_14 = vector.broadcast %xor3A : i32 to vector<16xi32>
    %xor3A_15 = arith.xori %iota3A, %xor3A_14 : vector<16xi32>
    %xor3A_16 = arith.constant 2 : i32
    %xor3A_17 = vector.broadcast %xor3A_16 : i32 to vector<16xi32>
    %xor3A_18 = arith.xori %iota3A, %xor3A_17 : vector<16xi32>
    %xor3A_19 = arith.constant 4 : i32
    %xor3A_20 = vector.broadcast %xor3A_19 : i32 to vector<16xi32>
    %xor3A_21 = arith.xori %iota3A, %xor3A_20 : vector<16xi32>
    %xor3A_22 = arith.constant 8 : i32
    %xor3A_23 = vector.broadcast %xor3A_22 : i32 to vector<16xi32>
    %xor3A_24 = arith.xori %iota3A, %xor3A_23 : vector<16xi32>
    %dma_start3A = arith.constant 0 : i32
    %dma_start3A_25 = tpu.memref_slice %arg2[%mul3A_2, %dma_start3A] : memref<128x32768xf32, #tpu.memory_space<hbm>> -> memref<1x32768xf32, #tpu.memory_space<hbm>>
    %dma_start3A_26 = tpu.memref_squeeze %dma_start3A_25 : memref<1x32768xf32, #tpu.memory_space<hbm>> -> memref<32768xf32, #tpu.memory_space<hbm>>
    %dma_start3A_27 = arith.constant 0 : i32
    %dma_start3A_28 = tpu.memref_slice %arg2[%mul3A_2, %dma_start3A_27] : memref<128x32768xf32, #tpu.memory_space<hbm>> -> memref<1x32768xf32, #tpu.memory_space<hbm>>
    %dma_start3A_29 = tpu.memref_squeeze %dma_start3A_28 : memref<1x32768xf32, #tpu.memory_space<hbm>> -> memref<32768xf32, #tpu.memory_space<hbm>>
    tpu.enqueue_dma source(%dma_start3A_29 : memref<32768xf32, #tpu.memory_space<hbm>>) target(%arg5 : memref<32768xf32, #tpu.memory_space<vmem>>) target_semaphore(%arg9 : memref<!tpu.dma_semaphore, #tpu.memory_space<semaphore_mem>>)
    %dma_start3A_30 = arith.constant 0 : i32
    %dma_start3A_31 = tpu.memref_slice %arg3[%mul3A_2, %dma_start3A_30] : memref<128x32768xf32, #tpu.memory_space<hbm>> -> memref<1x32768xf32, #tpu.memory_space<hbm>>
    %dma_start3A_32 = tpu.memref_squeeze %dma_start3A_31 : memref<1x32768xf32, #tpu.memory_space<hbm>> -> memref<32768xf32, #tpu.memory_space<hbm>>
    %dma_start3A_33 = arith.constant 0 : i32
    %dma_start3A_34 = tpu.memref_slice %arg3[%mul3A_2, %dma_start3A_33] : memref<128x32768xf32, #tpu.memory_space<hbm>> -> memref<1x32768xf32, #tpu.memory_space<hbm>>
    %dma_start3A_35 = tpu.memref_squeeze %dma_start3A_34 : memref<1x32768xf32, #tpu.memory_space<hbm>> -> memref<32768xf32, #tpu.memory_space<hbm>>
    tpu.enqueue_dma source(%dma_start3A_35 : memref<32768xf32, #tpu.memory_space<hbm>>) target(%arg6 : memref<32768xf32, #tpu.memory_space<vmem>>) target_semaphore(%arg10 : memref<!tpu.dma_semaphore, #tpu.memory_space<semaphore_mem>>)
    %dma_wait3A = arith.constant 0 : i32
    %dma_wait3A_36 = tpu.memref_slice %arg2[%mul3A_2, %dma_wait3A] : memref<128x32768xf32, #tpu.memory_space<hbm>> -> memref<1x32768xf32, #tpu.memory_space<hbm>>
    %dma_wait3A_37 = tpu.memref_squeeze %dma_wait3A_36 : memref<1x32768xf32, #tpu.memory_space<hbm>> -> memref<32768xf32, #tpu.memory_space<hbm>>
    %dma_wait3A_38 = arith.constant 0 : i32
    %dma_wait3A_39 = tpu.memref_slice %arg2[%mul3A_2, %dma_wait3A_38] : memref<128x32768xf32, #tpu.memory_space<hbm>> -> memref<1x32768xf32, #tpu.memory_space<hbm>>
    %dma_wait3A_40 = tpu.memref_squeeze %dma_wait3A_39 : memref<1x32768xf32, #tpu.memory_space<hbm>> -> memref<32768xf32, #tpu.memory_space<hbm>>
    tpu.wait_dma2 semaphore(%arg9 : memref<!tpu.dma_semaphore, #tpu.memory_space<semaphore_mem>>) src(%dma_wait3A_40 : memref<32768xf32, #tpu.memory_space<hbm>>) dst(%arg5 : memref<32768xf32, #tpu.memory_space<vmem>>)
    %dma_wait3A_41 = arith.constant 0 : i32
    %dma_wait3A_42 = tpu.memref_slice %arg3[%mul3A_2, %dma_wait3A_41] : memref<128x32768xf32, #tpu.memory_space<hbm>> -> memref<1x32768xf32, #tpu.memory_space<hbm>>
    %dma_wait3A_43 = tpu.memref_squeeze %dma_wait3A_42 : memref<1x32768xf32, #tpu.memory_space<hbm>> -> memref<32768xf32, #tpu.memory_space<hbm>>
    %dma_wait3A_44 = arith.constant 0 : i32
    %dma_wait3A_45 = tpu.memref_slice %arg3[%mul3A_2, %dma_wait3A_44] : memref<128x32768xf32, #tpu.memory_space<hbm>> -> memref<1x32768xf32, #tpu.memory_space<hbm>>
    %dma_wait3A_46 = tpu.memref_squeeze %dma_wait3A_45 : memref<1x32768xf32, #tpu.memory_space<hbm>> -> memref<32768xf32, #tpu.memory_space<hbm>>
    tpu.wait_dma2 semaphore(%arg10 : memref<!tpu.dma_semaphore, #tpu.memory_space<semaphore_mem>>) src(%dma_wait3A_46 : memref<32768xf32, #tpu.memory_space<hbm>>) dst(%arg6 : memref<32768xf32, #tpu.memory_space<vmem>>)
    %parallel_loop3A = arith.constant 0 : i32
    %parallel_loop3A_47 = arith.constant 512 : i32
    %parallel_loop3A_48 = arith.constant 1 : i32
    %parallel_loop3A_49:4 = scf.for %parallel_loop3A_832 = %parallel_loop3A to %parallel_loop3A_47 step %parallel_loop3A_48 iter_args(%parallel_loop3A_833 = %broadcast_in_dim3A_3, %parallel_loop3A_834 = %broadcast_in_dim3A_3, %parallel_loop3A_835 = %broadcast_in_dim3A_3, %parallel_loop3A_836 = %broadcast_in_dim3A_3) -> (vector<16xf32>, vector<16xf32>, vector<16xf32>, vector<16xf32>)  : i32 {
      %parallel_loop3A_837 = arith.constant 64 : i32
      %parallel_loop3A_838 = arith.muli %parallel_loop3A_832, %parallel_loop3A_837 : i32
      %parallel_loop3A_839 = arith.constant 0 : i32
      %parallel_loop3A_840 = arith.addi %parallel_loop3A_838, %parallel_loop3A_839 : i32
      %parallel_loop3A_841 = arith.index_cast %parallel_loop3A_840 : i32 to index
      %parallel_loop3A_842 = tpu.vector_load %arg5[%parallel_loop3A_841] {strides = array<i32>} : memref<32768xf32, #tpu.memory_space<vmem>>, vector<16xf32>,
      %parallel_loop3A_843 = arith.constant 0 : i32
      %parallel_loop3A_844 = arith.addi %parallel_loop3A_838, %parallel_loop3A_843 : i32
      %parallel_loop3A_845 = arith.index_cast %parallel_loop3A_844 : i32 to index
      %parallel_loop3A_846 = tpu.vector_load %arg6[%parallel_loop3A_845] {strides = array<i32>} : memref<32768xf32, #tpu.memory_space<vmem>>, vector<16xf32>,
      %parallel_loop3A_847 = arith.subf %parallel_loop3A_842, %parallel_loop3A_846 : vector<16xf32>
      %parallel_loop3A_848 = arith.mulf %parallel_loop3A_847, %parallel_loop3A_847 : vector<16xf32>
      %parallel_loop3A_849 = arith.constant 0 : i32
      %parallel_loop3A_850 = arith.addi %parallel_loop3A_838, %parallel_loop3A_849 : i32
      %parallel_loop3A_851 = arith.index_cast %parallel_loop3A_850 : i32 to index
      %parallel_loop3A_852 = tpu.vector_load %arg7[%parallel_loop3A_851] {strides = array<i32>} : memref<32832xf32, #tpu.memory_space<vmem>>, vector<16xf32>,
      tpu.vector_store %arg7[%parallel_loop3A_851], %parallel_loop3A_848 {strides = array<i32>} : memref<32832xf32, #tpu.memory_space<vmem>>, vector<16xf32>,
      %parallel_loop3A_853 = arith.minimumf %parallel_loop3A_833, %parallel_loop3A_848 : vector<16xf32>
      %parallel_loop3A_854 = arith.constant 16 : i32
      %parallel_loop3A_855 = arith.addi %parallel_loop3A_838, %parallel_loop3A_854 : i32
      %parallel_loop3A_856 = arith.index_cast %parallel_loop3A_855 : i32 to index
      %parallel_loop3A_857 = tpu.vector_load %arg5[%parallel_loop3A_856] {strides = array<i32>} : memref<32768xf32, #tpu.memory_space<vmem>>, vector<16xf32>,
      %parallel_loop3A_858 = arith.constant 16 : i32
      %parallel_loop3A_859 = arith.addi %parallel_loop3A_838, %parallel_loop3A_858 : i32
      %parallel_loop3A_860 = arith.index_cast %parallel_loop3A_859 : i32 to index
      %parallel_loop3A_861 = tpu.vector_load %arg6[%parallel_loop3A_860] {strides = array<i32>} : memref<32768xf32, #tpu.memory_space<vmem>>, vector<16xf32>,
      %parallel_loop3A_862 = arith.subf %parallel_loop3A_857, %parallel_loop3A_861 : vector<16xf32>
      %parallel_loop3A_863 = arith.mulf %parallel_loop3A_862, %parallel_loop3A_862 : vector<16xf32>
      %parallel_loop3A_864 = arith.constant 16 : i32
      %parallel_loop3A_865 = arith.addi %parallel_loop3A_838, %parallel_loop3A_864 : i32
      %parallel_loop3A_866 = arith.index_cast %parallel_loop3A_865 : i32 to index
      %parallel_loop3A_867 = tpu.vector_load %arg7[%parallel_loop3A_866] {strides = array<i32>} : memref<32832xf32, #tpu.memory_space<vmem>>, vector<16xf32>,
      tpu.vector_store %arg7[%parallel_loop3A_866], %parallel_loop3A_863 {strides = array<i32>} : memref<32832xf32, #tpu.memory_space<vmem>>, vector<16xf32>,
      %parallel_loop3A_868 = arith.minimumf %parallel_loop3A_834, %parallel_loop3A_863 : vector<16xf32>
      %parallel_loop3A_869 = arith.constant 32 : i32
      %parallel_loop3A_870 = arith.addi %parallel_loop3A_838, %parallel_loop3A_869 : i32
      %parallel_loop3A_871 = arith.index_cast %parallel_loop3A_870 : i32 to index
      %parallel_loop3A_872 = tpu.vector_load %arg5[%parallel_loop3A_871] {strides = array<i32>} : memref<32768xf32, #tpu.memory_space<vmem>>, vector<16xf32>,
      %parallel_loop3A_873 = arith.constant 32 : i32
      %parallel_loop3A_874 = arith.addi %parallel_loop3A_838, %parallel_loop3A_873 : i32
      %parallel_loop3A_875 = arith.index_cast %parallel_loop3A_874 : i32 to index
      %parallel_loop3A_876 = tpu.vector_load %arg6[%parallel_loop3A_875] {strides = array<i32>} : memref<32768xf32, #tpu.memory_space<vmem>>, vector<16xf32>,
      %parallel_loop3A_877 = arith.subf %parallel_loop3A_872, %parallel_loop3A_876 : vector<16xf32>
      %parallel_loop3A_878 = arith.mulf %parallel_loop3A_877, %parallel_loop3A_877 : vector<16xf32>
      %parallel_loop3A_879 = arith.constant 32 : i32
      %parallel_loop3A_880 = arith.addi %parallel_loop3A_838, %parallel_loop3A_879 : i32
      %parallel_loop3A_881 = arith.index_cast %parallel_loop3A_880 : i32 to index
      %parallel_loop3A_882 = tpu.vector_load %arg7[%parallel_loop3A_881] {strides = array<i32>} : memref<32832xf32, #tpu.memory_space<vmem>>, vector<16xf32>,
      tpu.vector_store %arg7[%parallel_loop3A_881], %parallel_loop3A_878 {strides = array<i32>} : memref<32832xf32, #tpu.memory_space<vmem>>, vector<16xf32>,
      %parallel_loop3A_883 = arith.minimumf %parallel_loop3A_835, %parallel_loop3A_878 : vector<16xf32>
      %parallel_loop3A_884 = arith.constant 48 : i32
      %parallel_loop3A_885 = arith.addi %parallel_loop3A_838, %parallel_loop3A_884 : i32
      %parallel_loop3A_886 = arith.index_cast %parallel_loop3A_885 : i32 to index
      %parallel_loop3A_887 = tpu.vector_load %arg5[%parallel_loop3A_886] {strides = array<i32>} : memref<32768xf32, #tpu.memory_space<vmem>>, vector<16xf32>,
      %parallel_loop3A_888 = arith.constant 48 : i32
      %parallel_loop3A_889 = arith.addi %parallel_loop3A_838, %parallel_loop3A_888 : i32
      %parallel_loop3A_890 = arith.index_cast %parallel_loop3A_889 : i32 to index
      %parallel_loop3A_891 = tpu.vector_load %arg6[%parallel_loop3A_890] {strides = array<i32>} : memref<32768xf32, #tpu.memory_space<vmem>>, vector<16xf32>,
      %parallel_loop3A_892 = arith.subf %parallel_loop3A_887, %parallel_loop3A_891 : vector<16xf32>
      %parallel_loop3A_893 = arith.mulf %parallel_loop3A_892, %parallel_loop3A_892 : vector<16xf32>
      %parallel_loop3A_894 = arith.constant 48 : i32
      %parallel_loop3A_895 = arith.addi %parallel_loop3A_838, %parallel_loop3A_894 : i32
      %parallel_loop3A_896 = arith.index_cast %parallel_loop3A_895 : i32 to index
      %parallel_loop3A_897 = tpu.vector_load %arg7[%parallel_loop3A_896] {strides = array<i32>} : memref<32832xf32, #tpu.memory_space<vmem>>, vector<16xf32>,
      tpu.vector_store %arg7[%parallel_loop3A_896], %parallel_loop3A_893 {strides = array<i32>} : memref<32832xf32, #tpu.memory_space<vmem>>, vector<16xf32>,
      %parallel_loop3A_898 = arith.minimumf %parallel_loop3A_836, %parallel_loop3A_893 : vector<16xf32>
      scf.yield %parallel_loop3A_853, %parallel_loop3A_868, %parallel_loop3A_883, %parallel_loop3A_898 : vector<16xf32>, vector<16xf32>, vector<16xf32>, vector<16xf32>
    } {sc.loop_unroll_factor = 2 : i64, sc.parallel_access}
    %max3A = arith.maximumf %parallel_loop3A_49#0, %parallel_loop3A_49#1 : vector<16xf32>
    %max3A_50 = arith.maximumf %parallel_loop3A_49#2, %parallel_loop3A_49#3 : vector<16xf32>
    %max3A_51 = arith.maximumf %max3A, %max3A_50 : vector<16xf32>
    %lt3A = arith.constant 0 : i32
    %lt3A_52 = vector.broadcast %lt3A : i32 to vector<16xi32>
    %lt3A_53 = arith.cmpi slt, %xor3A_15, %lt3A_52 : vector<16xi32>
    %add3A_54 = arith.constant 16 : i32
    %add3A_55 = vector.broadcast %add3A_54 : i32 to vector<16xi32>
    %add3A_56 = arith.addi %xor3A_15, %add3A_55 : vector<16xi32>
    %select_n3A = arith.select %lt3A_53, %add3A_56, %xor3A_15 : vector<16xi1>, vector<16xi32>
    %broadcast_in_dim3A_57 = vector.shape_cast %select_n3A : vector<16xi32> to vector<16x1xi32>
    %gather3A = vector.shape_cast %broadcast_in_dim3A_57 : vector<16x1xi32> to vector<16xi32>
    %gather3A_58 = tpu.dynamic_gather %max3A_51[%gather3A] in [0] : vector<16xf32>, vector<16xi32> -> vector<16xf32>
    %max3A_59 = arith.maximumf %max3A_51, %gather3A_58 : vector<16xf32>
    %lt3A_60 = arith.constant 0 : i32
    %lt3A_61 = vector.broadcast %lt3A_60 : i32 to vector<16xi32>
    %lt3A_62 = arith.cmpi slt, %xor3A_18, %lt3A_61 : vector<16xi32>
    %add3A_63 = arith.constant 16 : i32
    %add3A_64 = vector.broadcast %add3A_63 : i32 to vector<16xi32>
    %add3A_65 = arith.addi %xor3A_18, %add3A_64 : vector<16xi32>
    %select_n3A_66 = arith.select %lt3A_62, %add3A_65, %xor3A_18 : vector<16xi1>, vector<16xi32>
    %broadcast_in_dim3A_67 = vector.shape_cast %select_n3A_66 : vector<16xi32> to vector<16x1xi32>
    %gather3A_68 = vector.shape_cast %broadcast_in_dim3A_67 : vector<16x1xi32> to vector<16xi32>
    %gather3A_69 = tpu.dynamic_gather %max3A_59[%gather3A_68] in [0] : vector<16xf32>, vector<16xi32> -> vector<16xf32>
    %max3A_70 = arith.maximumf %max3A_59, %gather3A_69 : vector<16xf32>
    %lt3A_71 = arith.constant 0 : i32
    %lt3A_72 = vector.broadcast %lt3A_71 : i32 to vector<16xi32>
    %lt3A_73 = arith.cmpi slt, %xor3A_21, %lt3A_72 : vector<16xi32>
    %add3A_74 = arith.constant 16 : i32
    %add3A_75 = vector.broadcast %add3A_74 : i32 to vector<16xi32>
    %add3A_76 = arith.addi %xor3A_21, %add3A_75 : vector<16xi32>
    %select_n3A_77 = arith.select %lt3A_73, %add3A_76, %xor3A_21 : vector<16xi1>, vector<16xi32>
    %broadcast_in_dim3A_78 = vector.shape_cast %select_n3A_77 : vector<16xi32> to vector<16x1xi32>
    %gather3A_79 = vector.shape_cast %broadcast_in_dim3A_78 : vector<16x1xi32> to vector<16xi32>
    %gather3A_80 = tpu.dynamic_gather %max3A_70[%gather3A_79] in [0] : vector<16xf32>, vector<16xi32> -> vector<16xf32>
    %max3A_81 = arith.maximumf %max3A_70, %gather3A_80 : vector<16xf32>
    %lt3A_82 = arith.constant 0 : i32
    %lt3A_83 = vector.broadcast %lt3A_82 : i32 to vector<16xi32>
    %lt3A_84 = arith.cmpi slt, %xor3A_24, %lt3A_83 : vector<16xi32>
    %add3A_85 = arith.constant 16 : i32
    %add3A_86 = vector.broadcast %add3A_85 : i32 to vector<16xi32>
    %add3A_87 = arith.addi %xor3A_24, %add3A_86 : vector<16xi32>
    %select_n3A_88 = arith.select %lt3A_84, %add3A_87, %xor3A_24 : vector<16xi1>, vector<16xi32>
    %broadcast_in_dim3A_89 = vector.shape_cast %select_n3A_88 : vector<16xi32> to vector<16x1xi32>
    %gather3A_90 = vector.shape_cast %broadcast_in_dim3A_89 : vector<16x1xi32> to vector<16xi32>
    %gather3A_91 = tpu.dynamic_gather %max3A_81[%gather3A_90] in [0] : vector<16xf32>, vector<16xi32> -> vector<16xf32>
    %max3A_92 = arith.maximumf %max3A_81, %gather3A_91 : vector<16xf32>
    %add3A_93 = arith.constant 0 : i32
    %add3A_94 = arith.addi %mul3A_2, %add3A_93 : i32
    %add3A_95 = arith.constant 1 : i32
    %add3A_96 = arith.addi %add3A_94, %add3A_95 : i32
    %dma_start3A_97 = arith.constant 0 : i32
    %dma_start3A_98 = tpu.memref_slice %arg2[%add3A_96, %dma_start3A_97] : memref<128x32768xf32, #tpu.memory_space<hbm>> -> memref<1x32768xf32, #tpu.memory_space<hbm>>
    %dma_start3A_99 = tpu.memref_squeeze %dma_start3A_98 : memref<1x32768xf32, #tpu.memory_space<hbm>> -> memref<32768xf32, #tpu.memory_space<hbm>>
    %dma_start3A_100 = arith.constant 0 : i32
    %dma_start3A_101 = tpu.memref_slice %arg2[%add3A_96, %dma_start3A_100] : memref<128x32768xf32, #tpu.memory_space<hbm>> -> memref<1x32768xf32, #tpu.memory_space<hbm>>
    %dma_start3A_102 = tpu.memref_squeeze %dma_start3A_101 : memref<1x32768xf32, #tpu.memory_space<hbm>> -> memref<32768xf32, #tpu.memory_space<hbm>>
    tpu.enqueue_dma source(%dma_start3A_102 : memref<32768xf32, #tpu.memory_space<hbm>>) target(%arg5 : memref<32768xf32, #tpu.memory_space<vmem>>) target_semaphore(%arg9 : memref<!tpu.dma_semaphore, #tpu.memory_space<semaphore_mem>>)
    %add3A_103 = arith.constant 0 : i32
    %add3A_104 = arith.addi %mul3A_2, %add3A_103 : i32
    %add3A_105 = arith.constant 1 : i32
    %add3A_106 = arith.addi %add3A_104, %add3A_105 : i32
    %dma_start3A_107 = arith.constant 0 : i32
    %dma_start3A_108 = tpu.memref_slice %arg3[%add3A_106, %dma_start3A_107] : memref<128x32768xf32, #tpu.memory_space<hbm>> -> memref<1x32768xf32, #tpu.memory_space<hbm>>
    %dma_start3A_109 = tpu.memref_squeeze %dma_start3A_108 : memref<1x32768xf32, #tpu.memory_space<hbm>> -> memref<32768xf32, #tpu.memory_space<hbm>>
    %dma_start3A_110 = arith.constant 0 : i32
    %dma_start3A_111 = tpu.memref_slice %arg3[%add3A_106, %dma_start3A_110] : memref<128x32768xf32, #tpu.memory_space<hbm>> -> memref<1x32768xf32, #tpu.memory_space<hbm>>
    %dma_start3A_112 = tpu.memref_squeeze %dma_start3A_111 : memref<1x32768xf32, #tpu.memory_space<hbm>> -> memref<32768xf32, #tpu.memory_space<hbm>>
    tpu.enqueue_dma source(%dma_start3A_112 : memref<32768xf32, #tpu.memory_space<hbm>>) target(%arg6 : memref<32768xf32, #tpu.memory_space<vmem>>) target_semaphore(%arg10 : memref<!tpu.dma_semaphore, #tpu.memory_space<semaphore_mem>>)
    %parallel_loop3A_113 = arith.constant 0 : i32
    %parallel_loop3A_114 = arith.constant 512 : i32
    %parallel_loop3A_115 = arith.constant 1 : i32
    %parallel_loop3A_116 = scf.for %parallel_loop3A_832 = %parallel_loop3A_113 to %parallel_loop3A_114 step %parallel_loop3A_115 iter_args(%parallel_loop3A_833 = %broadcast_in_dim3A_7) -> (vector<16xi32>)  : i32 {
      %parallel_loop3A_834 = arith.constant 64 : i32
      %parallel_loop3A_835 = arith.muli %parallel_loop3A_832, %parallel_loop3A_834 : i32
      %parallel_loop3A_836 = arith.constant 0 : i32
      %parallel_loop3A_837 = arith.addi %parallel_loop3A_835, %parallel_loop3A_836 : i32
      %parallel_loop3A_838 = arith.index_cast %parallel_loop3A_837 : i32 to index
      %parallel_loop3A_839 = tpu.vector_load %arg7[%parallel_loop3A_838] {strides = array<i32>} : memref<32832xf32, #tpu.memory_space<vmem>>, vector<16xf32>,
      %parallel_loop3A_840 = arith.cmpf ole, %parallel_loop3A_839, %max3A_92 : vector<16xf32>
      %parallel_loop3A_841 = tpu.all_reduce %parallel_loop3A_840 {dim = 0 : i64, kind = #tpu.reduction_kind<sum>} : vector<16xi1> -> vector<16xi32>
      %parallel_loop3A_842 = arith.constant 0 : i32
      %parallel_loop3A_843 = vector.broadcast %parallel_loop3A_842 : i32 to vector<16xi32>
      %parallel_loop3A_844 = arith.cmpi sgt, %parallel_loop3A_841, %parallel_loop3A_843 : vector<16xi32>
      %parallel_loop3A_845 = arith.select %parallel_loop3A_844, %broadcast_in_dim3A_11, %broadcast_in_dim3A_7 : vector<16xi1>, vector<16xi32>
      %parallel_loop3A_846 = arith.constant 16 : i32
      %parallel_loop3A_847 = arith.addi %parallel_loop3A_835, %parallel_loop3A_846 : i32
      %parallel_loop3A_848 = arith.index_cast %parallel_loop3A_847 : i32 to index
      %parallel_loop3A_849 = tpu.vector_load %arg7[%parallel_loop3A_848] {strides = array<i32>} : memref<32832xf32, #tpu.memory_space<vmem>>, vector<16xf32>,
      %parallel_loop3A_850 = arith.cmpf ole, %parallel_loop3A_849, %max3A_92 : vector<16xf32>
      %parallel_loop3A_851 = tpu.all_reduce %parallel_loop3A_850 {dim = 0 : i64, kind = #tpu.reduction_kind<sum>} : vector<16xi1> -> vector<16xi32>
      %parallel_loop3A_852 = arith.constant 0 : i32
      %parallel_loop3A_853 = vector.broadcast %parallel_loop3A_852 : i32 to vector<16xi32>
      %parallel_loop3A_854 = arith.cmpi sgt, %parallel_loop3A_851, %parallel_loop3A_853 : vector<16xi32>
      %parallel_loop3A_855 = arith.select %parallel_loop3A_854, %broadcast_in_dim3A_11, %broadcast_in_dim3A_7 : vector<16xi1>, vector<16xi32>
      %parallel_loop3A_856 = arith.constant 32 : i32
      %parallel_loop3A_857 = arith.addi %parallel_loop3A_835, %parallel_loop3A_856 : i32
      %parallel_loop3A_858 = arith.index_cast %parallel_loop3A_857 : i32 to index
      %parallel_loop3A_859 = tpu.vector_load %arg7[%parallel_loop3A_858] {strides = array<i32>} : memref<32832xf32, #tpu.memory_space<vmem>>, vector<16xf32>,
      %parallel_loop3A_860 = arith.cmpf ole, %parallel_loop3A_859, %max3A_92 : vector<16xf32>
      %parallel_loop3A_861 = tpu.all_reduce %parallel_loop3A_860 {dim = 0 : i64, kind = #tpu.reduction_kind<sum>} : vector<16xi1> -> vector<16xi32>
      %parallel_loop3A_862 = arith.constant 0 : i32
      %parallel_loop3A_863 = vector.broadcast %parallel_loop3A_862 : i32 to vector<16xi32>
      %parallel_loop3A_864 = arith.cmpi sgt, %parallel_loop3A_861, %parallel_loop3A_863 : vector<16xi32>
      %parallel_loop3A_865 = arith.select %parallel_loop3A_864, %broadcast_in_dim3A_11, %broadcast_in_dim3A_7 : vector<16xi1>, vector<16xi32>
      %parallel_loop3A_866 = arith.constant 48 : i32
      %parallel_loop3A_867 = arith.addi %parallel_loop3A_835, %parallel_loop3A_866 : i32
      %parallel_loop3A_868 = arith.index_cast %parallel_loop3A_867 : i32 to index
      %parallel_loop3A_869 = tpu.vector_load %arg7[%parallel_loop3A_868] {strides = array<i32>} : memref<32832xf32, #tpu.memory_space<vmem>>, vector<16xf32>,
      %parallel_loop3A_870 = arith.cmpf ole, %parallel_loop3A_869, %max3A_92 : vector<16xf32>
      %parallel_loop3A_871 = tpu.all_reduce %parallel_loop3A_870 {dim = 0 : i64, kind = #tpu.reduction_kind<sum>} : vector<16xi1> -> vector<16xi32>
      %parallel_loop3A_872 = arith.constant 0 : i32
      %parallel_loop3A_873 = vector.broadcast %parallel_loop3A_872 : i32 to vector<16xi32>
      %parallel_loop3A_874 = arith.cmpi sgt, %parallel_loop3A_871, %parallel_loop3A_873 : vector<16xi32>
      %parallel_loop3A_875 = arith.select %parallel_loop3A_874, %broadcast_in_dim3A_11, %broadcast_in_dim3A_7 : vector<16xi1>, vector<16xi32>
      %parallel_loop3A_876 = arith.addi %parallel_loop3A_833, %iota3A : vector<16xi32>
      %parallel_loop3A_877 = arith.addi %parallel_loop3A_845, %parallel_loop3A_855 : vector<16xi32>
      %parallel_loop3A_878 = arith.addi %parallel_loop3A_877, %parallel_loop3A_865 : vector<16xi32>
      %parallel_loop3A_879 = arith.addi %parallel_loop3A_876, %broadcast_in_dim3A_7 : vector<16xi32>
      tpu.vector_store_idx %arg7[%parallel_loop3A_879], %parallel_loop3A_839 masked %parallel_loop3A_844 : memref<32832xf32, #tpu.memory_space<vmem>>[vector<16xi32>], vector<16xf32>, vector<16xi1>
      %parallel_loop3A_880 = arith.addi %parallel_loop3A_876, %parallel_loop3A_845 : vector<16xi32>
      tpu.vector_store_idx %arg7[%parallel_loop3A_880], %parallel_loop3A_849 masked %parallel_loop3A_854 : memref<32832xf32, #tpu.memory_space<vmem>>[vector<16xi32>], vector<16xf32>, vector<16xi1>
      %parallel_loop3A_881 = arith.addi %parallel_loop3A_876, %parallel_loop3A_877 : vector<16xi32>
      tpu.vector_store_idx %arg7[%parallel_loop3A_881], %parallel_loop3A_859 masked %parallel_loop3A_864 : memref<32832xf32, #tpu.memory_space<vmem>>[vector<16xi32>], vector<16xf32>, vector<16xi1>
      %parallel_loop3A_882 = arith.addi %parallel_loop3A_876, %parallel_loop3A_878 : vector<16xi32>
      tpu.vector_store_idx %arg7[%parallel_loop3A_882], %parallel_loop3A_869 masked %parallel_loop3A_874 : memref<32832xf32, #tpu.memory_space<vmem>>[vector<16xi32>], vector<16xf32>, vector<16xi1>
      %parallel_loop3A_883 = arith.addi %parallel_loop3A_878, %parallel_loop3A_875 : vector<16xi32>
      %parallel_loop3A_884 = arith.addi %parallel_loop3A_833, %parallel_loop3A_883 : vector<16xi32>
      scf.yield %parallel_loop3A_884 : vector<16xi32>
    } {sc.loop_unroll_factor = 2 : i64, sc.parallel_access}
    %reduce_max3A = arith.constant true
    %reduce_max3A_117 = vector.broadcast %reduce_max3A : i1 to vector<16xi1>
    %reduce_max3A_118 = arith.constant -2147483648 : i32
    %reduce_max3A_119 = vector.broadcast %reduce_max3A_118 : i32 to vector<16xi32>
    %reduce_max3A_120 = arith.xori %parallel_loop3A_116, %reduce_max3A_119 : vector<16xi32>
    %reduce_max3A_121 = tpu.scan <max>, %reduce_max3A_120 masked %reduce_max3A_117 : vector<16xi32>, vector<16xi1> -> vector<16xi32>
    %reduce_max3A_122 = arith.xori %reduce_max3A_121, %reduce_max3A_119 : vector<16xi32>
    %reduce_max3A_123 = vector.extract %reduce_max3A_122[15] : i32 from vector<16xi32>
    %add3A_124 = arith.constant 0 : i32
    %add3A_125 = vector.broadcast %add3A_124 : i32 to vector<16xi32>
    %add3A_126 = arith.addi %parallel_loop3A_116, %add3A_125 : vector<16xi32>
    %add3A_127 = arith.addi %add3A_126, %iota3A : vector<16xi32>
    tpu.vector_store_idx %arg7[%add3A_127], %broadcast_in_dim3A_3 : memref<32832xf32, #tpu.memory_space<vmem>>[vector<16xi32>], vector<16xf32>,
    %add3A_128 = arith.constant 16 : i32
    %add3A_129 = vector.broadcast %add3A_128 : i32 to vector<16xi32>
    %add3A_130 = arith.addi %parallel_loop3A_116, %add3A_129 : vector<16xi32>
    %add3A_131 = arith.addi %add3A_130, %iota3A : vector<16xi32>
    tpu.vector_store_idx %arg7[%add3A_131], %broadcast_in_dim3A_3 : memref<32832xf32, #tpu.memory_space<vmem>>[vector<16xi32>], vector<16xf32>,
    %add3A_132 = arith.constant 32 : i32
    %add3A_133 = vector.broadcast %add3A_132 : i32 to vector<16xi32>
    %add3A_134 = arith.addi %parallel_loop3A_116, %add3A_133 : vector<16xi32>
    %add3A_135 = arith.addi %add3A_134, %iota3A : vector<16xi32>
    tpu.vector_store_idx %arg7[%add3A_135], %broadcast_in_dim3A_3 : memref<32832xf32, #tpu.memory_space<vmem>>[vector<16xi32>], vector<16xf32>,
    %add3A_136 = arith.constant 48 : i32
    %add3A_137 = vector.broadcast %add3A_136 : i32 to vector<16xi32>
    %add3A_138 = arith.addi %parallel_loop3A_116, %add3A_137 : vector<16xi32>
    %add3A_139 = arith.addi %add3A_138, %iota3A : vector<16xi32>
    tpu.vector_store_idx %arg7[%add3A_139], %broadcast_in_dim3A_3 : memref<32832xf32, #tpu.memory_space<vmem>>[vector<16xi32>], vector<16xf32>,
    %add3A_140 = arith.constant 63 : i32
    %add3A_141 = arith.addi %reduce_max3A_123, %add3A_140 : i32
    %jit3A = arith.constant 64 : i32
    %div3A = arith.divsi %add3A_141, %jit3A : i32
    %sign3A = arith.constant 0 : i32
    %sign3A_142 = arith.cmpi sgt, %add3A_141, %sign3A : i32
    %sign3A_143 = arith.extui %sign3A_142 : i1 to i32
    %sign3A_144 = arith.constant 0 : i32
    %sign3A_145 = arith.cmpi slt, %add3A_141, %sign3A_144 : i32
    %sign3A_146 = arith.extui %sign3A_145 : i1 to i32
    %sign3A_147 = arith.subi %sign3A_143, %sign3A_146 : i32
    %sign3A_148 = arith.constant 0 : i32
    %sign3A_149 = arith.cmpi sgt, %jit3A, %sign3A_148 : i32
    %sign3A_150 = arith.extui %sign3A_149 : i1 to i32
    %sign3A_151 = arith.constant 0 : i32
    %sign3A_152 = arith.cmpi slt, %jit3A, %sign3A_151 : i32
    %sign3A_153 = arith.extui %sign3A_152 : i1 to i32
    %sign3A_154 = arith.subi %sign3A_150, %sign3A_153 : i32
    %ne3A = arith.cmpi ne, %sign3A_147, %sign3A_154 : i32
    %rem3A = arith.remsi %add3A_141, %jit3A : i32
    %ne3A_155 = arith.constant 0 : i32
    %ne3A_156 = arith.cmpi ne, %rem3A, %ne3A_155 : i32
    %and3A = arith.andi %ne3A, %ne3A_156 : i1
    %sub3A = arith.constant 1 : i32
    %sub3A_157 = arith.subi %div3A, %sub3A : i32
    %select_n3A_158 = arith.select %and3A, %sub3A_157, %div3A : i32
    %parallel_loop3A_159 = arith.constant 0 : i32
    %parallel_loop3A_160 = arith.constant 1 : i32
    %parallel_loop3A_161 = scf.for %parallel_loop3A_832 = %parallel_loop3A_159 to %select_n3A_158 step %parallel_loop3A_160 iter_args(%parallel_loop3A_833 = %broadcast_in_dim3A_7) -> (vector<16xi32>)  : i32 {
      %parallel_loop3A_834 = arith.constant 64 : i32
      %parallel_loop3A_835 = arith.muli %parallel_loop3A_832, %parallel_loop3A_834 : i32
      %parallel_loop3A_836 = arith.constant 0 : i32
      %parallel_loop3A_837 = arith.addi %parallel_loop3A_835, %parallel_loop3A_836 : i32
      %parallel_loop3A_838 = arith.index_cast %parallel_loop3A_837 : i32 to index
      %parallel_loop3A_839 = tpu.vector_load %arg7[%parallel_loop3A_838] {strides = array<i32>} : memref<32832xf32, #tpu.memory_space<vmem>>, vector<16xf32>,
      %parallel_loop3A_840 = arith.cmpf ole, %parallel_loop3A_839, %max3A_92 : vector<16xf32>
      %parallel_loop3A_841 = arith.select %parallel_loop3A_840, %broadcast_in_dim3A_9, %broadcast_in_dim3A_7 : vector<16xi1>, vector<16xi32>
      %parallel_loop3A_842 = arith.constant true
      %parallel_loop3A_843 = vector.broadcast %parallel_loop3A_842 : i1 to vector<16xi1>
      %parallel_loop3A_844 = tpu.scan <sum>, %parallel_loop3A_841 masked %parallel_loop3A_843 : vector<16xi32>, vector<16xi1> -> vector<16xi32>
      %parallel_loop3A_845 = arith.addi %parallel_loop3A_833, %parallel_loop3A_844 : vector<16xi32>
      %parallel_loop3A_846 = arith.constant 1 : i32
      %parallel_loop3A_847 = vector.broadcast %parallel_loop3A_846 : i32 to vector<16xi32>
      %parallel_loop3A_848 = arith.subi %parallel_loop3A_845, %parallel_loop3A_847 : vector<16xi32>
      tpu.vector_store_idx %arg7[%parallel_loop3A_848], %parallel_loop3A_839 masked %parallel_loop3A_840 : memref<32832xf32, #tpu.memory_space<vmem>>[vector<16xi32>], vector<16xf32>, vector<16xi1>
      %parallel_loop3A_849 = tpu.all_reduce %parallel_loop3A_840 {dim = 0 : i64, kind = #tpu.reduction_kind<sum>} : vector<16xi1> -> vector<16xi32>
      %parallel_loop3A_850 = arith.addi %parallel_loop3A_833, %parallel_loop3A_849 : vector<16xi32>
      %parallel_loop3A_851 = arith.constant 16 : i32
      %parallel_loop3A_852 = arith.addi %parallel_loop3A_835, %parallel_loop3A_851 : i32
      %parallel_loop3A_853 = arith.index_cast %parallel_loop3A_852 : i32 to index
      %parallel_loop3A_854 = tpu.vector_load %arg7[%parallel_loop3A_853] {strides = array<i32>} : memref<32832xf32, #tpu.memory_space<vmem>>, vector<16xf32>,
      %parallel_loop3A_855 = arith.cmpf ole, %parallel_loop3A_854, %max3A_92 : vector<16xf32>
      %parallel_loop3A_856 = arith.select %parallel_loop3A_855, %broadcast_in_dim3A_9, %broadcast_in_dim3A_7 : vector<16xi1>, vector<16xi32>
      %parallel_loop3A_857 = arith.constant true
      %parallel_loop3A_858 = vector.broadcast %parallel_loop3A_857 : i1 to vector<16xi1>
      %parallel_loop3A_859 = tpu.scan <sum>, %parallel_loop3A_856 masked %parallel_loop3A_858 : vector<16xi32>, vector<16xi1> -> vector<16xi32>
      %parallel_loop3A_860 = arith.addi %parallel_loop3A_850, %parallel_loop3A_859 : vector<16xi32>
      %parallel_loop3A_861 = arith.constant 1 : i32
      %parallel_loop3A_862 = vector.broadcast %parallel_loop3A_861 : i32 to vector<16xi32>
      %parallel_loop3A_863 = arith.subi %parallel_loop3A_860, %parallel_loop3A_862 : vector<16xi32>
      tpu.vector_store_idx %arg7[%parallel_loop3A_863], %parallel_loop3A_854 masked %parallel_loop3A_855 : memref<32832xf32, #tpu.memory_space<vmem>>[vector<16xi32>], vector<16xf32>, vector<16xi1>
      %parallel_loop3A_864 = tpu.all_reduce %parallel_loop3A_855 {dim = 0 : i64, kind = #tpu.reduction_kind<sum>} : vector<16xi1> -> vector<16xi32>
      %parallel_loop3A_865 = arith.addi %parallel_loop3A_850, %parallel_loop3A_864 : vector<16xi32>
      %parallel_loop3A_866 = arith.constant 32 : i32
      %parallel_loop3A_867 = arith.addi %parallel_loop3A_835, %parallel_loop3A_866 : i32
      %parallel_loop3A_868 = arith.index_cast %parallel_loop3A_867 : i32 to index
      %parallel_loop3A_869 = tpu.vector_load %arg7[%parallel_loop3A_868] {strides = array<i32>} : memref<32832xf32, #tpu.memory_space<vmem>>, vector<16xf32>,
      %parallel_loop3A_870 = arith.cmpf ole, %parallel_loop3A_869, %max3A_92 : vector<16xf32>
      %parallel_loop3A_871 = arith.select %parallel_loop3A_870, %broadcast_in_dim3A_9, %broadcast_in_dim3A_7 : vector<16xi1>, vector<16xi32>
      %parallel_loop3A_872 = arith.constant true
      %parallel_loop3A_873 = vector.broadcast %parallel_loop3A_872 : i1 to vector<16xi1>
      %parallel_loop3A_874 = tpu.scan <sum>, %parallel_loop3A_871 masked %parallel_loop3A_873 : vector<16xi32>, vector<16xi1> -> vector<16xi32>
      %parallel_loop3A_875 = arith.addi %parallel_loop3A_865, %parallel_loop3A_874 : vector<16xi32>
      %parallel_loop3A_876 = arith.constant 1 : i32
      %parallel_loop3A_877 = vector.broadcast %parallel_loop3A_876 : i32 to vector<16xi32>
      %parallel_loop3A_878 = arith.subi %parallel_loop3A_875, %parallel_loop3A_877 : vector<16xi32>
      tpu.vector_store_idx %arg7[%parallel_loop3A_878], %parallel_loop3A_869 masked %parallel_loop3A_870 : memref<32832xf32, #tpu.memory_space<vmem>>[vector<16xi32>], vector<16xf32>, vector<16xi1>
      %parallel_loop3A_879 = tpu.all_reduce %parallel_loop3A_870 {dim = 0 : i64, kind = #tpu.reduction_kind<sum>} : vector<16xi1> -> vector<16xi32>
      %parallel_loop3A_880 = arith.addi %parallel_loop3A_865, %parallel_loop3A_879 : vector<16xi32>
      %parallel_loop3A_881 = arith.constant 48 : i32
      %parallel_loop3A_882 = arith.addi %parallel_loop3A_835, %parallel_loop3A_881 : i32
      %parallel_loop3A_883 = arith.index_cast %parallel_loop3A_882 : i32 to index
      %parallel_loop3A_884 = tpu.vector_load %arg7[%parallel_loop3A_883] {strides = array<i32>} : memref<32832xf32, #tpu.memory_space<vmem>>, vector<16xf32>,
      %parallel_loop3A_885 = arith.cmpf ole, %parallel_loop3A_884, %max3A_92 : vector<16xf32>
      %parallel_loop3A_886 = arith.select %parallel_loop3A_885, %broadcast_in_dim3A_9, %broadcast_in_dim3A_7 : vector<16xi1>, vector<16xi32>
      %parallel_loop3A_887 = arith.constant true
      %parallel_loop3A_888 = vector.broadcast %parallel_loop3A_887 : i1 to vector<16xi1>
      %parallel_loop3A_889 = tpu.scan <sum>, %parallel_loop3A_886 masked %parallel_loop3A_888 : vector<16xi32>, vector<16xi1> -> vector<16xi32>
      %parallel_loop3A_890 = arith.addi %parallel_loop3A_880, %parallel_loop3A_889 : vector<16xi32>
      %parallel_loop3A_891 = arith.constant 1 : i32
      %parallel_loop3A_892 = vector.broadcast %parallel_loop3A_891 : i32 to vector<16xi32>
      %parallel_loop3A_893 = arith.subi %parallel_loop3A_890, %parallel_loop3A_892 : vector<16xi32>
      tpu.vector_store_idx %arg7[%parallel_loop3A_893], %parallel_loop3A_884 masked %parallel_loop3A_885 : memref<32832xf32, #tpu.memory_space<vmem>>[vector<16xi32>], vector<16xf32>, vector<16xi1>
      %parallel_loop3A_894 = tpu.all_reduce %parallel_loop3A_885 {dim = 0 : i64, kind = #tpu.reduction_kind<sum>} : vector<16xi1> -> vector<16xi32>
      %parallel_loop3A_895 = arith.addi %parallel_loop3A_880, %parallel_loop3A_894 : vector<16xi32>
      scf.yield %parallel_loop3A_895 : vector<16xi32>
    } {sc.loop_unroll_factor = 2 : i64, sc.parallel_access}
    %reduce_max3A_162 = arith.constant true
    %reduce_max3A_163 = vector.broadcast %reduce_max3A_162 : i1 to vector<16xi1>
    %reduce_max3A_164 = arith.constant -2147483648 : i32
    %reduce_max3A_165 = vector.broadcast %reduce_max3A_164 : i32 to vector<16xi32>
    %reduce_max3A_166 = arith.xori %parallel_loop3A_161, %reduce_max3A_165 : vector<16xi32>
    %reduce_max3A_167 = tpu.scan <max>, %reduce_max3A_166 masked %reduce_max3A_163 : vector<16xi32>, vector<16xi1> -> vector<16xi32>
    %reduce_max3A_168 = arith.xori %reduce_max3A_167, %reduce_max3A_165 : vector<16xi32>
    %reduce_max3A_169 = vector.extract %reduce_max3A_168[15] : i32 from vector<16xi32>
    %add3A_170 = arith.constant 63 : i32
    %add3A_171 = arith.addi %reduce_max3A_169, %add3A_170 : i32
    %jit3A_172 = arith.constant 64 : i32
    %div3A_173 = arith.divsi %add3A_171, %jit3A_172 : i32
    %sign3A_174 = arith.constant 0 : i32
    %sign3A_175 = arith.cmpi sgt, %add3A_171, %sign3A_174 : i32
    %sign3A_176 = arith.extui %sign3A_175 : i1 to i32
    %sign3A_177 = arith.constant 0 : i32
    %sign3A_178 = arith.cmpi slt, %add3A_171, %sign3A_177 : i32
    %sign3A_179 = arith.extui %sign3A_178 : i1 to i32
    %sign3A_180 = arith.subi %sign3A_176, %sign3A_179 : i32
    %sign3A_181 = arith.constant 0 : i32
    %sign3A_182 = arith.cmpi sgt, %jit3A_172, %sign3A_181 : i32
    %sign3A_183 = arith.extui %sign3A_182 : i1 to i32
    %sign3A_184 = arith.constant 0 : i32
    %sign3A_185 = arith.cmpi slt, %jit3A_172, %sign3A_184 : i32
    %sign3A_186 = arith.extui %sign3A_185 : i1 to i32
    %sign3A_187 = arith.subi %sign3A_183, %sign3A_186 : i32
    %ne3A_188 = arith.cmpi ne, %sign3A_180, %sign3A_187 : i32
    %rem3A_189 = arith.remsi %add3A_171, %jit3A_172 : i32
    %ne3A_190 = arith.constant 0 : i32
    %ne3A_191 = arith.cmpi ne, %rem3A_189, %ne3A_190 : i32
    %and3A_192 = arith.andi %ne3A_188, %ne3A_191 : i1
    %sub3A_193 = arith.constant 1 : i32
    %sub3A_194 = arith.subi %div3A_173, %sub3A_193 : i32
    %select_n3A_195 = arith.select %and3A_192, %sub3A_194, %div3A_173 : i32
    %add3A_196 = arith.constant 0 : i32
    %add3A_197 = vector.broadcast %add3A_196 : i32 to vector<16xi32>
    %add3A_198 = arith.addi %parallel_loop3A_161, %add3A_197 : vector<16xi32>
    %add3A_199 = arith.addi %add3A_198, %iota3A : vector<16xi32>
    tpu.vector_store_idx %arg7[%add3A_199], %broadcast_in_dim3A_3 : memref<32832xf32, #tpu.memory_space<vmem>>[vector<16xi32>], vector<16xf32>,
    %add3A_200 = arith.constant 16 : i32
    %add3A_201 = vector.broadcast %add3A_200 : i32 to vector<16xi32>
    %add3A_202 = arith.addi %parallel_loop3A_161, %add3A_201 : vector<16xi32>
    %add3A_203 = arith.addi %add3A_202, %iota3A : vector<16xi32>
    tpu.vector_store_idx %arg7[%add3A_203], %broadcast_in_dim3A_3 : memref<32832xf32, #tpu.memory_space<vmem>>[vector<16xi32>], vector<16xf32>,
    %add3A_204 = arith.constant 32 : i32
    %add3A_205 = vector.broadcast %add3A_204 : i32 to vector<16xi32>
    %add3A_206 = arith.addi %parallel_loop3A_161, %add3A_205 : vector<16xi32>
    %add3A_207 = arith.addi %add3A_206, %iota3A : vector<16xi32>
    tpu.vector_store_idx %arg7[%add3A_207], %broadcast_in_dim3A_3 : memref<32832xf32, #tpu.memory_space<vmem>>[vector<16xi32>], vector<16xf32>,
    %add3A_208 = arith.constant 48 : i32
    %add3A_209 = vector.broadcast %add3A_208 : i32 to vector<16xi32>
    %add3A_210 = arith.addi %parallel_loop3A_161, %add3A_209 : vector<16xi32>
    %add3A_211 = arith.addi %add3A_210, %iota3A : vector<16xi32>
    tpu.vector_store_idx %arg7[%add3A_211], %broadcast_in_dim3A_3 : memref<32832xf32, #tpu.memory_space<vmem>>[vector<16xi32>], vector<16xf32>,
    %scan3A = arith.constant 0 : i32
    %scan3A_212 = arith.constant 31 : i32
    %scan3A_213 = arith.addi %scan3A, %scan3A_212 : i32
    %scan3A_214 = arith.constant 1 : i32
    %scan3A_215 = scf.for %scan3A_832 = %scan3A to %scan3A_213 step %scan3A_214 iter_args(%scan3A_833 = %broadcast_in_dim3A_7) -> (vector<16xi32>)  : i32 {
      %sub3A_834 = arith.constant 30 : i32
      %sub3A_835 = arith.subi %sub3A_834, %scan3A_832 : i32
      %shift_left3A = vector.broadcast %sub3A_835 : i32 to vector<16xi32>
      %shift_left3A_836 = arith.shli %broadcast_in_dim3A_9, %shift_left3A : vector<16xi32>
      %or3A = arith.ori %scan3A_833, %shift_left3A_836 : vector<16xi32>
      %while3A = arith.constant 0 : i32
      %while3A_837 = arith.subi %select_n3A_195, %while3A : i32
      %while3A_838 = arith.addi %while3A, %while3A_837 : i32
      %while3A_839 = arith.constant 1 : i32
      %while3A_840 = arith.divsi %while3A_837, %while3A_839 : i32
      %while3A_841 = arith.muli %while3A_840, %while3A_839 : i32
      %while3A_842 = arith.addi %while3A, %while3A_841 : i32
      %while3A_843 = arith.constant 1 : i32
      %while3A_844 = scf.for %while3A_850 = %while3A to %while3A_842 step %while3A_843 iter_args(%while3A_851 = %broadcast_in_dim3A_7) -> (vector<16xi32>)  : i32 {
        %mul3A_852 = arith.constant 64 : i32
        %mul3A_853 = arith.muli %while3A_850, %mul3A_852 : i32
        %add3A_854 = arith.constant 0 : i32
        %add3A_855 = arith.addi %mul3A_853, %add3A_854 : i32
        %get3A = arith.index_cast %add3A_855 : i32 to index
        %get3A_856 = tpu.vector_load %arg7[%get3A] {strides = array<i32>} : memref<32832xf32, #tpu.memory_space<vmem>>, vector<16xf32>,
        %bitcast_convert_type3A_857 = tpu.bitcast %get3A_856 : vector<16xf32> -> vector<16xi32>
        %lt3A_858 = arith.cmpi slt, %bitcast_convert_type3A_857, %or3A : vector<16xi32>
        %all_reduce_population_count3A = tpu.all_reduce %lt3A_858 {dim = 0 : i64, kind = #tpu.reduction_kind<sum>} : vector<16xi1> -> vector<16xi32>
        %add3A_859 = arith.addi %while3A_851, %all_reduce_population_count3A : vector<16xi32>
        %add3A_860 = arith.constant 16 : i32
        %add3A_861 = arith.addi %mul3A_853, %add3A_860 : i32
        %get3A_862 = arith.index_cast %add3A_861 : i32 to index
        %get3A_863 = tpu.vector_load %arg7[%get3A_862] {strides = array<i32>} : memref<32832xf32, #tpu.memory_space<vmem>>, vector<16xf32>,
        %bitcast_convert_type3A_864 = tpu.bitcast %get3A_863 : vector<16xf32> -> vector<16xi32>
        %lt3A_865 = arith.cmpi slt, %bitcast_convert_type3A_864, %or3A : vector<16xi32>
        %all_reduce_population_count3A_866 = tpu.all_reduce %lt3A_865 {dim = 0 : i64, kind = #tpu.reduction_kind<sum>} : vector<16xi1> -> vector<16xi32>
        %add3A_867 = arith.addi %add3A_859, %all_reduce_population_count3A_866 : vector<16xi32>
        %add3A_868 = arith.constant 32 : i32
        %add3A_869 = arith.addi %mul3A_853, %add3A_868 : i32
        %get3A_870 = arith.index_cast %add3A_869 : i32 to index
        %get3A_871 = tpu.vector_load %arg7[%get3A_870] {strides = array<i32>} : memref<32832xf32, #tpu.memory_space<vmem>>, vector<16xf32>,
        %bitcast_convert_type3A_872 = tpu.bitcast %get3A_871 : vector<16xf32> -> vector<16xi32>
        %lt3A_873 = arith.cmpi slt, %bitcast_convert_type3A_872, %or3A : vector<16xi32>
        %all_reduce_population_count3A_874 = tpu.all_reduce %lt3A_873 {dim = 0 : i64, kind = #tpu.reduction_kind<sum>} : vector<16xi1> -> vector<16xi32>
        %add3A_875 = arith.addi %add3A_867, %all_reduce_population_count3A_874 : vector<16xi32>
        %add3A_876 = arith.constant 48 : i32
        %add3A_877 = arith.addi %mul3A_853, %add3A_876 : i32
        %get3A_878 = arith.index_cast %add3A_877 : i32 to index
        %get3A_879 = tpu.vector_load %arg7[%get3A_878] {strides = array<i32>} : memref<32832xf32, #tpu.memory_space<vmem>>, vector<16xf32>,
        %bitcast_convert_type3A_880 = tpu.bitcast %get3A_879 : vector<16xf32> -> vector<16xi32>
        %lt3A_881 = arith.cmpi slt, %bitcast_convert_type3A_880, %or3A : vector<16xi32>
        %all_reduce_population_count3A_882 = tpu.all_reduce %lt3A_881 {dim = 0 : i64, kind = #tpu.reduction_kind<sum>} : vector<16xi1> -> vector<16xi32>
        %add3A_883 = arith.addi %add3A_875, %all_reduce_population_count3A_882 : vector<16xi32>
        scf.yield %add3A_883 : vector<16xi32>
      }
      %while3A_845 = arith.constant 1 : i32
      %while3A_846 = scf.for %while3A_850 = %while3A_842 to %while3A_838 step %while3A_845 iter_args(%while3A_851 = %while3A_844) -> (vector<16xi32>)  : i32 {
        %mul3A_852 = arith.constant 64 : i32
        %mul3A_853 = arith.muli %while3A_850, %mul3A_852 : i32
        %add3A_854 = arith.constant 0 : i32
        %add3A_855 = arith.addi %mul3A_853, %add3A_854 : i32
        %get3A = arith.index_cast %add3A_855 : i32 to index
        %get3A_856 = tpu.vector_load %arg7[%get3A] {strides = array<i32>} : memref<32832xf32, #tpu.memory_space<vmem>>, vector<16xf32>,
        %bitcast_convert_type3A_857 = tpu.bitcast %get3A_856 : vector<16xf32> -> vector<16xi32>
        %lt3A_858 = arith.cmpi slt, %bitcast_convert_type3A_857, %or3A : vector<16xi32>
        %all_reduce_population_count3A = tpu.all_reduce %lt3A_858 {dim = 0 : i64, kind = #tpu.reduction_kind<sum>} : vector<16xi1> -> vector<16xi32>
        %add3A_859 = arith.addi %while3A_851, %all_reduce_population_count3A : vector<16xi32>
        %add3A_860 = arith.constant 16 : i32
        %add3A_861 = arith.addi %mul3A_853, %add3A_860 : i32
        %get3A_862 = arith.index_cast %add3A_861 : i32 to index
        %get3A_863 = tpu.vector_load %arg7[%get3A_862] {strides = array<i32>} : memref<32832xf32, #tpu.memory_space<vmem>>, vector<16xf32>,
        %bitcast_convert_type3A_864 = tpu.bitcast %get3A_863 : vector<16xf32> -> vector<16xi32>
        %lt3A_865 = arith.cmpi slt, %bitcast_convert_type3A_864, %or3A : vector<16xi32>
        %all_reduce_population_count3A_866 = tpu.all_reduce %lt3A_865 {dim = 0 : i64, kind = #tpu.reduction_kind<sum>} : vector<16xi1> -> vector<16xi32>
        %add3A_867 = arith.addi %add3A_859, %all_reduce_population_count3A_866 : vector<16xi32>
        %add3A_868 = arith.constant 32 : i32
        %add3A_869 = arith.addi %mul3A_853, %add3A_868 : i32
        %get3A_870 = arith.index_cast %add3A_869 : i32 to index
        %get3A_871 = tpu.vector_load %arg7[%get3A_870] {strides = array<i32>} : memref<32832xf32, #tpu.memory_space<vmem>>, vector<16xf32>,
        %bitcast_convert_type3A_872 = tpu.bitcast %get3A_871 : vector<16xf32> -> vector<16xi32>
        %lt3A_873 = arith.cmpi slt, %bitcast_convert_type3A_872, %or3A : vector<16xi32>
        %all_reduce_population_count3A_874 = tpu.all_reduce %lt3A_873 {dim = 0 : i64, kind = #tpu.reduction_kind<sum>} : vector<16xi1> -> vector<16xi32>
        %add3A_875 = arith.addi %add3A_867, %all_reduce_population_count3A_874 : vector<16xi32>
        %add3A_876 = arith.constant 48 : i32
        %add3A_877 = arith.addi %mul3A_853, %add3A_876 : i32
        %get3A_878 = arith.index_cast %add3A_877 : i32 to index
        %get3A_879 = tpu.vector_load %arg7[%get3A_878] {strides = array<i32>} : memref<32832xf32, #tpu.memory_space<vmem>>, vector<16xf32>,
        %bitcast_convert_type3A_880 = tpu.bitcast %get3A_879 : vector<16xf32> -> vector<16xi32>
        %lt3A_881 = arith.cmpi slt, %bitcast_convert_type3A_880, %or3A : vector<16xi32>
        %all_reduce_population_count3A_882 = tpu.all_reduce %lt3A_881 {dim = 0 : i64, kind = #tpu.reduction_kind<sum>} : vector<16xi1> -> vector<16xi32>
        %add3A_883 = arith.addi %add3A_875, %all_reduce_population_count3A_882 : vector<16xi32>
        scf.yield %add3A_883 : vector<16xi32>
      }
      %ge3A = arith.constant 64 : i32
      %ge3A_847 = vector.broadcast %ge3A : i32 to vector<16xi32>
      %ge3A_848 = arith.cmpi sge, %while3A_846, %ge3A_847 : vector<16xi32>
      %select_n3A_849 = arith.select %ge3A_848, %scan3A_833, %or3A : vector<16xi1>, vector<16xi32>
      scf.yield %select_n3A_849 : vector<16xi32>
    }
    %scan3A_216 = arith.constant 31 : i32
    %parallel_loop3A_217 = arith.constant 0 : i32
    %parallel_loop3A_218 = arith.constant 1 : i32
    %parallel_loop3A_219:2 = scf.for %parallel_loop3A_832 = %parallel_loop3A_217 to %select_n3A_195 step %parallel_loop3A_218 iter_args(%parallel_loop3A_833 = %broadcast_in_dim3A_7, %parallel_loop3A_834 = %broadcast_in_dim3A_5) -> (vector<16xi32>, vector<16xf32>)  : i32 {
      %parallel_loop3A_835 = arith.constant 64 : i32
      %parallel_loop3A_836 = arith.muli %parallel_loop3A_832, %parallel_loop3A_835 : i32
      %parallel_loop3A_837 = arith.constant 0 : i32
      %parallel_loop3A_838 = arith.addi %parallel_loop3A_836, %parallel_loop3A_837 : i32
      %parallel_loop3A_839 = arith.index_cast %parallel_loop3A_838 : i32 to index
      %parallel_loop3A_840 = tpu.vector_load %arg7[%parallel_loop3A_839] {strides = array<i32>} : memref<32832xf32, #tpu.memory_space<vmem>>, vector<16xf32>,
      %parallel_loop3A_841 = tpu.bitcast %parallel_loop3A_840 : vector<16xf32> -> vector<16xi32>
      %parallel_loop3A_842 = arith.cmpi slt, %parallel_loop3A_841, %scan3A_215 : vector<16xi32>
      %parallel_loop3A_843 = tpu.all_reduce %parallel_loop3A_842 {dim = 0 : i64, kind = #tpu.reduction_kind<sum>} : vector<16xi1> -> vector<16xi32>
      %parallel_loop3A_844 = arith.addi %parallel_loop3A_833, %parallel_loop3A_843 : vector<16xi32>
      %parallel_loop3A_845 = arith.select %parallel_loop3A_842, %parallel_loop3A_840, %broadcast_in_dim3A_5 : vector<16xi1>, vector<16xf32>
      %parallel_loop3A_846 = arith.addf %parallel_loop3A_834, %parallel_loop3A_845 : vector<16xf32>
      %parallel_loop3A_847 = arith.constant 16 : i32
      %parallel_loop3A_848 = arith.addi %parallel_loop3A_836, %parallel_loop3A_847 : i32
      %parallel_loop3A_849 = arith.index_cast %parallel_loop3A_848 : i32 to index
      %parallel_loop3A_850 = tpu.vector_load %arg7[%parallel_loop3A_849] {strides = array<i32>} : memref<32832xf32, #tpu.memory_space<vmem>>, vector<16xf32>,
      %parallel_loop3A_851 = tpu.bitcast %parallel_loop3A_850 : vector<16xf32> -> vector<16xi32>
      %parallel_loop3A_852 = arith.cmpi slt, %parallel_loop3A_851, %scan3A_215 : vector<16xi32>
      %parallel_loop3A_853 = tpu.all_reduce %parallel_loop3A_852 {dim = 0 : i64, kind = #tpu.reduction_kind<sum>} : vector<16xi1> -> vector<16xi32>
      %parallel_loop3A_854 = arith.addi %parallel_loop3A_844, %parallel_loop3A_853 : vector<16xi32>
      %parallel_loop3A_855 = arith.select %parallel_loop3A_852, %parallel_loop3A_850, %broadcast_in_dim3A_5 : vector<16xi1>, vector<16xf32>
      %parallel_loop3A_856 = arith.addf %parallel_loop3A_846, %parallel_loop3A_855 : vector<16xf32>
      %parallel_loop3A_857 = arith.constant 32 : i32
      %parallel_loop3A_858 = arith.addi %parallel_loop3A_836, %parallel_loop3A_857 : i32
      %parallel_loop3A_859 = arith.index_cast %parallel_loop3A_858 : i32 to index
      %parallel_loop3A_860 = tpu.vector_load %arg7[%parallel_loop3A_859] {strides = array<i32>} : memref<32832xf32, #tpu.memory_space<vmem>>, vector<16xf32>,
      %parallel_loop3A_861 = tpu.bitcast %parallel_loop3A_860 : vector<16xf32> -> vector<16xi32>
      %parallel_loop3A_862 = arith.cmpi slt, %parallel_loop3A_861, %scan3A_215 : vector<16xi32>
      %parallel_loop3A_863 = tpu.all_reduce %parallel_loop3A_862 {dim = 0 : i64, kind = #tpu.reduction_kind<sum>} : vector<16xi1> -> vector<16xi32>
      %parallel_loop3A_864 = arith.addi %parallel_loop3A_854, %parallel_loop3A_863 : vector<16xi32>
      %parallel_loop3A_865 = arith.select %parallel_loop3A_862, %parallel_loop3A_860, %broadcast_in_dim3A_5 : vector<16xi1>, vector<16xf32>
      %parallel_loop3A_866 = arith.addf %parallel_loop3A_856, %parallel_loop3A_865 : vector<16xf32>
      %parallel_loop3A_867 = arith.constant 48 : i32
      %parallel_loop3A_868 = arith.addi %parallel_loop3A_836, %parallel_loop3A_867 : i32
      %parallel_loop3A_869 = arith.index_cast %parallel_loop3A_868 : i32 to index
      %parallel_loop3A_870 = tpu.vector_load %arg7[%parallel_loop3A_869] {strides = array<i32>} : memref<32832xf32, #tpu.memory_space<vmem>>, vector<16xf32>,
      %parallel_loop3A_871 = tpu.bitcast %parallel_loop3A_870 : vector<16xf32> -> vector<16xi32>
      %parallel_loop3A_872 = arith.cmpi slt, %parallel_loop3A_871, %scan3A_215 : vector<16xi32>
      %parallel_loop3A_873 = tpu.all_reduce %parallel_loop3A_872 {dim = 0 : i64, kind = #tpu.reduction_kind<sum>} : vector<16xi1> -> vector<16xi32>
      %parallel_loop3A_874 = arith.addi %parallel_loop3A_864, %parallel_loop3A_873 : vector<16xi32>
      %parallel_loop3A_875 = arith.select %parallel_loop3A_872, %parallel_loop3A_870, %broadcast_in_dim3A_5 : vector<16xi1>, vector<16xf32>
      %parallel_loop3A_876 = arith.addf %parallel_loop3A_866, %parallel_loop3A_875 : vector<16xf32>
      scf.yield %parallel_loop3A_874, %parallel_loop3A_876 : vector<16xi32>, vector<16xf32>
    } {sc.loop_unroll_factor = 2 : i64, sc.parallel_access}
    %bitcast_convert_type3A = tpu.bitcast %scan3A_215 : vector<16xi32> -> vector<16xf32>
    %convert_element_type3A = arith.sitofp %parallel_loop3A_219#0 : vector<16xi32> to vector<16xf32>
    %sub3A_220 = arith.constant 6.400000e+01 : f32
    %sub3A_221 = vector.broadcast %sub3A_220 : f32 to vector<16xf32>
    %sub3A_222 = arith.subf %sub3A_221, %convert_element_type3A : vector<16xf32>
    %mul3A_223 = arith.mulf %sub3A_222, %bitcast_convert_type3A : vector<16xf32>
    %add3A_224 = arith.addf %broadcast_in_dim3A_5, %parallel_loop3A_219#1 : vector<16xf32>
    %select_n3A_225 = arith.select %eq3A_13, %mul3A_223, %broadcast_in_dim3A_5 : vector<16xi1>, vector<16xf32>
    %add3A_226 = arith.addf %add3A_224, %select_n3A_225 : vector<16xf32>
    %dma_wait3A_227 = arith.constant 0 : i32
    %dma_wait3A_228 = tpu.memref_slice %arg2[%add3A_96, %dma_wait3A_227] : memref<128x32768xf32, #tpu.memory_space<hbm>> -> memref<1x32768xf32, #tpu.memory_space<hbm>>
    %dma_wait3A_229 = tpu.memref_squeeze %dma_wait3A_228 : memref<1x32768xf32, #tpu.memory_space<hbm>> -> memref<32768xf32, #tpu.memory_space<hbm>>
    %dma_wait3A_230 = arith.constant 0 : i32
    %dma_wait3A_231 = tpu.memref_slice %arg2[%add3A_96, %dma_wait3A_230] : memref<128x32768xf32, #tpu.memory_space<hbm>> -> memref<1x32768xf32, #tpu.memory_space<hbm>>
    %dma_wait3A_232 = tpu.memref_squeeze %dma_wait3A_231 : memref<1x32768xf32, #tpu.memory_space<hbm>> -> memref<32768xf32, #tpu.memory_space<hbm>>
    tpu.wait_dma2 semaphore(%arg9 : memref<!tpu.dma_semaphore, #tpu.memory_space<semaphore_mem>>) src(%dma_wait3A_232 : memref<32768xf32, #tpu.memory_space<hbm>>) dst(%arg5 : memref<32768xf32, #tpu.memory_space<vmem>>)
    %dma_wait3A_233 = arith.constant 0 : i32
    %dma_wait3A_234 = tpu.memref_slice %arg3[%add3A_106, %dma_wait3A_233] : memref<128x32768xf32, #tpu.memory_space<hbm>> -> memref<1x32768xf32, #tpu.memory_space<hbm>>
    %dma_wait3A_235 = tpu.memref_squeeze %dma_wait3A_234 : memref<1x32768xf32, #tpu.memory_space<hbm>> -> memref<32768xf32, #tpu.memory_space<hbm>>
    %dma_wait3A_236 = arith.constant 0 : i32
    %dma_wait3A_237 = tpu.memref_slice %arg3[%add3A_106, %dma_wait3A_236] : memref<128x32768xf32, #tpu.memory_space<hbm>> -> memref<1x32768xf32, #tpu.memory_space<hbm>>
    %dma_wait3A_238 = tpu.memref_squeeze %dma_wait3A_237 : memref<1x32768xf32, #tpu.memory_space<hbm>> -> memref<32768xf32, #tpu.memory_space<hbm>>
    tpu.wait_dma2 semaphore(%arg10 : memref<!tpu.dma_semaphore, #tpu.memory_space<semaphore_mem>>) src(%dma_wait3A_238 : memref<32768xf32, #tpu.memory_space<hbm>>) dst(%arg6 : memref<32768xf32, #tpu.memory_space<vmem>>)
    %parallel_loop3A_239 = arith.constant 0 : i32
    %parallel_loop3A_240 = arith.constant 512 : i32
    %parallel_loop3A_241 = arith.constant 1 : i32
    %parallel_loop3A_242:4 = scf.for %parallel_loop3A_832 = %parallel_loop3A_239 to %parallel_loop3A_240 step %parallel_loop3A_241 iter_args(%parallel_loop3A_833 = %broadcast_in_dim3A_3, %parallel_loop3A_834 = %broadcast_in_dim3A_3, %parallel_loop3A_835 = %broadcast_in_dim3A_3, %parallel_loop3A_836 = %broadcast_in_dim3A_3) -> (vector<16xf32>, vector<16xf32>, vector<16xf32>, vector<16xf32>)  : i32 {
      %parallel_loop3A_837 = arith.constant 64 : i32
      %parallel_loop3A_838 = arith.muli %parallel_loop3A_832, %parallel_loop3A_837 : i32
      %parallel_loop3A_839 = arith.constant 0 : i32
      %parallel_loop3A_840 = arith.addi %parallel_loop3A_838, %parallel_loop3A_839 : i32
      %parallel_loop3A_841 = arith.index_cast %parallel_loop3A_840 : i32 to index
      %parallel_loop3A_842 = tpu.vector_load %arg5[%parallel_loop3A_841] {strides = array<i32>} : memref<32768xf32, #tpu.memory_space<vmem>>, vector<16xf32>,
      %parallel_loop3A_843 = arith.constant 0 : i32
      %parallel_loop3A_844 = arith.addi %parallel_loop3A_838, %parallel_loop3A_843 : i32
      %parallel_loop3A_845 = arith.index_cast %parallel_loop3A_844 : i32 to index
      %parallel_loop3A_846 = tpu.vector_load %arg6[%parallel_loop3A_845] {strides = array<i32>} : memref<32768xf32, #tpu.memory_space<vmem>>, vector<16xf32>,
      %parallel_loop3A_847 = arith.subf %parallel_loop3A_842, %parallel_loop3A_846 : vector<16xf32>
      %parallel_loop3A_848 = arith.mulf %parallel_loop3A_847, %parallel_loop3A_847 : vector<16xf32>
      %parallel_loop3A_849 = arith.constant 0 : i32
      %parallel_loop3A_850 = arith.addi %parallel_loop3A_838, %parallel_loop3A_849 : i32
      %parallel_loop3A_851 = arith.index_cast %parallel_loop3A_850 : i32 to index
      %parallel_loop3A_852 = tpu.vector_load %arg7[%parallel_loop3A_851] {strides = array<i32>} : memref<32832xf32, #tpu.memory_space<vmem>>, vector<16xf32>,
      tpu.vector_store %arg7[%parallel_loop3A_851], %parallel_loop3A_848 {strides = array<i32>} : memref<32832xf32, #tpu.memory_space<vmem>>, vector<16xf32>,
      %parallel_loop3A_853 = arith.minimumf %parallel_loop3A_833, %parallel_loop3A_848 : vector<16xf32>
      %parallel_loop3A_854 = arith.constant 16 : i32
      %parallel_loop3A_855 = arith.addi %parallel_loop3A_838, %parallel_loop3A_854 : i32
      %parallel_loop3A_856 = arith.index_cast %parallel_loop3A_855 : i32 to index
      %parallel_loop3A_857 = tpu.vector_load %arg5[%parallel_loop3A_856] {strides = array<i32>} : memref<32768xf32, #tpu.memory_space<vmem>>, vector<16xf32>,
      %parallel_loop3A_858 = arith.constant 16 : i32
      %parallel_loop3A_859 = arith.addi %parallel_loop3A_838, %parallel_loop3A_858 : i32
      %parallel_loop3A_860 = arith.index_cast %parallel_loop3A_859 : i32 to index
      %parallel_loop3A_861 = tpu.vector_load %arg6[%parallel_loop3A_860] {strides = array<i32>} : memref<32768xf32, #tpu.memory_space<vmem>>, vector<16xf32>,
      %parallel_loop3A_862 = arith.subf %parallel_loop3A_857, %parallel_loop3A_861 : vector<16xf32>
      %parallel_loop3A_863 = arith.mulf %parallel_loop3A_862, %parallel_loop3A_862 : vector<16xf32>
      %parallel_loop3A_864 = arith.constant 16 : i32
      %parallel_loop3A_865 = arith.addi %parallel_loop3A_838, %parallel_loop3A_864 : i32
      %parallel_loop3A_866 = arith.index_cast %parallel_loop3A_865 : i32 to index
      %parallel_loop3A_867 = tpu.vector_load %arg7[%parallel_loop3A_866] {strides = array<i32>} : memref<32832xf32, #tpu.memory_space<vmem>>, vector<16xf32>,
      tpu.vector_store %arg7[%parallel_loop3A_866], %parallel_loop3A_863 {strides = array<i32>} : memref<32832xf32, #tpu.memory_space<vmem>>, vector<16xf32>,
      %parallel_loop3A_868 = arith.minimumf %parallel_loop3A_834, %parallel_loop3A_863 : vector<16xf32>
      %parallel_loop3A_869 = arith.constant 32 : i32
      %parallel_loop3A_870 = arith.addi %parallel_loop3A_838, %parallel_loop3A_869 : i32
      %parallel_loop3A_871 = arith.index_cast %parallel_loop3A_870 : i32 to index
      %parallel_loop3A_872 = tpu.vector_load %arg5[%parallel_loop3A_871] {strides = array<i32>} : memref<32768xf32, #tpu.memory_space<vmem>>, vector<16xf32>,
      %parallel_loop3A_873 = arith.constant 32 : i32
      %parallel_loop3A_874 = arith.addi %parallel_loop3A_838, %parallel_loop3A_873 : i32
      %parallel_loop3A_875 = arith.index_cast %parallel_loop3A_874 : i32 to index
      %parallel_loop3A_876 = tpu.vector_load %arg6[%parallel_loop3A_875] {strides = array<i32>} : memref<32768xf32, #tpu.memory_space<vmem>>, vector<16xf32>,
      %parallel_loop3A_877 = arith.subf %parallel_loop3A_872, %parallel_loop3A_876 : vector<16xf32>
      %parallel_loop3A_878 = arith.mulf %parallel_loop3A_877, %parallel_loop3A_877 : vector<16xf32>
      %parallel_loop3A_879 = arith.constant 32 : i32
      %parallel_loop3A_880 = arith.addi %parallel_loop3A_838, %parallel_loop3A_879 : i32
      %parallel_loop3A_881 = arith.index_cast %parallel_loop3A_880 : i32 to index
      %parallel_loop3A_882 = tpu.vector_load %arg7[%parallel_loop3A_881] {strides = array<i32>} : memref<32832xf32, #tpu.memory_space<vmem>>, vector<16xf32>,
      tpu.vector_store %arg7[%parallel_loop3A_881], %parallel_loop3A_878 {strides = array<i32>} : memref<32832xf32, #tpu.memory_space<vmem>>, vector<16xf32>,
      %parallel_loop3A_883 = arith.minimumf %parallel_loop3A_835, %parallel_loop3A_878 : vector<16xf32>
      %parallel_loop3A_884 = arith.constant 48 : i32
      %parallel_loop3A_885 = arith.addi %parallel_loop3A_838, %parallel_loop3A_884 : i32
      %parallel_loop3A_886 = arith.index_cast %parallel_loop3A_885 : i32 to index
      %parallel_loop3A_887 = tpu.vector_load %arg5[%parallel_loop3A_886] {strides = array<i32>} : memref<32768xf32, #tpu.memory_space<vmem>>, vector<16xf32>,
      %parallel_loop3A_888 = arith.constant 48 : i32
      %parallel_loop3A_889 = arith.addi %parallel_loop3A_838, %parallel_loop3A_888 : i32
      %parallel_loop3A_890 = arith.index_cast %parallel_loop3A_889 : i32 to index
      %parallel_loop3A_891 = tpu.vector_load %arg6[%parallel_loop3A_890] {strides = array<i32>} : memref<32768xf32, #tpu.memory_space<vmem>>, vector<16xf32>,
      %parallel_loop3A_892 = arith.subf %parallel_loop3A_887, %parallel_loop3A_891 : vector<16xf32>
      %parallel_loop3A_893 = arith.mulf %parallel_loop3A_892, %parallel_loop3A_892 : vector<16xf32>
      %parallel_loop3A_894 = arith.constant 48 : i32
      %parallel_loop3A_895 = arith.addi %parallel_loop3A_838, %parallel_loop3A_894 : i32
      %parallel_loop3A_896 = arith.index_cast %parallel_loop3A_895 : i32 to index
      %parallel_loop3A_897 = tpu.vector_load %arg7[%parallel_loop3A_896] {strides = array<i32>} : memref<32832xf32, #tpu.memory_space<vmem>>, vector<16xf32>,
      tpu.vector_store %arg7[%parallel_loop3A_896], %parallel_loop3A_893 {strides = array<i32>} : memref<32832xf32, #tpu.memory_space<vmem>>, vector<16xf32>,
      %parallel_loop3A_898 = arith.minimumf %parallel_loop3A_836, %parallel_loop3A_893 : vector<16xf32>
      scf.yield %parallel_loop3A_853, %parallel_loop3A_868, %parallel_loop3A_883, %parallel_loop3A_898 : vector<16xf32>, vector<16xf32>, vector<16xf32>, vector<16xf32>
    } {sc.loop_unroll_factor = 2 : i64, sc.parallel_access}
    %max3A_243 = arith.maximumf %parallel_loop3A_242#0, %parallel_loop3A_242#1 : vector<16xf32>
    %max3A_244 = arith.maximumf %parallel_loop3A_242#2, %parallel_loop3A_242#3 : vector<16xf32>
    %max3A_245 = arith.maximumf %max3A_243, %max3A_244 : vector<16xf32>
    %lt3A_246 = arith.constant 0 : i32
    %lt3A_247 = vector.broadcast %lt3A_246 : i32 to vector<16xi32>
    %lt3A_248 = arith.cmpi slt, %xor3A_15, %lt3A_247 : vector<16xi32>
    %add3A_249 = arith.constant 16 : i32
    %add3A_250 = vector.broadcast %add3A_249 : i32 to vector<16xi32>
    %add3A_251 = arith.addi %xor3A_15, %add3A_250 : vector<16xi32>
    %select_n3A_252 = arith.select %lt3A_248, %add3A_251, %xor3A_15 : vector<16xi1>, vector<16xi32>
    %broadcast_in_dim3A_253 = vector.shape_cast %select_n3A_252 : vector<16xi32> to vector<16x1xi32>
    %gather3A_254 = vector.shape_cast %broadcast_in_dim3A_253 : vector<16x1xi32> to vector<16xi32>
    %gather3A_255 = tpu.dynamic_gather %max3A_245[%gather3A_254] in [0] : vector<16xf32>, vector<16xi32> -> vector<16xf32>
    %max3A_256 = arith.maximumf %max3A_245, %gather3A_255 : vector<16xf32>
    %lt3A_257 = arith.constant 0 : i32
    %lt3A_258 = vector.broadcast %lt3A_257 : i32 to vector<16xi32>
    %lt3A_259 = arith.cmpi slt, %xor3A_18, %lt3A_258 : vector<16xi32>
    %add3A_260 = arith.constant 16 : i32
    %add3A_261 = vector.broadcast %add3A_260 : i32 to vector<16xi32>
    %add3A_262 = arith.addi %xor3A_18, %add3A_261 : vector<16xi32>
    %select_n3A_263 = arith.select %lt3A_259, %add3A_262, %xor3A_18 : vector<16xi1>, vector<16xi32>
    %broadcast_in_dim3A_264 = vector.shape_cast %select_n3A_263 : vector<16xi32> to vector<16x1xi32>
    %gather3A_265 = vector.shape_cast %broadcast_in_dim3A_264 : vector<16x1xi32> to vector<16xi32>
    %gather3A_266 = tpu.dynamic_gather %max3A_256[%gather3A_265] in [0] : vector<16xf32>, vector<16xi32> -> vector<16xf32>
    %max3A_267 = arith.maximumf %max3A_256, %gather3A_266 : vector<16xf32>
    %lt3A_268 = arith.constant 0 : i32
    %lt3A_269 = vector.broadcast %lt3A_268 : i32 to vector<16xi32>
    %lt3A_270 = arith.cmpi slt, %xor3A_21, %lt3A_269 : vector<16xi32>
    %add3A_271 = arith.constant 16 : i32
    %add3A_272 = vector.broadcast %add3A_271 : i32 to vector<16xi32>
    %add3A_273 = arith.addi %xor3A_21, %add3A_272 : vector<16xi32>
    %select_n3A_274 = arith.select %lt3A_270, %add3A_273, %xor3A_21 : vector<16xi1>, vector<16xi32>
    %broadcast_in_dim3A_275 = vector.shape_cast %select_n3A_274 : vector<16xi32> to vector<16x1xi32>
    %gather3A_276 = vector.shape_cast %broadcast_in_dim3A_275 : vector<16x1xi32> to vector<16xi32>
    %gather3A_277 = tpu.dynamic_gather %max3A_267[%gather3A_276] in [0] : vector<16xf32>, vector<16xi32> -> vector<16xf32>
    %max3A_278 = arith.maximumf %max3A_267, %gather3A_277 : vector<16xf32>
    %lt3A_279 = arith.constant 0 : i32
    %lt3A_280 = vector.broadcast %lt3A_279 : i32 to vector<16xi32>
    %lt3A_281 = arith.cmpi slt, %xor3A_24, %lt3A_280 : vector<16xi32>
    %add3A_282 = arith.constant 16 : i32
    %add3A_283 = vector.broadcast %add3A_282 : i32 to vector<16xi32>
    %add3A_284 = arith.addi %xor3A_24, %add3A_283 : vector<16xi32>
    %select_n3A_285 = arith.select %lt3A_281, %add3A_284, %xor3A_24 : vector<16xi1>, vector<16xi32>
    %broadcast_in_dim3A_286 = vector.shape_cast %select_n3A_285 : vector<16xi32> to vector<16x1xi32>
    %gather3A_287 = vector.shape_cast %broadcast_in_dim3A_286 : vector<16x1xi32> to vector<16xi32>
    %gather3A_288 = tpu.dynamic_gather %max3A_278[%gather3A_287] in [0] : vector<16xf32>, vector<16xi32> -> vector<16xf32>
    %max3A_289 = arith.maximumf %max3A_278, %gather3A_288 : vector<16xf32>
    %add3A_290 = arith.constant 1 : i32
    %add3A_291 = arith.addi %mul3A_2, %add3A_290 : i32
    %add3A_292 = arith.constant 1 : i32
    %add3A_293 = arith.addi %add3A_291, %add3A_292 : i32
    %dma_start3A_294 = arith.constant 0 : i32
    %dma_start3A_295 = tpu.memref_slice %arg2[%add3A_293, %dma_start3A_294] : memref<128x32768xf32, #tpu.memory_space<hbm>> -> memref<1x32768xf32, #tpu.memory_space<hbm>>
    %dma_start3A_296 = tpu.memref_squeeze %dma_start3A_295 : memref<1x32768xf32, #tpu.memory_space<hbm>> -> memref<32768xf32, #tpu.memory_space<hbm>>
    %dma_start3A_297 = arith.constant 0 : i32
    %dma_start3A_298 = tpu.memref_slice %arg2[%add3A_293, %dma_start3A_297] : memref<128x32768xf32, #tpu.memory_space<hbm>> -> memref<1x32768xf32, #tpu.memory_space<hbm>>
    %dma_start3A_299 = tpu.memref_squeeze %dma_start3A_298 : memref<1x32768xf32, #tpu.memory_space<hbm>> -> memref<32768xf32, #tpu.memory_space<hbm>>
    tpu.enqueue_dma source(%dma_start3A_299 : memref<32768xf32, #tpu.memory_space<hbm>>) target(%arg5 : memref<32768xf32, #tpu.memory_space<vmem>>) target_semaphore(%arg9 : memref<!tpu.dma_semaphore, #tpu.memory_space<semaphore_mem>>)
    %add3A_300 = arith.constant 1 : i32
    %add3A_301 = arith.addi %mul3A_2, %add3A_300 : i32
    %add3A_302 = arith.constant 1 : i32
    %add3A_303 = arith.addi %add3A_301, %add3A_302 : i32
    %dma_start3A_304 = arith.constant 0 : i32
    %dma_start3A_305 = tpu.memref_slice %arg3[%add3A_303, %dma_start3A_304] : memref<128x32768xf32, #tpu.memory_space<hbm>> -> memref<1x32768xf32, #tpu.memory_space<hbm>>
    %dma_start3A_306 = tpu.memref_squeeze %dma_start3A_305 : memref<1x32768xf32, #tpu.memory_space<hbm>> -> memref<32768xf32, #tpu.memory_space<hbm>>
    %dma_start3A_307 = arith.constant 0 : i32
    %dma_start3A_308 = tpu.memref_slice %arg3[%add3A_303, %dma_start3A_307] : memref<128x32768xf32, #tpu.memory_space<hbm>> -> memref<1x32768xf32, #tpu.memory_space<hbm>>
    %dma_start3A_309 = tpu.memref_squeeze %dma_start3A_308 : memref<1x32768xf32, #tpu.memory_space<hbm>> -> memref<32768xf32, #tpu.memory_space<hbm>>
    tpu.enqueue_dma source(%dma_start3A_309 : memref<32768xf32, #tpu.memory_space<hbm>>) target(%arg6 : memref<32768xf32, #tpu.memory_space<vmem>>) target_semaphore(%arg10 : memref<!tpu.dma_semaphore, #tpu.memory_space<semaphore_mem>>)
    %parallel_loop3A_310 = arith.constant 0 : i32
    %parallel_loop3A_311 = arith.constant 512 : i32
    %parallel_loop3A_312 = arith.constant 1 : i32
    %parallel_loop3A_313 = scf.for %parallel_loop3A_832 = %parallel_loop3A_310 to %parallel_loop3A_311 step %parallel_loop3A_312 iter_args(%parallel_loop3A_833 = %broadcast_in_dim3A_7) -> (vector<16xi32>)  : i32 {
      %parallel_loop3A_834 = arith.constant 64 : i32
      %parallel_loop3A_835 = arith.muli %parallel_loop3A_832, %parallel_loop3A_834 : i32
      %parallel_loop3A_836 = arith.constant 0 : i32
      %parallel_loop3A_837 = arith.addi %parallel_loop3A_835, %parallel_loop3A_836 : i32
      %parallel_loop3A_838 = arith.index_cast %parallel_loop3A_837 : i32 to index
      %parallel_loop3A_839 = tpu.vector_load %arg7[%parallel_loop3A_838] {strides = array<i32>} : memref<32832xf32, #tpu.memory_space<vmem>>, vector<16xf32>,
      %parallel_loop3A_840 = arith.cmpf ole, %parallel_loop3A_839, %max3A_289 : vector<16xf32>
      %parallel_loop3A_841 = tpu.all_reduce %parallel_loop3A_840 {dim = 0 : i64, kind = #tpu.reduction_kind<sum>} : vector<16xi1> -> vector<16xi32>
      %parallel_loop3A_842 = arith.constant 0 : i32
      %parallel_loop3A_843 = vector.broadcast %parallel_loop3A_842 : i32 to vector<16xi32>
      %parallel_loop3A_844 = arith.cmpi sgt, %parallel_loop3A_841, %parallel_loop3A_843 : vector<16xi32>
      %parallel_loop3A_845 = arith.select %parallel_loop3A_844, %broadcast_in_dim3A_11, %broadcast_in_dim3A_7 : vector<16xi1>, vector<16xi32>
      %parallel_loop3A_846 = arith.constant 16 : i32
      %parallel_loop3A_847 = arith.addi %parallel_loop3A_835, %parallel_loop3A_846 : i32
      %parallel_loop3A_848 = arith.index_cast %parallel_loop3A_847 : i32 to index
      %parallel_loop3A_849 = tpu.vector_load %arg7[%parallel_loop3A_848] {strides = array<i32>} : memref<32832xf32, #tpu.memory_space<vmem>>, vector<16xf32>,
      %parallel_loop3A_850 = arith.cmpf ole, %parallel_loop3A_849, %max3A_289 : vector<16xf32>
      %parallel_loop3A_851 = tpu.all_reduce %parallel_loop3A_850 {dim = 0 : i64, kind = #tpu.reduction_kind<sum>} : vector<16xi1> -> vector<16xi32>
      %parallel_loop3A_852 = arith.constant 0 : i32
      %parallel_loop3A_853 = vector.broadcast %parallel_loop3A_852 : i32 to vector<16xi32>
      %parallel_loop3A_854 = arith.cmpi sgt, %parallel_loop3A_851, %parallel_loop3A_853 : vector<16xi32>
      %parallel_loop3A_855 = arith.select %parallel_loop3A_854, %broadcast_in_dim3A_11, %broadcast_in_dim3A_7 : vector<16xi1>, vector<16xi32>
      %parallel_loop3A_856 = arith.constant 32 : i32
      %parallel_loop3A_857 = arith.addi %parallel_loop3A_835, %parallel_loop3A_856 : i32
      %parallel_loop3A_858 = arith.index_cast %parallel_loop3A_857 : i32 to index
      %parallel_loop3A_859 = tpu.vector_load %arg7[%parallel_loop3A_858] {strides = array<i32>} : memref<32832xf32, #tpu.memory_space<vmem>>, vector<16xf32>,
      %parallel_loop3A_860 = arith.cmpf ole, %parallel_loop3A_859, %max3A_289 : vector<16xf32>
      %parallel_loop3A_861 = tpu.all_reduce %parallel_loop3A_860 {dim = 0 : i64, kind = #tpu.reduction_kind<sum>} : vector<16xi1> -> vector<16xi32>
      %parallel_loop3A_862 = arith.constant 0 : i32
      %parallel_loop3A_863 = vector.broadcast %parallel_loop3A_862 : i32 to vector<16xi32>
      %parallel_loop3A_864 = arith.cmpi sgt, %parallel_loop3A_861, %parallel_loop3A_863 : vector<16xi32>
      %parallel_loop3A_865 = arith.select %parallel_loop3A_864, %broadcast_in_dim3A_11, %broadcast_in_dim3A_7 : vector<16xi1>, vector<16xi32>
      %parallel_loop3A_866 = arith.constant 48 : i32
      %parallel_loop3A_867 = arith.addi %parallel_loop3A_835, %parallel_loop3A_866 : i32
      %parallel_loop3A_868 = arith.index_cast %parallel_loop3A_867 : i32 to index
      %parallel_loop3A_869 = tpu.vector_load %arg7[%parallel_loop3A_868] {strides = array<i32>} : memref<32832xf32, #tpu.memory_space<vmem>>, vector<16xf32>,
      %parallel_loop3A_870 = arith.cmpf ole, %parallel_loop3A_869, %max3A_289 : vector<16xf32>
      %parallel_loop3A_871 = tpu.all_reduce %parallel_loop3A_870 {dim = 0 : i64, kind = #tpu.reduction_kind<sum>} : vector<16xi1> -> vector<16xi32>
      %parallel_loop3A_872 = arith.constant 0 : i32
      %parallel_loop3A_873 = vector.broadcast %parallel_loop3A_872 : i32 to vector<16xi32>
      %parallel_loop3A_874 = arith.cmpi sgt, %parallel_loop3A_871, %parallel_loop3A_873 : vector<16xi32>
      %parallel_loop3A_875 = arith.select %parallel_loop3A_874, %broadcast_in_dim3A_11, %broadcast_in_dim3A_7 : vector<16xi1>, vector<16xi32>
      %parallel_loop3A_876 = arith.addi %parallel_loop3A_833, %iota3A : vector<16xi32>
      %parallel_loop3A_877 = arith.addi %parallel_loop3A_845, %parallel_loop3A_855 : vector<16xi32>
      %parallel_loop3A_878 = arith.addi %parallel_loop3A_877, %parallel_loop3A_865 : vector<16xi32>
      %parallel_loop3A_879 = arith.addi %parallel_loop3A_876, %broadcast_in_dim3A_7 : vector<16xi32>
      tpu.vector_store_idx %arg7[%parallel_loop3A_879], %parallel_loop3A_839 masked %parallel_loop3A_844 : memref<32832xf32, #tpu.memory_space<vmem>>[vector<16xi32>], vector<16xf32>, vector<16xi1>
      %parallel_loop3A_880 = arith.addi %parallel_loop3A_876, %parallel_loop3A_845 : vector<16xi32>
      tpu.vector_store_idx %arg7[%parallel_loop3A_880], %parallel_loop3A_849 masked %parallel_loop3A_854 : memref<32832xf32, #tpu.memory_space<vmem>>[vector<16xi32>], vector<16xf32>, vector<16xi1>
      %parallel_loop3A_881 = arith.addi %parallel_loop3A_876, %parallel_loop3A_877 : vector<16xi32>
      tpu.vector_store_idx %arg7[%parallel_loop3A_881], %parallel_loop3A_859 masked %parallel_loop3A_864 : memref<32832xf32, #tpu.memory_space<vmem>>[vector<16xi32>], vector<16xf32>, vector<16xi1>
      %parallel_loop3A_882 = arith.addi %parallel_loop3A_876, %parallel_loop3A_878 : vector<16xi32>
      tpu.vector_store_idx %arg7[%parallel_loop3A_882], %parallel_loop3A_869 masked %parallel_loop3A_874 : memref<32832xf32, #tpu.memory_space<vmem>>[vector<16xi32>], vector<16xf32>, vector<16xi1>
      %parallel_loop3A_883 = arith.addi %parallel_loop3A_878, %parallel_loop3A_875 : vector<16xi32>
      %parallel_loop3A_884 = arith.addi %parallel_loop3A_833, %parallel_loop3A_883 : vector<16xi32>
      scf.yield %parallel_loop3A_884 : vector<16xi32>
    } {sc.loop_unroll_factor = 2 : i64, sc.parallel_access}
    %reduce_max3A_314 = arith.constant true
    %reduce_max3A_315 = vector.broadcast %reduce_max3A_314 : i1 to vector<16xi1>
    %reduce_max3A_316 = arith.constant -2147483648 : i32
    %reduce_max3A_317 = vector.broadcast %reduce_max3A_316 : i32 to vector<16xi32>
    %reduce_max3A_318 = arith.xori %parallel_loop3A_313, %reduce_max3A_317 : vector<16xi32>
    %reduce_max3A_319 = tpu.scan <max>, %reduce_max3A_318 masked %reduce_max3A_315 : vector<16xi32>, vector<16xi1> -> vector<16xi32>
    %reduce_max3A_320 = arith.xori %reduce_max3A_319, %reduce_max3A_317 : vector<16xi32>
    %reduce_max3A_321 = vector.extract %reduce_max3A_320[15] : i32 from vector<16xi32>
    %add3A_322 = arith.constant 0 : i32
    %add3A_323 = vector.broadcast %add3A_322 : i32 to vector<16xi32>
    %add3A_324 = arith.addi %parallel_loop3A_313, %add3A_323 : vector<16xi32>
    %add3A_325 = arith.addi %add3A_324, %iota3A : vector<16xi32>
    tpu.vector_store_idx %arg7[%add3A_325], %broadcast_in_dim3A_3 : memref<32832xf32, #tpu.memory_space<vmem>>[vector<16xi32>], vector<16xf32>,
    %add3A_326 = arith.constant 16 : i32
    %add3A_327 = vector.broadcast %add3A_326 : i32 to vector<16xi32>
    %add3A_328 = arith.addi %parallel_loop3A_313, %add3A_327 : vector<16xi32>
    %add3A_329 = arith.addi %add3A_328, %iota3A : vector<16xi32>
    tpu.vector_store_idx %arg7[%add3A_329], %broadcast_in_dim3A_3 : memref<32832xf32, #tpu.memory_space<vmem>>[vector<16xi32>], vector<16xf32>,
    %add3A_330 = arith.constant 32 : i32
    %add3A_331 = vector.broadcast %add3A_330 : i32 to vector<16xi32>
    %add3A_332 = arith.addi %parallel_loop3A_313, %add3A_331 : vector<16xi32>
    %add3A_333 = arith.addi %add3A_332, %iota3A : vector<16xi32>
    tpu.vector_store_idx %arg7[%add3A_333], %broadcast_in_dim3A_3 : memref<32832xf32, #tpu.memory_space<vmem>>[vector<16xi32>], vector<16xf32>,
    %add3A_334 = arith.constant 48 : i32
    %add3A_335 = vector.broadcast %add3A_334 : i32 to vector<16xi32>
    %add3A_336 = arith.addi %parallel_loop3A_313, %add3A_335 : vector<16xi32>
    %add3A_337 = arith.addi %add3A_336, %iota3A : vector<16xi32>
    tpu.vector_store_idx %arg7[%add3A_337], %broadcast_in_dim3A_3 : memref<32832xf32, #tpu.memory_space<vmem>>[vector<16xi32>], vector<16xf32>,
    %add3A_338 = arith.constant 63 : i32
    %add3A_339 = arith.addi %reduce_max3A_321, %add3A_338 : i32
    %jit3A_340 = arith.constant 64 : i32
    %div3A_341 = arith.divsi %add3A_339, %jit3A_340 : i32
    %sign3A_342 = arith.constant 0 : i32
    %sign3A_343 = arith.cmpi sgt, %add3A_339, %sign3A_342 : i32
    %sign3A_344 = arith.extui %sign3A_343 : i1 to i32
    %sign3A_345 = arith.constant 0 : i32
    %sign3A_346 = arith.cmpi slt, %add3A_339, %sign3A_345 : i32
    %sign3A_347 = arith.extui %sign3A_346 : i1 to i32
    %sign3A_348 = arith.subi %sign3A_344, %sign3A_347 : i32
    %sign3A_349 = arith.constant 0 : i32
    %sign3A_350 = arith.cmpi sgt, %jit3A_340, %sign3A_349 : i32
    %sign3A_351 = arith.extui %sign3A_350 : i1 to i32
    %sign3A_352 = arith.constant 0 : i32
    %sign3A_353 = arith.cmpi slt, %jit3A_340, %sign3A_352 : i32
    %sign3A_354 = arith.extui %sign3A_353 : i1 to i32
    %sign3A_355 = arith.subi %sign3A_351, %sign3A_354 : i32
    %ne3A_356 = arith.cmpi ne, %sign3A_348, %sign3A_355 : i32
    %rem3A_357 = arith.remsi %add3A_339, %jit3A_340 : i32
    %ne3A_358 = arith.constant 0 : i32
    %ne3A_359 = arith.cmpi ne, %rem3A_357, %ne3A_358 : i32
    %and3A_360 = arith.andi %ne3A_356, %ne3A_359 : i1
    %sub3A_361 = arith.constant 1 : i32
    %sub3A_362 = arith.subi %div3A_341, %sub3A_361 : i32
    %select_n3A_363 = arith.select %and3A_360, %sub3A_362, %div3A_341 : i32
    %parallel_loop3A_364 = arith.constant 0 : i32
    %parallel_loop3A_365 = arith.constant 1 : i32
    %parallel_loop3A_366 = scf.for %parallel_loop3A_832 = %parallel_loop3A_364 to %select_n3A_363 step %parallel_loop3A_365 iter_args(%parallel_loop3A_833 = %broadcast_in_dim3A_7) -> (vector<16xi32>)  : i32 {
      %parallel_loop3A_834 = arith.constant 64 : i32
      %parallel_loop3A_835 = arith.muli %parallel_loop3A_832, %parallel_loop3A_834 : i32
      %parallel_loop3A_836 = arith.constant 0 : i32
      %parallel_loop3A_837 = arith.addi %parallel_loop3A_835, %parallel_loop3A_836 : i32
      %parallel_loop3A_838 = arith.index_cast %parallel_loop3A_837 : i32 to index
      %parallel_loop3A_839 = tpu.vector_load %arg7[%parallel_loop3A_838] {strides = array<i32>} : memref<32832xf32, #tpu.memory_space<vmem>>, vector<16xf32>,
      %parallel_loop3A_840 = arith.cmpf ole, %parallel_loop3A_839, %max3A_289 : vector<16xf32>
      %parallel_loop3A_841 = arith.select %parallel_loop3A_840, %broadcast_in_dim3A_9, %broadcast_in_dim3A_7 : vector<16xi1>, vector<16xi32>
      %parallel_loop3A_842 = arith.constant true
      %parallel_loop3A_843 = vector.broadcast %parallel_loop3A_842 : i1 to vector<16xi1>
      %parallel_loop3A_844 = tpu.scan <sum>, %parallel_loop3A_841 masked %parallel_loop3A_843 : vector<16xi32>, vector<16xi1> -> vector<16xi32>
      %parallel_loop3A_845 = arith.addi %parallel_loop3A_833, %parallel_loop3A_844 : vector<16xi32>
      %parallel_loop3A_846 = arith.constant 1 : i32
      %parallel_loop3A_847 = vector.broadcast %parallel_loop3A_846 : i32 to vector<16xi32>
      %parallel_loop3A_848 = arith.subi %parallel_loop3A_845, %parallel_loop3A_847 : vector<16xi32>
      tpu.vector_store_idx %arg7[%parallel_loop3A_848], %parallel_loop3A_839 masked %parallel_loop3A_840 : memref<32832xf32, #tpu.memory_space<vmem>>[vector<16xi32>], vector<16xf32>, vector<16xi1>
      %parallel_loop3A_849 = tpu.all_reduce %parallel_loop3A_840 {dim = 0 : i64, kind = #tpu.reduction_kind<sum>} : vector<16xi1> -> vector<16xi32>
      %parallel_loop3A_850 = arith.addi %parallel_loop3A_833, %parallel_loop3A_849 : vector<16xi32>
      %parallel_loop3A_851 = arith.constant 16 : i32
      %parallel_loop3A_852 = arith.addi %parallel_loop3A_835, %parallel_loop3A_851 : i32
      %parallel_loop3A_853 = arith.index_cast %parallel_loop3A_852 : i32 to index
      %parallel_loop3A_854 = tpu.vector_load %arg7[%parallel_loop3A_853] {strides = array<i32>} : memref<32832xf32, #tpu.memory_space<vmem>>, vector<16xf32>,
      %parallel_loop3A_855 = arith.cmpf ole, %parallel_loop3A_854, %max3A_289 : vector<16xf32>
      %parallel_loop3A_856 = arith.select %parallel_loop3A_855, %broadcast_in_dim3A_9, %broadcast_in_dim3A_7 : vector<16xi1>, vector<16xi32>
      %parallel_loop3A_857 = arith.constant true
      %parallel_loop3A_858 = vector.broadcast %parallel_loop3A_857 : i1 to vector<16xi1>
      %parallel_loop3A_859 = tpu.scan <sum>, %parallel_loop3A_856 masked %parallel_loop3A_858 : vector<16xi32>, vector<16xi1> -> vector<16xi32>
      %parallel_loop3A_860 = arith.addi %parallel_loop3A_850, %parallel_loop3A_859 : vector<16xi32>
      %parallel_loop3A_861 = arith.constant 1 : i32
      %parallel_loop3A_862 = vector.broadcast %parallel_loop3A_861 : i32 to vector<16xi32>
      %parallel_loop3A_863 = arith.subi %parallel_loop3A_860, %parallel_loop3A_862 : vector<16xi32>
      tpu.vector_store_idx %arg7[%parallel_loop3A_863], %parallel_loop3A_854 masked %parallel_loop3A_855 : memref<32832xf32, #tpu.memory_space<vmem>>[vector<16xi32>], vector<16xf32>, vector<16xi1>
      %parallel_loop3A_864 = tpu.all_reduce %parallel_loop3A_855 {dim = 0 : i64, kind = #tpu.reduction_kind<sum>} : vector<16xi1> -> vector<16xi32>
      %parallel_loop3A_865 = arith.addi %parallel_loop3A_850, %parallel_loop3A_864 : vector<16xi32>
      %parallel_loop3A_866 = arith.constant 32 : i32
      %parallel_loop3A_867 = arith.addi %parallel_loop3A_835, %parallel_loop3A_866 : i32
      %parallel_loop3A_868 = arith.index_cast %parallel_loop3A_867 : i32 to index
      %parallel_loop3A_869 = tpu.vector_load %arg7[%parallel_loop3A_868] {strides = array<i32>} : memref<32832xf32, #tpu.memory_space<vmem>>, vector<16xf32>,
      %parallel_loop3A_870 = arith.cmpf ole, %parallel_loop3A_869, %max3A_289 : vector<16xf32>
      %parallel_loop3A_871 = arith.select %parallel_loop3A_870, %broadcast_in_dim3A_9, %broadcast_in_dim3A_7 : vector<16xi1>, vector<16xi32>
      %parallel_loop3A_872 = arith.constant true
      %parallel_loop3A_873 = vector.broadcast %parallel_loop3A_872 : i1 to vector<16xi1>
      %parallel_loop3A_874 = tpu.scan <sum>, %parallel_loop3A_871 masked %parallel_loop3A_873 : vector<16xi32>, vector<16xi1> -> vector<16xi32>
      %parallel_loop3A_875 = arith.addi %parallel_loop3A_865, %parallel_loop3A_874 : vector<16xi32>
      %parallel_loop3A_876 = arith.constant 1 : i32
      %parallel_loop3A_877 = vector.broadcast %parallel_loop3A_876 : i32 to vector<16xi32>
      %parallel_loop3A_878 = arith.subi %parallel_loop3A_875, %parallel_loop3A_877 : vector<16xi32>
      tpu.vector_store_idx %arg7[%parallel_loop3A_878], %parallel_loop3A_869 masked %parallel_loop3A_870 : memref<32832xf32, #tpu.memory_space<vmem>>[vector<16xi32>], vector<16xf32>, vector<16xi1>
      %parallel_loop3A_879 = tpu.all_reduce %parallel_loop3A_870 {dim = 0 : i64, kind = #tpu.reduction_kind<sum>} : vector<16xi1> -> vector<16xi32>
      %parallel_loop3A_880 = arith.addi %parallel_loop3A_865, %parallel_loop3A_879 : vector<16xi32>
      %parallel_loop3A_881 = arith.constant 48 : i32
      %parallel_loop3A_882 = arith.addi %parallel_loop3A_835, %parallel_loop3A_881 : i32
      %parallel_loop3A_883 = arith.index_cast %parallel_loop3A_882 : i32 to index
      %parallel_loop3A_884 = tpu.vector_load %arg7[%parallel_loop3A_883] {strides = array<i32>} : memref<32832xf32, #tpu.memory_space<vmem>>, vector<16xf32>,
      %parallel_loop3A_885 = arith.cmpf ole, %parallel_loop3A_884, %max3A_289 : vector<16xf32>
      %parallel_loop3A_886 = arith.select %parallel_loop3A_885, %broadcast_in_dim3A_9, %broadcast_in_dim3A_7 : vector<16xi1>, vector<16xi32>
      %parallel_loop3A_887 = arith.constant true
      %parallel_loop3A_888 = vector.broadcast %parallel_loop3A_887 : i1 to vector<16xi1>
      %parallel_loop3A_889 = tpu.scan <sum>, %parallel_loop3A_886 masked %parallel_loop3A_888 : vector<16xi32>, vector<16xi1> -> vector<16xi32>
      %parallel_loop3A_890 = arith.addi %parallel_loop3A_880, %parallel_loop3A_889 : vector<16xi32>
      %parallel_loop3A_891 = arith.constant 1 : i32
      %parallel_loop3A_892 = vector.broadcast %parallel_loop3A_891 : i32 to vector<16xi32>
      %parallel_loop3A_893 = arith.subi %parallel_loop3A_890, %parallel_loop3A_892 : vector<16xi32>
      tpu.vector_store_idx %arg7[%parallel_loop3A_893], %parallel_loop3A_884 masked %parallel_loop3A_885 : memref<32832xf32, #tpu.memory_space<vmem>>[vector<16xi32>], vector<16xf32>, vector<16xi1>
      %parallel_loop3A_894 = tpu.all_reduce %parallel_loop3A_885 {dim = 0 : i64, kind = #tpu.reduction_kind<sum>} : vector<16xi1> -> vector<16xi32>
      %parallel_loop3A_895 = arith.addi %parallel_loop3A_880, %parallel_loop3A_894 : vector<16xi32>
      scf.yield %parallel_loop3A_895 : vector<16xi32>
    } {sc.loop_unroll_factor = 2 : i64, sc.parallel_access}
    %reduce_max3A_367 = arith.constant true
    %reduce_max3A_368 = vector.broadcast %reduce_max3A_367 : i1 to vector<16xi1>
    %reduce_max3A_369 = arith.constant -2147483648 : i32
    %reduce_max3A_370 = vector.broadcast %reduce_max3A_369 : i32 to vector<16xi32>
    %reduce_max3A_371 = arith.xori %parallel_loop3A_366, %reduce_max3A_370 : vector<16xi32>
    %reduce_max3A_372 = tpu.scan <max>, %reduce_max3A_371 masked %reduce_max3A_368 : vector<16xi32>, vector<16xi1> -> vector<16xi32>
    %reduce_max3A_373 = arith.xori %reduce_max3A_372, %reduce_max3A_370 : vector<16xi32>
    %reduce_max3A_374 = vector.extract %reduce_max3A_373[15] : i32 from vector<16xi32>
    %add3A_375 = arith.constant 63 : i32
    %add3A_376 = arith.addi %reduce_max3A_374, %add3A_375 : i32
    %jit3A_377 = arith.constant 64 : i32
    %div3A_378 = arith.divsi %add3A_376, %jit3A_377 : i32
    %sign3A_379 = arith.constant 0 : i32
    %sign3A_380 = arith.cmpi sgt, %add3A_376, %sign3A_379 : i32
    %sign3A_381 = arith.extui %sign3A_380 : i1 to i32
    %sign3A_382 = arith.constant 0 : i32
    %sign3A_383 = arith.cmpi slt, %add3A_376, %sign3A_382 : i32
    %sign3A_384 = arith.extui %sign3A_383 : i1 to i32
    %sign3A_385 = arith.subi %sign3A_381, %sign3A_384 : i32
    %sign3A_386 = arith.constant 0 : i32
    %sign3A_387 = arith.cmpi sgt, %jit3A_377, %sign3A_386 : i32
    %sign3A_388 = arith.extui %sign3A_387 : i1 to i32
    %sign3A_389 = arith.constant 0 : i32
    %sign3A_390 = arith.cmpi slt, %jit3A_377, %sign3A_389 : i32
    %sign3A_391 = arith.extui %sign3A_390 : i1 to i32
    %sign3A_392 = arith.subi %sign3A_388, %sign3A_391 : i32
    %ne3A_393 = arith.cmpi ne, %sign3A_385, %sign3A_392 : i32
    %rem3A_394 = arith.remsi %add3A_376, %jit3A_377 : i32
    %ne3A_395 = arith.constant 0 : i32
    %ne3A_396 = arith.cmpi ne, %rem3A_394, %ne3A_395 : i32
    %and3A_397 = arith.andi %ne3A_393, %ne3A_396 : i1
    %sub3A_398 = arith.constant 1 : i32
    %sub3A_399 = arith.subi %div3A_378, %sub3A_398 : i32
    %select_n3A_400 = arith.select %and3A_397, %sub3A_399, %div3A_378 : i32
    %add3A_401 = arith.constant 0 : i32
    %add3A_402 = vector.broadcast %add3A_401 : i32 to vector<16xi32>
    %add3A_403 = arith.addi %parallel_loop3A_366, %add3A_402 : vector<16xi32>
    %add3A_404 = arith.addi %add3A_403, %iota3A : vector<16xi32>
    tpu.vector_store_idx %arg7[%add3A_404], %broadcast_in_dim3A_3 : memref<32832xf32, #tpu.memory_space<vmem>>[vector<16xi32>], vector<16xf32>,
    %add3A_405 = arith.constant 16 : i32
    %add3A_406 = vector.broadcast %add3A_405 : i32 to vector<16xi32>
    %add3A_407 = arith.addi %parallel_loop3A_366, %add3A_406 : vector<16xi32>
    %add3A_408 = arith.addi %add3A_407, %iota3A : vector<16xi32>
    tpu.vector_store_idx %arg7[%add3A_408], %broadcast_in_dim3A_3 : memref<32832xf32, #tpu.memory_space<vmem>>[vector<16xi32>], vector<16xf32>,
    %add3A_409 = arith.constant 32 : i32
    %add3A_410 = vector.broadcast %add3A_409 : i32 to vector<16xi32>
    %add3A_411 = arith.addi %parallel_loop3A_366, %add3A_410 : vector<16xi32>
    %add3A_412 = arith.addi %add3A_411, %iota3A : vector<16xi32>
    tpu.vector_store_idx %arg7[%add3A_412], %broadcast_in_dim3A_3 : memref<32832xf32, #tpu.memory_space<vmem>>[vector<16xi32>], vector<16xf32>,
    %add3A_413 = arith.constant 48 : i32
    %add3A_414 = vector.broadcast %add3A_413 : i32 to vector<16xi32>
    %add3A_415 = arith.addi %parallel_loop3A_366, %add3A_414 : vector<16xi32>
    %add3A_416 = arith.addi %add3A_415, %iota3A : vector<16xi32>
    tpu.vector_store_idx %arg7[%add3A_416], %broadcast_in_dim3A_3 : memref<32832xf32, #tpu.memory_space<vmem>>[vector<16xi32>], vector<16xf32>,
    %scan3A_417 = arith.constant 0 : i32
    %scan3A_418 = arith.constant 31 : i32
    %scan3A_419 = arith.addi %scan3A_417, %scan3A_418 : i32
    %scan3A_420 = arith.constant 1 : i32
    %scan3A_421 = scf.for %scan3A_832 = %scan3A_417 to %scan3A_419 step %scan3A_420 iter_args(%scan3A_833 = %broadcast_in_dim3A_7) -> (vector<16xi32>)  : i32 {
      %sub3A_834 = arith.constant 30 : i32
      %sub3A_835 = arith.subi %sub3A_834, %scan3A_832 : i32
      %shift_left3A = vector.broadcast %sub3A_835 : i32 to vector<16xi32>
      %shift_left3A_836 = arith.shli %broadcast_in_dim3A_9, %shift_left3A : vector<16xi32>
      %or3A = arith.ori %scan3A_833, %shift_left3A_836 : vector<16xi32>
      %while3A = arith.constant 0 : i32
      %while3A_837 = arith.subi %select_n3A_400, %while3A : i32
      %while3A_838 = arith.addi %while3A, %while3A_837 : i32
      %while3A_839 = arith.constant 1 : i32
      %while3A_840 = arith.divsi %while3A_837, %while3A_839 : i32
      %while3A_841 = arith.muli %while3A_840, %while3A_839 : i32
      %while3A_842 = arith.addi %while3A, %while3A_841 : i32
      %while3A_843 = arith.constant 1 : i32
      %while3A_844 = scf.for %while3A_850 = %while3A to %while3A_842 step %while3A_843 iter_args(%while3A_851 = %broadcast_in_dim3A_7) -> (vector<16xi32>)  : i32 {
        %mul3A_852 = arith.constant 64 : i32
        %mul3A_853 = arith.muli %while3A_850, %mul3A_852 : i32
        %add3A_854 = arith.constant 0 : i32
        %add3A_855 = arith.addi %mul3A_853, %add3A_854 : i32
        %get3A = arith.index_cast %add3A_855 : i32 to index
        %get3A_856 = tpu.vector_load %arg7[%get3A] {strides = array<i32>} : memref<32832xf32, #tpu.memory_space<vmem>>, vector<16xf32>,
        %bitcast_convert_type3A_857 = tpu.bitcast %get3A_856 : vector<16xf32> -> vector<16xi32>
        %lt3A_858 = arith.cmpi slt, %bitcast_convert_type3A_857, %or3A : vector<16xi32>
        %all_reduce_population_count3A = tpu.all_reduce %lt3A_858 {dim = 0 : i64, kind = #tpu.reduction_kind<sum>} : vector<16xi1> -> vector<16xi32>
        %add3A_859 = arith.addi %while3A_851, %all_reduce_population_count3A : vector<16xi32>
        %add3A_860 = arith.constant 16 : i32
        %add3A_861 = arith.addi %mul3A_853, %add3A_860 : i32
        %get3A_862 = arith.index_cast %add3A_861 : i32 to index
        %get3A_863 = tpu.vector_load %arg7[%get3A_862] {strides = array<i32>} : memref<32832xf32, #tpu.memory_space<vmem>>, vector<16xf32>,
        %bitcast_convert_type3A_864 = tpu.bitcast %get3A_863 : vector<16xf32> -> vector<16xi32>
        %lt3A_865 = arith.cmpi slt, %bitcast_convert_type3A_864, %or3A : vector<16xi32>
        %all_reduce_population_count3A_866 = tpu.all_reduce %lt3A_865 {dim = 0 : i64, kind = #tpu.reduction_kind<sum>} : vector<16xi1> -> vector<16xi32>
        %add3A_867 = arith.addi %add3A_859, %all_reduce_population_count3A_866 : vector<16xi32>
        %add3A_868 = arith.constant 32 : i32
        %add3A_869 = arith.addi %mul3A_853, %add3A_868 : i32
        %get3A_870 = arith.index_cast %add3A_869 : i32 to index
        %get3A_871 = tpu.vector_load %arg7[%get3A_870] {strides = array<i32>} : memref<32832xf32, #tpu.memory_space<vmem>>, vector<16xf32>,
        %bitcast_convert_type3A_872 = tpu.bitcast %get3A_871 : vector<16xf32> -> vector<16xi32>
        %lt3A_873 = arith.cmpi slt, %bitcast_convert_type3A_872, %or3A : vector<16xi32>
        %all_reduce_population_count3A_874 = tpu.all_reduce %lt3A_873 {dim = 0 : i64, kind = #tpu.reduction_kind<sum>} : vector<16xi1> -> vector<16xi32>
        %add3A_875 = arith.addi %add3A_867, %all_reduce_population_count3A_874 : vector<16xi32>
        %add3A_876 = arith.constant 48 : i32
        %add3A_877 = arith.addi %mul3A_853, %add3A_876 : i32
        %get3A_878 = arith.index_cast %add3A_877 : i32 to index
        %get3A_879 = tpu.vector_load %arg7[%get3A_878] {strides = array<i32>} : memref<32832xf32, #tpu.memory_space<vmem>>, vector<16xf32>,
        %bitcast_convert_type3A_880 = tpu.bitcast %get3A_879 : vector<16xf32> -> vector<16xi32>
        %lt3A_881 = arith.cmpi slt, %bitcast_convert_type3A_880, %or3A : vector<16xi32>
        %all_reduce_population_count3A_882 = tpu.all_reduce %lt3A_881 {dim = 0 : i64, kind = #tpu.reduction_kind<sum>} : vector<16xi1> -> vector<16xi32>
        %add3A_883 = arith.addi %add3A_875, %all_reduce_population_count3A_882 : vector<16xi32>
        scf.yield %add3A_883 : vector<16xi32>
      }
      %while3A_845 = arith.constant 1 : i32
      %while3A_846 = scf.for %while3A_850 = %while3A_842 to %while3A_838 step %while3A_845 iter_args(%while3A_851 = %while3A_844) -> (vector<16xi32>)  : i32 {
        %mul3A_852 = arith.constant 64 : i32
        %mul3A_853 = arith.muli %while3A_850, %mul3A_852 : i32
        %add3A_854 = arith.constant 0 : i32
        %add3A_855 = arith.addi %mul3A_853, %add3A_854 : i32
        %get3A = arith.index_cast %add3A_855 : i32 to index
        %get3A_856 = tpu.vector_load %arg7[%get3A] {strides = array<i32>} : memref<32832xf32, #tpu.memory_space<vmem>>, vector<16xf32>,
        %bitcast_convert_type3A_857 = tpu.bitcast %get3A_856 : vector<16xf32> -> vector<16xi32>
        %lt3A_858 = arith.cmpi slt, %bitcast_convert_type3A_857, %or3A : vector<16xi32>
        %all_reduce_population_count3A = tpu.all_reduce %lt3A_858 {dim = 0 : i64, kind = #tpu.reduction_kind<sum>} : vector<16xi1> -> vector<16xi32>
        %add3A_859 = arith.addi %while3A_851, %all_reduce_population_count3A : vector<16xi32>
        %add3A_860 = arith.constant 16 : i32
        %add3A_861 = arith.addi %mul3A_853, %add3A_860 : i32
        %get3A_862 = arith.index_cast %add3A_861 : i32 to index
        %get3A_863 = tpu.vector_load %arg7[%get3A_862] {strides = array<i32>} : memref<32832xf32, #tpu.memory_space<vmem>>, vector<16xf32>,
        %bitcast_convert_type3A_864 = tpu.bitcast %get3A_863 : vector<16xf32> -> vector<16xi32>
        %lt3A_865 = arith.cmpi slt, %bitcast_convert_type3A_864, %or3A : vector<16xi32>
        %all_reduce_population_count3A_866 = tpu.all_reduce %lt3A_865 {dim = 0 : i64, kind = #tpu.reduction_kind<sum>} : vector<16xi1> -> vector<16xi32>
        %add3A_867 = arith.addi %add3A_859, %all_reduce_population_count3A_866 : vector<16xi32>
        %add3A_868 = arith.constant 32 : i32
        %add3A_869 = arith.addi %mul3A_853, %add3A_868 : i32
        %get3A_870 = arith.index_cast %add3A_869 : i32 to index
        %get3A_871 = tpu.vector_load %arg7[%get3A_870] {strides = array<i32>} : memref<32832xf32, #tpu.memory_space<vmem>>, vector<16xf32>,
        %bitcast_convert_type3A_872 = tpu.bitcast %get3A_871 : vector<16xf32> -> vector<16xi32>
        %lt3A_873 = arith.cmpi slt, %bitcast_convert_type3A_872, %or3A : vector<16xi32>
        %all_reduce_population_count3A_874 = tpu.all_reduce %lt3A_873 {dim = 0 : i64, kind = #tpu.reduction_kind<sum>} : vector<16xi1> -> vector<16xi32>
        %add3A_875 = arith.addi %add3A_867, %all_reduce_population_count3A_874 : vector<16xi32>
        %add3A_876 = arith.constant 48 : i32
        %add3A_877 = arith.addi %mul3A_853, %add3A_876 : i32
        %get3A_878 = arith.index_cast %add3A_877 : i32 to index
        %get3A_879 = tpu.vector_load %arg7[%get3A_878] {strides = array<i32>} : memref<32832xf32, #tpu.memory_space<vmem>>, vector<16xf32>,
        %bitcast_convert_type3A_880 = tpu.bitcast %get3A_879 : vector<16xf32> -> vector<16xi32>
        %lt3A_881 = arith.cmpi slt, %bitcast_convert_type3A_880, %or3A : vector<16xi32>
        %all_reduce_population_count3A_882 = tpu.all_reduce %lt3A_881 {dim = 0 : i64, kind = #tpu.reduction_kind<sum>} : vector<16xi1> -> vector<16xi32>
        %add3A_883 = arith.addi %add3A_875, %all_reduce_population_count3A_882 : vector<16xi32>
        scf.yield %add3A_883 : vector<16xi32>
      }
      %ge3A = arith.constant 64 : i32
      %ge3A_847 = vector.broadcast %ge3A : i32 to vector<16xi32>
      %ge3A_848 = arith.cmpi sge, %while3A_846, %ge3A_847 : vector<16xi32>
      %select_n3A_849 = arith.select %ge3A_848, %scan3A_833, %or3A : vector<16xi1>, vector<16xi32>
      scf.yield %select_n3A_849 : vector<16xi32>
    }
    %scan3A_422 = arith.constant 31 : i32
    %parallel_loop3A_423 = arith.constant 0 : i32
    %parallel_loop3A_424 = arith.constant 1 : i32
    %parallel_loop3A_425:2 = scf.for %parallel_loop3A_832 = %parallel_loop3A_423 to %select_n3A_400 step %parallel_loop3A_424 iter_args(%parallel_loop3A_833 = %broadcast_in_dim3A_7, %parallel_loop3A_834 = %broadcast_in_dim3A_5) -> (vector<16xi32>, vector<16xf32>)  : i32 {
      %parallel_loop3A_835 = arith.constant 64 : i32
      %parallel_loop3A_836 = arith.muli %parallel_loop3A_832, %parallel_loop3A_835 : i32
      %parallel_loop3A_837 = arith.constant 0 : i32
      %parallel_loop3A_838 = arith.addi %parallel_loop3A_836, %parallel_loop3A_837 : i32
      %parallel_loop3A_839 = arith.index_cast %parallel_loop3A_838 : i32 to index
      %parallel_loop3A_840 = tpu.vector_load %arg7[%parallel_loop3A_839] {strides = array<i32>} : memref<32832xf32, #tpu.memory_space<vmem>>, vector<16xf32>,
      %parallel_loop3A_841 = tpu.bitcast %parallel_loop3A_840 : vector<16xf32> -> vector<16xi32>
      %parallel_loop3A_842 = arith.cmpi slt, %parallel_loop3A_841, %scan3A_421 : vector<16xi32>
      %parallel_loop3A_843 = tpu.all_reduce %parallel_loop3A_842 {dim = 0 : i64, kind = #tpu.reduction_kind<sum>} : vector<16xi1> -> vector<16xi32>
      %parallel_loop3A_844 = arith.addi %parallel_loop3A_833, %parallel_loop3A_843 : vector<16xi32>
      %parallel_loop3A_845 = arith.select %parallel_loop3A_842, %parallel_loop3A_840, %broadcast_in_dim3A_5 : vector<16xi1>, vector<16xf32>
      %parallel_loop3A_846 = arith.addf %parallel_loop3A_834, %parallel_loop3A_845 : vector<16xf32>
      %parallel_loop3A_847 = arith.constant 16 : i32
      %parallel_loop3A_848 = arith.addi %parallel_loop3A_836, %parallel_loop3A_847 : i32
      %parallel_loop3A_849 = arith.index_cast %parallel_loop3A_848 : i32 to index
      %parallel_loop3A_850 = tpu.vector_load %arg7[%parallel_loop3A_849] {strides = array<i32>} : memref<32832xf32, #tpu.memory_space<vmem>>, vector<16xf32>,
      %parallel_loop3A_851 = tpu.bitcast %parallel_loop3A_850 : vector<16xf32> -> vector<16xi32>
      %parallel_loop3A_852 = arith.cmpi slt, %parallel_loop3A_851, %scan3A_421 : vector<16xi32>
      %parallel_loop3A_853 = tpu.all_reduce %parallel_loop3A_852 {dim = 0 : i64, kind = #tpu.reduction_kind<sum>} : vector<16xi1> -> vector<16xi32>
      %parallel_loop3A_854 = arith.addi %parallel_loop3A_844, %parallel_loop3A_853 : vector<16xi32>
      %parallel_loop3A_855 = arith.select %parallel_loop3A_852, %parallel_loop3A_850, %broadcast_in_dim3A_5 : vector<16xi1>, vector<16xf32>
      %parallel_loop3A_856 = arith.addf %parallel_loop3A_846, %parallel_loop3A_855 : vector<16xf32>
      %parallel_loop3A_857 = arith.constant 32 : i32
      %parallel_loop3A_858 = arith.addi %parallel_loop3A_836, %parallel_loop3A_857 : i32
      %parallel_loop3A_859 = arith.index_cast %parallel_loop3A_858 : i32 to index
      %parallel_loop3A_860 = tpu.vector_load %arg7[%parallel_loop3A_859] {strides = array<i32>} : memref<32832xf32, #tpu.memory_space<vmem>>, vector<16xf32>,
      %parallel_loop3A_861 = tpu.bitcast %parallel_loop3A_860 : vector<16xf32> -> vector<16xi32>
      %parallel_loop3A_862 = arith.cmpi slt, %parallel_loop3A_861, %scan3A_421 : vector<16xi32>
      %parallel_loop3A_863 = tpu.all_reduce %parallel_loop3A_862 {dim = 0 : i64, kind = #tpu.reduction_kind<sum>} : vector<16xi1> -> vector<16xi32>
      %parallel_loop3A_864 = arith.addi %parallel_loop3A_854, %parallel_loop3A_863 : vector<16xi32>
      %parallel_loop3A_865 = arith.select %parallel_loop3A_862, %parallel_loop3A_860, %broadcast_in_dim3A_5 : vector<16xi1>, vector<16xf32>
      %parallel_loop3A_866 = arith.addf %parallel_loop3A_856, %parallel_loop3A_865 : vector<16xf32>
      %parallel_loop3A_867 = arith.constant 48 : i32
      %parallel_loop3A_868 = arith.addi %parallel_loop3A_836, %parallel_loop3A_867 : i32
      %parallel_loop3A_869 = arith.index_cast %parallel_loop3A_868 : i32 to index
      %parallel_loop3A_870 = tpu.vector_load %arg7[%parallel_loop3A_869] {strides = array<i32>} : memref<32832xf32, #tpu.memory_space<vmem>>, vector<16xf32>,
      %parallel_loop3A_871 = tpu.bitcast %parallel_loop3A_870 : vector<16xf32> -> vector<16xi32>
      %parallel_loop3A_872 = arith.cmpi slt, %parallel_loop3A_871, %scan3A_421 : vector<16xi32>
      %parallel_loop3A_873 = tpu.all_reduce %parallel_loop3A_872 {dim = 0 : i64, kind = #tpu.reduction_kind<sum>} : vector<16xi1> -> vector<16xi32>
      %parallel_loop3A_874 = arith.addi %parallel_loop3A_864, %parallel_loop3A_873 : vector<16xi32>
      %parallel_loop3A_875 = arith.select %parallel_loop3A_872, %parallel_loop3A_870, %broadcast_in_dim3A_5 : vector<16xi1>, vector<16xf32>
      %parallel_loop3A_876 = arith.addf %parallel_loop3A_866, %parallel_loop3A_875 : vector<16xf32>
      scf.yield %parallel_loop3A_874, %parallel_loop3A_876 : vector<16xi32>, vector<16xf32>
    } {sc.loop_unroll_factor = 2 : i64, sc.parallel_access}
    %bitcast_convert_type3A_426 = tpu.bitcast %scan3A_421 : vector<16xi32> -> vector<16xf32>
    %convert_element_type3A_427 = arith.sitofp %parallel_loop3A_425#0 : vector<16xi32> to vector<16xf32>
    %sub3A_428 = arith.constant 6.400000e+01 : f32
    %sub3A_429 = vector.broadcast %sub3A_428 : f32 to vector<16xf32>
    %sub3A_430 = arith.subf %sub3A_429, %convert_element_type3A_427 : vector<16xf32>
    %mul3A_431 = arith.mulf %sub3A_430, %bitcast_convert_type3A_426 : vector<16xf32>
    %add3A_432 = arith.addf %add3A_226, %parallel_loop3A_425#1 : vector<16xf32>
    %select_n3A_433 = arith.select %eq3A_13, %mul3A_431, %broadcast_in_dim3A_5 : vector<16xi1>, vector<16xf32>
    %add3A_434 = arith.addf %add3A_432, %select_n3A_433 : vector<16xf32>
    %dma_wait3A_435 = arith.constant 0 : i32
    %dma_wait3A_436 = tpu.memref_slice %arg2[%add3A_293, %dma_wait3A_435] : memref<128x32768xf32, #tpu.memory_space<hbm>> -> memref<1x32768xf32, #tpu.memory_space<hbm>>
    %dma_wait3A_437 = tpu.memref_squeeze %dma_wait3A_436 : memref<1x32768xf32, #tpu.memory_space<hbm>> -> memref<32768xf32, #tpu.memory_space<hbm>>
    %dma_wait3A_438 = arith.constant 0 : i32
    %dma_wait3A_439 = tpu.memref_slice %arg2[%add3A_293, %dma_wait3A_438] : memref<128x32768xf32, #tpu.memory_space<hbm>> -> memref<1x32768xf32, #tpu.memory_space<hbm>>
    %dma_wait3A_440 = tpu.memref_squeeze %dma_wait3A_439 : memref<1x32768xf32, #tpu.memory_space<hbm>> -> memref<32768xf32, #tpu.memory_space<hbm>>
    tpu.wait_dma2 semaphore(%arg9 : memref<!tpu.dma_semaphore, #tpu.memory_space<semaphore_mem>>) src(%dma_wait3A_440 : memref<32768xf32, #tpu.memory_space<hbm>>) dst(%arg5 : memref<32768xf32, #tpu.memory_space<vmem>>)
    %dma_wait3A_441 = arith.constant 0 : i32
    %dma_wait3A_442 = tpu.memref_slice %arg3[%add3A_303, %dma_wait3A_441] : memref<128x32768xf32, #tpu.memory_space<hbm>> -> memref<1x32768xf32, #tpu.memory_space<hbm>>
    %dma_wait3A_443 = tpu.memref_squeeze %dma_wait3A_442 : memref<1x32768xf32, #tpu.memory_space<hbm>> -> memref<32768xf32, #tpu.memory_space<hbm>>
    %dma_wait3A_444 = arith.constant 0 : i32
    %dma_wait3A_445 = tpu.memref_slice %arg3[%add3A_303, %dma_wait3A_444] : memref<128x32768xf32, #tpu.memory_space<hbm>> -> memref<1x32768xf32, #tpu.memory_space<hbm>>
    %dma_wait3A_446 = tpu.memref_squeeze %dma_wait3A_445 : memref<1x32768xf32, #tpu.memory_space<hbm>> -> memref<32768xf32, #tpu.memory_space<hbm>>
    tpu.wait_dma2 semaphore(%arg10 : memref<!tpu.dma_semaphore, #tpu.memory_space<semaphore_mem>>) src(%dma_wait3A_446 : memref<32768xf32, #tpu.memory_space<hbm>>) dst(%arg6 : memref<32768xf32, #tpu.memory_space<vmem>>)
    %parallel_loop3A_447 = arith.constant 0 : i32
    %parallel_loop3A_448 = arith.constant 512 : i32
    %parallel_loop3A_449 = arith.constant 1 : i32
    %parallel_loop3A_450:4 = scf.for %parallel_loop3A_832 = %parallel_loop3A_447 to %parallel_loop3A_448 step %parallel_loop3A_449 iter_args(%parallel_loop3A_833 = %broadcast_in_dim3A_3, %parallel_loop3A_834 = %broadcast_in_dim3A_3, %parallel_loop3A_835 = %broadcast_in_dim3A_3, %parallel_loop3A_836 = %broadcast_in_dim3A_3) -> (vector<16xf32>, vector<16xf32>, vector<16xf32>, vector<16xf32>)  : i32 {
      %parallel_loop3A_837 = arith.constant 64 : i32
      %parallel_loop3A_838 = arith.muli %parallel_loop3A_832, %parallel_loop3A_837 : i32
      %parallel_loop3A_839 = arith.constant 0 : i32
      %parallel_loop3A_840 = arith.addi %parallel_loop3A_838, %parallel_loop3A_839 : i32
      %parallel_loop3A_841 = arith.index_cast %parallel_loop3A_840 : i32 to index
      %parallel_loop3A_842 = tpu.vector_load %arg5[%parallel_loop3A_841] {strides = array<i32>} : memref<32768xf32, #tpu.memory_space<vmem>>, vector<16xf32>,
      %parallel_loop3A_843 = arith.constant 0 : i32
      %parallel_loop3A_844 = arith.addi %parallel_loop3A_838, %parallel_loop3A_843 : i32
      %parallel_loop3A_845 = arith.index_cast %parallel_loop3A_844 : i32 to index
      %parallel_loop3A_846 = tpu.vector_load %arg6[%parallel_loop3A_845] {strides = array<i32>} : memref<32768xf32, #tpu.memory_space<vmem>>, vector<16xf32>,
      %parallel_loop3A_847 = arith.subf %parallel_loop3A_842, %parallel_loop3A_846 : vector<16xf32>
      %parallel_loop3A_848 = arith.mulf %parallel_loop3A_847, %parallel_loop3A_847 : vector<16xf32>
      %parallel_loop3A_849 = arith.constant 0 : i32
      %parallel_loop3A_850 = arith.addi %parallel_loop3A_838, %parallel_loop3A_849 : i32
      %parallel_loop3A_851 = arith.index_cast %parallel_loop3A_850 : i32 to index
      %parallel_loop3A_852 = tpu.vector_load %arg7[%parallel_loop3A_851] {strides = array<i32>} : memref<32832xf32, #tpu.memory_space<vmem>>, vector<16xf32>,
      tpu.vector_store %arg7[%parallel_loop3A_851], %parallel_loop3A_848 {strides = array<i32>} : memref<32832xf32, #tpu.memory_space<vmem>>, vector<16xf32>,
      %parallel_loop3A_853 = arith.minimumf %parallel_loop3A_833, %parallel_loop3A_848 : vector<16xf32>
      %parallel_loop3A_854 = arith.constant 16 : i32
      %parallel_loop3A_855 = arith.addi %parallel_loop3A_838, %parallel_loop3A_854 : i32
      %parallel_loop3A_856 = arith.index_cast %parallel_loop3A_855 : i32 to index
      %parallel_loop3A_857 = tpu.vector_load %arg5[%parallel_loop3A_856] {strides = array<i32>} : memref<32768xf32, #tpu.memory_space<vmem>>, vector<16xf32>,
      %parallel_loop3A_858 = arith.constant 16 : i32
      %parallel_loop3A_859 = arith.addi %parallel_loop3A_838, %parallel_loop3A_858 : i32
      %parallel_loop3A_860 = arith.index_cast %parallel_loop3A_859 : i32 to index
      %parallel_loop3A_861 = tpu.vector_load %arg6[%parallel_loop3A_860] {strides = array<i32>} : memref<32768xf32, #tpu.memory_space<vmem>>, vector<16xf32>,
      %parallel_loop3A_862 = arith.subf %parallel_loop3A_857, %parallel_loop3A_861 : vector<16xf32>
      %parallel_loop3A_863 = arith.mulf %parallel_loop3A_862, %parallel_loop3A_862 : vector<16xf32>
      %parallel_loop3A_864 = arith.constant 16 : i32
      %parallel_loop3A_865 = arith.addi %parallel_loop3A_838, %parallel_loop3A_864 : i32
      %parallel_loop3A_866 = arith.index_cast %parallel_loop3A_865 : i32 to index
      %parallel_loop3A_867 = tpu.vector_load %arg7[%parallel_loop3A_866] {strides = array<i32>} : memref<32832xf32, #tpu.memory_space<vmem>>, vector<16xf32>,
      tpu.vector_store %arg7[%parallel_loop3A_866], %parallel_loop3A_863 {strides = array<i32>} : memref<32832xf32, #tpu.memory_space<vmem>>, vector<16xf32>,
      %parallel_loop3A_868 = arith.minimumf %parallel_loop3A_834, %parallel_loop3A_863 : vector<16xf32>
      %parallel_loop3A_869 = arith.constant 32 : i32
      %parallel_loop3A_870 = arith.addi %parallel_loop3A_838, %parallel_loop3A_869 : i32
      %parallel_loop3A_871 = arith.index_cast %parallel_loop3A_870 : i32 to index
      %parallel_loop3A_872 = tpu.vector_load %arg5[%parallel_loop3A_871] {strides = array<i32>} : memref<32768xf32, #tpu.memory_space<vmem>>, vector<16xf32>,
      %parallel_loop3A_873 = arith.constant 32 : i32
      %parallel_loop3A_874 = arith.addi %parallel_loop3A_838, %parallel_loop3A_873 : i32
      %parallel_loop3A_875 = arith.index_cast %parallel_loop3A_874 : i32 to index
      %parallel_loop3A_876 = tpu.vector_load %arg6[%parallel_loop3A_875] {strides = array<i32>} : memref<32768xf32, #tpu.memory_space<vmem>>, vector<16xf32>,
      %parallel_loop3A_877 = arith.subf %parallel_loop3A_872, %parallel_loop3A_876 : vector<16xf32>
      %parallel_loop3A_878 = arith.mulf %parallel_loop3A_877, %parallel_loop3A_877 : vector<16xf32>
      %parallel_loop3A_879 = arith.constant 32 : i32
      %parallel_loop3A_880 = arith.addi %parallel_loop3A_838, %parallel_loop3A_879 : i32
      %parallel_loop3A_881 = arith.index_cast %parallel_loop3A_880 : i32 to index
      %parallel_loop3A_882 = tpu.vector_load %arg7[%parallel_loop3A_881] {strides = array<i32>} : memref<32832xf32, #tpu.memory_space<vmem>>, vector<16xf32>,
      tpu.vector_store %arg7[%parallel_loop3A_881], %parallel_loop3A_878 {strides = array<i32>} : memref<32832xf32, #tpu.memory_space<vmem>>, vector<16xf32>,
      %parallel_loop3A_883 = arith.minimumf %parallel_loop3A_835, %parallel_loop3A_878 : vector<16xf32>
      %parallel_loop3A_884 = arith.constant 48 : i32
      %parallel_loop3A_885 = arith.addi %parallel_loop3A_838, %parallel_loop3A_884 : i32
      %parallel_loop3A_886 = arith.index_cast %parallel_loop3A_885 : i32 to index
      %parallel_loop3A_887 = tpu.vector_load %arg5[%parallel_loop3A_886] {strides = array<i32>} : memref<32768xf32, #tpu.memory_space<vmem>>, vector<16xf32>,
      %parallel_loop3A_888 = arith.constant 48 : i32
      %parallel_loop3A_889 = arith.addi %parallel_loop3A_838, %parallel_loop3A_888 : i32
      %parallel_loop3A_890 = arith.index_cast %parallel_loop3A_889 : i32 to index
      %parallel_loop3A_891 = tpu.vector_load %arg6[%parallel_loop3A_890] {strides = array<i32>} : memref<32768xf32, #tpu.memory_space<vmem>>, vector<16xf32>,
      %parallel_loop3A_892 = arith.subf %parallel_loop3A_887, %parallel_loop3A_891 : vector<16xf32>
      %parallel_loop3A_893 = arith.mulf %parallel_loop3A_892, %parallel_loop3A_892 : vector<16xf32>
      %parallel_loop3A_894 = arith.constant 48 : i32
      %parallel_loop3A_895 = arith.addi %parallel_loop3A_838, %parallel_loop3A_894 : i32
      %parallel_loop3A_896 = arith.index_cast %parallel_loop3A_895 : i32 to index
      %parallel_loop3A_897 = tpu.vector_load %arg7[%parallel_loop3A_896] {strides = array<i32>} : memref<32832xf32, #tpu.memory_space<vmem>>, vector<16xf32>,
      tpu.vector_store %arg7[%parallel_loop3A_896], %parallel_loop3A_893 {strides = array<i32>} : memref<32832xf32, #tpu.memory_space<vmem>>, vector<16xf32>,
      %parallel_loop3A_898 = arith.minimumf %parallel_loop3A_836, %parallel_loop3A_893 : vector<16xf32>
      scf.yield %parallel_loop3A_853, %parallel_loop3A_868, %parallel_loop3A_883, %parallel_loop3A_898 : vector<16xf32>, vector<16xf32>, vector<16xf32>, vector<16xf32>
    } {sc.loop_unroll_factor = 2 : i64, sc.parallel_access}
    %max3A_451 = arith.maximumf %parallel_loop3A_450#0, %parallel_loop3A_450#1 : vector<16xf32>
    %max3A_452 = arith.maximumf %parallel_loop3A_450#2, %parallel_loop3A_450#3 : vector<16xf32>
    %max3A_453 = arith.maximumf %max3A_451, %max3A_452 : vector<16xf32>
    %lt3A_454 = arith.constant 0 : i32
    %lt3A_455 = vector.broadcast %lt3A_454 : i32 to vector<16xi32>
    %lt3A_456 = arith.cmpi slt, %xor3A_15, %lt3A_455 : vector<16xi32>
    %add3A_457 = arith.constant 16 : i32
    %add3A_458 = vector.broadcast %add3A_457 : i32 to vector<16xi32>
    %add3A_459 = arith.addi %xor3A_15, %add3A_458 : vector<16xi32>
    %select_n3A_460 = arith.select %lt3A_456, %add3A_459, %xor3A_15 : vector<16xi1>, vector<16xi32>
    %broadcast_in_dim3A_461 = vector.shape_cast %select_n3A_460 : vector<16xi32> to vector<16x1xi32>
    %gather3A_462 = vector.shape_cast %broadcast_in_dim3A_461 : vector<16x1xi32> to vector<16xi32>
    %gather3A_463 = tpu.dynamic_gather %max3A_453[%gather3A_462] in [0] : vector<16xf32>, vector<16xi32> -> vector<16xf32>
    %max3A_464 = arith.maximumf %max3A_453, %gather3A_463 : vector<16xf32>
    %lt3A_465 = arith.constant 0 : i32
    %lt3A_466 = vector.broadcast %lt3A_465 : i32 to vector<16xi32>
    %lt3A_467 = arith.cmpi slt, %xor3A_18, %lt3A_466 : vector<16xi32>
    %add3A_468 = arith.constant 16 : i32
    %add3A_469 = vector.broadcast %add3A_468 : i32 to vector<16xi32>
    %add3A_470 = arith.addi %xor3A_18, %add3A_469 : vector<16xi32>
    %select_n3A_471 = arith.select %lt3A_467, %add3A_470, %xor3A_18 : vector<16xi1>, vector<16xi32>
    %broadcast_in_dim3A_472 = vector.shape_cast %select_n3A_471 : vector<16xi32> to vector<16x1xi32>
    %gather3A_473 = vector.shape_cast %broadcast_in_dim3A_472 : vector<16x1xi32> to vector<16xi32>
    %gather3A_474 = tpu.dynamic_gather %max3A_464[%gather3A_473] in [0] : vector<16xf32>, vector<16xi32> -> vector<16xf32>
    %max3A_475 = arith.maximumf %max3A_464, %gather3A_474 : vector<16xf32>
    %lt3A_476 = arith.constant 0 : i32
    %lt3A_477 = vector.broadcast %lt3A_476 : i32 to vector<16xi32>
    %lt3A_478 = arith.cmpi slt, %xor3A_21, %lt3A_477 : vector<16xi32>
    %add3A_479 = arith.constant 16 : i32
    %add3A_480 = vector.broadcast %add3A_479 : i32 to vector<16xi32>
    %add3A_481 = arith.addi %xor3A_21, %add3A_480 : vector<16xi32>
    %select_n3A_482 = arith.select %lt3A_478, %add3A_481, %xor3A_21 : vector<16xi1>, vector<16xi32>
    %broadcast_in_dim3A_483 = vector.shape_cast %select_n3A_482 : vector<16xi32> to vector<16x1xi32>
    %gather3A_484 = vector.shape_cast %broadcast_in_dim3A_483 : vector<16x1xi32> to vector<16xi32>
    %gather3A_485 = tpu.dynamic_gather %max3A_475[%gather3A_484] in [0] : vector<16xf32>, vector<16xi32> -> vector<16xf32>
    %max3A_486 = arith.maximumf %max3A_475, %gather3A_485 : vector<16xf32>
    %lt3A_487 = arith.constant 0 : i32
    %lt3A_488 = vector.broadcast %lt3A_487 : i32 to vector<16xi32>
    %lt3A_489 = arith.cmpi slt, %xor3A_24, %lt3A_488 : vector<16xi32>
    %add3A_490 = arith.constant 16 : i32
    %add3A_491 = vector.broadcast %add3A_490 : i32 to vector<16xi32>
    %add3A_492 = arith.addi %xor3A_24, %add3A_491 : vector<16xi32>
    %select_n3A_493 = arith.select %lt3A_489, %add3A_492, %xor3A_24 : vector<16xi1>, vector<16xi32>
    %broadcast_in_dim3A_494 = vector.shape_cast %select_n3A_493 : vector<16xi32> to vector<16x1xi32>
    %gather3A_495 = vector.shape_cast %broadcast_in_dim3A_494 : vector<16x1xi32> to vector<16xi32>
    %gather3A_496 = tpu.dynamic_gather %max3A_486[%gather3A_495] in [0] : vector<16xf32>, vector<16xi32> -> vector<16xf32>
    %max3A_497 = arith.maximumf %max3A_486, %gather3A_496 : vector<16xf32>
    %add3A_498 = arith.constant 2 : i32
    %add3A_499 = arith.addi %mul3A_2, %add3A_498 : i32
    %add3A_500 = arith.constant 1 : i32
    %add3A_501 = arith.addi %add3A_499, %add3A_500 : i32
    %dma_start3A_502 = arith.constant 0 : i32
    %dma_start3A_503 = tpu.memref_slice %arg2[%add3A_501, %dma_start3A_502] : memref<128x32768xf32, #tpu.memory_space<hbm>> -> memref<1x32768xf32, #tpu.memory_space<hbm>>
    %dma_start3A_504 = tpu.memref_squeeze %dma_start3A_503 : memref<1x32768xf32, #tpu.memory_space<hbm>> -> memref<32768xf32, #tpu.memory_space<hbm>>
    %dma_start3A_505 = arith.constant 0 : i32
    %dma_start3A_506 = tpu.memref_slice %arg2[%add3A_501, %dma_start3A_505] : memref<128x32768xf32, #tpu.memory_space<hbm>> -> memref<1x32768xf32, #tpu.memory_space<hbm>>
    %dma_start3A_507 = tpu.memref_squeeze %dma_start3A_506 : memref<1x32768xf32, #tpu.memory_space<hbm>> -> memref<32768xf32, #tpu.memory_space<hbm>>
    tpu.enqueue_dma source(%dma_start3A_507 : memref<32768xf32, #tpu.memory_space<hbm>>) target(%arg5 : memref<32768xf32, #tpu.memory_space<vmem>>) target_semaphore(%arg9 : memref<!tpu.dma_semaphore, #tpu.memory_space<semaphore_mem>>)
    %add3A_508 = arith.constant 2 : i32
    %add3A_509 = arith.addi %mul3A_2, %add3A_508 : i32
    %add3A_510 = arith.constant 1 : i32
    %add3A_511 = arith.addi %add3A_509, %add3A_510 : i32
    %dma_start3A_512 = arith.constant 0 : i32
    %dma_start3A_513 = tpu.memref_slice %arg3[%add3A_511, %dma_start3A_512] : memref<128x32768xf32, #tpu.memory_space<hbm>> -> memref<1x32768xf32, #tpu.memory_space<hbm>>
    %dma_start3A_514 = tpu.memref_squeeze %dma_start3A_513 : memref<1x32768xf32, #tpu.memory_space<hbm>> -> memref<32768xf32, #tpu.memory_space<hbm>>
    %dma_start3A_515 = arith.constant 0 : i32
    %dma_start3A_516 = tpu.memref_slice %arg3[%add3A_511, %dma_start3A_515] : memref<128x32768xf32, #tpu.memory_space<hbm>> -> memref<1x32768xf32, #tpu.memory_space<hbm>>
    %dma_start3A_517 = tpu.memref_squeeze %dma_start3A_516 : memref<1x32768xf32, #tpu.memory_space<hbm>> -> memref<32768xf32, #tpu.memory_space<hbm>>
    tpu.enqueue_dma source(%dma_start3A_517 : memref<32768xf32, #tpu.memory_space<hbm>>) target(%arg6 : memref<32768xf32, #tpu.memory_space<vmem>>) target_semaphore(%arg10 : memref<!tpu.dma_semaphore, #tpu.memory_space<semaphore_mem>>)
    %parallel_loop3A_518 = arith.constant 0 : i32
    %parallel_loop3A_519 = arith.constant 512 : i32
    %parallel_loop3A_520 = arith.constant 1 : i32
    %parallel_loop3A_521 = scf.for %parallel_loop3A_832 = %parallel_loop3A_518 to %parallel_loop3A_519 step %parallel_loop3A_520 iter_args(%parallel_loop3A_833 = %broadcast_in_dim3A_7) -> (vector<16xi32>)  : i32 {
      %parallel_loop3A_834 = arith.constant 64 : i32
      %parallel_loop3A_835 = arith.muli %parallel_loop3A_832, %parallel_loop3A_834 : i32
      %parallel_loop3A_836 = arith.constant 0 : i32
      %parallel_loop3A_837 = arith.addi %parallel_loop3A_835, %parallel_loop3A_836 : i32
      %parallel_loop3A_838 = arith.index_cast %parallel_loop3A_837 : i32 to index
      %parallel_loop3A_839 = tpu.vector_load %arg7[%parallel_loop3A_838] {strides = array<i32>} : memref<32832xf32, #tpu.memory_space<vmem>>, vector<16xf32>,
      %parallel_loop3A_840 = arith.cmpf ole, %parallel_loop3A_839, %max3A_497 : vector<16xf32>
      %parallel_loop3A_841 = tpu.all_reduce %parallel_loop3A_840 {dim = 0 : i64, kind = #tpu.reduction_kind<sum>} : vector<16xi1> -> vector<16xi32>
      %parallel_loop3A_842 = arith.constant 0 : i32
      %parallel_loop3A_843 = vector.broadcast %parallel_loop3A_842 : i32 to vector<16xi32>
      %parallel_loop3A_844 = arith.cmpi sgt, %parallel_loop3A_841, %parallel_loop3A_843 : vector<16xi32>
      %parallel_loop3A_845 = arith.select %parallel_loop3A_844, %broadcast_in_dim3A_11, %broadcast_in_dim3A_7 : vector<16xi1>, vector<16xi32>
      %parallel_loop3A_846 = arith.constant 16 : i32
      %parallel_loop3A_847 = arith.addi %parallel_loop3A_835, %parallel_loop3A_846 : i32
      %parallel_loop3A_848 = arith.index_cast %parallel_loop3A_847 : i32 to index
      %parallel_loop3A_849 = tpu.vector_load %arg7[%parallel_loop3A_848] {strides = array<i32>} : memref<32832xf32, #tpu.memory_space<vmem>>, vector<16xf32>,
      %parallel_loop3A_850 = arith.cmpf ole, %parallel_loop3A_849, %max3A_497 : vector<16xf32>
      %parallel_loop3A_851 = tpu.all_reduce %parallel_loop3A_850 {dim = 0 : i64, kind = #tpu.reduction_kind<sum>} : vector<16xi1> -> vector<16xi32>
      %parallel_loop3A_852 = arith.constant 0 : i32
      %parallel_loop3A_853 = vector.broadcast %parallel_loop3A_852 : i32 to vector<16xi32>
      %parallel_loop3A_854 = arith.cmpi sgt, %parallel_loop3A_851, %parallel_loop3A_853 : vector<16xi32>
      %parallel_loop3A_855 = arith.select %parallel_loop3A_854, %broadcast_in_dim3A_11, %broadcast_in_dim3A_7 : vector<16xi1>, vector<16xi32>
      %parallel_loop3A_856 = arith.constant 32 : i32
      %parallel_loop3A_857 = arith.addi %parallel_loop3A_835, %parallel_loop3A_856 : i32
      %parallel_loop3A_858 = arith.index_cast %parallel_loop3A_857 : i32 to index
      %parallel_loop3A_859 = tpu.vector_load %arg7[%parallel_loop3A_858] {strides = array<i32>} : memref<32832xf32, #tpu.memory_space<vmem>>, vector<16xf32>,
      %parallel_loop3A_860 = arith.cmpf ole, %parallel_loop3A_859, %max3A_497 : vector<16xf32>
      %parallel_loop3A_861 = tpu.all_reduce %parallel_loop3A_860 {dim = 0 : i64, kind = #tpu.reduction_kind<sum>} : vector<16xi1> -> vector<16xi32>
      %parallel_loop3A_862 = arith.constant 0 : i32
      %parallel_loop3A_863 = vector.broadcast %parallel_loop3A_862 : i32 to vector<16xi32>
      %parallel_loop3A_864 = arith.cmpi sgt, %parallel_loop3A_861, %parallel_loop3A_863 : vector<16xi32>
      %parallel_loop3A_865 = arith.select %parallel_loop3A_864, %broadcast_in_dim3A_11, %broadcast_in_dim3A_7 : vector<16xi1>, vector<16xi32>
      %parallel_loop3A_866 = arith.constant 48 : i32
      %parallel_loop3A_867 = arith.addi %parallel_loop3A_835, %parallel_loop3A_866 : i32
      %parallel_loop3A_868 = arith.index_cast %parallel_loop3A_867 : i32 to index
      %parallel_loop3A_869 = tpu.vector_load %arg7[%parallel_loop3A_868] {strides = array<i32>} : memref<32832xf32, #tpu.memory_space<vmem>>, vector<16xf32>,
      %parallel_loop3A_870 = arith.cmpf ole, %parallel_loop3A_869, %max3A_497 : vector<16xf32>
      %parallel_loop3A_871 = tpu.all_reduce %parallel_loop3A_870 {dim = 0 : i64, kind = #tpu.reduction_kind<sum>} : vector<16xi1> -> vector<16xi32>
      %parallel_loop3A_872 = arith.constant 0 : i32
      %parallel_loop3A_873 = vector.broadcast %parallel_loop3A_872 : i32 to vector<16xi32>
      %parallel_loop3A_874 = arith.cmpi sgt, %parallel_loop3A_871, %parallel_loop3A_873 : vector<16xi32>
      %parallel_loop3A_875 = arith.select %parallel_loop3A_874, %broadcast_in_dim3A_11, %broadcast_in_dim3A_7 : vector<16xi1>, vector<16xi32>
      %parallel_loop3A_876 = arith.addi %parallel_loop3A_833, %iota3A : vector<16xi32>
      %parallel_loop3A_877 = arith.addi %parallel_loop3A_845, %parallel_loop3A_855 : vector<16xi32>
      %parallel_loop3A_878 = arith.addi %parallel_loop3A_877, %parallel_loop3A_865 : vector<16xi32>
      %parallel_loop3A_879 = arith.addi %parallel_loop3A_876, %broadcast_in_dim3A_7 : vector<16xi32>
      tpu.vector_store_idx %arg7[%parallel_loop3A_879], %parallel_loop3A_839 masked %parallel_loop3A_844 : memref<32832xf32, #tpu.memory_space<vmem>>[vector<16xi32>], vector<16xf32>, vector<16xi1>
      %parallel_loop3A_880 = arith.addi %parallel_loop3A_876, %parallel_loop3A_845 : vector<16xi32>
      tpu.vector_store_idx %arg7[%parallel_loop3A_880], %parallel_loop3A_849 masked %parallel_loop3A_854 : memref<32832xf32, #tpu.memory_space<vmem>>[vector<16xi32>], vector<16xf32>, vector<16xi1>
      %parallel_loop3A_881 = arith.addi %parallel_loop3A_876, %parallel_loop3A_877 : vector<16xi32>
      tpu.vector_store_idx %arg7[%parallel_loop3A_881], %parallel_loop3A_859 masked %parallel_loop3A_864 : memref<32832xf32, #tpu.memory_space<vmem>>[vector<16xi32>], vector<16xf32>, vector<16xi1>
      %parallel_loop3A_882 = arith.addi %parallel_loop3A_876, %parallel_loop3A_878 : vector<16xi32>
      tpu.vector_store_idx %arg7[%parallel_loop3A_882], %parallel_loop3A_869 masked %parallel_loop3A_874 : memref<32832xf32, #tpu.memory_space<vmem>>[vector<16xi32>], vector<16xf32>, vector<16xi1>
      %parallel_loop3A_883 = arith.addi %parallel_loop3A_878, %parallel_loop3A_875 : vector<16xi32>
      %parallel_loop3A_884 = arith.addi %parallel_loop3A_833, %parallel_loop3A_883 : vector<16xi32>
      scf.yield %parallel_loop3A_884 : vector<16xi32>
    } {sc.loop_unroll_factor = 2 : i64, sc.parallel_access}
    %reduce_max3A_522 = arith.constant true
    %reduce_max3A_523 = vector.broadcast %reduce_max3A_522 : i1 to vector<16xi1>
    %reduce_max3A_524 = arith.constant -2147483648 : i32
    %reduce_max3A_525 = vector.broadcast %reduce_max3A_524 : i32 to vector<16xi32>
    %reduce_max3A_526 = arith.xori %parallel_loop3A_521, %reduce_max3A_525 : vector<16xi32>
    %reduce_max3A_527 = tpu.scan <max>, %reduce_max3A_526 masked %reduce_max3A_523 : vector<16xi32>, vector<16xi1> -> vector<16xi32>
    %reduce_max3A_528 = arith.xori %reduce_max3A_527, %reduce_max3A_525 : vector<16xi32>
    %reduce_max3A_529 = vector.extract %reduce_max3A_528[15] : i32 from vector<16xi32>
    %add3A_530 = arith.constant 0 : i32
    %add3A_531 = vector.broadcast %add3A_530 : i32 to vector<16xi32>
    %add3A_532 = arith.addi %parallel_loop3A_521, %add3A_531 : vector<16xi32>
    %add3A_533 = arith.addi %add3A_532, %iota3A : vector<16xi32>
    tpu.vector_store_idx %arg7[%add3A_533], %broadcast_in_dim3A_3 : memref<32832xf32, #tpu.memory_space<vmem>>[vector<16xi32>], vector<16xf32>,
    %add3A_534 = arith.constant 16 : i32
    %add3A_535 = vector.broadcast %add3A_534 : i32 to vector<16xi32>
    %add3A_536 = arith.addi %parallel_loop3A_521, %add3A_535 : vector<16xi32>
    %add3A_537 = arith.addi %add3A_536, %iota3A : vector<16xi32>
    tpu.vector_store_idx %arg7[%add3A_537], %broadcast_in_dim3A_3 : memref<32832xf32, #tpu.memory_space<vmem>>[vector<16xi32>], vector<16xf32>,
    %add3A_538 = arith.constant 32 : i32
    %add3A_539 = vector.broadcast %add3A_538 : i32 to vector<16xi32>
    %add3A_540 = arith.addi %parallel_loop3A_521, %add3A_539 : vector<16xi32>
    %add3A_541 = arith.addi %add3A_540, %iota3A : vector<16xi32>
    tpu.vector_store_idx %arg7[%add3A_541], %broadcast_in_dim3A_3 : memref<32832xf32, #tpu.memory_space<vmem>>[vector<16xi32>], vector<16xf32>,
    %add3A_542 = arith.constant 48 : i32
    %add3A_543 = vector.broadcast %add3A_542 : i32 to vector<16xi32>
    %add3A_544 = arith.addi %parallel_loop3A_521, %add3A_543 : vector<16xi32>
    %add3A_545 = arith.addi %add3A_544, %iota3A : vector<16xi32>
    tpu.vector_store_idx %arg7[%add3A_545], %broadcast_in_dim3A_3 : memref<32832xf32, #tpu.memory_space<vmem>>[vector<16xi32>], vector<16xf32>,
    %add3A_546 = arith.constant 63 : i32
    %add3A_547 = arith.addi %reduce_max3A_529, %add3A_546 : i32
    %jit3A_548 = arith.constant 64 : i32
    %div3A_549 = arith.divsi %add3A_547, %jit3A_548 : i32
    %sign3A_550 = arith.constant 0 : i32
    %sign3A_551 = arith.cmpi sgt, %add3A_547, %sign3A_550 : i32
    %sign3A_552 = arith.extui %sign3A_551 : i1 to i32
    %sign3A_553 = arith.constant 0 : i32
    %sign3A_554 = arith.cmpi slt, %add3A_547, %sign3A_553 : i32
    %sign3A_555 = arith.extui %sign3A_554 : i1 to i32
    %sign3A_556 = arith.subi %sign3A_552, %sign3A_555 : i32
    %sign3A_557 = arith.constant 0 : i32
    %sign3A_558 = arith.cmpi sgt, %jit3A_548, %sign3A_557 : i32
    %sign3A_559 = arith.extui %sign3A_558 : i1 to i32
    %sign3A_560 = arith.constant 0 : i32
    %sign3A_561 = arith.cmpi slt, %jit3A_548, %sign3A_560 : i32
    %sign3A_562 = arith.extui %sign3A_561 : i1 to i32
    %sign3A_563 = arith.subi %sign3A_559, %sign3A_562 : i32
    %ne3A_564 = arith.cmpi ne, %sign3A_556, %sign3A_563 : i32
    %rem3A_565 = arith.remsi %add3A_547, %jit3A_548 : i32
    %ne3A_566 = arith.constant 0 : i32
    %ne3A_567 = arith.cmpi ne, %rem3A_565, %ne3A_566 : i32
    %and3A_568 = arith.andi %ne3A_564, %ne3A_567 : i1
    %sub3A_569 = arith.constant 1 : i32
    %sub3A_570 = arith.subi %div3A_549, %sub3A_569 : i32
    %select_n3A_571 = arith.select %and3A_568, %sub3A_570, %div3A_549 : i32
    %parallel_loop3A_572 = arith.constant 0 : i32
    %parallel_loop3A_573 = arith.constant 1 : i32
    %parallel_loop3A_574 = scf.for %parallel_loop3A_832 = %parallel_loop3A_572 to %select_n3A_571 step %parallel_loop3A_573 iter_args(%parallel_loop3A_833 = %broadcast_in_dim3A_7) -> (vector<16xi32>)  : i32 {
      %parallel_loop3A_834 = arith.constant 64 : i32
      %parallel_loop3A_835 = arith.muli %parallel_loop3A_832, %parallel_loop3A_834 : i32
      %parallel_loop3A_836 = arith.constant 0 : i32
      %parallel_loop3A_837 = arith.addi %parallel_loop3A_835, %parallel_loop3A_836 : i32
      %parallel_loop3A_838 = arith.index_cast %parallel_loop3A_837 : i32 to index
      %parallel_loop3A_839 = tpu.vector_load %arg7[%parallel_loop3A_838] {strides = array<i32>} : memref<32832xf32, #tpu.memory_space<vmem>>, vector<16xf32>,
      %parallel_loop3A_840 = arith.cmpf ole, %parallel_loop3A_839, %max3A_497 : vector<16xf32>
      %parallel_loop3A_841 = arith.select %parallel_loop3A_840, %broadcast_in_dim3A_9, %broadcast_in_dim3A_7 : vector<16xi1>, vector<16xi32>
      %parallel_loop3A_842 = arith.constant true
      %parallel_loop3A_843 = vector.broadcast %parallel_loop3A_842 : i1 to vector<16xi1>
      %parallel_loop3A_844 = tpu.scan <sum>, %parallel_loop3A_841 masked %parallel_loop3A_843 : vector<16xi32>, vector<16xi1> -> vector<16xi32>
      %parallel_loop3A_845 = arith.addi %parallel_loop3A_833, %parallel_loop3A_844 : vector<16xi32>
      %parallel_loop3A_846 = arith.constant 1 : i32
      %parallel_loop3A_847 = vector.broadcast %parallel_loop3A_846 : i32 to vector<16xi32>
      %parallel_loop3A_848 = arith.subi %parallel_loop3A_845, %parallel_loop3A_847 : vector<16xi32>
      tpu.vector_store_idx %arg7[%parallel_loop3A_848], %parallel_loop3A_839 masked %parallel_loop3A_840 : memref<32832xf32, #tpu.memory_space<vmem>>[vector<16xi32>], vector<16xf32>, vector<16xi1>
      %parallel_loop3A_849 = tpu.all_reduce %parallel_loop3A_840 {dim = 0 : i64, kind = #tpu.reduction_kind<sum>} : vector<16xi1> -> vector<16xi32>
      %parallel_loop3A_850 = arith.addi %parallel_loop3A_833, %parallel_loop3A_849 : vector<16xi32>
      %parallel_loop3A_851 = arith.constant 16 : i32
      %parallel_loop3A_852 = arith.addi %parallel_loop3A_835, %parallel_loop3A_851 : i32
      %parallel_loop3A_853 = arith.index_cast %parallel_loop3A_852 : i32 to index
      %parallel_loop3A_854 = tpu.vector_load %arg7[%parallel_loop3A_853] {strides = array<i32>} : memref<32832xf32, #tpu.memory_space<vmem>>, vector<16xf32>,
      %parallel_loop3A_855 = arith.cmpf ole, %parallel_loop3A_854, %max3A_497 : vector<16xf32>
      %parallel_loop3A_856 = arith.select %parallel_loop3A_855, %broadcast_in_dim3A_9, %broadcast_in_dim3A_7 : vector<16xi1>, vector<16xi32>
      %parallel_loop3A_857 = arith.constant true
      %parallel_loop3A_858 = vector.broadcast %parallel_loop3A_857 : i1 to vector<16xi1>
      %parallel_loop3A_859 = tpu.scan <sum>, %parallel_loop3A_856 masked %parallel_loop3A_858 : vector<16xi32>, vector<16xi1> -> vector<16xi32>
      %parallel_loop3A_860 = arith.addi %parallel_loop3A_850, %parallel_loop3A_859 : vector<16xi32>
      %parallel_loop3A_861 = arith.constant 1 : i32
      %parallel_loop3A_862 = vector.broadcast %parallel_loop3A_861 : i32 to vector<16xi32>
      %parallel_loop3A_863 = arith.subi %parallel_loop3A_860, %parallel_loop3A_862 : vector<16xi32>
      tpu.vector_store_idx %arg7[%parallel_loop3A_863], %parallel_loop3A_854 masked %parallel_loop3A_855 : memref<32832xf32, #tpu.memory_space<vmem>>[vector<16xi32>], vector<16xf32>, vector<16xi1>
      %parallel_loop3A_864 = tpu.all_reduce %parallel_loop3A_855 {dim = 0 : i64, kind = #tpu.reduction_kind<sum>} : vector<16xi1> -> vector<16xi32>
      %parallel_loop3A_865 = arith.addi %parallel_loop3A_850, %parallel_loop3A_864 : vector<16xi32>
      %parallel_loop3A_866 = arith.constant 32 : i32
      %parallel_loop3A_867 = arith.addi %parallel_loop3A_835, %parallel_loop3A_866 : i32
      %parallel_loop3A_868 = arith.index_cast %parallel_loop3A_867 : i32 to index
      %parallel_loop3A_869 = tpu.vector_load %arg7[%parallel_loop3A_868] {strides = array<i32>} : memref<32832xf32, #tpu.memory_space<vmem>>, vector<16xf32>,
      %parallel_loop3A_870 = arith.cmpf ole, %parallel_loop3A_869, %max3A_497 : vector<16xf32>
      %parallel_loop3A_871 = arith.select %parallel_loop3A_870, %broadcast_in_dim3A_9, %broadcast_in_dim3A_7 : vector<16xi1>, vector<16xi32>
      %parallel_loop3A_872 = arith.constant true
      %parallel_loop3A_873 = vector.broadcast %parallel_loop3A_872 : i1 to vector<16xi1>
      %parallel_loop3A_874 = tpu.scan <sum>, %parallel_loop3A_871 masked %parallel_loop3A_873 : vector<16xi32>, vector<16xi1> -> vector<16xi32>
      %parallel_loop3A_875 = arith.addi %parallel_loop3A_865, %parallel_loop3A_874 : vector<16xi32>
      %parallel_loop3A_876 = arith.constant 1 : i32
      %parallel_loop3A_877 = vector.broadcast %parallel_loop3A_876 : i32 to vector<16xi32>
      %parallel_loop3A_878 = arith.subi %parallel_loop3A_875, %parallel_loop3A_877 : vector<16xi32>
      tpu.vector_store_idx %arg7[%parallel_loop3A_878], %parallel_loop3A_869 masked %parallel_loop3A_870 : memref<32832xf32, #tpu.memory_space<vmem>>[vector<16xi32>], vector<16xf32>, vector<16xi1>
      %parallel_loop3A_879 = tpu.all_reduce %parallel_loop3A_870 {dim = 0 : i64, kind = #tpu.reduction_kind<sum>} : vector<16xi1> -> vector<16xi32>
      %parallel_loop3A_880 = arith.addi %parallel_loop3A_865, %parallel_loop3A_879 : vector<16xi32>
      %parallel_loop3A_881 = arith.constant 48 : i32
      %parallel_loop3A_882 = arith.addi %parallel_loop3A_835, %parallel_loop3A_881 : i32
      %parallel_loop3A_883 = arith.index_cast %parallel_loop3A_882 : i32 to index
      %parallel_loop3A_884 = tpu.vector_load %arg7[%parallel_loop3A_883] {strides = array<i32>} : memref<32832xf32, #tpu.memory_space<vmem>>, vector<16xf32>,
      %parallel_loop3A_885 = arith.cmpf ole, %parallel_loop3A_884, %max3A_497 : vector<16xf32>
      %parallel_loop3A_886 = arith.select %parallel_loop3A_885, %broadcast_in_dim3A_9, %broadcast_in_dim3A_7 : vector<16xi1>, vector<16xi32>
      %parallel_loop3A_887 = arith.constant true
      %parallel_loop3A_888 = vector.broadcast %parallel_loop3A_887 : i1 to vector<16xi1>
      %parallel_loop3A_889 = tpu.scan <sum>, %parallel_loop3A_886 masked %parallel_loop3A_888 : vector<16xi32>, vector<16xi1> -> vector<16xi32>
      %parallel_loop3A_890 = arith.addi %parallel_loop3A_880, %parallel_loop3A_889 : vector<16xi32>
      %parallel_loop3A_891 = arith.constant 1 : i32
      %parallel_loop3A_892 = vector.broadcast %parallel_loop3A_891 : i32 to vector<16xi32>
      %parallel_loop3A_893 = arith.subi %parallel_loop3A_890, %parallel_loop3A_892 : vector<16xi32>
      tpu.vector_store_idx %arg7[%parallel_loop3A_893], %parallel_loop3A_884 masked %parallel_loop3A_885 : memref<32832xf32, #tpu.memory_space<vmem>>[vector<16xi32>], vector<16xf32>, vector<16xi1>
      %parallel_loop3A_894 = tpu.all_reduce %parallel_loop3A_885 {dim = 0 : i64, kind = #tpu.reduction_kind<sum>} : vector<16xi1> -> vector<16xi32>
      %parallel_loop3A_895 = arith.addi %parallel_loop3A_880, %parallel_loop3A_894 : vector<16xi32>
      scf.yield %parallel_loop3A_895 : vector<16xi32>
    } {sc.loop_unroll_factor = 2 : i64, sc.parallel_access}
    %reduce_max3A_575 = arith.constant true
    %reduce_max3A_576 = vector.broadcast %reduce_max3A_575 : i1 to vector<16xi1>
    %reduce_max3A_577 = arith.constant -2147483648 : i32
    %reduce_max3A_578 = vector.broadcast %reduce_max3A_577 : i32 to vector<16xi32>
    %reduce_max3A_579 = arith.xori %parallel_loop3A_574, %reduce_max3A_578 : vector<16xi32>
    %reduce_max3A_580 = tpu.scan <max>, %reduce_max3A_579 masked %reduce_max3A_576 : vector<16xi32>, vector<16xi1> -> vector<16xi32>
    %reduce_max3A_581 = arith.xori %reduce_max3A_580, %reduce_max3A_578 : vector<16xi32>
    %reduce_max3A_582 = vector.extract %reduce_max3A_581[15] : i32 from vector<16xi32>
    %add3A_583 = arith.constant 63 : i32
    %add3A_584 = arith.addi %reduce_max3A_582, %add3A_583 : i32
    %jit3A_585 = arith.constant 64 : i32
    %div3A_586 = arith.divsi %add3A_584, %jit3A_585 : i32
    %sign3A_587 = arith.constant 0 : i32
    %sign3A_588 = arith.cmpi sgt, %add3A_584, %sign3A_587 : i32
    %sign3A_589 = arith.extui %sign3A_588 : i1 to i32
    %sign3A_590 = arith.constant 0 : i32
    %sign3A_591 = arith.cmpi slt, %add3A_584, %sign3A_590 : i32
    %sign3A_592 = arith.extui %sign3A_591 : i1 to i32
    %sign3A_593 = arith.subi %sign3A_589, %sign3A_592 : i32
    %sign3A_594 = arith.constant 0 : i32
    %sign3A_595 = arith.cmpi sgt, %jit3A_585, %sign3A_594 : i32
    %sign3A_596 = arith.extui %sign3A_595 : i1 to i32
    %sign3A_597 = arith.constant 0 : i32
    %sign3A_598 = arith.cmpi slt, %jit3A_585, %sign3A_597 : i32
    %sign3A_599 = arith.extui %sign3A_598 : i1 to i32
    %sign3A_600 = arith.subi %sign3A_596, %sign3A_599 : i32
    %ne3A_601 = arith.cmpi ne, %sign3A_593, %sign3A_600 : i32
    %rem3A_602 = arith.remsi %add3A_584, %jit3A_585 : i32
    %ne3A_603 = arith.constant 0 : i32
    %ne3A_604 = arith.cmpi ne, %rem3A_602, %ne3A_603 : i32
    %and3A_605 = arith.andi %ne3A_601, %ne3A_604 : i1
    %sub3A_606 = arith.constant 1 : i32
    %sub3A_607 = arith.subi %div3A_586, %sub3A_606 : i32
    %select_n3A_608 = arith.select %and3A_605, %sub3A_607, %div3A_586 : i32
    %add3A_609 = arith.constant 0 : i32
    %add3A_610 = vector.broadcast %add3A_609 : i32 to vector<16xi32>
    %add3A_611 = arith.addi %parallel_loop3A_574, %add3A_610 : vector<16xi32>
    %add3A_612 = arith.addi %add3A_611, %iota3A : vector<16xi32>
    tpu.vector_store_idx %arg7[%add3A_612], %broadcast_in_dim3A_3 : memref<32832xf32, #tpu.memory_space<vmem>>[vector<16xi32>], vector<16xf32>,
    %add3A_613 = arith.constant 16 : i32
    %add3A_614 = vector.broadcast %add3A_613 : i32 to vector<16xi32>
    %add3A_615 = arith.addi %parallel_loop3A_574, %add3A_614 : vector<16xi32>
    %add3A_616 = arith.addi %add3A_615, %iota3A : vector<16xi32>
    tpu.vector_store_idx %arg7[%add3A_616], %broadcast_in_dim3A_3 : memref<32832xf32, #tpu.memory_space<vmem>>[vector<16xi32>], vector<16xf32>,
    %add3A_617 = arith.constant 32 : i32
    %add3A_618 = vector.broadcast %add3A_617 : i32 to vector<16xi32>
    %add3A_619 = arith.addi %parallel_loop3A_574, %add3A_618 : vector<16xi32>
    %add3A_620 = arith.addi %add3A_619, %iota3A : vector<16xi32>
    tpu.vector_store_idx %arg7[%add3A_620], %broadcast_in_dim3A_3 : memref<32832xf32, #tpu.memory_space<vmem>>[vector<16xi32>], vector<16xf32>,
    %add3A_621 = arith.constant 48 : i32
    %add3A_622 = vector.broadcast %add3A_621 : i32 to vector<16xi32>
    %add3A_623 = arith.addi %parallel_loop3A_574, %add3A_622 : vector<16xi32>
    %add3A_624 = arith.addi %add3A_623, %iota3A : vector<16xi32>
    tpu.vector_store_idx %arg7[%add3A_624], %broadcast_in_dim3A_3 : memref<32832xf32, #tpu.memory_space<vmem>>[vector<16xi32>], vector<16xf32>,
    %scan3A_625 = arith.constant 0 : i32
    %scan3A_626 = arith.constant 31 : i32
    %scan3A_627 = arith.addi %scan3A_625, %scan3A_626 : i32
    %scan3A_628 = arith.constant 1 : i32
    %scan3A_629 = scf.for %scan3A_832 = %scan3A_625 to %scan3A_627 step %scan3A_628 iter_args(%scan3A_833 = %broadcast_in_dim3A_7) -> (vector<16xi32>)  : i32 {
      %sub3A_834 = arith.constant 30 : i32
      %sub3A_835 = arith.subi %sub3A_834, %scan3A_832 : i32
      %shift_left3A = vector.broadcast %sub3A_835 : i32 to vector<16xi32>
      %shift_left3A_836 = arith.shli %broadcast_in_dim3A_9, %shift_left3A : vector<16xi32>
      %or3A = arith.ori %scan3A_833, %shift_left3A_836 : vector<16xi32>
      %while3A = arith.constant 0 : i32
      %while3A_837 = arith.subi %select_n3A_608, %while3A : i32
      %while3A_838 = arith.addi %while3A, %while3A_837 : i32
      %while3A_839 = arith.constant 1 : i32
      %while3A_840 = arith.divsi %while3A_837, %while3A_839 : i32
      %while3A_841 = arith.muli %while3A_840, %while3A_839 : i32
      %while3A_842 = arith.addi %while3A, %while3A_841 : i32
      %while3A_843 = arith.constant 1 : i32
      %while3A_844 = scf.for %while3A_850 = %while3A to %while3A_842 step %while3A_843 iter_args(%while3A_851 = %broadcast_in_dim3A_7) -> (vector<16xi32>)  : i32 {
        %mul3A_852 = arith.constant 64 : i32
        %mul3A_853 = arith.muli %while3A_850, %mul3A_852 : i32
        %add3A_854 = arith.constant 0 : i32
        %add3A_855 = arith.addi %mul3A_853, %add3A_854 : i32
        %get3A = arith.index_cast %add3A_855 : i32 to index
        %get3A_856 = tpu.vector_load %arg7[%get3A] {strides = array<i32>} : memref<32832xf32, #tpu.memory_space<vmem>>, vector<16xf32>,
        %bitcast_convert_type3A_857 = tpu.bitcast %get3A_856 : vector<16xf32> -> vector<16xi32>
        %lt3A_858 = arith.cmpi slt, %bitcast_convert_type3A_857, %or3A : vector<16xi32>
        %all_reduce_population_count3A = tpu.all_reduce %lt3A_858 {dim = 0 : i64, kind = #tpu.reduction_kind<sum>} : vector<16xi1> -> vector<16xi32>
        %add3A_859 = arith.addi %while3A_851, %all_reduce_population_count3A : vector<16xi32>
        %add3A_860 = arith.constant 16 : i32
        %add3A_861 = arith.addi %mul3A_853, %add3A_860 : i32
        %get3A_862 = arith.index_cast %add3A_861 : i32 to index
        %get3A_863 = tpu.vector_load %arg7[%get3A_862] {strides = array<i32>} : memref<32832xf32, #tpu.memory_space<vmem>>, vector<16xf32>,
        %bitcast_convert_type3A_864 = tpu.bitcast %get3A_863 : vector<16xf32> -> vector<16xi32>
        %lt3A_865 = arith.cmpi slt, %bitcast_convert_type3A_864, %or3A : vector<16xi32>
        %all_reduce_population_count3A_866 = tpu.all_reduce %lt3A_865 {dim = 0 : i64, kind = #tpu.reduction_kind<sum>} : vector<16xi1> -> vector<16xi32>
        %add3A_867 = arith.addi %add3A_859, %all_reduce_population_count3A_866 : vector<16xi32>
        %add3A_868 = arith.constant 32 : i32
        %add3A_869 = arith.addi %mul3A_853, %add3A_868 : i32
        %get3A_870 = arith.index_cast %add3A_869 : i32 to index
        %get3A_871 = tpu.vector_load %arg7[%get3A_870] {strides = array<i32>} : memref<32832xf32, #tpu.memory_space<vmem>>, vector<16xf32>,
        %bitcast_convert_type3A_872 = tpu.bitcast %get3A_871 : vector<16xf32> -> vector<16xi32>
        %lt3A_873 = arith.cmpi slt, %bitcast_convert_type3A_872, %or3A : vector<16xi32>
        %all_reduce_population_count3A_874 = tpu.all_reduce %lt3A_873 {dim = 0 : i64, kind = #tpu.reduction_kind<sum>} : vector<16xi1> -> vector<16xi32>
        %add3A_875 = arith.addi %add3A_867, %all_reduce_population_count3A_874 : vector<16xi32>
        %add3A_876 = arith.constant 48 : i32
        %add3A_877 = arith.addi %mul3A_853, %add3A_876 : i32
        %get3A_878 = arith.index_cast %add3A_877 : i32 to index
        %get3A_879 = tpu.vector_load %arg7[%get3A_878] {strides = array<i32>} : memref<32832xf32, #tpu.memory_space<vmem>>, vector<16xf32>,
        %bitcast_convert_type3A_880 = tpu.bitcast %get3A_879 : vector<16xf32> -> vector<16xi32>
        %lt3A_881 = arith.cmpi slt, %bitcast_convert_type3A_880, %or3A : vector<16xi32>
        %all_reduce_population_count3A_882 = tpu.all_reduce %lt3A_881 {dim = 0 : i64, kind = #tpu.reduction_kind<sum>} : vector<16xi1> -> vector<16xi32>
        %add3A_883 = arith.addi %add3A_875, %all_reduce_population_count3A_882 : vector<16xi32>
        scf.yield %add3A_883 : vector<16xi32>
      }
      %while3A_845 = arith.constant 1 : i32
      %while3A_846 = scf.for %while3A_850 = %while3A_842 to %while3A_838 step %while3A_845 iter_args(%while3A_851 = %while3A_844) -> (vector<16xi32>)  : i32 {
        %mul3A_852 = arith.constant 64 : i32
        %mul3A_853 = arith.muli %while3A_850, %mul3A_852 : i32
        %add3A_854 = arith.constant 0 : i32
        %add3A_855 = arith.addi %mul3A_853, %add3A_854 : i32
        %get3A = arith.index_cast %add3A_855 : i32 to index
        %get3A_856 = tpu.vector_load %arg7[%get3A] {strides = array<i32>} : memref<32832xf32, #tpu.memory_space<vmem>>, vector<16xf32>,
        %bitcast_convert_type3A_857 = tpu.bitcast %get3A_856 : vector<16xf32> -> vector<16xi32>
        %lt3A_858 = arith.cmpi slt, %bitcast_convert_type3A_857, %or3A : vector<16xi32>
        %all_reduce_population_count3A = tpu.all_reduce %lt3A_858 {dim = 0 : i64, kind = #tpu.reduction_kind<sum>} : vector<16xi1> -> vector<16xi32>
        %add3A_859 = arith.addi %while3A_851, %all_reduce_population_count3A : vector<16xi32>
        %add3A_860 = arith.constant 16 : i32
        %add3A_861 = arith.addi %mul3A_853, %add3A_860 : i32
        %get3A_862 = arith.index_cast %add3A_861 : i32 to index
        %get3A_863 = tpu.vector_load %arg7[%get3A_862] {strides = array<i32>} : memref<32832xf32, #tpu.memory_space<vmem>>, vector<16xf32>,
        %bitcast_convert_type3A_864 = tpu.bitcast %get3A_863 : vector<16xf32> -> vector<16xi32>
        %lt3A_865 = arith.cmpi slt, %bitcast_convert_type3A_864, %or3A : vector<16xi32>
        %all_reduce_population_count3A_866 = tpu.all_reduce %lt3A_865 {dim = 0 : i64, kind = #tpu.reduction_kind<sum>} : vector<16xi1> -> vector<16xi32>
        %add3A_867 = arith.addi %add3A_859, %all_reduce_population_count3A_866 : vector<16xi32>
        %add3A_868 = arith.constant 32 : i32
        %add3A_869 = arith.addi %mul3A_853, %add3A_868 : i32
        %get3A_870 = arith.index_cast %add3A_869 : i32 to index
        %get3A_871 = tpu.vector_load %arg7[%get3A_870] {strides = array<i32>} : memref<32832xf32, #tpu.memory_space<vmem>>, vector<16xf32>,
        %bitcast_convert_type3A_872 = tpu.bitcast %get3A_871 : vector<16xf32> -> vector<16xi32>
        %lt3A_873 = arith.cmpi slt, %bitcast_convert_type3A_872, %or3A : vector<16xi32>
        %all_reduce_population_count3A_874 = tpu.all_reduce %lt3A_873 {dim = 0 : i64, kind = #tpu.reduction_kind<sum>} : vector<16xi1> -> vector<16xi32>
        %add3A_875 = arith.addi %add3A_867, %all_reduce_population_count3A_874 : vector<16xi32>
        %add3A_876 = arith.constant 48 : i32
        %add3A_877 = arith.addi %mul3A_853, %add3A_876 : i32
        %get3A_878 = arith.index_cast %add3A_877 : i32 to index
        %get3A_879 = tpu.vector_load %arg7[%get3A_878] {strides = array<i32>} : memref<32832xf32, #tpu.memory_space<vmem>>, vector<16xf32>,
        %bitcast_convert_type3A_880 = tpu.bitcast %get3A_879 : vector<16xf32> -> vector<16xi32>
        %lt3A_881 = arith.cmpi slt, %bitcast_convert_type3A_880, %or3A : vector<16xi32>
        %all_reduce_population_count3A_882 = tpu.all_reduce %lt3A_881 {dim = 0 : i64, kind = #tpu.reduction_kind<sum>} : vector<16xi1> -> vector<16xi32>
        %add3A_883 = arith.addi %add3A_875, %all_reduce_population_count3A_882 : vector<16xi32>
        scf.yield %add3A_883 : vector<16xi32>
      }
      %ge3A = arith.constant 64 : i32
      %ge3A_847 = vector.broadcast %ge3A : i32 to vector<16xi32>
      %ge3A_848 = arith.cmpi sge, %while3A_846, %ge3A_847 : vector<16xi32>
      %select_n3A_849 = arith.select %ge3A_848, %scan3A_833, %or3A : vector<16xi1>, vector<16xi32>
      scf.yield %select_n3A_849 : vector<16xi32>
    }
    %scan3A_630 = arith.constant 31 : i32
    %parallel_loop3A_631 = arith.constant 0 : i32
    %parallel_loop3A_632 = arith.constant 1 : i32
    %parallel_loop3A_633:2 = scf.for %parallel_loop3A_832 = %parallel_loop3A_631 to %select_n3A_608 step %parallel_loop3A_632 iter_args(%parallel_loop3A_833 = %broadcast_in_dim3A_7, %parallel_loop3A_834 = %broadcast_in_dim3A_5) -> (vector<16xi32>, vector<16xf32>)  : i32 {
      %parallel_loop3A_835 = arith.constant 64 : i32
      %parallel_loop3A_836 = arith.muli %parallel_loop3A_832, %parallel_loop3A_835 : i32
      %parallel_loop3A_837 = arith.constant 0 : i32
      %parallel_loop3A_838 = arith.addi %parallel_loop3A_836, %parallel_loop3A_837 : i32
      %parallel_loop3A_839 = arith.index_cast %parallel_loop3A_838 : i32 to index
      %parallel_loop3A_840 = tpu.vector_load %arg7[%parallel_loop3A_839] {strides = array<i32>} : memref<32832xf32, #tpu.memory_space<vmem>>, vector<16xf32>,
      %parallel_loop3A_841 = tpu.bitcast %parallel_loop3A_840 : vector<16xf32> -> vector<16xi32>
      %parallel_loop3A_842 = arith.cmpi slt, %parallel_loop3A_841, %scan3A_629 : vector<16xi32>
      %parallel_loop3A_843 = tpu.all_reduce %parallel_loop3A_842 {dim = 0 : i64, kind = #tpu.reduction_kind<sum>} : vector<16xi1> -> vector<16xi32>
      %parallel_loop3A_844 = arith.addi %parallel_loop3A_833, %parallel_loop3A_843 : vector<16xi32>
      %parallel_loop3A_845 = arith.select %parallel_loop3A_842, %parallel_loop3A_840, %broadcast_in_dim3A_5 : vector<16xi1>, vector<16xf32>
      %parallel_loop3A_846 = arith.addf %parallel_loop3A_834, %parallel_loop3A_845 : vector<16xf32>
      %parallel_loop3A_847 = arith.constant 16 : i32
      %parallel_loop3A_848 = arith.addi %parallel_loop3A_836, %parallel_loop3A_847 : i32
      %parallel_loop3A_849 = arith.index_cast %parallel_loop3A_848 : i32 to index
      %parallel_loop3A_850 = tpu.vector_load %arg7[%parallel_loop3A_849] {strides = array<i32>} : memref<32832xf32, #tpu.memory_space<vmem>>, vector<16xf32>,
      %parallel_loop3A_851 = tpu.bitcast %parallel_loop3A_850 : vector<16xf32> -> vector<16xi32>
      %parallel_loop3A_852 = arith.cmpi slt, %parallel_loop3A_851, %scan3A_629 : vector<16xi32>
      %parallel_loop3A_853 = tpu.all_reduce %parallel_loop3A_852 {dim = 0 : i64, kind = #tpu.reduction_kind<sum>} : vector<16xi1> -> vector<16xi32>
      %parallel_loop3A_854 = arith.addi %parallel_loop3A_844, %parallel_loop3A_853 : vector<16xi32>
      %parallel_loop3A_855 = arith.select %parallel_loop3A_852, %parallel_loop3A_850, %broadcast_in_dim3A_5 : vector<16xi1>, vector<16xf32>
      %parallel_loop3A_856 = arith.addf %parallel_loop3A_846, %parallel_loop3A_855 : vector<16xf32>
      %parallel_loop3A_857 = arith.constant 32 : i32
      %parallel_loop3A_858 = arith.addi %parallel_loop3A_836, %parallel_loop3A_857 : i32
      %parallel_loop3A_859 = arith.index_cast %parallel_loop3A_858 : i32 to index
      %parallel_loop3A_860 = tpu.vector_load %arg7[%parallel_loop3A_859] {strides = array<i32>} : memref<32832xf32, #tpu.memory_space<vmem>>, vector<16xf32>,
      %parallel_loop3A_861 = tpu.bitcast %parallel_loop3A_860 : vector<16xf32> -> vector<16xi32>
      %parallel_loop3A_862 = arith.cmpi slt, %parallel_loop3A_861, %scan3A_629 : vector<16xi32>
      %parallel_loop3A_863 = tpu.all_reduce %parallel_loop3A_862 {dim = 0 : i64, kind = #tpu.reduction_kind<sum>} : vector<16xi1> -> vector<16xi32>
      %parallel_loop3A_864 = arith.addi %parallel_loop3A_854, %parallel_loop3A_863 : vector<16xi32>
      %parallel_loop3A_865 = arith.select %parallel_loop3A_862, %parallel_loop3A_860, %broadcast_in_dim3A_5 : vector<16xi1>, vector<16xf32>
      %parallel_loop3A_866 = arith.addf %parallel_loop3A_856, %parallel_loop3A_865 : vector<16xf32>
      %parallel_loop3A_867 = arith.constant 48 : i32
      %parallel_loop3A_868 = arith.addi %parallel_loop3A_836, %parallel_loop3A_867 : i32
      %parallel_loop3A_869 = arith.index_cast %parallel_loop3A_868 : i32 to index
      %parallel_loop3A_870 = tpu.vector_load %arg7[%parallel_loop3A_869] {strides = array<i32>} : memref<32832xf32, #tpu.memory_space<vmem>>, vector<16xf32>,
      %parallel_loop3A_871 = tpu.bitcast %parallel_loop3A_870 : vector<16xf32> -> vector<16xi32>
      %parallel_loop3A_872 = arith.cmpi slt, %parallel_loop3A_871, %scan3A_629 : vector<16xi32>
      %parallel_loop3A_873 = tpu.all_reduce %parallel_loop3A_872 {dim = 0 : i64, kind = #tpu.reduction_kind<sum>} : vector<16xi1> -> vector<16xi32>
      %parallel_loop3A_874 = arith.addi %parallel_loop3A_864, %parallel_loop3A_873 : vector<16xi32>
      %parallel_loop3A_875 = arith.select %parallel_loop3A_872, %parallel_loop3A_870, %broadcast_in_dim3A_5 : vector<16xi1>, vector<16xf32>
      %parallel_loop3A_876 = arith.addf %parallel_loop3A_866, %parallel_loop3A_875 : vector<16xf32>
      scf.yield %parallel_loop3A_874, %parallel_loop3A_876 : vector<16xi32>, vector<16xf32>
    } {sc.loop_unroll_factor = 2 : i64, sc.parallel_access}
    %bitcast_convert_type3A_634 = tpu.bitcast %scan3A_629 : vector<16xi32> -> vector<16xf32>
    %convert_element_type3A_635 = arith.sitofp %parallel_loop3A_633#0 : vector<16xi32> to vector<16xf32>
    %sub3A_636 = arith.constant 6.400000e+01 : f32
    %sub3A_637 = vector.broadcast %sub3A_636 : f32 to vector<16xf32>
    %sub3A_638 = arith.subf %sub3A_637, %convert_element_type3A_635 : vector<16xf32>
    %mul3A_639 = arith.mulf %sub3A_638, %bitcast_convert_type3A_634 : vector<16xf32>
    %add3A_640 = arith.addf %add3A_434, %parallel_loop3A_633#1 : vector<16xf32>
    %select_n3A_641 = arith.select %eq3A_13, %mul3A_639, %broadcast_in_dim3A_5 : vector<16xi1>, vector<16xf32>
    %add3A_642 = arith.addf %add3A_640, %select_n3A_641 : vector<16xf32>
    %dma_wait3A_643 = arith.constant 0 : i32
    %dma_wait3A_644 = tpu.memref_slice %arg2[%add3A_501, %dma_wait3A_643] : memref<128x32768xf32, #tpu.memory_space<hbm>> -> memref<1x32768xf32, #tpu.memory_space<hbm>>
    %dma_wait3A_645 = tpu.memref_squeeze %dma_wait3A_644 : memref<1x32768xf32, #tpu.memory_space<hbm>> -> memref<32768xf32, #tpu.memory_space<hbm>>
    %dma_wait3A_646 = arith.constant 0 : i32
    %dma_wait3A_647 = tpu.memref_slice %arg2[%add3A_501, %dma_wait3A_646] : memref<128x32768xf32, #tpu.memory_space<hbm>> -> memref<1x32768xf32, #tpu.memory_space<hbm>>
    %dma_wait3A_648 = tpu.memref_squeeze %dma_wait3A_647 : memref<1x32768xf32, #tpu.memory_space<hbm>> -> memref<32768xf32, #tpu.memory_space<hbm>>
    tpu.wait_dma2 semaphore(%arg9 : memref<!tpu.dma_semaphore, #tpu.memory_space<semaphore_mem>>) src(%dma_wait3A_648 : memref<32768xf32, #tpu.memory_space<hbm>>) dst(%arg5 : memref<32768xf32, #tpu.memory_space<vmem>>)
    %dma_wait3A_649 = arith.constant 0 : i32
    %dma_wait3A_650 = tpu.memref_slice %arg3[%add3A_511, %dma_wait3A_649] : memref<128x32768xf32, #tpu.memory_space<hbm>> -> memref<1x32768xf32, #tpu.memory_space<hbm>>
    %dma_wait3A_651 = tpu.memref_squeeze %dma_wait3A_650 : memref<1x32768xf32, #tpu.memory_space<hbm>> -> memref<32768xf32, #tpu.memory_space<hbm>>
    %dma_wait3A_652 = arith.constant 0 : i32
    %dma_wait3A_653 = tpu.memref_slice %arg3[%add3A_511, %dma_wait3A_652] : memref<128x32768xf32, #tpu.memory_space<hbm>> -> memref<1x32768xf32, #tpu.memory_space<hbm>>
    %dma_wait3A_654 = tpu.memref_squeeze %dma_wait3A_653 : memref<1x32768xf32, #tpu.memory_space<hbm>> -> memref<32768xf32, #tpu.memory_space<hbm>>
    tpu.wait_dma2 semaphore(%arg10 : memref<!tpu.dma_semaphore, #tpu.memory_space<semaphore_mem>>) src(%dma_wait3A_654 : memref<32768xf32, #tpu.memory_space<hbm>>) dst(%arg6 : memref<32768xf32, #tpu.memory_space<vmem>>)
    %parallel_loop3A_655 = arith.constant 0 : i32
    %parallel_loop3A_656 = arith.constant 512 : i32
    %parallel_loop3A_657 = arith.constant 1 : i32
    %parallel_loop3A_658:4 = scf.for %parallel_loop3A_832 = %parallel_loop3A_655 to %parallel_loop3A_656 step %parallel_loop3A_657 iter_args(%parallel_loop3A_833 = %broadcast_in_dim3A_3, %parallel_loop3A_834 = %broadcast_in_dim3A_3, %parallel_loop3A_835 = %broadcast_in_dim3A_3, %parallel_loop3A_836 = %broadcast_in_dim3A_3) -> (vector<16xf32>, vector<16xf32>, vector<16xf32>, vector<16xf32>)  : i32 {
      %parallel_loop3A_837 = arith.constant 64 : i32
      %parallel_loop3A_838 = arith.muli %parallel_loop3A_832, %parallel_loop3A_837 : i32
      %parallel_loop3A_839 = arith.constant 0 : i32
      %parallel_loop3A_840 = arith.addi %parallel_loop3A_838, %parallel_loop3A_839 : i32
      %parallel_loop3A_841 = arith.index_cast %parallel_loop3A_840 : i32 to index
      %parallel_loop3A_842 = tpu.vector_load %arg5[%parallel_loop3A_841] {strides = array<i32>} : memref<32768xf32, #tpu.memory_space<vmem>>, vector<16xf32>,
      %parallel_loop3A_843 = arith.constant 0 : i32
      %parallel_loop3A_844 = arith.addi %parallel_loop3A_838, %parallel_loop3A_843 : i32
      %parallel_loop3A_845 = arith.index_cast %parallel_loop3A_844 : i32 to index
      %parallel_loop3A_846 = tpu.vector_load %arg6[%parallel_loop3A_845] {strides = array<i32>} : memref<32768xf32, #tpu.memory_space<vmem>>, vector<16xf32>,
      %parallel_loop3A_847 = arith.subf %parallel_loop3A_842, %parallel_loop3A_846 : vector<16xf32>
      %parallel_loop3A_848 = arith.mulf %parallel_loop3A_847, %parallel_loop3A_847 : vector<16xf32>
      %parallel_loop3A_849 = arith.constant 0 : i32
      %parallel_loop3A_850 = arith.addi %parallel_loop3A_838, %parallel_loop3A_849 : i32
      %parallel_loop3A_851 = arith.index_cast %parallel_loop3A_850 : i32 to index
      %parallel_loop3A_852 = tpu.vector_load %arg7[%parallel_loop3A_851] {strides = array<i32>} : memref<32832xf32, #tpu.memory_space<vmem>>, vector<16xf32>,
      tpu.vector_store %arg7[%parallel_loop3A_851], %parallel_loop3A_848 {strides = array<i32>} : memref<32832xf32, #tpu.memory_space<vmem>>, vector<16xf32>,
      %parallel_loop3A_853 = arith.minimumf %parallel_loop3A_833, %parallel_loop3A_848 : vector<16xf32>
      %parallel_loop3A_854 = arith.constant 16 : i32
      %parallel_loop3A_855 = arith.addi %parallel_loop3A_838, %parallel_loop3A_854 : i32
      %parallel_loop3A_856 = arith.index_cast %parallel_loop3A_855 : i32 to index
      %parallel_loop3A_857 = tpu.vector_load %arg5[%parallel_loop3A_856] {strides = array<i32>} : memref<32768xf32, #tpu.memory_space<vmem>>, vector<16xf32>,
      %parallel_loop3A_858 = arith.constant 16 : i32
      %parallel_loop3A_859 = arith.addi %parallel_loop3A_838, %parallel_loop3A_858 : i32
      %parallel_loop3A_860 = arith.index_cast %parallel_loop3A_859 : i32 to index
      %parallel_loop3A_861 = tpu.vector_load %arg6[%parallel_loop3A_860] {strides = array<i32>} : memref<32768xf32, #tpu.memory_space<vmem>>, vector<16xf32>,
      %parallel_loop3A_862 = arith.subf %parallel_loop3A_857, %parallel_loop3A_861 : vector<16xf32>
      %parallel_loop3A_863 = arith.mulf %parallel_loop3A_862, %parallel_loop3A_862 : vector<16xf32>
      %parallel_loop3A_864 = arith.constant 16 : i32
      %parallel_loop3A_865 = arith.addi %parallel_loop3A_838, %parallel_loop3A_864 : i32
      %parallel_loop3A_866 = arith.index_cast %parallel_loop3A_865 : i32 to index
      %parallel_loop3A_867 = tpu.vector_load %arg7[%parallel_loop3A_866] {strides = array<i32>} : memref<32832xf32, #tpu.memory_space<vmem>>, vector<16xf32>,
      tpu.vector_store %arg7[%parallel_loop3A_866], %parallel_loop3A_863 {strides = array<i32>} : memref<32832xf32, #tpu.memory_space<vmem>>, vector<16xf32>,
      %parallel_loop3A_868 = arith.minimumf %parallel_loop3A_834, %parallel_loop3A_863 : vector<16xf32>
      %parallel_loop3A_869 = arith.constant 32 : i32
      %parallel_loop3A_870 = arith.addi %parallel_loop3A_838, %parallel_loop3A_869 : i32
      %parallel_loop3A_871 = arith.index_cast %parallel_loop3A_870 : i32 to index
      %parallel_loop3A_872 = tpu.vector_load %arg5[%parallel_loop3A_871] {strides = array<i32>} : memref<32768xf32, #tpu.memory_space<vmem>>, vector<16xf32>,
      %parallel_loop3A_873 = arith.constant 32 : i32
      %parallel_loop3A_874 = arith.addi %parallel_loop3A_838, %parallel_loop3A_873 : i32
      %parallel_loop3A_875 = arith.index_cast %parallel_loop3A_874 : i32 to index
      %parallel_loop3A_876 = tpu.vector_load %arg6[%parallel_loop3A_875] {strides = array<i32>} : memref<32768xf32, #tpu.memory_space<vmem>>, vector<16xf32>,
      %parallel_loop3A_877 = arith.subf %parallel_loop3A_872, %parallel_loop3A_876 : vector<16xf32>
      %parallel_loop3A_878 = arith.mulf %parallel_loop3A_877, %parallel_loop3A_877 : vector<16xf32>
      %parallel_loop3A_879 = arith.constant 32 : i32
      %parallel_loop3A_880 = arith.addi %parallel_loop3A_838, %parallel_loop3A_879 : i32
      %parallel_loop3A_881 = arith.index_cast %parallel_loop3A_880 : i32 to index
      %parallel_loop3A_882 = tpu.vector_load %arg7[%parallel_loop3A_881] {strides = array<i32>} : memref<32832xf32, #tpu.memory_space<vmem>>, vector<16xf32>,
      tpu.vector_store %arg7[%parallel_loop3A_881], %parallel_loop3A_878 {strides = array<i32>} : memref<32832xf32, #tpu.memory_space<vmem>>, vector<16xf32>,
      %parallel_loop3A_883 = arith.minimumf %parallel_loop3A_835, %parallel_loop3A_878 : vector<16xf32>
      %parallel_loop3A_884 = arith.constant 48 : i32
      %parallel_loop3A_885 = arith.addi %parallel_loop3A_838, %parallel_loop3A_884 : i32
      %parallel_loop3A_886 = arith.index_cast %parallel_loop3A_885 : i32 to index
      %parallel_loop3A_887 = tpu.vector_load %arg5[%parallel_loop3A_886] {strides = array<i32>} : memref<32768xf32, #tpu.memory_space<vmem>>, vector<16xf32>,
      %parallel_loop3A_888 = arith.constant 48 : i32
      %parallel_loop3A_889 = arith.addi %parallel_loop3A_838, %parallel_loop3A_888 : i32
      %parallel_loop3A_890 = arith.index_cast %parallel_loop3A_889 : i32 to index
      %parallel_loop3A_891 = tpu.vector_load %arg6[%parallel_loop3A_890] {strides = array<i32>} : memref<32768xf32, #tpu.memory_space<vmem>>, vector<16xf32>,
      %parallel_loop3A_892 = arith.subf %parallel_loop3A_887, %parallel_loop3A_891 : vector<16xf32>
      %parallel_loop3A_893 = arith.mulf %parallel_loop3A_892, %parallel_loop3A_892 : vector<16xf32>
      %parallel_loop3A_894 = arith.constant 48 : i32
      %parallel_loop3A_895 = arith.addi %parallel_loop3A_838, %parallel_loop3A_894 : i32
      %parallel_loop3A_896 = arith.index_cast %parallel_loop3A_895 : i32 to index
      %parallel_loop3A_897 = tpu.vector_load %arg7[%parallel_loop3A_896] {strides = array<i32>} : memref<32832xf32, #tpu.memory_space<vmem>>, vector<16xf32>,
      tpu.vector_store %arg7[%parallel_loop3A_896], %parallel_loop3A_893 {strides = array<i32>} : memref<32832xf32, #tpu.memory_space<vmem>>, vector<16xf32>,
      %parallel_loop3A_898 = arith.minimumf %parallel_loop3A_836, %parallel_loop3A_893 : vector<16xf32>
      scf.yield %parallel_loop3A_853, %parallel_loop3A_868, %parallel_loop3A_883, %parallel_loop3A_898 : vector<16xf32>, vector<16xf32>, vector<16xf32>, vector<16xf32>
    } {sc.loop_unroll_factor = 2 : i64, sc.parallel_access}
    %max3A_659 = arith.maximumf %parallel_loop3A_658#0, %parallel_loop3A_658#1 : vector<16xf32>
    %max3A_660 = arith.maximumf %parallel_loop3A_658#2, %parallel_loop3A_658#3 : vector<16xf32>
    %max3A_661 = arith.maximumf %max3A_659, %max3A_660 : vector<16xf32>
    %lt3A_662 = arith.constant 0 : i32
    %lt3A_663 = vector.broadcast %lt3A_662 : i32 to vector<16xi32>
    %lt3A_664 = arith.cmpi slt, %xor3A_15, %lt3A_663 : vector<16xi32>
    %add3A_665 = arith.constant 16 : i32
    %add3A_666 = vector.broadcast %add3A_665 : i32 to vector<16xi32>
    %add3A_667 = arith.addi %xor3A_15, %add3A_666 : vector<16xi32>
    %select_n3A_668 = arith.select %lt3A_664, %add3A_667, %xor3A_15 : vector<16xi1>, vector<16xi32>
    %broadcast_in_dim3A_669 = vector.shape_cast %select_n3A_668 : vector<16xi32> to vector<16x1xi32>
    %gather3A_670 = vector.shape_cast %broadcast_in_dim3A_669 : vector<16x1xi32> to vector<16xi32>
    %gather3A_671 = tpu.dynamic_gather %max3A_661[%gather3A_670] in [0] : vector<16xf32>, vector<16xi32> -> vector<16xf32>
    %max3A_672 = arith.maximumf %max3A_661, %gather3A_671 : vector<16xf32>
    %lt3A_673 = arith.constant 0 : i32
    %lt3A_674 = vector.broadcast %lt3A_673 : i32 to vector<16xi32>
    %lt3A_675 = arith.cmpi slt, %xor3A_18, %lt3A_674 : vector<16xi32>
    %add3A_676 = arith.constant 16 : i32
    %add3A_677 = vector.broadcast %add3A_676 : i32 to vector<16xi32>
    %add3A_678 = arith.addi %xor3A_18, %add3A_677 : vector<16xi32>
    %select_n3A_679 = arith.select %lt3A_675, %add3A_678, %xor3A_18 : vector<16xi1>, vector<16xi32>
    %broadcast_in_dim3A_680 = vector.shape_cast %select_n3A_679 : vector<16xi32> to vector<16x1xi32>
    %gather3A_681 = vector.shape_cast %broadcast_in_dim3A_680 : vector<16x1xi32> to vector<16xi32>
    %gather3A_682 = tpu.dynamic_gather %max3A_672[%gather3A_681] in [0] : vector<16xf32>, vector<16xi32> -> vector<16xf32>
    %max3A_683 = arith.maximumf %max3A_672, %gather3A_682 : vector<16xf32>
    %lt3A_684 = arith.constant 0 : i32
    %lt3A_685 = vector.broadcast %lt3A_684 : i32 to vector<16xi32>
    %lt3A_686 = arith.cmpi slt, %xor3A_21, %lt3A_685 : vector<16xi32>
    %add3A_687 = arith.constant 16 : i32
    %add3A_688 = vector.broadcast %add3A_687 : i32 to vector<16xi32>
    %add3A_689 = arith.addi %xor3A_21, %add3A_688 : vector<16xi32>
    %select_n3A_690 = arith.select %lt3A_686, %add3A_689, %xor3A_21 : vector<16xi1>, vector<16xi32>
    %broadcast_in_dim3A_691 = vector.shape_cast %select_n3A_690 : vector<16xi32> to vector<16x1xi32>
    %gather3A_692 = vector.shape_cast %broadcast_in_dim3A_691 : vector<16x1xi32> to vector<16xi32>
    %gather3A_693 = tpu.dynamic_gather %max3A_683[%gather3A_692] in [0] : vector<16xf32>, vector<16xi32> -> vector<16xf32>
    %max3A_694 = arith.maximumf %max3A_683, %gather3A_693 : vector<16xf32>
    %lt3A_695 = arith.constant 0 : i32
    %lt3A_696 = vector.broadcast %lt3A_695 : i32 to vector<16xi32>
    %lt3A_697 = arith.cmpi slt, %xor3A_24, %lt3A_696 : vector<16xi32>
    %add3A_698 = arith.constant 16 : i32
    %add3A_699 = vector.broadcast %add3A_698 : i32 to vector<16xi32>
    %add3A_700 = arith.addi %xor3A_24, %add3A_699 : vector<16xi32>
    %select_n3A_701 = arith.select %lt3A_697, %add3A_700, %xor3A_24 : vector<16xi1>, vector<16xi32>
    %broadcast_in_dim3A_702 = vector.shape_cast %select_n3A_701 : vector<16xi32> to vector<16x1xi32>
    %gather3A_703 = vector.shape_cast %broadcast_in_dim3A_702 : vector<16x1xi32> to vector<16xi32>
    %gather3A_704 = tpu.dynamic_gather %max3A_694[%gather3A_703] in [0] : vector<16xf32>, vector<16xi32> -> vector<16xf32>
    %max3A_705 = arith.maximumf %max3A_694, %gather3A_704 : vector<16xf32>
    %parallel_loop3A_706 = arith.constant 0 : i32
    %parallel_loop3A_707 = arith.constant 512 : i32
    %parallel_loop3A_708 = arith.constant 1 : i32
    %parallel_loop3A_709 = scf.for %parallel_loop3A_832 = %parallel_loop3A_706 to %parallel_loop3A_707 step %parallel_loop3A_708 iter_args(%parallel_loop3A_833 = %broadcast_in_dim3A_7) -> (vector<16xi32>)  : i32 {
      %parallel_loop3A_834 = arith.constant 64 : i32
      %parallel_loop3A_835 = arith.muli %parallel_loop3A_832, %parallel_loop3A_834 : i32
      %parallel_loop3A_836 = arith.constant 0 : i32
      %parallel_loop3A_837 = arith.addi %parallel_loop3A_835, %parallel_loop3A_836 : i32
      %parallel_loop3A_838 = arith.index_cast %parallel_loop3A_837 : i32 to index
      %parallel_loop3A_839 = tpu.vector_load %arg7[%parallel_loop3A_838] {strides = array<i32>} : memref<32832xf32, #tpu.memory_space<vmem>>, vector<16xf32>,
      %parallel_loop3A_840 = arith.cmpf ole, %parallel_loop3A_839, %max3A_705 : vector<16xf32>
      %parallel_loop3A_841 = tpu.all_reduce %parallel_loop3A_840 {dim = 0 : i64, kind = #tpu.reduction_kind<sum>} : vector<16xi1> -> vector<16xi32>
      %parallel_loop3A_842 = arith.constant 0 : i32
      %parallel_loop3A_843 = vector.broadcast %parallel_loop3A_842 : i32 to vector<16xi32>
      %parallel_loop3A_844 = arith.cmpi sgt, %parallel_loop3A_841, %parallel_loop3A_843 : vector<16xi32>
      %parallel_loop3A_845 = arith.select %parallel_loop3A_844, %broadcast_in_dim3A_11, %broadcast_in_dim3A_7 : vector<16xi1>, vector<16xi32>
      %parallel_loop3A_846 = arith.constant 16 : i32
      %parallel_loop3A_847 = arith.addi %parallel_loop3A_835, %parallel_loop3A_846 : i32
      %parallel_loop3A_848 = arith.index_cast %parallel_loop3A_847 : i32 to index
      %parallel_loop3A_849 = tpu.vector_load %arg7[%parallel_loop3A_848] {strides = array<i32>} : memref<32832xf32, #tpu.memory_space<vmem>>, vector<16xf32>,
      %parallel_loop3A_850 = arith.cmpf ole, %parallel_loop3A_849, %max3A_705 : vector<16xf32>
      %parallel_loop3A_851 = tpu.all_reduce %parallel_loop3A_850 {dim = 0 : i64, kind = #tpu.reduction_kind<sum>} : vector<16xi1> -> vector<16xi32>
      %parallel_loop3A_852 = arith.constant 0 : i32
      %parallel_loop3A_853 = vector.broadcast %parallel_loop3A_852 : i32 to vector<16xi32>
      %parallel_loop3A_854 = arith.cmpi sgt, %parallel_loop3A_851, %parallel_loop3A_853 : vector<16xi32>
      %parallel_loop3A_855 = arith.select %parallel_loop3A_854, %broadcast_in_dim3A_11, %broadcast_in_dim3A_7 : vector<16xi1>, vector<16xi32>
      %parallel_loop3A_856 = arith.constant 32 : i32
      %parallel_loop3A_857 = arith.addi %parallel_loop3A_835, %parallel_loop3A_856 : i32
      %parallel_loop3A_858 = arith.index_cast %parallel_loop3A_857 : i32 to index
      %parallel_loop3A_859 = tpu.vector_load %arg7[%parallel_loop3A_858] {strides = array<i32>} : memref<32832xf32, #tpu.memory_space<vmem>>, vector<16xf32>,
      %parallel_loop3A_860 = arith.cmpf ole, %parallel_loop3A_859, %max3A_705 : vector<16xf32>
      %parallel_loop3A_861 = tpu.all_reduce %parallel_loop3A_860 {dim = 0 : i64, kind = #tpu.reduction_kind<sum>} : vector<16xi1> -> vector<16xi32>
      %parallel_loop3A_862 = arith.constant 0 : i32
      %parallel_loop3A_863 = vector.broadcast %parallel_loop3A_862 : i32 to vector<16xi32>
      %parallel_loop3A_864 = arith.cmpi sgt, %parallel_loop3A_861, %parallel_loop3A_863 : vector<16xi32>
      %parallel_loop3A_865 = arith.select %parallel_loop3A_864, %broadcast_in_dim3A_11, %broadcast_in_dim3A_7 : vector<16xi1>, vector<16xi32>
      %parallel_loop3A_866 = arith.constant 48 : i32
      %parallel_loop3A_867 = arith.addi %parallel_loop3A_835, %parallel_loop3A_866 : i32
      %parallel_loop3A_868 = arith.index_cast %parallel_loop3A_867 : i32 to index
      %parallel_loop3A_869 = tpu.vector_load %arg7[%parallel_loop3A_868] {strides = array<i32>} : memref<32832xf32, #tpu.memory_space<vmem>>, vector<16xf32>,
      %parallel_loop3A_870 = arith.cmpf ole, %parallel_loop3A_869, %max3A_705 : vector<16xf32>
      %parallel_loop3A_871 = tpu.all_reduce %parallel_loop3A_870 {dim = 0 : i64, kind = #tpu.reduction_kind<sum>} : vector<16xi1> -> vector<16xi32>
      %parallel_loop3A_872 = arith.constant 0 : i32
      %parallel_loop3A_873 = vector.broadcast %parallel_loop3A_872 : i32 to vector<16xi32>
      %parallel_loop3A_874 = arith.cmpi sgt, %parallel_loop3A_871, %parallel_loop3A_873 : vector<16xi32>
      %parallel_loop3A_875 = arith.select %parallel_loop3A_874, %broadcast_in_dim3A_11, %broadcast_in_dim3A_7 : vector<16xi1>, vector<16xi32>
      %parallel_loop3A_876 = arith.addi %parallel_loop3A_833, %iota3A : vector<16xi32>
      %parallel_loop3A_877 = arith.addi %parallel_loop3A_845, %parallel_loop3A_855 : vector<16xi32>
      %parallel_loop3A_878 = arith.addi %parallel_loop3A_877, %parallel_loop3A_865 : vector<16xi32>
      %parallel_loop3A_879 = arith.addi %parallel_loop3A_876, %broadcast_in_dim3A_7 : vector<16xi32>
      tpu.vector_store_idx %arg7[%parallel_loop3A_879], %parallel_loop3A_839 masked %parallel_loop3A_844 : memref<32832xf32, #tpu.memory_space<vmem>>[vector<16xi32>], vector<16xf32>, vector<16xi1>
      %parallel_loop3A_880 = arith.addi %parallel_loop3A_876, %parallel_loop3A_845 : vector<16xi32>
      tpu.vector_store_idx %arg7[%parallel_loop3A_880], %parallel_loop3A_849 masked %parallel_loop3A_854 : memref<32832xf32, #tpu.memory_space<vmem>>[vector<16xi32>], vector<16xf32>, vector<16xi1>
      %parallel_loop3A_881 = arith.addi %parallel_loop3A_876, %parallel_loop3A_877 : vector<16xi32>
      tpu.vector_store_idx %arg7[%parallel_loop3A_881], %parallel_loop3A_859 masked %parallel_loop3A_864 : memref<32832xf32, #tpu.memory_space<vmem>>[vector<16xi32>], vector<16xf32>, vector<16xi1>
      %parallel_loop3A_882 = arith.addi %parallel_loop3A_876, %parallel_loop3A_878 : vector<16xi32>
      tpu.vector_store_idx %arg7[%parallel_loop3A_882], %parallel_loop3A_869 masked %parallel_loop3A_874 : memref<32832xf32, #tpu.memory_space<vmem>>[vector<16xi32>], vector<16xf32>, vector<16xi1>
      %parallel_loop3A_883 = arith.addi %parallel_loop3A_878, %parallel_loop3A_875 : vector<16xi32>
      %parallel_loop3A_884 = arith.addi %parallel_loop3A_833, %parallel_loop3A_883 : vector<16xi32>
      scf.yield %parallel_loop3A_884 : vector<16xi32>
    } {sc.loop_unroll_factor = 2 : i64, sc.parallel_access}
    %reduce_max3A_710 = arith.constant true
    %reduce_max3A_711 = vector.broadcast %reduce_max3A_710 : i1 to vector<16xi1>
    %reduce_max3A_712 = arith.constant -2147483648 : i32
    %reduce_max3A_713 = vector.broadcast %reduce_max3A_712 : i32 to vector<16xi32>
    %reduce_max3A_714 = arith.xori %parallel_loop3A_709, %reduce_max3A_713 : vector<16xi32>
    %reduce_max3A_715 = tpu.scan <max>, %reduce_max3A_714 masked %reduce_max3A_711 : vector<16xi32>, vector<16xi1> -> vector<16xi32>
    %reduce_max3A_716 = arith.xori %reduce_max3A_715, %reduce_max3A_713 : vector<16xi32>
    %reduce_max3A_717 = vector.extract %reduce_max3A_716[15] : i32 from vector<16xi32>
    %add3A_718 = arith.constant 0 : i32
    %add3A_719 = vector.broadcast %add3A_718 : i32 to vector<16xi32>
    %add3A_720 = arith.addi %parallel_loop3A_709, %add3A_719 : vector<16xi32>
    %add3A_721 = arith.addi %add3A_720, %iota3A : vector<16xi32>
    tpu.vector_store_idx %arg7[%add3A_721], %broadcast_in_dim3A_3 : memref<32832xf32, #tpu.memory_space<vmem>>[vector<16xi32>], vector<16xf32>,
    %add3A_722 = arith.constant 16 : i32
    %add3A_723 = vector.broadcast %add3A_722 : i32 to vector<16xi32>
    %add3A_724 = arith.addi %parallel_loop3A_709, %add3A_723 : vector<16xi32>
    %add3A_725 = arith.addi %add3A_724, %iota3A : vector<16xi32>
    tpu.vector_store_idx %arg7[%add3A_725], %broadcast_in_dim3A_3 : memref<32832xf32, #tpu.memory_space<vmem>>[vector<16xi32>], vector<16xf32>,
    %add3A_726 = arith.constant 32 : i32
    %add3A_727 = vector.broadcast %add3A_726 : i32 to vector<16xi32>
    %add3A_728 = arith.addi %parallel_loop3A_709, %add3A_727 : vector<16xi32>
    %add3A_729 = arith.addi %add3A_728, %iota3A : vector<16xi32>
    tpu.vector_store_idx %arg7[%add3A_729], %broadcast_in_dim3A_3 : memref<32832xf32, #tpu.memory_space<vmem>>[vector<16xi32>], vector<16xf32>,
    %add3A_730 = arith.constant 48 : i32
    %add3A_731 = vector.broadcast %add3A_730 : i32 to vector<16xi32>
    %add3A_732 = arith.addi %parallel_loop3A_709, %add3A_731 : vector<16xi32>
    %add3A_733 = arith.addi %add3A_732, %iota3A : vector<16xi32>
    tpu.vector_store_idx %arg7[%add3A_733], %broadcast_in_dim3A_3 : memref<32832xf32, #tpu.memory_space<vmem>>[vector<16xi32>], vector<16xf32>,
    %add3A_734 = arith.constant 63 : i32
    %add3A_735 = arith.addi %reduce_max3A_717, %add3A_734 : i32
    %jit3A_736 = arith.constant 64 : i32
    %div3A_737 = arith.divsi %add3A_735, %jit3A_736 : i32
    %sign3A_738 = arith.constant 0 : i32
    %sign3A_739 = arith.cmpi sgt, %add3A_735, %sign3A_738 : i32
    %sign3A_740 = arith.extui %sign3A_739 : i1 to i32
    %sign3A_741 = arith.constant 0 : i32
    %sign3A_742 = arith.cmpi slt, %add3A_735, %sign3A_741 : i32
    %sign3A_743 = arith.extui %sign3A_742 : i1 to i32
    %sign3A_744 = arith.subi %sign3A_740, %sign3A_743 : i32
    %sign3A_745 = arith.constant 0 : i32
    %sign3A_746 = arith.cmpi sgt, %jit3A_736, %sign3A_745 : i32
    %sign3A_747 = arith.extui %sign3A_746 : i1 to i32
    %sign3A_748 = arith.constant 0 : i32
    %sign3A_749 = arith.cmpi slt, %jit3A_736, %sign3A_748 : i32
    %sign3A_750 = arith.extui %sign3A_749 : i1 to i32
    %sign3A_751 = arith.subi %sign3A_747, %sign3A_750 : i32
    %ne3A_752 = arith.cmpi ne, %sign3A_744, %sign3A_751 : i32
    %rem3A_753 = arith.remsi %add3A_735, %jit3A_736 : i32
    %ne3A_754 = arith.constant 0 : i32
    %ne3A_755 = arith.cmpi ne, %rem3A_753, %ne3A_754 : i32
    %and3A_756 = arith.andi %ne3A_752, %ne3A_755 : i1
    %sub3A_757 = arith.constant 1 : i32
    %sub3A_758 = arith.subi %div3A_737, %sub3A_757 : i32
    %select_n3A_759 = arith.select %and3A_756, %sub3A_758, %div3A_737 : i32
    %parallel_loop3A_760 = arith.constant 0 : i32
    %parallel_loop3A_761 = arith.constant 1 : i32
    %parallel_loop3A_762 = scf.for %parallel_loop3A_832 = %parallel_loop3A_760 to %select_n3A_759 step %parallel_loop3A_761 iter_args(%parallel_loop3A_833 = %broadcast_in_dim3A_7) -> (vector<16xi32>)  : i32 {
      %parallel_loop3A_834 = arith.constant 64 : i32
      %parallel_loop3A_835 = arith.muli %parallel_loop3A_832, %parallel_loop3A_834 : i32
      %parallel_loop3A_836 = arith.constant 0 : i32
      %parallel_loop3A_837 = arith.addi %parallel_loop3A_835, %parallel_loop3A_836 : i32
      %parallel_loop3A_838 = arith.index_cast %parallel_loop3A_837 : i32 to index
      %parallel_loop3A_839 = tpu.vector_load %arg7[%parallel_loop3A_838] {strides = array<i32>} : memref<32832xf32, #tpu.memory_space<vmem>>, vector<16xf32>,
      %parallel_loop3A_840 = arith.cmpf ole, %parallel_loop3A_839, %max3A_705 : vector<16xf32>
      %parallel_loop3A_841 = arith.select %parallel_loop3A_840, %broadcast_in_dim3A_9, %broadcast_in_dim3A_7 : vector<16xi1>, vector<16xi32>
      %parallel_loop3A_842 = arith.constant true
      %parallel_loop3A_843 = vector.broadcast %parallel_loop3A_842 : i1 to vector<16xi1>
      %parallel_loop3A_844 = tpu.scan <sum>, %parallel_loop3A_841 masked %parallel_loop3A_843 : vector<16xi32>, vector<16xi1> -> vector<16xi32>
      %parallel_loop3A_845 = arith.addi %parallel_loop3A_833, %parallel_loop3A_844 : vector<16xi32>
      %parallel_loop3A_846 = arith.constant 1 : i32
      %parallel_loop3A_847 = vector.broadcast %parallel_loop3A_846 : i32 to vector<16xi32>
      %parallel_loop3A_848 = arith.subi %parallel_loop3A_845, %parallel_loop3A_847 : vector<16xi32>
      tpu.vector_store_idx %arg7[%parallel_loop3A_848], %parallel_loop3A_839 masked %parallel_loop3A_840 : memref<32832xf32, #tpu.memory_space<vmem>>[vector<16xi32>], vector<16xf32>, vector<16xi1>
      %parallel_loop3A_849 = tpu.all_reduce %parallel_loop3A_840 {dim = 0 : i64, kind = #tpu.reduction_kind<sum>} : vector<16xi1> -> vector<16xi32>
      %parallel_loop3A_850 = arith.addi %parallel_loop3A_833, %parallel_loop3A_849 : vector<16xi32>
      %parallel_loop3A_851 = arith.constant 16 : i32
      %parallel_loop3A_852 = arith.addi %parallel_loop3A_835, %parallel_loop3A_851 : i32
      %parallel_loop3A_853 = arith.index_cast %parallel_loop3A_852 : i32 to index
      %parallel_loop3A_854 = tpu.vector_load %arg7[%parallel_loop3A_853] {strides = array<i32>} : memref<32832xf32, #tpu.memory_space<vmem>>, vector<16xf32>,
      %parallel_loop3A_855 = arith.cmpf ole, %parallel_loop3A_854, %max3A_705 : vector<16xf32>
      %parallel_loop3A_856 = arith.select %parallel_loop3A_855, %broadcast_in_dim3A_9, %broadcast_in_dim3A_7 : vector<16xi1>, vector<16xi32>
      %parallel_loop3A_857 = arith.constant true
      %parallel_loop3A_858 = vector.broadcast %parallel_loop3A_857 : i1 to vector<16xi1>
      %parallel_loop3A_859 = tpu.scan <sum>, %parallel_loop3A_856 masked %parallel_loop3A_858 : vector<16xi32>, vector<16xi1> -> vector<16xi32>
      %parallel_loop3A_860 = arith.addi %parallel_loop3A_850, %parallel_loop3A_859 : vector<16xi32>
      %parallel_loop3A_861 = arith.constant 1 : i32
      %parallel_loop3A_862 = vector.broadcast %parallel_loop3A_861 : i32 to vector<16xi32>
      %parallel_loop3A_863 = arith.subi %parallel_loop3A_860, %parallel_loop3A_862 : vector<16xi32>
      tpu.vector_store_idx %arg7[%parallel_loop3A_863], %parallel_loop3A_854 masked %parallel_loop3A_855 : memref<32832xf32, #tpu.memory_space<vmem>>[vector<16xi32>], vector<16xf32>, vector<16xi1>
      %parallel_loop3A_864 = tpu.all_reduce %parallel_loop3A_855 {dim = 0 : i64, kind = #tpu.reduction_kind<sum>} : vector<16xi1> -> vector<16xi32>
      %parallel_loop3A_865 = arith.addi %parallel_loop3A_850, %parallel_loop3A_864 : vector<16xi32>
      %parallel_loop3A_866 = arith.constant 32 : i32
      %parallel_loop3A_867 = arith.addi %parallel_loop3A_835, %parallel_loop3A_866 : i32
      %parallel_loop3A_868 = arith.index_cast %parallel_loop3A_867 : i32 to index
      %parallel_loop3A_869 = tpu.vector_load %arg7[%parallel_loop3A_868] {strides = array<i32>} : memref<32832xf32, #tpu.memory_space<vmem>>, vector<16xf32>,
      %parallel_loop3A_870 = arith.cmpf ole, %parallel_loop3A_869, %max3A_705 : vector<16xf32>
      %parallel_loop3A_871 = arith.select %parallel_loop3A_870, %broadcast_in_dim3A_9, %broadcast_in_dim3A_7 : vector<16xi1>, vector<16xi32>
      %parallel_loop3A_872 = arith.constant true
      %parallel_loop3A_873 = vector.broadcast %parallel_loop3A_872 : i1 to vector<16xi1>
      %parallel_loop3A_874 = tpu.scan <sum>, %parallel_loop3A_871 masked %parallel_loop3A_873 : vector<16xi32>, vector<16xi1> -> vector<16xi32>
      %parallel_loop3A_875 = arith.addi %parallel_loop3A_865, %parallel_loop3A_874 : vector<16xi32>
      %parallel_loop3A_876 = arith.constant 1 : i32
      %parallel_loop3A_877 = vector.broadcast %parallel_loop3A_876 : i32 to vector<16xi32>
      %parallel_loop3A_878 = arith.subi %parallel_loop3A_875, %parallel_loop3A_877 : vector<16xi32>
      tpu.vector_store_idx %arg7[%parallel_loop3A_878], %parallel_loop3A_869 masked %parallel_loop3A_870 : memref<32832xf32, #tpu.memory_space<vmem>>[vector<16xi32>], vector<16xf32>, vector<16xi1>
      %parallel_loop3A_879 = tpu.all_reduce %parallel_loop3A_870 {dim = 0 : i64, kind = #tpu.reduction_kind<sum>} : vector<16xi1> -> vector<16xi32>
      %parallel_loop3A_880 = arith.addi %parallel_loop3A_865, %parallel_loop3A_879 : vector<16xi32>
      %parallel_loop3A_881 = arith.constant 48 : i32
      %parallel_loop3A_882 = arith.addi %parallel_loop3A_835, %parallel_loop3A_881 : i32
      %parallel_loop3A_883 = arith.index_cast %parallel_loop3A_882 : i32 to index
      %parallel_loop3A_884 = tpu.vector_load %arg7[%parallel_loop3A_883] {strides = array<i32>} : memref<32832xf32, #tpu.memory_space<vmem>>, vector<16xf32>,
      %parallel_loop3A_885 = arith.cmpf ole, %parallel_loop3A_884, %max3A_705 : vector<16xf32>
      %parallel_loop3A_886 = arith.select %parallel_loop3A_885, %broadcast_in_dim3A_9, %broadcast_in_dim3A_7 : vector<16xi1>, vector<16xi32>
      %parallel_loop3A_887 = arith.constant true
      %parallel_loop3A_888 = vector.broadcast %parallel_loop3A_887 : i1 to vector<16xi1>
      %parallel_loop3A_889 = tpu.scan <sum>, %parallel_loop3A_886 masked %parallel_loop3A_888 : vector<16xi32>, vector<16xi1> -> vector<16xi32>
      %parallel_loop3A_890 = arith.addi %parallel_loop3A_880, %parallel_loop3A_889 : vector<16xi32>
      %parallel_loop3A_891 = arith.constant 1 : i32
      %parallel_loop3A_892 = vector.broadcast %parallel_loop3A_891 : i32 to vector<16xi32>
      %parallel_loop3A_893 = arith.subi %parallel_loop3A_890, %parallel_loop3A_892 : vector<16xi32>
      tpu.vector_store_idx %arg7[%parallel_loop3A_893], %parallel_loop3A_884 masked %parallel_loop3A_885 : memref<32832xf32, #tpu.memory_space<vmem>>[vector<16xi32>], vector<16xf32>, vector<16xi1>
      %parallel_loop3A_894 = tpu.all_reduce %parallel_loop3A_885 {dim = 0 : i64, kind = #tpu.reduction_kind<sum>} : vector<16xi1> -> vector<16xi32>
      %parallel_loop3A_895 = arith.addi %parallel_loop3A_880, %parallel_loop3A_894 : vector<16xi32>
      scf.yield %parallel_loop3A_895 : vector<16xi32>
    } {sc.loop_unroll_factor = 2 : i64, sc.parallel_access}
    %reduce_max3A_763 = arith.constant true
    %reduce_max3A_764 = vector.broadcast %reduce_max3A_763 : i1 to vector<16xi1>
    %reduce_max3A_765 = arith.constant -2147483648 : i32
    %reduce_max3A_766 = vector.broadcast %reduce_max3A_765 : i32 to vector<16xi32>
    %reduce_max3A_767 = arith.xori %parallel_loop3A_762, %reduce_max3A_766 : vector<16xi32>
    %reduce_max3A_768 = tpu.scan <max>, %reduce_max3A_767 masked %reduce_max3A_764 : vector<16xi32>, vector<16xi1> -> vector<16xi32>
    %reduce_max3A_769 = arith.xori %reduce_max3A_768, %reduce_max3A_766 : vector<16xi32>
    %reduce_max3A_770 = vector.extract %reduce_max3A_769[15] : i32 from vector<16xi32>
    %add3A_771 = arith.constant 63 : i32
    %add3A_772 = arith.addi %reduce_max3A_770, %add3A_771 : i32
    %jit3A_773 = arith.constant 64 : i32
    %div3A_774 = arith.divsi %add3A_772, %jit3A_773 : i32
    %sign3A_775 = arith.constant 0 : i32
    %sign3A_776 = arith.cmpi sgt, %add3A_772, %sign3A_775 : i32
    %sign3A_777 = arith.extui %sign3A_776 : i1 to i32
    %sign3A_778 = arith.constant 0 : i32
    %sign3A_779 = arith.cmpi slt, %add3A_772, %sign3A_778 : i32
    %sign3A_780 = arith.extui %sign3A_779 : i1 to i32
    %sign3A_781 = arith.subi %sign3A_777, %sign3A_780 : i32
    %sign3A_782 = arith.constant 0 : i32
    %sign3A_783 = arith.cmpi sgt, %jit3A_773, %sign3A_782 : i32
    %sign3A_784 = arith.extui %sign3A_783 : i1 to i32
    %sign3A_785 = arith.constant 0 : i32
    %sign3A_786 = arith.cmpi slt, %jit3A_773, %sign3A_785 : i32
    %sign3A_787 = arith.extui %sign3A_786 : i1 to i32
    %sign3A_788 = arith.subi %sign3A_784, %sign3A_787 : i32
    %ne3A_789 = arith.cmpi ne, %sign3A_781, %sign3A_788 : i32
    %rem3A_790 = arith.remsi %add3A_772, %jit3A_773 : i32
    %ne3A_791 = arith.constant 0 : i32
    %ne3A_792 = arith.cmpi ne, %rem3A_790, %ne3A_791 : i32
    %and3A_793 = arith.andi %ne3A_789, %ne3A_792 : i1
    %sub3A_794 = arith.constant 1 : i32
    %sub3A_795 = arith.subi %div3A_774, %sub3A_794 : i32
    %select_n3A_796 = arith.select %and3A_793, %sub3A_795, %div3A_774 : i32
    %add3A_797 = arith.constant 0 : i32
    %add3A_798 = vector.broadcast %add3A_797 : i32 to vector<16xi32>
    %add3A_799 = arith.addi %parallel_loop3A_762, %add3A_798 : vector<16xi32>
    %add3A_800 = arith.addi %add3A_799, %iota3A : vector<16xi32>
    tpu.vector_store_idx %arg7[%add3A_800], %broadcast_in_dim3A_3 : memref<32832xf32, #tpu.memory_space<vmem>>[vector<16xi32>], vector<16xf32>,
    %add3A_801 = arith.constant 16 : i32
    %add3A_802 = vector.broadcast %add3A_801 : i32 to vector<16xi32>
    %add3A_803 = arith.addi %parallel_loop3A_762, %add3A_802 : vector<16xi32>
    %add3A_804 = arith.addi %add3A_803, %iota3A : vector<16xi32>
    tpu.vector_store_idx %arg7[%add3A_804], %broadcast_in_dim3A_3 : memref<32832xf32, #tpu.memory_space<vmem>>[vector<16xi32>], vector<16xf32>,
    %add3A_805 = arith.constant 32 : i32
    %add3A_806 = vector.broadcast %add3A_805 : i32 to vector<16xi32>
    %add3A_807 = arith.addi %parallel_loop3A_762, %add3A_806 : vector<16xi32>
    %add3A_808 = arith.addi %add3A_807, %iota3A : vector<16xi32>
    tpu.vector_store_idx %arg7[%add3A_808], %broadcast_in_dim3A_3 : memref<32832xf32, #tpu.memory_space<vmem>>[vector<16xi32>], vector<16xf32>,
    %add3A_809 = arith.constant 48 : i32
    %add3A_810 = vector.broadcast %add3A_809 : i32 to vector<16xi32>
    %add3A_811 = arith.addi %parallel_loop3A_762, %add3A_810 : vector<16xi32>
    %add3A_812 = arith.addi %add3A_811, %iota3A : vector<16xi32>
    tpu.vector_store_idx %arg7[%add3A_812], %broadcast_in_dim3A_3 : memref<32832xf32, #tpu.memory_space<vmem>>[vector<16xi32>], vector<16xf32>,
    %scan3A_813 = arith.constant 0 : i32
    %scan3A_814 = arith.constant 31 : i32
    %scan3A_815 = arith.addi %scan3A_813, %scan3A_814 : i32
    %scan3A_816 = arith.constant 1 : i32
    %scan3A_817 = scf.for %scan3A_832 = %scan3A_813 to %scan3A_815 step %scan3A_816 iter_args(%scan3A_833 = %broadcast_in_dim3A_7) -> (vector<16xi32>)  : i32 {
      %sub3A_834 = arith.constant 30 : i32
      %sub3A_835 = arith.subi %sub3A_834, %scan3A_832 : i32
      %shift_left3A = vector.broadcast %sub3A_835 : i32 to vector<16xi32>
      %shift_left3A_836 = arith.shli %broadcast_in_dim3A_9, %shift_left3A : vector<16xi32>
      %or3A = arith.ori %scan3A_833, %shift_left3A_836 : vector<16xi32>
      %while3A = arith.constant 0 : i32
      %while3A_837 = arith.subi %select_n3A_796, %while3A : i32
      %while3A_838 = arith.addi %while3A, %while3A_837 : i32
      %while3A_839 = arith.constant 1 : i32
      %while3A_840 = arith.divsi %while3A_837, %while3A_839 : i32
      %while3A_841 = arith.muli %while3A_840, %while3A_839 : i32
      %while3A_842 = arith.addi %while3A, %while3A_841 : i32
      %while3A_843 = arith.constant 1 : i32
      %while3A_844 = scf.for %while3A_850 = %while3A to %while3A_842 step %while3A_843 iter_args(%while3A_851 = %broadcast_in_dim3A_7) -> (vector<16xi32>)  : i32 {
        %mul3A_852 = arith.constant 64 : i32
        %mul3A_853 = arith.muli %while3A_850, %mul3A_852 : i32
        %add3A_854 = arith.constant 0 : i32
        %add3A_855 = arith.addi %mul3A_853, %add3A_854 : i32
        %get3A = arith.index_cast %add3A_855 : i32 to index
        %get3A_856 = tpu.vector_load %arg7[%get3A] {strides = array<i32>} : memref<32832xf32, #tpu.memory_space<vmem>>, vector<16xf32>,
        %bitcast_convert_type3A_857 = tpu.bitcast %get3A_856 : vector<16xf32> -> vector<16xi32>
        %lt3A_858 = arith.cmpi slt, %bitcast_convert_type3A_857, %or3A : vector<16xi32>
        %all_reduce_population_count3A = tpu.all_reduce %lt3A_858 {dim = 0 : i64, kind = #tpu.reduction_kind<sum>} : vector<16xi1> -> vector<16xi32>
        %add3A_859 = arith.addi %while3A_851, %all_reduce_population_count3A : vector<16xi32>
        %add3A_860 = arith.constant 16 : i32
        %add3A_861 = arith.addi %mul3A_853, %add3A_860 : i32
        %get3A_862 = arith.index_cast %add3A_861 : i32 to index
        %get3A_863 = tpu.vector_load %arg7[%get3A_862] {strides = array<i32>} : memref<32832xf32, #tpu.memory_space<vmem>>, vector<16xf32>,
        %bitcast_convert_type3A_864 = tpu.bitcast %get3A_863 : vector<16xf32> -> vector<16xi32>
        %lt3A_865 = arith.cmpi slt, %bitcast_convert_type3A_864, %or3A : vector<16xi32>
        %all_reduce_population_count3A_866 = tpu.all_reduce %lt3A_865 {dim = 0 : i64, kind = #tpu.reduction_kind<sum>} : vector<16xi1> -> vector<16xi32>
        %add3A_867 = arith.addi %add3A_859, %all_reduce_population_count3A_866 : vector<16xi32>
        %add3A_868 = arith.constant 32 : i32
        %add3A_869 = arith.addi %mul3A_853, %add3A_868 : i32
        %get3A_870 = arith.index_cast %add3A_869 : i32 to index
        %get3A_871 = tpu.vector_load %arg7[%get3A_870] {strides = array<i32>} : memref<32832xf32, #tpu.memory_space<vmem>>, vector<16xf32>,
        %bitcast_convert_type3A_872 = tpu.bitcast %get3A_871 : vector<16xf32> -> vector<16xi32>
        %lt3A_873 = arith.cmpi slt, %bitcast_convert_type3A_872, %or3A : vector<16xi32>
        %all_reduce_population_count3A_874 = tpu.all_reduce %lt3A_873 {dim = 0 : i64, kind = #tpu.reduction_kind<sum>} : vector<16xi1> -> vector<16xi32>
        %add3A_875 = arith.addi %add3A_867, %all_reduce_population_count3A_874 : vector<16xi32>
        %add3A_876 = arith.constant 48 : i32
        %add3A_877 = arith.addi %mul3A_853, %add3A_876 : i32
        %get3A_878 = arith.index_cast %add3A_877 : i32 to index
        %get3A_879 = tpu.vector_load %arg7[%get3A_878] {strides = array<i32>} : memref<32832xf32, #tpu.memory_space<vmem>>, vector<16xf32>,
        %bitcast_convert_type3A_880 = tpu.bitcast %get3A_879 : vector<16xf32> -> vector<16xi32>
        %lt3A_881 = arith.cmpi slt, %bitcast_convert_type3A_880, %or3A : vector<16xi32>
        %all_reduce_population_count3A_882 = tpu.all_reduce %lt3A_881 {dim = 0 : i64, kind = #tpu.reduction_kind<sum>} : vector<16xi1> -> vector<16xi32>
        %add3A_883 = arith.addi %add3A_875, %all_reduce_population_count3A_882 : vector<16xi32>
        scf.yield %add3A_883 : vector<16xi32>
      }
      %while3A_845 = arith.constant 1 : i32
      %while3A_846 = scf.for %while3A_850 = %while3A_842 to %while3A_838 step %while3A_845 iter_args(%while3A_851 = %while3A_844) -> (vector<16xi32>)  : i32 {
        %mul3A_852 = arith.constant 64 : i32
        %mul3A_853 = arith.muli %while3A_850, %mul3A_852 : i32
        %add3A_854 = arith.constant 0 : i32
        %add3A_855 = arith.addi %mul3A_853, %add3A_854 : i32
        %get3A = arith.index_cast %add3A_855 : i32 to index
        %get3A_856 = tpu.vector_load %arg7[%get3A] {strides = array<i32>} : memref<32832xf32, #tpu.memory_space<vmem>>, vector<16xf32>,
        %bitcast_convert_type3A_857 = tpu.bitcast %get3A_856 : vector<16xf32> -> vector<16xi32>
        %lt3A_858 = arith.cmpi slt, %bitcast_convert_type3A_857, %or3A : vector<16xi32>
        %all_reduce_population_count3A = tpu.all_reduce %lt3A_858 {dim = 0 : i64, kind = #tpu.reduction_kind<sum>} : vector<16xi1> -> vector<16xi32>
        %add3A_859 = arith.addi %while3A_851, %all_reduce_population_count3A : vector<16xi32>
        %add3A_860 = arith.constant 16 : i32
        %add3A_861 = arith.addi %mul3A_853, %add3A_860 : i32
        %get3A_862 = arith.index_cast %add3A_861 : i32 to index
        %get3A_863 = tpu.vector_load %arg7[%get3A_862] {strides = array<i32>} : memref<32832xf32, #tpu.memory_space<vmem>>, vector<16xf32>,
        %bitcast_convert_type3A_864 = tpu.bitcast %get3A_863 : vector<16xf32> -> vector<16xi32>
        %lt3A_865 = arith.cmpi slt, %bitcast_convert_type3A_864, %or3A : vector<16xi32>
        %all_reduce_population_count3A_866 = tpu.all_reduce %lt3A_865 {dim = 0 : i64, kind = #tpu.reduction_kind<sum>} : vector<16xi1> -> vector<16xi32>
        %add3A_867 = arith.addi %add3A_859, %all_reduce_population_count3A_866 : vector<16xi32>
        %add3A_868 = arith.constant 32 : i32
        %add3A_869 = arith.addi %mul3A_853, %add3A_868 : i32
        %get3A_870 = arith.index_cast %add3A_869 : i32 to index
        %get3A_871 = tpu.vector_load %arg7[%get3A_870] {strides = array<i32>} : memref<32832xf32, #tpu.memory_space<vmem>>, vector<16xf32>,
        %bitcast_convert_type3A_872 = tpu.bitcast %get3A_871 : vector<16xf32> -> vector<16xi32>
        %lt3A_873 = arith.cmpi slt, %bitcast_convert_type3A_872, %or3A : vector<16xi32>
        %all_reduce_population_count3A_874 = tpu.all_reduce %lt3A_873 {dim = 0 : i64, kind = #tpu.reduction_kind<sum>} : vector<16xi1> -> vector<16xi32>
        %add3A_875 = arith.addi %add3A_867, %all_reduce_population_count3A_874 : vector<16xi32>
        %add3A_876 = arith.constant 48 : i32
        %add3A_877 = arith.addi %mul3A_853, %add3A_876 : i32
        %get3A_878 = arith.index_cast %add3A_877 : i32 to index
        %get3A_879 = tpu.vector_load %arg7[%get3A_878] {strides = array<i32>} : memref<32832xf32, #tpu.memory_space<vmem>>, vector<16xf32>,
        %bitcast_convert_type3A_880 = tpu.bitcast %get3A_879 : vector<16xf32> -> vector<16xi32>
        %lt3A_881 = arith.cmpi slt, %bitcast_convert_type3A_880, %or3A : vector<16xi32>
        %all_reduce_population_count3A_882 = tpu.all_reduce %lt3A_881 {dim = 0 : i64, kind = #tpu.reduction_kind<sum>} : vector<16xi1> -> vector<16xi32>
        %add3A_883 = arith.addi %add3A_875, %all_reduce_population_count3A_882 : vector<16xi32>
        scf.yield %add3A_883 : vector<16xi32>
      }
      %ge3A = arith.constant 64 : i32
      %ge3A_847 = vector.broadcast %ge3A : i32 to vector<16xi32>
      %ge3A_848 = arith.cmpi sge, %while3A_846, %ge3A_847 : vector<16xi32>
      %select_n3A_849 = arith.select %ge3A_848, %scan3A_833, %or3A : vector<16xi1>, vector<16xi32>
      scf.yield %select_n3A_849 : vector<16xi32>
    }
    %scan3A_818 = arith.constant 31 : i32
    %parallel_loop3A_819 = arith.constant 0 : i32
    %parallel_loop3A_820 = arith.constant 1 : i32
    %parallel_loop3A_821:2 = scf.for %parallel_loop3A_832 = %parallel_loop3A_819 to %select_n3A_796 step %parallel_loop3A_820 iter_args(%parallel_loop3A_833 = %broadcast_in_dim3A_7, %parallel_loop3A_834 = %broadcast_in_dim3A_5) -> (vector<16xi32>, vector<16xf32>)  : i32 {
      %parallel_loop3A_835 = arith.constant 64 : i32
      %parallel_loop3A_836 = arith.muli %parallel_loop3A_832, %parallel_loop3A_835 : i32
      %parallel_loop3A_837 = arith.constant 0 : i32
      %parallel_loop3A_838 = arith.addi %parallel_loop3A_836, %parallel_loop3A_837 : i32
      %parallel_loop3A_839 = arith.index_cast %parallel_loop3A_838 : i32 to index
      %parallel_loop3A_840 = tpu.vector_load %arg7[%parallel_loop3A_839] {strides = array<i32>} : memref<32832xf32, #tpu.memory_space<vmem>>, vector<16xf32>,
      %parallel_loop3A_841 = tpu.bitcast %parallel_loop3A_840 : vector<16xf32> -> vector<16xi32>
      %parallel_loop3A_842 = arith.cmpi slt, %parallel_loop3A_841, %scan3A_817 : vector<16xi32>
      %parallel_loop3A_843 = tpu.all_reduce %parallel_loop3A_842 {dim = 0 : i64, kind = #tpu.reduction_kind<sum>} : vector<16xi1> -> vector<16xi32>
      %parallel_loop3A_844 = arith.addi %parallel_loop3A_833, %parallel_loop3A_843 : vector<16xi32>
      %parallel_loop3A_845 = arith.select %parallel_loop3A_842, %parallel_loop3A_840, %broadcast_in_dim3A_5 : vector<16xi1>, vector<16xf32>
      %parallel_loop3A_846 = arith.addf %parallel_loop3A_834, %parallel_loop3A_845 : vector<16xf32>
      %parallel_loop3A_847 = arith.constant 16 : i32
      %parallel_loop3A_848 = arith.addi %parallel_loop3A_836, %parallel_loop3A_847 : i32
      %parallel_loop3A_849 = arith.index_cast %parallel_loop3A_848 : i32 to index
      %parallel_loop3A_850 = tpu.vector_load %arg7[%parallel_loop3A_849] {strides = array<i32>} : memref<32832xf32, #tpu.memory_space<vmem>>, vector<16xf32>,
      %parallel_loop3A_851 = tpu.bitcast %parallel_loop3A_850 : vector<16xf32> -> vector<16xi32>
      %parallel_loop3A_852 = arith.cmpi slt, %parallel_loop3A_851, %scan3A_817 : vector<16xi32>
      %parallel_loop3A_853 = tpu.all_reduce %parallel_loop3A_852 {dim = 0 : i64, kind = #tpu.reduction_kind<sum>} : vector<16xi1> -> vector<16xi32>
      %parallel_loop3A_854 = arith.addi %parallel_loop3A_844, %parallel_loop3A_853 : vector<16xi32>
      %parallel_loop3A_855 = arith.select %parallel_loop3A_852, %parallel_loop3A_850, %broadcast_in_dim3A_5 : vector<16xi1>, vector<16xf32>
      %parallel_loop3A_856 = arith.addf %parallel_loop3A_846, %parallel_loop3A_855 : vector<16xf32>
      %parallel_loop3A_857 = arith.constant 32 : i32
      %parallel_loop3A_858 = arith.addi %parallel_loop3A_836, %parallel_loop3A_857 : i32
      %parallel_loop3A_859 = arith.index_cast %parallel_loop3A_858 : i32 to index
      %parallel_loop3A_860 = tpu.vector_load %arg7[%parallel_loop3A_859] {strides = array<i32>} : memref<32832xf32, #tpu.memory_space<vmem>>, vector<16xf32>,
      %parallel_loop3A_861 = tpu.bitcast %parallel_loop3A_860 : vector<16xf32> -> vector<16xi32>
      %parallel_loop3A_862 = arith.cmpi slt, %parallel_loop3A_861, %scan3A_817 : vector<16xi32>
      %parallel_loop3A_863 = tpu.all_reduce %parallel_loop3A_862 {dim = 0 : i64, kind = #tpu.reduction_kind<sum>} : vector<16xi1> -> vector<16xi32>
      %parallel_loop3A_864 = arith.addi %parallel_loop3A_854, %parallel_loop3A_863 : vector<16xi32>
      %parallel_loop3A_865 = arith.select %parallel_loop3A_862, %parallel_loop3A_860, %broadcast_in_dim3A_5 : vector<16xi1>, vector<16xf32>
      %parallel_loop3A_866 = arith.addf %parallel_loop3A_856, %parallel_loop3A_865 : vector<16xf32>
      %parallel_loop3A_867 = arith.constant 48 : i32
      %parallel_loop3A_868 = arith.addi %parallel_loop3A_836, %parallel_loop3A_867 : i32
      %parallel_loop3A_869 = arith.index_cast %parallel_loop3A_868 : i32 to index
      %parallel_loop3A_870 = tpu.vector_load %arg7[%parallel_loop3A_869] {strides = array<i32>} : memref<32832xf32, #tpu.memory_space<vmem>>, vector<16xf32>,
      %parallel_loop3A_871 = tpu.bitcast %parallel_loop3A_870 : vector<16xf32> -> vector<16xi32>
      %parallel_loop3A_872 = arith.cmpi slt, %parallel_loop3A_871, %scan3A_817 : vector<16xi32>
      %parallel_loop3A_873 = tpu.all_reduce %parallel_loop3A_872 {dim = 0 : i64, kind = #tpu.reduction_kind<sum>} : vector<16xi1> -> vector<16xi32>
      %parallel_loop3A_874 = arith.addi %parallel_loop3A_864, %parallel_loop3A_873 : vector<16xi32>
      %parallel_loop3A_875 = arith.select %parallel_loop3A_872, %parallel_loop3A_870, %broadcast_in_dim3A_5 : vector<16xi1>, vector<16xf32>
      %parallel_loop3A_876 = arith.addf %parallel_loop3A_866, %parallel_loop3A_875 : vector<16xf32>
      scf.yield %parallel_loop3A_874, %parallel_loop3A_876 : vector<16xi32>, vector<16xf32>
    } {sc.loop_unroll_factor = 2 : i64, sc.parallel_access}
    %bitcast_convert_type3A_822 = tpu.bitcast %scan3A_817 : vector<16xi32> -> vector<16xf32>
    %convert_element_type3A_823 = arith.sitofp %parallel_loop3A_821#0 : vector<16xi32> to vector<16xf32>
    %sub3A_824 = arith.constant 6.400000e+01 : f32
    %sub3A_825 = vector.broadcast %sub3A_824 : f32 to vector<16xf32>
    %sub3A_826 = arith.subf %sub3A_825, %convert_element_type3A_823 : vector<16xf32>
    %mul3A_827 = arith.mulf %sub3A_826, %bitcast_convert_type3A_822 : vector<16xf32>
    %add3A_828 = arith.addf %add3A_642, %parallel_loop3A_821#1 : vector<16xf32>
    %select_n3A_829 = arith.select %eq3A_13, %mul3A_827, %broadcast_in_dim3A_5 : vector<16xi1>, vector<16xf32>
    %add3A_830 = arith.addf %add3A_828, %select_n3A_829 : vector<16xf32>
    %swap3A = arith.constant 0 : index
    %swap3A_831 = tpu.vector_load %arg8[%swap3A] {strides = array<i32>} : memref<16xf32, #tpu.memory_space<vmem>>, vector<16xf32>,
    tpu.vector_store %arg8[%swap3A], %add3A_830 {strides = array<i32>} : memref<16xf32, #tpu.memory_space<vmem>>, vector<16xf32>,
    "tpu.region"() ({
      %run_scoped3A = tpu.sem_alloc : memref<!tpu.dma_semaphore, #tpu.memory_space<semaphore_mem>>
      %dma_start3A_832 = arith.constant 0 : i32
      %dma_start3A_833 = tpu.memref_slice %arg4[%add3A, %dma_start3A_832] : memref<32x16xf32, #tpu.memory_space<hbm>> -> memref<1x16xf32, #tpu.memory_space<hbm>>
      %dma_start3A_834 = tpu.memref_squeeze %dma_start3A_833 : memref<1x16xf32, #tpu.memory_space<hbm>> -> memref<16xf32, #tpu.memory_space<hbm>>
      %dma_start3A_835 = arith.constant 0 : i32
      %dma_start3A_836 = tpu.memref_slice %arg4[%add3A, %dma_start3A_835] : memref<32x16xf32, #tpu.memory_space<hbm>> -> memref<1x16xf32, #tpu.memory_space<hbm>>
      %dma_start3A_837 = tpu.memref_squeeze %dma_start3A_836 : memref<1x16xf32, #tpu.memory_space<hbm>> -> memref<16xf32, #tpu.memory_space<hbm>>
      tpu.enqueue_dma source(%arg8 : memref<16xf32, #tpu.memory_space<vmem>>) target(%dma_start3A_837 : memref<16xf32, #tpu.memory_space<hbm>>) target_semaphore(%run_scoped3A : memref<!tpu.dma_semaphore, #tpu.memory_space<semaphore_mem>>)
      %dma_wait3A_838 = arith.constant 0 : i32
      %dma_wait3A_839 = tpu.memref_slice %arg4[%add3A, %dma_wait3A_838] : memref<32x16xf32, #tpu.memory_space<hbm>> -> memref<1x16xf32, #tpu.memory_space<hbm>>
      %dma_wait3A_840 = tpu.memref_squeeze %dma_wait3A_839 : memref<1x16xf32, #tpu.memory_space<hbm>> -> memref<16xf32, #tpu.memory_space<hbm>>
      %dma_wait3A_841 = arith.constant 0 : i32
      %dma_wait3A_842 = tpu.memref_slice %arg4[%add3A, %dma_wait3A_841] : memref<32x16xf32, #tpu.memory_space<hbm>> -> memref<1x16xf32, #tpu.memory_space<hbm>>
      %dma_wait3A_843 = tpu.memref_squeeze %dma_wait3A_842 : memref<1x16xf32, #tpu.memory_space<hbm>> -> memref<16xf32, #tpu.memory_space<hbm>>
      tpu.wait_dma2 semaphore(%run_scoped3A : memref<!tpu.dma_semaphore, #tpu.memory_space<semaphore_mem>>) src(%arg8 : memref<16xf32, #tpu.memory_space<vmem>>) dst(%dma_wait3A_843 : memref<16xf32, #tpu.memory_space<hbm>>)
      tpu.yield
    }) : () -> ()
    return
  }
}

</mosaic_0001>

<sc_bundles>
// kernel: kernel.3.cloned.1.call-start
scs
__scs_entry_jumppad:
0x0: {  	(pc) =	sbr.rel $0x88, $3  }
0x1: {  	(tag) =	ssettag $0x0;
	lr =	simm.s32 $0x1  }
0x2: {  	[smem:$0x3F9F] =	sst lr;
	_ =	strace $0xD0000000  }
0x3: {  	_ = 	snop  }
0x4: {  	_ = 	snop  }
0x5: {  	_ = 	snop  }
0x6: {  	_ = 	snop  }
0x7: {  	_ = 	snop  }
__scs_overlays_trampoline_lowered:
0x8: {  	[smem:$0x3FAE] =	sst s0  }
0x9: {  	[smem:$0x3FAF] =	sst s1  }
0xa: {  	[smem:$0x3FB0] =	sst s2  }
0xb: {  	[smem:$0x3FB1] =	sst s3  }
0xc: {  	[smem:$0x3FB2] =	sst s4  }
0xd: {  	[smem:$0x3FB3] =	sst s5  }
0xe: {  	[smem:$0x3FB4] =	sst s6  }
0xf: {  	[smem:$0x3FB5] =	sst s7  }
0x10: {  	[smem:$0x3FB6] =	sst s8  }
0x11: {  	[smem:$0x3FB7] =	sst s9;
	s0 =	simm.s32 @!p0 $0x0  }
0x12: {  	s1 =	sld [smem:$0x3F9D];
	s0 =	simm.s32 @p0 $0x1  }
0x13: {  	[smem:$0x3FB8] =	sst s0;
	s0 =	simm.s32 @!p1 $0x0  }
0x14: {  	s2 =	sld [smem:$0x3F9C];
	s0 =	simm.s32 @p1 $0x1  }
0x15: {  	[smem:$0x3FB9] =	sst s0;
	s0 =	simm.s32 @!p2 $0x0  }
0x16: {  	s3 =	sld [smem:$0x3FDB];
	s0 =	simm.s32 @p2 $0x1  }
0x17: {  	s4 =	simm.s32 $0x1BF5;
	[smem:$0x3FBB] =	sst s0  }
0x18: {  	s0 =	sld [smem:$0x3F9E];
	_ =	swait.ge [sflag:s4], $0x0  }
0x19: {  	s7 =	sld [smem:$0x3F9F]  }
0x1a: {  	s8 =	sadd.s32 $0xFFFFE003, lr  }
0x1b: {  	s9 =	sadd.s32 $0xFFFFFEF7, lr;
	s5 =	simm.s32 $0xFFFFFFFF;
	p2 =	slt.u32 s8, $0xFFFFF086  }
0x1c: {  	p1 =	slt.u32 s9, $0xF7A;
	s5 =	simm.s32 @!p2 $0x0  }
0x1d: {  	s5 =	simm.s32 @p1 $0x1;
	p0 =	seq.s32 s7, s2  }
0x1e: {  	s7 =	smul.u32 @!p0 $0xF7A, s2;
	p2 =	seq.s32 @!p0 s5, $0x0  }
0x1f: {  	s9 =	smul.u32 $0xF7A, s1;
	s8 =	simm.s32 @!p0 $0x1BF5;
	p2 =	por !p2, p0  }
0x20: {  	[sflag:s8] =	ssyncset.s32 @!p0 $0xFFFFF086;
	s6 =	sadd.s32 @!p0 s3, s7;
	s7 =	simm.s32 @!p0 $0x108  }
0x21: {  	s3 =	sadd.s32 s3, s9;
	s6 =	sadd.s32 @!p0 $0x88, s6;
	s7 =	simm.s32 @p2 $0x1082  }
0x22: {  	[simem:s7], [sflag:s8] =	dma.local @!p0 [hbm:s6], $0xF7A  }
0x23: {  	s9 =	sor.u32 $0xD0000000, s2;
	s6 =	simm.s32 $0x108;
	_ =	swait.ge @!p0 [sflag:s8], $0x0  }
0x24: {  	s3 =	sadd.s32 $0x88, s3;
	s6 =	simm.s32 @!p1 $0x1082;
	[sflag:s4] =	ssyncset.s32 $0xFFFFF086  }
0x25: {  	[simem:s6], [sflag:s4] =	dma.local [hbm:s3], $0xF7A  }
0x26: {  	[smem:$0x3F9F] =	sst s1;
	(tag) =	ssettag s2;
	_ =	strace s9  }
0x27: {  	s1 =	sld [smem:$0x3FAF]  }
0x28: {  	s2 =	sld [smem:$0x3FB0]  }
0x29: {  	s4 =	sld [smem:$0x3FB2]  }
0x2a: {  	p0 =	seq.s32 s5, $0x0;
	s5 =	sld [smem:$0x3FB3]  }
0x2b: {  	s6 =	sld [smem:$0x3FB4]  }
0x2c: {  	s7 =	sld [smem:$0x3FB5]  }
0x2d: {  	s3 =	simm.s32 $0x108;
	s8 =	sld [smem:$0x3FB6]  }
0x2e: {  	s3 =	simm.s32 @!p0 $0x1082;
	s9 =	sld [smem:$0x3FB7]  }
0x2f: {  	lr =	sadd.s32 s0, s3;
	s0 =	sld [smem:$0x3FAE]  }
0x30: {  	s3 =	sld [smem:$0x3FB1]  }
0x31: {  	[smem:$0x3FBA] =	sst s10  }
0x32: {  	s10 =	sld [smem:$0x3FB8];
	_ =	sdelay $0x3  }
0x33: {  	p0 =	seq.s32 s10, $0x1;
	s10 =	sld [smem:$0x3FBA];
	_ =	sdelay $0x3  }
0x34: {  	[smem:$0x3FBA] =	sst s10  }
0x35: {  	s10 =	sld [smem:$0x3FB9];
	_ =	sdelay $0x3  }
0x36: {  	p1 =	seq.s32 s10, $0x1;
	s10 =	sld [smem:$0x3FBA];
	_ =	sdelay $0x3  }
0x37: {  	[smem:$0x3FBA] =	sst s10  }
0x38: {  	s10 =	sld [smem:$0x3FBB]  }
0x39: {  	_ = 	snop;
	(pc) =	sbr.ind lr, $3  }
0x3a: {  	_ = 	snop  }
0x3b: {  	_ = 	snop  }
0x3c: {  	p2 =	seq.s32 s10, $0x1;
	s10 =	sld [smem:$0x3FBA]  }
0x3d: {  	_ =	shalt  }
0x3e: {  	_ =	shalt  }
0x3f: {  	_ =	shalt  }
0x40: {  	_ =	shalt  }
0x41: {  	_ =	shalt  }
0x42: {  	_ =	shalt  }
0x43: {  	_ =	shalt  }
0x44: {  	_ =	shalt  }
0x45: {  	_ =	shalt  }
0x46: {  	_ =	shalt  }
0x47: {  	_ =	shalt  }
0x48: {  	_ =	shalt  }
0x49: {  	_ =	shalt  }
0x4a: {  	_ =	shalt  }
0x4b: {  	_ =	shalt  }
0x4c: {  	_ =	shalt  }
0x4d: {  	_ =	shalt  }
0x4e: {  	_ =	shalt  }
0x4f: {  	_ =	shalt  }
0x50: {  	_ =	shalt  }
0x51: {  	_ =	shalt  }
0x52: {  	_ =	shalt  }
0x53: {  	_ =	shalt  }
0x54: {  	_ =	shalt  }
0x55: {  	_ =	shalt  }
0x56: {  	_ =	shalt  }
0x57: {  	_ =	shalt  }
0x58: {  	_ =	shalt  }
0x59: {  	_ =	shalt  }
0x5a: {  	_ =	shalt  }
0x5b: {  	_ =	shalt  }
0x5c: {  	_ =	shalt  }
0x5d: {  	_ =	shalt  }
0x5e: {  	_ =	shalt  }
0x5f: {  	_ =	shalt  }
0x60: {  	_ =	shalt  }
0x61: {  	_ =	shalt  }
0x62: {  	_ =	shalt  }
0x63: {  	_ =	shalt  }
0x64: {  	_ =	shalt  }
0x65: {  	_ =	shalt  }
0x66: {  	_ =	shalt  }
0x67: {  	_ =	shalt  }
0x68: {  	_ =	shalt  }
0x69: {  	_ =	shalt  }
0x6a: {  	_ =	shalt  }
0x6b: {  	_ =	shalt  }
0x6c: {  	_ =	shalt  }
0x6d: {  	_ =	shalt  }
0x6e: {  	_ =	shalt  }
0x6f: {  	_ =	shalt  }
0x70: {  	_ =	shalt  }
0x71: {  	_ =	shalt  }
0x72: {  	_ =	shalt  }
0x73: {  	_ =	shalt  }
0x74: {  	_ =	shalt  }
0x75: {  	_ =	shalt  }
0x76: {  	_ =	shalt  }
0x77: {  	_ =	shalt  }
0x78: {  	_ =	shalt  }
0x79: {  	_ =	shalt  }
0x7a: {  	_ =	shalt  }
0x7b: {  	_ =	shalt  }
0x7c: {  	_ =	shalt  }
0x7d: {  	_ =	shalt  }
0x7e: {  	_ =	shalt  }
0x7f: {  	_ =	shalt  }
0x80: {  	_ =	shalt  }
0x81: {  	_ =	shalt  }
0x82: {  	_ =	shalt  }
0x83: {  	_ =	shalt  }
0x84: {  	_ =	shalt  }
0x85: {  	_ =	shalt  }
0x86: {  	_ =	shalt  }
0x87: {  	_ =	shalt  }
.Lfunc_end0:
.L_simem_size_0:
called_computation_lowered:
.L_overlay_start_0:
0x88: {  	s2 =	sld [smem:$0x3FD9]  }
0x89: {  	s3 =	sld [smem:$0x3FFE];
	_ =	sdelay $0x1  }
0x8a: {  	s1 =	srdreg.scid  }
0x8b: {  	s0 =	sand.u32 $0x1, s1  }
0x8c: {  	s17 =	sshll.u32 s0, $0xA;
	s2 =	sadd.s32 s3, s2  }
0x8d: {  	s2 =	sadd.s32 s2, s17  }
0x8e: {  	[smem:$0x3FC6] =	sst s2  }
0x8f: {  	_ = 	snop  }
0x90: {  	s2 =	sld [smem:$0x3FC9]  }
0x91: {  	s18 =	sld [smem:$0x3FC8];
	(tm) =	ssettm $0x1  }
0x92: {  	s4 =	sld [smem:$0x3FFB];
	_ =	sdelay $0x3  }
0x93: {  	_ =	strace s4  }
0x94: {  	s4 =	sld [smem:$0x3FFC];
	_ =	sdelay $0x3  }
0x95: {  	_ =	strace s4  }
0x96: {  	s4 =	sld [smem:$0x3FFD];
	_ =	sdelay $0x3  }
0x97: {  	_ =	strace s4  }
0x98: {  	_ =	strace $0x8FFFFFFF  }
0x99: {  	s19 =	sld [smem:$0x3FDB];
	_ =	sdelay $0x1  }
0x9a: {  	s5 =	simm.s32 $_scs_section_size  }
0x9b: {  	s6 =	simm.s32 $_size__tile_overlayer_lowered;
	s7 =	simm.s32 $_tile_overlayer_lowered  }
0x9c: {  	s22 =	simm.s32 $0x1BFF;
	s21 =	sshll.u32 s7, $0x1;
	s4 =	sadd.s32 s5, s19  }
0x9d: {  	s8 =	simm.s32 $0x0;
	s20 =	sshll.u32 s6, $0x1;
	s6 =	sadd.s32 s21, s4  }
0x9e: {  	[timem:s8], [sflag:s22] =	dma.local [hbm:s6], s20  }
0x9f: {  	_ =	swait.ge [sflag:s22], s20  }
0xa0: {  	s5 =	ssub.s32 $0x0, s20;
	[sflag:s22] =	ssyncset.done $0x0  }
0xa1: {  	[sflag:s22] =	ssyncadd.s32 s5;
	_ =	sdelay $0x1  }
0xa2: {  	s23 =	simm.s32 $0x1B8B  }
0xa3: {  	_ =	swait.ge [sflag:s23], $0x1  }
0xa4: {  	[sflag:s23] =	ssyncset.done $0x0  }
0xa5: {  	s25 =	simm.s32 $0x1B8E;
	s24 =	sld [smem:$0x3FFE];
	[sflag:s23] =	ssyncadd.s32 $0xFFFFFFFF  }
0xa6: {  	s26 =	simm.s32 $execute0_lowered;
	[smem:$0x3FD2] =	sst s25  }
0xa7: {  	s6 =	sshll.u32 s26, $0x1;
	_ =	strace $0x80000046;
	[dreg:$0x1] =	wrdreg $0xFFFFFFFF  }
0xa8: {  	s28 =	simm.s32 $_size_execute0_lowered;
	s4 =	sadd.s32 s4, s6;
	[dreg:$0x0] =	wrdreg $0x0  }
0xa9: {  	s6 =	sshll.u32 s28, $0x1;
	[dreg:$0x2] =	wrdreg s4  }
0xaa: {  	[dreg:$0x3] =	wrdreg s6  }
0xab: {  	[dreg:$0x4] =	wrdreg $0xC0  }
0xac: {  	_ =	task [dreg:s8], $0x5FFFF  }
0xad: {  	[dreg:$0x1] =	wrdreg $0xFFFFFFFF  }
0xae: {  	[dreg:$0x0] =	wrdreg $0x60  }
0xaf: {  	[dreg:$0x2] =	wrdreg s2  }
0xb0: {  	[dreg:$0x3] =	wrdreg s18  }
0xb1: {  	[dreg:$0x4] =	wrdreg s24  }
0xb2: {  	[dreg:$0x5] =	wrdreg $0x9  }
0xb3: {  	_ =	task.clear_ibuf [dreg:s8], $0x6FFFF;
	_ =	strace $0x90000046  }
0xb4: {  	s29 =	simm.s32 $0x9;
	_ =	strace $0x80000048  }
0xb5: {  	_ =	swait.ge [sflag:s29], $0x1  }
0xb6: {  	[sflag:s29] =	ssyncadd.s32 $0xFFFFFFFF  }
0xb7: {  	_ =	strace $0x90000048  }
0xb8: {  	_ =	sfence  }
0xb9: {  	s30 =	sld [smem:$0x0];
	_ =	sdelay $0x2  }
0xba: {  	s31 =	sshll.u32 s1, $0xD;
	s1 =	sshrl.u32 s1, $0x2  }
0xbb: {  	s3 =	sand.u32 $0x4000, s31;
	s1 =	sadd.s32 s1, s30  }
0xbc: {  	s0 =	sor.u32 s3, s0;
	s1 =	sshll.u32 s1, $0x11  }
0xbd: {  	s0 =	sor.u32 s1, s0  }
0xbe: {  	s0 =	sadd.s32 $0x8F2B, s0  }
0xbf: {  	[sflag:s0] =	ssyncadd.remote.s32 $0x1  }
0xc0: {  	_ =	sfence.sel $0xFFFF  }
0xc1: {  	[dreg:$0x0] =	wrdreg $0xFFFFFFFF;
	(pc) =	sbr.abs _section_cstart, $3  }
0xc2: {  	[dreg:$0x1] =	wrdreg $0xFFFFFFFF  }
0xc3: {  	_ =	task.clear_ibuf [dreg:s8], $0x2FFFF;
	_ =	strace $0x9FFFFFFF  }
0xc4: {  	(tm) =	ssettm $0x7FFFFFFF  }
0xc5: {  	_ =	shalt  }
tec
execute0_lowered:
.L_overlay_start_1:
0x0: {  	(tag) =	ssettag $0x1  }
0x1: {  	s0 =	rddreg [dreg:$0x0]  }
0x2: {  	s1 =	rddreg [dreg:$0x1]  }
0x3: {  	s3 =	rddreg [dreg:$0x2];
	v0 =	vimm.s32 $0xEFCDAB89;
	s4 =	srdreg.scid;
	v1 =	vimm.s32 $0x67452301;
	s2 =	simm.s32 $0x0  }
0x4: {  	s13 =	stileid.u32;
	v2 =	vimm.s32 $0xDCFE98BA;
	v3 =	vimm.s32 $0x54761032;
	s14 =	simm.s32 $0x400;
	s15 =	simm.s32 $0x8000  }
0x5: {  	v4 =	vimm.s32 $0xBA98FEDC;
	v5 =	vimm.s32 $0xFEDCBA98;
	s16 =	simm.s32 $0x1;
	s17 =	simm.s32 $0x2;
	s18 =	simm.s32 $0x10000  }
0x6: {  	v6 =	vimm.s32 $0x32107654;
	v7 =	vimm.s32 $0x76543210;
	v10 =	vimm.s32 $0x1;
	s20 =	simm.s32 $0x3;
	s21 =	simm.s32 $0x0;
	s9 =	sand.u32 $0x1, s4  }
0x7: {  	v0 =	vunpack.c.l.s4.s8 v0;
	v1 =	vunpack.c.l.s4.s8 v1;
	s6 =	sshll.u32 s13, $0xF;
	[smem:$0x7FF] =	sst s2;
	v2 =	vunpack.c.l.s4.s8 v2;
	s31 =	sshll.u32 s13, $0x5  }
0x8: {  	v3 =	vunpack.c.l.s4.s8 v3;
	v5 =	vunpack.c.l.s4.s8 v5;
	v4 =	vunpack.c.l.s4.s8 v4;
	s13 =	simm.s32 $0x80;
	s4 =	ssub.s32 $0x2, s9;
	s5 =	sshll.u32 s9, $0x6  }
0x9: {  	v6 =	vunpack.c.l.s4.s8 v6;
	v7 =	vunpack.c.l.s4.s8 v7;
	_ =	strace $0x80000047;
	s11 =	sshll.u32 s9, $0x4;
	v0 =	vunpack.c.0.s8.s32 v0;
	s7 =	sshrl.u32 s4, $0x1  }
0xa: {  	s10 =	sor.u32 s5, s6;
	v1 =	vunpack.c.0.s8.s32 v1;
	v2 =	vunpack.c.0.s8.s32 v2;
	v3 =	vunpack.c.0.s8.s32 v3;
	s3 =	sadd.s32 s3, s11;
	s12 =	ssub.s32 s4, s7  }
.Ltmp0:
0xb: {  	v5 =	vunpack.c.0.s8.s32 v5;
	v4 =	vunpack.c.0.s8.s32 v4;
	v6 =	vunpack.c.0.s8.s32 v6;
	s30 =	sadd.s32 s0, s10;
	s4 =	sadd.s32 s1, s10;
	(pc) =	sbr.rel .LBB2_1-.Ltmp0, $4  }
0xc: {  	v7 =	vunpack.c.0.s8.s32 v7;
	s6 =	sor.u32 $0x10, s10;
	s8 =	sor.u32 $0x20, s10;
	s10 =	sor.u32 $0x30, s10;
	v0 =	vcombine.low v1, v0;
	v1 =	vcombine.low v3, v2  }
0xd: {  	s11 =	sadd.s32 s31, s3;
	[dreg:$0x4] =	wrdreg s30;
	s5 =	sadd.s32 s0, s6;
	v3 =	vand.u32 $0xF, v5;
	v2 =	vcombine.low v6, v4;
	v4 =	vlaneseq.u32  }
0xe: {  	s6 =	sadd.s32 s1, s6;
	s7 =	sadd.s32 s0, s8;
	s8 =	sadd.s32 s1, s8;
	v5 =	vimm.s32 $0x0;
	v6 =	vimm.f32 $+Inf;
	v3 =	vcombine.low v3, v7  }
0xf: {  	s9 =	sadd.s32 s0, s10;
	s10 =	sadd.s32 s1, s10;
	s12 =	smax.u32 s12, $0x1;
	v7 =	vor.u32 $0x10, v4;
	v8 =	vor.u32 $0x20, v4;
	v9 =	vor.u32 $0x30, v4  }
.LBB2_77:
0x10: {  	v13 =	vimm.f32 $0.0e+00;
	v14 =	vimm.s32 $0x0  }
.LBB2_78:
0x11: {  	s0 =	ssub.s32 s22, s23  }
0x12: {  	p0 =	slt.s32 s0, $0x1  }
0x13: {  	s0 =	sshll.u32 @!p0 s23, $0x8  }
0x14: {  	s0 =	sshra.s32 @!p0 s0, $0x2  }
0x15: {  	v15 =	vld @!p0 [tilespmem:s0+$0x10000];
	_ =	sdelay $0x1  }
0x16: {  	v16 =	vld @!p0 [tilespmem:s0+$0x10010];
	_ =	sdelay $0x1  }
0x17: {  	v17 =	vld @!p0 [tilespmem:s0+$0x10020]  }
0x18: {  	vm1 =	vgt.s32 @!p0 v12, v15  }
0x19: {  	v18 =	vld @!p0 [tilespmem:s0+$0x10030];
	v15 =	vnsel @!p0 vm1, $0x0, v15  }
0x1a: {  	vm2 =	vgt.s32 @!p0 v12, v16;
	v15 =	vadd.f32 @!p0 v15, v13  }
0x1b: {  	v16 =	vnsel @!p0 vm2, $0x0, v16  }
0x1c: {  	v19 =	vmpcnt.ones.xlane @!p0 vm1;
	vm1 =	vgt.s32 @!p0 v12, v17;
	v15 =	vadd.f32 @!p0 v16, v15  }
0x1d: {  	v20 =	vmpcnt.ones.xlane @!p0 vm1;
	v17 =	vnsel @!p0 vm1, $0x0, v17;
	v16 =	vmpcnt.ones.xlane @!p0 vm2  }
0x1e: {  	vm1 =	vgt.s32 @!p0 v12, v18;
	v15 =	vadd.f32 @!p0 v17, v15;
	v17 =	vadd.s32 @!p0 v14, v19  }
0x1f: {  	v19 =	vmpcnt.ones.xlane @!p0 vm1;
	v16 =	vadd.s32 @!p0 v16, v17  }
0x20: {  	v16 =	vadd.s32 @!p0 v20, v16  }
0x21: {  	v16 =	vadd.s32 @!p0 v19, v16  }
0x22: {  	v61 =	vpsel p0, v14, v16  }
0x23: {  	v14 =	vcvt.s32.f32 v61  }
0x24: {  	v18 =	vnsel @!p0 vm1, $0x0, v18  }
0x25: {  	v15 =	vadd.f32 @!p0 v18, v15;
	v14 =	vsub.f32 $6.400000000e+01, v14;
	_ =	sdelay $0x1  }
0x26: {  	v62 =	vpsel p0, v13, v15;
	v63 =	vmul.f32 v12, v14  }
0x27: {  	v11 =	vadd.f32 v62, v11  }
0x28: {  	v12 =	vnsel vm0, $0x0, v63  }
0x29: {  	s21 =	sadd.s32 $0x1, s21;
	v11 =	vadd.f32 v12, v11  }
0x2a: {  	p0 =	sne.s32 s21, s12  }
.Ltmp1:
0x2b: {  	s31 =	simm.s32 $0x18080;
	[tilespmem:$0x18080] =	vst v11;
	(pc) =	sbr.rel @!p0 .LBB2_79-.Ltmp1, $4  }
0x2c: {  	[hbm4b:s11+s2] =	stream.linear.scatter [tilespmem:s31], [sflag:$0x3], $0x80, $0x38;
	[tilespmem:$0x18100] =	vst v63  }
0x2d: {  	_ =	swait.ge [sflag:s20], $0x80  }
0x2e: {  	[sflag:s20] =	ssyncset.done $0x0  }
0x2f: {  	[sflag:s20] =	ssyncadd.s32 $0xFFFFFF80  }
.LBB2_1:
0x30: {  	s0 =	rddreg [dreg:$0x4]  }
0x31: {  	[tilespmem:s2], [sflag:$0x1] =	stream.strided.gather [hbm4b:s0+s13], $0x8000, s14, s13, $0x38;
	[tilespmem:$0x18100] =	vst v63  }
0x32: {  	_ = 	snop  }
0x33: {  	[tilespmem:s15], [sflag:$0x2] =	stream.strided.gather [hbm4b:s4+s13], $0x8000, s14, s13, $0x38;
	[tilespmem:$0x18100] =	vst v63  }
0x34: {  	_ =	swait.ge [sflag:s16], $0x8000  }
0x35: {  	[sflag:s16] =	ssyncset.done $0x0  }
0x36: {  	[sflag:s16] =	ssyncadd.s32 $0xFFFF8000  }
0x37: {  	_ =	swait.ge [sflag:s17], $0x8000  }
0x38: {  	[sflag:s17] =	ssyncset.done $0x0  }
0x39: {  	s30 =	simm.s32 $0x8040;
	[sflag:s17] =	ssyncadd.s32 $0xFFFF8000  }
0x3a: {  	s19 =	simm.s32 $0x40;
	v11 =	vld [tilespmem:s30+$0xFFFFFFC0]  }
0x3b: {  	v12 =	vld [tilespmem:s19+$0xFFFFFFC0];
	_ =	sdelay $0x3  }
0x3c: {  	v13 =	vld [tilespmem:s30+$0x0]  }
0x3d: {  	v14 =	vld [tilespmem:s19+$0x0];
	v11 =	vsub.f32 v12, v11;
	_ =	sdelay $0x1  }
0x3e: {  	s24 =	simm.s32 $0x80C0;
	v11 =	vmul.f32 v11, v11  }
0x3f: {  	s22 =	simm.s32 $0x10040;
	s25 =	simm.s32 $0xC0;
	v17 =	vld [tilespmem:s24+$0xFFFFFFC0]  }
0x40: {  	v18 =	vld [tilespmem:s25+$0xFFFFFFC0];
	[tilespmem:s22+$0xFFFFFFC0] =	vst v11  }
0x41: {  	v13 =	vsub.f32 v14, v13;
	v15 =	vld [tilespmem:s19+$0xFFFFFFD0]  }
0x42: {  	s28 =	simm.s32 $0x140;
	v16 =	vld [tilespmem:s30+$0xFFFFFFD0]  }
0x43: {  	v21 =	vld [tilespmem:s28+$0xFFFFFFC0];
	v13 =	vmul.f32 v13, v13  }
0x44: {  	v12 =	vld [tilespmem:s24+$0x0]  }
0x45: {  	v14 =	vld [tilespmem:s25+$0x0];
	[tilespmem:s22+$0x0] =	vst v13  }
0x46: {  	v19 =	vld [tilespmem:s19+$0x10]  }
0x47: {  	s29 =	simm.s32 $0x81C0;
	v20 =	vld [tilespmem:s30+$0x10];
	v15 =	vsub.f32 v15, v16  }
0x48: {  	s0 =	simm.s32 $0x1C0;
	v28 =	vld [tilespmem:s29+$0xFFFFFFC0]  }
0x49: {  	v29 =	vld [tilespmem:s0+$0x0];
	v15 =	vmul.f32 v15, v15  }
0x4a: {  	v31 =	vld [tilespmem:s0+$0xFFFFFFC0];
	v17 =	vsub.f32 v18, v17  }
0x4b: {  	v18 =	vld [tilespmem:s28+$0x0];
	[tilespmem:s22+$0xFFFFFFD0] =	vst v15  }
0x4c: {  	v17 =	vmul.f32 v17, v17;
	v12 =	vsub.f32 v14, v12;
	v19 =	vsub.f32 v19, v20;
	v20 =	vld [tilespmem:s30+$0xFFFFFFE0]  }
0x4d: {  	s26 =	simm.s32 $0x8140;
	s23 =	simm.s32 $0x100C0;
	v23 =	vld [tilespmem:s19+$0xFFFFFFE0]  }
0x4e: {  	[tilespmem:s23+$0xFFFFFFC0] =	vst v17;
	v14 =	vld [tilespmem:s26+$0xFFFFFFC0];
	v12 =	vmul.f32 v12, v12  }
0x4f: {  	v26 =	vld [tilespmem:s24+$0xFFFFFFD0]  }
0x50: {  	[tilespmem:s23+$0x0] =	vst v12;
	v16 =	vld [tilespmem:s26+$0x0];
	v24 =	vmul.f32 v19, v19  }
0x51: {  	v22 =	vld [tilespmem:s25+$0x10]  }
0x52: {  	v19 =	vld [tilespmem:s25+$0xFFFFFFD0];
	[tilespmem:s22+$0x10] =	vst v24;
	v20 =	vsub.f32 v23, v20  }
0x53: {  	v27 =	vld [tilespmem:s30+$0x20]  }
0x54: {  	v14 =	vsub.f32 v21, v14;
	v23 =	vld [tilespmem:s19+$0x20];
	v20 =	vmul.f32 v20, v20  }
0x55: {  	v25 =	vld [tilespmem:s24+$0x10];
	v16 =	vsub.f32 v18, v16  }
0x56: {  	v14 =	vmul.f32 v14, v14;
	v18 =	vld [tilespmem:s29+$0x0];
	[tilespmem:s22+$0xFFFFFFE0] =	vst v20  }
0x57: {  	s1 =	simm.s32 $0x10140;
	v30 =	vmul.f32 v16, v16;
	v16 =	vsub.f32 v19, v26;
	v26 =	vld [tilespmem:s19+$0xFFFFFFF0]  }
0x58: {  	[tilespmem:s1+$0xFFFFFFC0] =	vst v14;
	v32 =	vld [tilespmem:s30+$0xFFFFFFF0]  }
0x59: {  	v21 =	vld [tilespmem:s28+$0xFFFFFFD0];
	[tilespmem:s1+$0x0] =	vst v30;
	v23 =	vsub.f32 v23, v27;
	v27 =	vmul.f32 v16, v16  }
0x5a: {  	v11 =	vmin.f32 v6, v11;
	v19 =	vld [tilespmem:s26+$0x10]  }
0x5b: {  	v11 =	vmin.f32 v11, v13;
	v16 =	vld [tilespmem:s28+$0x10];
	[tilespmem:s23+$0xFFFFFFD0] =	vst v27;
	v23 =	vmul.f32 v23, v23  }
0x5c: {  	v11 =	vmin.f32 v11, v17;
	v13 =	vmin.f32 v6, v15;
	v15 =	vsub.f32 v22, v25;
	v22 =	vld [tilespmem:s24+$0xFFFFFFE0]  }
0x5d: {  	v11 =	vmin.f32 v11, v12;
	v12 =	vmin.f32 v13, v24;
	v24 =	vld [tilespmem:s25+$0xFFFFFFE0];
	[tilespmem:s22+$0x20] =	vst v23;
	v13 =	vsub.f32 v26, v32  }
0x5e: {  	v11 =	vmin.f32 v11, v14;
	v14 =	vmul.f32 v15, v15;
	v25 =	vmin.f32 v6, v20;
	v17 =	vld [tilespmem:s19+$0x30]  }
0x5f: {  	v12 =	vmin.f32 v12, v27;
	v27 =	vsub.f32 v31, v28;
	v20 =	vld [tilespmem:s30+$0x30];
	v15 =	vmul.f32 v13, v13  }
0x60: {  	s3 =	simm.s32 $0x8240;
	[tilespmem:s23+$0x10] =	vst v14;
	v26 =	vsub.f32 v29, v18;
	v13 =	vmin.f32 v11, v30;
	v11 =	vmin.f32 v25, v23;
	v25 =	vld [tilespmem:s26+$0xFFFFFFD0]  }
0x61: {  	s31 =	simm.s32 $0x1C0;
	v12 =	vmin.f32 v12, v14;
	v14 =	vimm.f32 $+Inf;
	s19 =	simm.s32 $0x6;
	v18 =	vmul.f32 v27, v27;
	s30 =	simm.s32 $0x10140;
	v23 =	vld [tilespmem:s24+$0x20];
	[tilespmem:s22+$0xFFFFFFF0] =	vst v15  }
.LBB2_2:
0x62: {  	s19 =	sadd.s32 $0x2, s19;
	v26 =	vmul.f32 v26, v26;
	s0 =	sadd.s32 $0x80, s0;
	s1 =	sadd.s32 $0x80, s1;
	v22 =	vsub.f32 v24, v22;
	v24 =	vld [tilespmem:s25+$0x20]  }
0x63: {  	v27 =	vld [tilespmem:s3+$0xFFFFFFC0];
	p0 =	slt.u32 s19, $0x1FE;
	v13 =	vmin.f32 v13, v18  }
0x64: {  	v28 =	vld [tilespmem:s3+$0x0];
	v13 =	vmin.f32 v13, v26;
	v29 =	vmul.f32 v22, v22;
	v17 =	vsub.f32 v17, v20  }
0x65: {  	v30 =	vld [tilespmem:s0+$0x0]  }
0x66: {  	v21 =	vsub.f32 v21, v25;
	v20 =	vld [tilespmem:s0+$0xFFFFFFC0];
	[tilespmem:s23+$0xFFFFFFE0] =	vst v29;
	v17 =	vmul.f32 v17, v17  }
0x67: {  	v19 =	vsub.f32 v16, v19;
	v14 =	vmin.f32 v14, v15;
	[tilespmem:s1+$0x0] =	vst v26;
	v25 =	vld [tilespmem:s25+$0xFFFFFFF0];
	v22 =	vsub.f32 v24, v23  }
0x68: {  	v15 =	vmul.f32 v21, v21;
	v23 =	vld [tilespmem:s24+$0xFFFFFFF0];
	[tilespmem:s22+$0x30] =	vst v17;
	v14 =	vmin.f32 v14, v17;
	s22 =	smov.u32 s23;
	s23 =	smov.u32 s30;
	s30 =	smov.u32 s1  }
0x69: {  	v17 =	vmul.f32 v19, v19;
	[tilespmem:s1+$0xFFFFFFC0] =	vst v18;
	v16 =	vld [tilespmem:s31+$0x10]  }
0x6a: {  	v12 =	vmin.f32 v12, v15;
	v21 =	vld [tilespmem:s31+$0xFFFFFFD0]  }
0x6b: {  	v12 =	vmin.f32 v12, v17;
	v19 =	vld [tilespmem:s29+$0x10];
	[tilespmem:s23+$0xFFFFFFD0] =	vst v15;
	v15 =	vmul.f32 v22, v22  }
0x6c: {  	v11 =	vmin.f32 v11, v29;
	v22 =	vld [tilespmem:s26+$0xFFFFFFE0];
	[tilespmem:s23+$0x10] =	vst v17  }
.Ltmp2:
0x6d: {  	v24 =	vld [tilespmem:s28+$0xFFFFFFE0];
	v18 =	vsub.f32 v25, v23;
	[tilespmem:s22+$0x20] =	vst v15;
	v11 =	vmin.f32 v11, v15;
	(pc) =	sbr.rel @p0 .LBB2_2-.Ltmp2, $4  }
0x6e: {  	v17 =	vld [tilespmem:s25+$0x30];
	s25 =	smov.u32 s28;
	s28 =	smov.u32 s31;
	s31 =	smov.u32 s0  }
0x6f: {  	v23 =	vsub.f32 v20, v27;
	v15 =	vmul.f32 v18, v18;
	v20 =	vld [tilespmem:s24+$0x30];
	s24 =	smov.u32 s26;
	s26 =	smov.u32 s29;
	s29 =	smov.u32 s3  }
0x70: {  	v26 =	vsub.f32 v30, v28;
	v25 =	vld [tilespmem:s26+$0xFFFFFFD0]  }
0x71: {  	v18 =	vmul.f32 v23, v23;
	s3 =	sadd.s32 $0x80, s3;
	v23 =	vld [tilespmem:s24+$0x20];
	[tilespmem:s22+$0xFFFFFFF0] =	vst v15  }
0x72: {  	s0 =	sadd.s32 $0x80, s1  }
0x73: {  	v26 =	vmul.f32 v26, v26;
	[tilespmem:s0+$0xFFFFFFC0] =	vst v18  }
0x74: {  	v27 =	vld [tilespmem:s31+$0xFFFFFFD0]  }
0x75: {  	v22 =	vsub.f32 v24, v22;
	[tilespmem:s0+$0x0] =	vst v26;
	v24 =	vld [tilespmem:s29+$0xFFFFFFD0]  }
0x76: {  	v16 =	vsub.f32 v16, v19;
	v21 =	vsub.f32 v21, v25;
	v25 =	vld [tilespmem:s31+$0x10]  }
0x77: {  	v22 =	vmul.f32 v22, v22;
	v28 =	vld [tilespmem:s29+$0x10]  }
0x78: {  	v16 =	vmul.f32 v16, v16  }
0x79: {  	[tilespmem:s23+$0xFFFFFFE0] =	vst v22;
	v19 =	vmul.f32 v21, v21;
	v21 =	vld [tilespmem:s25+$0x20]  }
0x7a: {  	[tilespmem:s30+$0x10] =	vst v16;
	v29 =	vld [tilespmem:s25+$0xFFFFFFF0];
	v24 =	vsub.f32 v27, v24  }
0x7b: {  	v57 =	vld [tilespmem:s26+$0x20]  }
0x7c: {  	v31 =	vld [tilespmem:s28+$0x20];
	[tilespmem:s30+$0xFFFFFFD0] =	vst v19;
	v25 =	vsub.f32 v25, v28;
	v24 =	vmul.f32 v24, v24  }
0x7d: {  	v27 =	vld [tilespmem:s26+$0xFFFFFFE0]  }
0x7e: {  	v30 =	vld [tilespmem:s28+$0xFFFFFFE0];
	v25 =	vmul.f32 v25, v25;
	[tilespmem:s0+$0xFFFFFFD0] =	vst v24  }
0x7f: {  	v21 =	vsub.f32 v21, v23;
	v23 =	vld [tilespmem:s29+$0xFFFFFFE0]  }
0x80: {  	[tilespmem:s0+$0x10] =	vst v25;
	v32 =	vld [tilespmem:s31+$0xFFFFFFE0]  }
0x81: {  	v28 =	vsub.f32 v31, v57;
	v21 =	vmul.f32 v21, v21;
	v58 =	vld [tilespmem:s29+$0x20]  }
0x82: {  	v33 =	vld [tilespmem:s31+$0x20]  }
0x83: {  	v34 =	vld [tilespmem:s24+$0xFFFFFFF0];
	v28 =	vmul.f32 v28, v28;
	v27 =	vsub.f32 v30, v27;
	[tilespmem:s23+$0x20] =	vst v21  }
0x84: {  	v59 =	vld [tilespmem:s25+$0x30]  }
0x85: {  	[tilespmem:s30+$0x20] =	vst v28;
	v27 =	vmul.f32 v27, v27;
	v35 =	vld [tilespmem:s24+$0x30];
	v23 =	vsub.f32 v32, v23  }
0x86: {  	v61 =	vld [tilespmem:s28+$0x30]  }
0x87: {  	v37 =	vld [tilespmem:s26+$0x30];
	[tilespmem:s30+$0xFFFFFFE0] =	vst v27;
	v30 =	vsub.f32 v33, v58;
	v23 =	vmul.f32 v23, v23  }
0x88: {  	v60 =	vld [tilespmem:s28+$0xFFFFFFF0]  }
0x89: {  	v36 =	vld [tilespmem:s26+$0xFFFFFFF0];
	v30 =	vmul.f32 v30, v30;
	[tilespmem:s0+$0xFFFFFFE0] =	vst v23  }
0x8a: {  	v38 =	vld [tilespmem:s31+$0xFFFFFFF0]  }
0x8b: {  	v13 =	vmin.f32 v13, v18;
	v18 =	vld [tilespmem:s29+$0xFFFFFFF0];
	[tilespmem:s0+$0x20] =	vst v30  }
0x8c: {  	v14 =	vmin.f32 v14, v15;
	v17 =	vsub.f32 v17, v20;
	v12 =	vmin.f32 v12, v19;
	v19 =	vld [tilespmem:s31+$0x30]  }
0x8d: {  	v13 =	vmin.f32 v13, v26;
	v12 =	vmin.f32 v12, v16;
	v15 =	vsub.f32 v29, v34;
	v16 =	vld [tilespmem:s29+$0x30]  }
0x8e: {  	v11 =	vmin.f32 v11, v22;
	v17 =	vmul.f32 v17, v17;
	v20 =	vsub.f32 v59, v35  }
0x8f: {  	v15 =	vmul.f32 v15, v15;
	v11 =	vmin.f32 v11, v21;
	v21 =	vsub.f32 v60, v36  }
0x90: {  	v14 =	vmin.f32 v14, v17;
	v22 =	vsub.f32 v61, v37;
	v20 =	vmul.f32 v20, v20  }
0x91: {  	v14 =	vmin.f32 v14, v15;
	v21 =	vmul.f32 v21, v21;
	v18 =	vsub.f32 v38, v18  }
0x92: {  	[tilespmem:s22+$0x30] =	vst v17;
	v17 =	vmul.f32 v22, v22;
	v14 =	vmin.f32 v14, v20;
	v16 =	vsub.f32 v19, v16  }
0x93: {  	[tilespmem:s23+$0xFFFFFFF0] =	vst v15;
	v11 =	vmin.f32 v11, v27;
	v14 =	vmin.f32 v14, v21;
	v15 =	vmul.f32 v18, v18  }
0x94: {  	v11 =	vmin.f32 v11, v28;
	v14 =	vmin.f32 v14, v17;
	v16 =	vmul.f32 v16, v16  }
0x95: {  	v12 =	vmin.f32 v12, v24;
	v11 =	vmin.f32 v11, v23;
	[tilespmem:s23+$0x30] =	vst v20;
	v14 =	vmin.f32 v14, v15  }
0x96: {  	v12 =	vmin.f32 v12, v25;
	v11 =	vmin.f32 v11, v30;
	[tilespmem:s30+$0x30] =	vst v17;
	v14 =	vmin.f32 v14, v16  }
0x97: {  	v12 =	vmax.f32 v13, v12;
	[tilespmem:s30+$0xFFFFFFF0] =	vst v21;
	v11 =	vmax.f32 v11, v14  }
0x98: {  	[tilespmem:s0+$0xFFFFFFF0] =	vst v15;
	v11 =	vmax.f32 v12, v11  }
0x99: {  	[tilespmem:s0+$0x30] =	vst v16;
	v12 =	vperm.xlane v11, v0  }
0x9a: {  	[tilespmem:s2], [sflag:$0x1] =	stream.strided.gather [hbm4b:s5+s13], $0x8000, s14, s13, $0x38;
	[tilespmem:$0x18100] =	vst v63  }
0x9b: {  	s31 =	simm.s32 $0x10040;
	v11 =	vmax.f32 v11, v12  }
0x9c: {  	[tilespmem:s15], [sflag:$0x2] =	stream.strided.gather [hbm4b:s6+s13], $0x8000, s14, s13, $0x38;
	v12 =	vperm.xlane v11, v1;
	[tilespmem:$0x18100] =	vst v63  }
0x9d: {  	v13 =	vld [tilespmem:s31+$0x30]  }
0x9e: {  	v15 =	vld [tilespmem:s31+$0x20];
	v11 =	vmax.f32 v11, v12  }
0x9f: {  	v18 =	vld [tilespmem:s31+$0x0];
	v14 =	vperm.xlane v11, v2  }
0xa0: {  	v17 =	vld [tilespmem:s31+$0x10]  }
0xa1: {  	v12 =	vld [tilespmem:s31+$0xFFFFFFF0];
	v11 =	vmax.f32 v11, v14  }
0xa2: {  	v14 =	vld [tilespmem:s31+$0xFFFFFFE0];
	v16 =	vperm.xlane v11, v3  }
0xa3: {  	v19 =	vld [tilespmem:s31+$0xFFFFFFC0]  }
0xa4: {  	v11 =	vmax.f32 v11, v16;
	v16 =	vld [tilespmem:s31+$0xFFFFFFD0]  }
0xa5: {  	v21 =	vimm.s32 $0x0;
	vm0 =	vle.f32 v15, v11;
	vm1 =	vle.f32 v13, v11  }
0xa6: {  	vm2 =	vle.f32 v12, v11;
	vm3 =	vle.f32 v18, v11;
	vm4 =	vle.f32 v17, v11  }
0xa7: {  	vm5 =	vle.f32 v14, v11;
	v23 =	vmpcnt.ones.xlane vm0;
	v22 =	vmpcnt.ones.xlane vm1  }
0xa8: {  	vm0 =	vle.f32 v19, v11;
	v24 =	vmpcnt.ones.xlane vm2;
	v25 =	vmpcnt.ones.xlane vm3  }
0xa9: {  	v27 =	vmpcnt.ones.xlane vm4;
	v26 =	vmpcnt.ones.xlane vm5;
	vm1 =	vle.f32 v16, v11  }
0xaa: {  	v20 =	vadd.s32 v4, v21;
	v62 =	vmpcnt.ones.xlane vm0;
	v63 =	vmpcnt.ones.xlane vm1  }
0xab: {  	vm5 =	vgt.s32 v24, $0x0;
	vm3 =	vgt.s32 v25, $0x0;
	vm2 =	vgt.s32 v23, $0x0  }
0xac: {  	vm4 =	vgt.s32 v27, $0x0;
	vm6 =	vgt.s32 v62, $0x0;
	vm0 =	vgt.s32 v63, $0x0  }
0xad: {  	s1 =	simm.s32 $0x100C0;
	s0 =	simm.s32 $0x0;
	v23 =	vsel vm6, $0x10, v5;
	vm1 =	vgt.s32 v26, $0x0;
	v24 =	vsel vm0, $0x10, v5  }
.LBB2_4:
0xae: {  	v25 =	vld [tilespmem:s1+$0x30];
	v26 =	vsel vm1, $0x10, v5;
	v24 =	vadd.s32 v23, v24;
	v27 =	vsel vm2, $0x10, v5  }
0xaf: {  	v29 =	vsel vm3, $0x10, v5;
	v30 =	vsel vm4, $0x10, v5;
	v28 =	vld [tilespmem:s1+$0x20];
	v26 =	vadd.s32 v24, v26  }
0xb0: {  	s0 =	sadd.s32 $0x2, s0;
	v32 =	vsel vm5, $0x10, v5;
	v30 =	vadd.s32 v29, v30;
	v31 =	vld [tilespmem:s1+$0xFFFFFFF0];
	v21 =	vadd.s32 v21, v26  }
0xb1: {  	vm7 =	vgt.s32 v22, $0x0;
	p0 =	slt.u32 s0, $0x1FE;
	v22 =	vadd.s32 v30, v27;
	v33 =	vld [tilespmem:s1+$0x0];
	v21 =	vadd.s32 v32, v21  }
0xb2: {  	v27 =	vld [tilespmem:s1+$0x10];
	[tilespmem:v20+s18+$0x0] =	vst.idx.msk vm6, v19;
	v19 =	vsel vm7, $0x10, v5;
	v32 =	vadd.s32 v4, v21;
	v21 =	vadd.s32 v21, v22  }
0xb3: {  	v34 =	vld [tilespmem:s1+$0xFFFFFFE0];
	v29 =	vadd.s32 v32, v29;
	v30 =	vadd.s32 v32, v30;
	v21 =	vadd.s32 v19, v21  }
0xb4: {  	v26 =	vadd.s32 v20, v26;
	v36 =	vadd.s32 v32, v22;
	v19 =	vld [tilespmem:s1+$0xFFFFFFC0];
	v35 =	vadd.s32 v4, v21  }
0xb5: {  	v23 =	vadd.s32 v20, v23;
	vm8 =	vmmov vm5;
	v24 =	vadd.s32 v20, v24;
	v37 =	vld [tilespmem:s1+$0xFFFFFFD0];
	v20 =	vmovc v35  }
0xb6: {  	vm6 =	vle.f32 v25, v11;
	vm5 =	vle.f32 v28, v11  }
0xb7: {  	vm9 =	vle.f32 v31, v11;
	vm10 =	vle.f32 v33, v11;
	vm11 =	vle.f32 v27, v11  }
0xb8: {  	v22 =	vmpcnt.ones.xlane vm6;
	v35 =	vmpcnt.ones.xlane vm5;
	vm12 =	vle.f32 v34, v11;
	[tilespmem:v32+s18+$0x0] =	vst.idx.msk vm3, v18;
	v18 =	vmovc v33  }
0xb9: {  	v32 =	vmpcnt.ones.xlane vm9;
	v33 =	vmpcnt.ones.xlane vm10;
	vm3 =	vle.f32 v19, v11;
	[tilespmem:v29+s18+$0x0] =	vst.idx.msk vm4, v17;
	v17 =	vmovc v27  }
.Ltmp3:
0xba: {  	v27 =	vmpcnt.ones.xlane vm12;
	v29 =	vmpcnt.ones.xlane vm11;
	vm4 =	vle.f32 v37, v11;
	[tilespmem:v30+s18+$0x0] =	vst.idx.msk vm2, v15;
	v15 =	vmovc v28;
	(pc) =	sbr.rel @p0 .LBB2_4-.Ltmp3, $4  }
0xbb: {  	v28 =	vmpcnt.ones.xlane vm3;
	v30 =	vmpcnt.ones.xlane vm4;
	[tilespmem:v36+s18+$0x0] =	vst.idx.msk vm7, v13;
	v13 =	vmov v25  }
0xbc: {  	vm5 =	vgt.s32 v32, $0x0;
	vm3 =	vgt.s32 v33, $0x0;
	vm2 =	vgt.s32 v35, $0x0;
	[tilespmem:v23+s18+$0x0] =	vst.idx.msk vm0, v16;
	v16 =	vmovc v37  }
0xbd: {  	vm4 =	vgt.s32 v29, $0x0;
	vm6 =	vgt.s32 v28, $0x0;
	vm0 =	vgt.s32 v30, $0x0;
	[tilespmem:v24+s18+$0x0] =	vst.idx.msk vm1, v14;
	v14 =	vmovc v34  }
0xbe: {  	s1 =	sadd.s32 $0x80, s1;
	v23 =	vsel vm6, $0x10, v5;
	vm1 =	vgt.s32 v27, $0x0;
	v24 =	vsel vm0, $0x10, v5;
	[tilespmem:v26+s18+$0x0] =	vst.idx.msk vm8, v12;
	v12 =	vmovc v31  }
0xbf: {  	v25 =	vsel vm1, $0x10, v5;
	v24 =	vadd.s32 v23, v24;
	v26 =	vsel vm2, $0x10, v5  }
0xc0: {  	v27 =	vsel vm3, $0x10, v5;
	v28 =	vsel vm4, $0x10, v5;
	v25 =	vadd.s32 v24, v25  }
0xc1: {  	v29 =	vsel vm5, $0x10, v5;
	v28 =	vadd.s32 v27, v28;
	v21 =	vadd.s32 v21, v25  }
0xc2: {  	vm7 =	vgt.s32 v22, $0x0;
	v58 =	vadd.s32 v28, v26;
	v21 =	vadd.s32 v29, v21  }
0xc3: {  	v59 =	vsel vm7, $0x10, v5;
	v29 =	vadd.s32 v21, v58  }
0xc4: {  	v26 =	vadd.s32 v59, v29  }
0xc5: {  	v29 =	vxor.u32 $0x80000000, v26  }
0xc6: {  	(xrf0) =	vmax.scan.msk.u32 $0xffff, v29;
	_ =	sdelay $0x5  }
0xc7: {  	v29, _, _ =	vpop (xrf0)  }
0xc8: {  	(v2sf) =	vpush v29, $0xF;
	_ =	sdelay $0xe  }
0xc9: {  	s0 =	spop (v2sf)  }
0xca: {  	v21 =	vadd.s32 v4, v21;
	s0 =	sadd.s32 $0x8000003F, s0  }
0xcb: {  	v27 =	vadd.s32 v21, v27;
	s1 =	sand.u32 $0x3F, s0  }
0xcc: {  	v28 =	vadd.s32 v21, v28;
	s31 =	sshra.s32 s0, $0x1F;
	p1 =	slt.s32 s0, $0x1;
	p0 =	sne.s32 s1, $0x0  }
0xcd: {  	v22 =	vadd.s32 v21, v58;
	s1 =	sshrl.u32 s31, $0x1A;
	p0 =	por !p1, !p0  }
0xce: {  	[tilespmem:v20+s18+$0x0] =	vst.idx.msk vm6, v19;
	v60 =	vadd.s32 v20, v23;
	s0 =	sadd.s32 s1, s0;
	s1 =	simm.s32 $0x1;
	p0 =	por !p0, !p0  }
0xcf: {  	vm15 =	vmmov vm5;
	v61 =	vadd.s32 v20, v24;
	[tilespmem:v21+s18+$0x0] =	vst.idx.msk vm3, v18;
	s0 =	sshra.s32 s0, $0x6;
	s1 =	simm.s32 @!p0 $0x0  }
0xd0: {  	v62 =	vadd.s32 v20, v25;
	[tilespmem:v27+s18+$0x0] =	vst.idx.msk vm4, v17;
	s22 =	ssub.s32 s0, s1  }
0xd1: {  	[tilespmem:v28+s18+$0x0] =	vst.idx.msk vm2, v15;
	v15 =	vadd.s32 v4, v26;
	s0 =	sshrl.u32 s22, $0x1F  }
0xd2: {  	[tilespmem:v22+s18+$0x0] =	vst.idx.msk vm7, v13;
	v13 =	vadd.s32 v7, v26;
	s0 =	sadd.s32 s0, s22  }
0xd3: {  	[tilespmem:v60+s18+$0x0] =	vst.idx.msk vm0, v16;
	v63 =	vadd.s32 v8, v26;
	s23 =	sand.u32 $0xFFFFFFFE, s0  }
0xd4: {  	[tilespmem:v61+s18+$0x0] =	vst.idx.msk vm1, v14;
	v14 =	vadd.s32 v9, v26;
	p0 =	slt.s32 s23, $0x1  }
.Ltmp4:
0xd5: {  	[tilespmem:v62+s18+$0x0] =	vst.idx.msk vm15, v12;
	(pc) =	sbr.rel @p0 .LBB2_6-.Ltmp4, $4  }
0xd6: {  	[tilespmem:v15+s18+$0x0] =	vst.idx.msk $0xffff, v6  }
0xd7: {  	[tilespmem:v13+s18+$0x0] =	vst.idx.msk $0xffff, v6  }
0xd8: {  	[tilespmem:v63+s18+$0x0] =	vst.idx.msk $0xffff, v6  }
0xd9: {  	v12 =	vimm.s32 $0x0;
	[tilespmem:v14+s18+$0x0] =	vst.idx.msk $0xffff, v6  }
0xda: {  	s24 =	simm.s32 $0x10040  }
0xdb: {  	v13 =	vld [tilespmem:s24+$0xFFFFFFC0];
	_ =	sdelay $0x4  }
0xdc: {  	vm0 =	vle.f32 v13, v11  }
0xdd: {  	v14 =	vsel vm0, $0x1, v5  }
0xde: {  	(xrf0) =	vadd.scan.msk.s32 $0xffff, v14;
	_ =	sdelay $0x5  }
0xdf: {  	v14, _, _ =	vpop (xrf0)  }
0xe0: {  	v14 =	vadd.s32 v14, v12  }
0xe1: {  	v14 =	vadd.s32 $0xFFFFFFFF, v14;
	_ =	sdelay $0x4  }
0xe2: {  	[tilespmem:v14+s18+$0x0] =	vst.idx.msk vm0, v13  }
0xe3: {  	v13 =	vld [tilespmem:s24+$0xFFFFFFD0];
	_ =	sdelay $0x4  }
0xe4: {  	vm1 =	vle.f32 v13, v11  }
0xe5: {  	v14 =	vsel vm1, $0x1, v5  }
0xe6: {  	(xrf0) =	vadd.scan.msk.s32 $0xffff, v14;
	_ =	sdelay $0x1  }
0xe7: {  	v14 =	vmpcnt.ones.xlane vm0;
	_ =	sdelay $0x3  }
0xe8: {  	v12 =	vadd.s32 v12, v14;
	v14, _, _ =	vpop (xrf0)  }
0xe9: {  	v14 =	vadd.s32 v14, v12  }
0xea: {  	v14 =	vadd.s32 $0xFFFFFFFF, v14;
	_ =	sdelay $0x4  }
0xeb: {  	[tilespmem:v14+s18+$0x0] =	vst.idx.msk vm1, v13  }
0xec: {  	v13 =	vld [tilespmem:s24+$0xFFFFFFE0];
	_ =	sdelay $0x4  }
0xed: {  	vm0 =	vle.f32 v13, v11  }
0xee: {  	v14 =	vsel vm0, $0x1, v5  }
0xef: {  	(xrf0) =	vadd.scan.msk.s32 $0xffff, v14;
	_ =	sdelay $0x1  }
0xf0: {  	v14 =	vmpcnt.ones.xlane vm1;
	_ =	sdelay $0x3  }
0xf1: {  	v12 =	vadd.s32 v12, v14;
	v14, _, _ =	vpop (xrf0)  }
0xf2: {  	v14 =	vadd.s32 v14, v12  }
0xf3: {  	v14 =	vadd.s32 $0xFFFFFFFF, v14  }
0xf4: {  	v15 =	vld [tilespmem:s24+$0x0];
	_ =	sdelay $0x3  }
0xf5: {  	[tilespmem:v14+s18+$0x0] =	vst.idx.msk vm0, v13  }
0xf6: {  	vm1 =	vle.f32 v15, v11;
	v13 =	vld [tilespmem:s24+$0xFFFFFFF0]  }
0xf7: {  	v14 =	vsel vm1, $0x1, v5  }
0xf8: {  	(xrf0) =	vadd.scan.msk.s32 $0xffff, v14;
	_ =	sdelay $0x2  }
0xf9: {  	v14 =	vmpcnt.ones.xlane vm0;
	vm2 =	vle.f32 v13, v11  }
0xfa: {  	v16 =	vmpcnt.ones.xlane vm2  }
0xfb: {  	v14 =	vadd.s32 v12, v14  }
0xfc: {  	v59, _, _ =	vpop (xrf0);
	v12 =	vadd.s32 v14, v16  }
0xfd: {  	v16 =	vadd.s32 v59, v12  }
0xfe: {  	v16 =	vadd.s32 $0xFFFFFFFF, v16;
	_ =	sdelay $0x4  }
0xff: {  	[tilespmem:v16+s18+$0x0] =	vst.idx.msk vm1, v15  }
0x100: {  	v15 =	vld [tilespmem:s24+$0x10];
	_ =	sdelay $0x4  }
0x101: {  	v60 =	vsel vm2, $0x1, v5;
	vm0 =	vle.f32 v15, v11  }
0x102: {  	(xrf0) =	vadd.scan.msk.s32 $0xffff, v60;
	v61 =	vsel vm0, $0x1, v5  }
0x103: {  	(xrf0) =	vadd.scan.msk.s32 $0xffff, v61;
	_ =	sdelay $0x3  }
0x104: {  	v62 =	vmpcnt.ones.xlane vm1  }
0x105: {  	v17, _, _ =	vpop (xrf0)  }
0x106: {  	v12 =	vadd.s32 v12, v62;
	v63, _, _ =	vpop (xrf0)  }
0x107: {  	v16 =	vadd.s32 v63, v12  }
0x108: {  	v14 =	vadd.s32 v17, v14;
	v16 =	vadd.s32 $0xFFFFFFFF, v16  }
0x109: {  	p0 =	sgt.s32 s23, $0x2;
	v14 =	vadd.s32 $0xFFFFFFFF, v14  }
.Ltmp5:
0x10a: {  	_ = 	snop;
	(pc) =	sbr.rel @!p0 .LBB2_11-.Ltmp5, $3  }
0x10b: {  	_ =	sdelay $0x1  }
0x10c: {  	[tilespmem:v16+s18+$0x0] =	vst.idx.msk vm0, v15  }
0x10d: {  	s25 =	simm.s32 $0x2;
	s26 =	simm.s32 $0x10040;
	[tilespmem:v14+s18+$0x0] =	vst.idx.msk vm2, v13;
	v13 =	vld [tilespmem:s24+$0x20]  }
.LBB2_10:
0x10e: {  	_ =	sdelay $0x2  }
0x10f: {  	s25 =	sadd.s32 $0x2, s25  }
0x110: {  	p0 =	slt.s32 s25, s23;
	vm1 =	vle.f32 v13, v11  }
0x111: {  	v14 =	vsel vm1, $0x1, v5  }
0x112: {  	(xrf0) =	vadd.scan.msk.s32 $0xffff, v14;
	_ =	sdelay $0x3  }
0x113: {  	v15 =	vmpcnt.ones.xlane vm0;
	_ =	sdelay $0x1  }
0x114: {  	v12 =	vadd.s32 v12, v15;
	v14, _, _ =	vpop (xrf0)  }
0x115: {  	v14 =	vadd.s32 v14, v12  }
0x116: {  	s26 =	sadd.s32 $0x80, s26;
	v14 =	vadd.s32 $0xFFFFFFFF, v14  }
0x117: {  	v15 =	vld [tilespmem:s26+$0xFFFFFFC0];
	_ =	sdelay $0x3  }
0x118: {  	[tilespmem:v14+s18+$0x0] =	vst.idx.msk vm1, v13  }
0x119: {  	vm0 =	vle.f32 v15, v11;
	v13 =	vld [tilespmem:s24+$0x30];
	s24 =	smov.u32 s26  }
0x11a: {  	v14 =	vsel vm0, $0x1, v5  }
0x11b: {  	(xrf0) =	vadd.scan.msk.s32 $0xffff, v14;
	_ =	sdelay $0x2  }
0x11c: {  	v18 =	vmpcnt.ones.xlane vm1;
	vm1 =	vle.f32 v13, v11  }
0x11d: {  	v16 =	vsel vm1, $0x1, v5;
	v17 =	vmpcnt.ones.xlane vm1  }
0x11e: {  	v12 =	vadd.s32 v12, v18;
	(xrf0) =	vadd.scan.msk.s32 $0xffff, v16  }
0x11f: {  	v14, _, _ =	vpop (xrf0);
	v16 =	vadd.s32 v12, v17  }
0x120: {  	v14 =	vadd.s32 v14, v16  }
0x121: {  	v14 =	vadd.s32 $0xFFFFFFFF, v14;
	_ =	sdelay $0x2  }
0x122: {  	v17, _, _ =	vpop (xrf0)  }
0x123: {  	v12 =	vadd.s32 v17, v12  }
0x124: {  	[tilespmem:v14+s18+$0x0] =	vst.idx.msk vm0, v15;
	v12 =	vadd.s32 $0xFFFFFFFF, v12  }
0x125: {  	v14 =	vld [tilespmem:s26+$0xFFFFFFD0];
	_ =	sdelay $0x3  }
0x126: {  	[tilespmem:v12+s18+$0x0] =	vst.idx.msk vm1, v13  }
0x127: {  	vm1 =	vle.f32 v14, v11  }
0x128: {  	v12 =	vsel vm1, $0x1, v5  }
0x129: {  	(xrf0) =	vadd.scan.msk.s32 $0xffff, v12;
	_ =	sdelay $0x3  }
0x12a: {  	v12 =	vmpcnt.ones.xlane vm0;
	_ =	sdelay $0x1  }
0x12b: {  	v12 =	vadd.s32 v16, v12;
	v13, _, _ =	vpop (xrf0)  }
0x12c: {  	v13 =	vadd.s32 v13, v12  }
0x12d: {  	v13 =	vadd.s32 $0xFFFFFFFF, v13;
	_ =	sdelay $0x4  }
0x12e: {  	[tilespmem:v13+s18+$0x0] =	vst.idx.msk vm1, v14  }
0x12f: {  	v13 =	vld [tilespmem:s26+$0xFFFFFFE0];
	_ =	sdelay $0x4  }
0x130: {  	vm0 =	vle.f32 v13, v11  }
0x131: {  	v14 =	vsel vm0, $0x1, v5  }
0x132: {  	(xrf0) =	vadd.scan.msk.s32 $0xffff, v14;
	_ =	sdelay $0x3  }
0x133: {  	v15 =	vmpcnt.ones.xlane vm1;
	_ =	sdelay $0x1  }
0x134: {  	v12 =	vadd.s32 v12, v15;
	v14, _, _ =	vpop (xrf0)  }
0x135: {  	v14 =	vadd.s32 v14, v12  }
0x136: {  	v14 =	vadd.s32 $0xFFFFFFFF, v14  }
0x137: {  	v15 =	vld [tilespmem:s26+$0x0];
	_ =	sdelay $0x3  }
0x138: {  	[tilespmem:v14+s18+$0x0] =	vst.idx.msk vm0, v13  }
0x139: {  	v13 =	vld [tilespmem:s26+$0xFFFFFFF0];
	vm1 =	vle.f32 v15, v11  }
0x13a: {  	v14 =	vsel vm1, $0x1, v5  }
0x13b: {  	(xrf0) =	vadd.scan.msk.s32 $0xffff, v14;
	_ =	sdelay $0x2  }
0x13c: {  	v14 =	vmpcnt.ones.xlane vm0;
	vm0 =	vle.f32 v13, v11  }
0x13d: {  	v18 =	vsel vm0, $0x1, v5;
	v17 =	vmpcnt.ones.xlane vm0  }
0x13e: {  	v12 =	vadd.s32 v12, v14;
	(xrf0) =	vadd.scan.msk.s32 $0xffff, v18  }
0x13f: {  	v14 =	vadd.s32 v12, v17;
	v16, _, _ =	vpop (xrf0)  }
0x140: {  	v16 =	vadd.s32 v16, v14  }
0x141: {  	v16 =	vadd.s32 $0xFFFFFFFF, v16;
	_ =	sdelay $0x2  }
0x142: {  	v17, _, _ =	vpop (xrf0)  }
0x143: {  	v12 =	vadd.s32 v17, v12  }
0x144: {  	v12 =	vadd.s32 $0xFFFFFFFF, v12;
	[tilespmem:v16+s18+$0x0] =	vst.idx.msk vm1, v15  }
0x145: {  	v15 =	vld [tilespmem:s26+$0x10];
	_ =	sdelay $0x3  }
0x146: {  	[tilespmem:v12+s18+$0x0] =	vst.idx.msk vm0, v13  }
0x147: {  	vm0 =	vle.f32 v15, v11  }
0x148: {  	v12 =	vsel vm0, $0x1, v5  }
0x149: {  	(xrf0) =	vadd.scan.msk.s32 $0xffff, v12;
	_ =	sdelay $0x3  }
0x14a: {  	v12 =	vmpcnt.ones.xlane vm1;
	_ =	sdelay $0x1  }
0x14b: {  	v12 =	vadd.s32 v14, v12;
	v13, _, _ =	vpop (xrf0)  }
0x14c: {  	v13 =	vadd.s32 v13, v12  }
0x14d: {  	v13 =	vadd.s32 $0xFFFFFFFF, v13;
	_ =	sdelay $0x1  }
.Ltmp6:
0x14e: {  	(pc) =	sbr.rel @p0 .LBB2_10-.Ltmp6, $3  }
0x14f: {  	_ =	sdelay $0x1  }
0x150: {  	[tilespmem:v13+s18+$0x0] =	vst.idx.msk vm0, v15  }
0x151: {  	v13 =	vld [tilespmem:s26+$0x20]  }
.LBB2_11:
0x152: {  	_ =	sdelay $0x3  }
0x153: {  	vm1 =	vle.f32 v13, v11  }
0x154: {  	v14 =	vsel vm1, $0x1, v5  }
0x155: {  	(xrf0) =	vadd.scan.msk.s32 $0xffff, v14;
	_ =	sdelay $0x1  }
0x156: {  	v14 =	vmpcnt.ones.xlane vm0;
	_ =	sdelay $0x3  }
0x157: {  	v12 =	vadd.s32 v12, v14;
	v14, _, _ =	vpop (xrf0)  }
0x158: {  	v14 =	vadd.s32 v14, v12  }
0x159: {  	v14 =	vadd.s32 $0xFFFFFFFF, v14;
	_ =	sdelay $0x4  }
0x15a: {  	[tilespmem:v14+s18+$0x0] =	vst.idx.msk vm1, v13  }
0x15b: {  	v13 =	vld [tilespmem:s24+$0x30];
	_ =	sdelay $0x4  }
0x15c: {  	vm15 =	vle.f32 v13, v11  }
0x15d: {  	v14 =	vsel vm15, $0x1, v5  }
0x15e: {  	(xrf0) =	vadd.scan.msk.s32 $0xffff, v14;
	_ =	sdelay $0x1  }
0x15f: {  	v14 =	vmpcnt.ones.xlane vm1;
	_ =	sdelay $0x3  }
0x160: {  	v12 =	vadd.s32 v12, v14;
	v14, _, _ =	vpop (xrf0)  }
0x161: {  	v14 =	vadd.s32 v14, v12  }
0x162: {  	v14 =	vadd.s32 $0xFFFFFFFF, v14;
	_ =	sdelay $0x2  }
0x163: {  	v15 =	vmpcnt.ones.xlane vm15;
	_ =	sdelay $0x1  }
0x164: {  	v12 =	vadd.s32 v12, v15;
	[tilespmem:v14+s18+$0x0] =	vst.idx.msk vm15, v13  }
.LBB2_6:
0x165: {  	s0 =	ssub.s32 s22, s23  }
0x166: {  	p0 =	slt.s32 s0, $0x1  }
0x167: {  	s0 =	sshll.u32 @!p0 s23, $0x8  }
0x168: {  	s0 =	sshra.s32 @!p0 s0, $0x2  }
0x169: {  	v13 =	vld @!p0 [tilespmem:s0+$0x10000];
	_ =	sdelay $0x4  }
0x16a: {  	v14 =	vimm.s32 @!p0 $0x0;
	vm0 =	vle.f32 @!p0 v13, v11  }
0x16b: {  	v15 =	vsel @!p0 vm0, $0x1, v14  }
0x16c: {  	(xrf0) =	vadd.scan.msk.s32 @!p0 $0xffff, v15;
	_ =	sdelay $0x5  }
0x16d: {  	v15, _, _ =	vpop @!p0 (xrf0)  }
0x16e: {  	v15 =	vadd.s32 @!p0 v15, v12  }
0x16f: {  	v15 =	vadd.s32 @!p0 $0xFFFFFFFF, v15;
	_ =	sdelay $0x3  }
0x170: {  	s1 =	simm.s32 @!p0 $0x10000  }
0x171: {  	[tilespmem:v15+s1+$0x0] =	vst.idx.msk @!p0 vm0, v13  }
0x172: {  	v13 =	vld @!p0 [tilespmem:s0+$0x10010];
	_ =	sdelay $0x4  }
0x173: {  	vm1 =	vle.f32 @!p0 v13, v11  }
0x174: {  	v15 =	vsel @!p0 vm1, $0x1, v14  }
0x175: {  	(xrf0) =	vadd.scan.msk.s32 @!p0 $0xffff, v15;
	_ =	sdelay $0x3  }
0x176: {  	v15 =	vmpcnt.ones.xlane @!p0 vm0;
	_ =	sdelay $0x1  }
0x177: {  	v15 =	vadd.s32 @!p0 v12, v15;
	v16, _, _ =	vpop @!p0 (xrf0)  }
0x178: {  	v16 =	vadd.s32 @!p0 v16, v15  }
0x179: {  	v16 =	vadd.s32 @!p0 $0xFFFFFFFF, v16;
	_ =	sdelay $0x4  }
0x17a: {  	[tilespmem:v16+s1+$0x0] =	vst.idx.msk @!p0 vm1, v13  }
0x17b: {  	v13 =	vld @!p0 [tilespmem:s0+$0x10020];
	_ =	sdelay $0x4  }
0x17c: {  	vm0 =	vle.f32 @!p0 v13, v11  }
0x17d: {  	v16 =	vsel @!p0 vm0, $0x1, v14  }
0x17e: {  	(xrf0) =	vadd.scan.msk.s32 @!p0 $0xffff, v16;
	_ =	sdelay $0x1  }
0x17f: {  	v16 =	vmpcnt.ones.xlane @!p0 vm1;
	_ =	sdelay $0x3  }
0x180: {  	v15 =	vadd.s32 @!p0 v15, v16;
	v16, _, _ =	vpop @!p0 (xrf0)  }
0x181: {  	v16 =	vadd.s32 @!p0 v16, v15  }
0x182: {  	v16 =	vadd.s32 @!p0 $0xFFFFFFFF, v16;
	_ =	sdelay $0x4  }
0x183: {  	[tilespmem:v16+s1+$0x0] =	vst.idx.msk @!p0 vm0, v13  }
0x184: {  	v13 =	vld @!p0 [tilespmem:s0+$0x10030];
	_ =	sdelay $0x4  }
0x185: {  	vm1 =	vle.f32 @!p0 v13, v11  }
0x186: {  	v11 =	vsel @!p0 vm1, $0x1, v14  }
0x187: {  	(xrf0) =	vadd.scan.msk.s32 @!p0 $0xffff, v11;
	_ =	sdelay $0x2  }
0x188: {  	v11 =	vmpcnt.ones.xlane @!p0 vm0;
	_ =	sdelay $0x1  }
0x189: {  	v11 =	vadd.s32 @!p0 v15, v11;
	v15 =	vmpcnt.ones.xlane @!p0 vm1  }
0x18a: {  	v14, _, _ =	vpop @!p0 (xrf0)  }
0x18b: {  	v14 =	vadd.s32 @!p0 v14, v11;
	v11 =	vadd.s32 @!p0 v11, v15  }
0x18c: {  	v11 =	vpsel p0, v12, v11  }
0x18d: {  	v12 =	vxor.u32 $0x80000000, v11  }
0x18e: {  	(xrf0) =	vmax.scan.msk.u32 $0xffff, v12;
	_ =	sdelay $0x5  }
0x18f: {  	v12, _, _ =	vpop (xrf0)  }
0x190: {  	(v2sf) =	vpush v12, $0xF;
	_ =	sdelay $0xd  }
0x191: {  	v14 =	vadd.s32 @!p0 $0xFFFFFFFF, v14  }
0x192: {  	v61 =	vadd.s32 v4, v11;
	s29 =	spop (v2sf)  }
0x193: {  	v62 =	vadd.s32 v7, v11;
	s0 =	sadd.s32 $0x8000003F, s29  }
0x194: {  	v63 =	vadd.s32 v8, v11;
	s30 =	sand.u32 $0x3F, s0  }
0x195: {  	v11 =	vadd.s32 v9, v11;
	s31 =	sshra.s32 s0, $0x1F;
	p1 =	slt.s32 s0, $0x1;
	p6 =	sne.s32 s30, $0x0  }
.Ltmp7:
0x196: {  	[tilespmem:v14+s1+$0x0] =	vst.idx.msk @!p0 vm1, v13;
	s1 =	sshrl.u32 s31, $0x1A;
	p0 =	por !p1, !p6;
	(pc) =	sbr.rel .LBB2_7-.Ltmp7, $4  }
0x197: {  	[tilespmem:v61+s18+$0x0] =	vst.idx.msk $0xffff, v6;
	s0 =	sadd.s32 s1, s0;
	s1 =	simm.s32 $0x1;
	p0 =	por !p0, !p0  }
0x198: {  	[tilespmem:v62+s18+$0x0] =	vst.idx.msk $0xffff, v6;
	s0 =	sshra.s32 s0, $0x6;
	s1 =	simm.s32 @!p0 $0x0  }
0x199: {  	[tilespmem:v63+s18+$0x0] =	vst.idx.msk $0xffff, v6;
	s22 =	ssub.s32 s0, s1  }
0x19a: {  	[tilespmem:v11+s18+$0x0] =	vst.idx.msk $0xffff, v6;
	v11 =	vimm.s32 $0x0;
	s0 =	simm.s32 $0x0;
	p0 =	slt.s32 s22, $0x1  }
.LBB2_8:
0x19b: {  	v11 =	vmov v12  }
.LBB2_15:
0x19c: {  	s0 =	sadd.s32 $0x1, s0  }
0x19d: {  	p1 =	sne.s32 s0, $0x1F  }
.Ltmp8:
0x19e: {  	_ = 	snop;
	(pc) =	sbr.rel @!p1 .LBB2_16-.Ltmp8, $1  }
0x19f: {  	_ =	sdelay $0x3  }
.LBB2_7:
.Ltmp9:
0x1a0: {  	s1 =	ssub.s32 $0x1E, s0;
	(pc) =	sbr.rel @p0 .LBB2_8-.Ltmp9, $3  }
0x1a1: {  	v12 =	vshll.u32 v10, s1  }
0x1a2: {  	v12 =	vbroadcast v12, $0x0;
	_ =	sdelay $0x1  }
0x1a3: {  	s3 =	simm.s32 $0x10020;
	v12 =	vor.u32 v11, v12  }
0x1a4: {  	v16 =	vld [tilespmem:s3+$0xFFFFFFE0];
	p1 =	sne.s32 s22, $0x1  }
.Ltmp10:
0x1a5: {  	v14 =	vld [tilespmem:s3+$0xFFFFFFF0];
	(pc) =	sbr.rel @!p1 .LBB2_14-.Ltmp10, $3  }
0x1a6: {  	v15 =	vld [tilespmem:s3+$0x0]  }
0x1a7: {  	v13 =	vld [tilespmem:s3+$0x10];
	_ =	sdelay $0x1  }
0x1a8: {  	s1 =	sadd.s32 $0xFFFFFFFF, s22;
	s3 =	sadd.s32 $0x40, s3;
	vm0 =	vlt.s32 v16, v12;
	v16 =	vimm.s32 $0x0  }
.LBB2_13:
0x1a9: {  	v17 =	vld [tilespmem:s3+$0xFFFFFFE0];
	p1 =	sne.s32 s1, $0x1;
	s1 =	sadd.s32 $0xFFFFFFFF, s1;
	v18 =	vmpcnt.ones.xlane vm0;
	vm0 =	vlt.s32 v14, v12  }
.Ltmp11:
0x1aa: {  	v14 =	vld [tilespmem:s3+$0xFFFFFFF0];
	v19 =	vmpcnt.ones.xlane vm0;
	vm0 =	vlt.s32 v15, v12;
	(pc) =	sbr.rel @p1 .LBB2_13-.Ltmp11, $4  }
0x1ab: {  	v15 =	vld [tilespmem:s3+$0x0];
	v16 =	vadd.s32 v16, v18;
	v18 =	vmpcnt.ones.xlane vm0;
	vm0 =	vlt.s32 v13, v12  }
0x1ac: {  	v13 =	vld [tilespmem:s3+$0x10];
	v16 =	vadd.s32 v19, v16;
	v19 =	vmpcnt.ones.xlane vm0  }
0x1ad: {  	v16 =	vadd.s32 v18, v16  }
0x1ae: {  	s3 =	sadd.s32 $0x40, s3;
	vm0 =	vlt.s32 v17, v12;
	v16 =	vadd.s32 v19, v16  }
.LBB2_14:
0x1af: {  	v17 =	vmpcnt.ones.xlane vm0;
	vm12 =	vlt.s32 v14, v12  }
0x1b0: {  	v14 =	vmpcnt.ones.xlane vm12;
	vm13 =	vlt.s32 v15, v12  }
0x1b1: {  	v60 =	vadd.s32 v16, v17;
	v61 =	vmpcnt.ones.xlane vm13;
	vm14 =	vlt.s32 v13, v12  }
.Ltmp12:
0x1b2: {  	v62 =	vadd.s32 v14, v60;
	v63 =	vmpcnt.ones.xlane vm14;
	(pc) =	sbr.rel .LBB2_15-.Ltmp12, $4  }
0x1b3: {  	v13 =	vadd.s32 v61, v62  }
0x1b4: {  	v13 =	vadd.s32 v63, v13  }
0x1b5: {  	vm15 =	vgt.s32 v13, $0x3F  }
0x1b6: {  	v11 =	vsel vm15, v11, v12  }
.LBB2_16:
0x1b7: {  	s0 =	sshrl.u32 s22, $0x1F  }
0x1b8: {  	s0 =	sadd.s32 s0, s22  }
0x1b9: {  	s23 =	sand.u32 $0xFFFFFFFE, s0  }
0x1ba: {  	p0 =	slt.s32 s23, $0x1  }
.Ltmp13:
0x1bb: {  	_ = 	snop;
	(pc) =	sbr.rel @p0 .LBB2_17-.Ltmp13, $1  }
0x1bc: {  	_ =	sdelay $0x3  }
0x1bd: {  	s0 =	simm.s32 $0x10040  }
0x1be: {  	v16 =	vld [tilespmem:s0+$0xFFFFFFC0];
	_ =	sdelay $0x1  }
0x1bf: {  	v17 =	vld [tilespmem:s0+$0xFFFFFFD0];
	_ =	sdelay $0x1  }
0x1c0: {  	v18 =	vld [tilespmem:s0+$0xFFFFFFE0]  }
0x1c1: {  	v19 =	vld [tilespmem:s0+$0xFFFFFFF0];
	vm2 =	vgt.s32 v11, v16  }
0x1c2: {  	v14 =	vimm.f32 $0.0e+00;
	v12 =	vld [tilespmem:s0+$0x30];
	v16 =	vnsel vm2, $0x0, v16  }
0x1c3: {  	v20 =	vld [tilespmem:s0+$0x0];
	vm3 =	vgt.s32 v11, v17;
	v16 =	vadd.f32 v16, v14  }
0x1c4: {  	v13 =	vld [tilespmem:s0+$0x20];
	v17 =	vnsel vm3, $0x0, v17  }
0x1c5: {  	vm4 =	vgt.s32 v11, v18;
	v14 =	vld [tilespmem:s0+$0x10];
	v16 =	vadd.f32 v17, v16  }
0x1c6: {  	v15 =	vimm.s32 $0x0;
	p0 =	sgt.s32 s23, $0x2;
	vm5 =	vgt.s32 v11, v19;
	v17 =	vnsel vm4, $0x0, v18  }
.Ltmp14:
0x1c7: {  	vm0 =	vgt.s32 v11, v12;
	v18 =	vnsel vm5, $0x0, v19;
	v16 =	vadd.f32 v17, v16;
	(pc) =	sbr.rel @!p0 .LBB2_28-.Ltmp14, $4  }
0x1c8: {  	v19 =	vmpcnt.ones.xlane vm3;
	vm3 =	vgt.s32 v11, v20;
	v17 =	vmpcnt.ones.xlane vm2  }
0x1c9: {  	vm1 =	vgt.s32 v11, v13;
	v20 =	vnsel vm3, $0x0, v20;
	v21 =	vadd.f32 v18, v16  }
0x1ca: {  	vm2 =	vgt.s32 v11, v14;
	v15 =	vadd.s32 v15, v17;
	v16 =	vmpcnt.ones.xlane vm4  }
0x1cb: {  	s1 =	simm.s32 $0x100C0;
	s0 =	simm.s32 $0x2;
	v17 =	vmpcnt.ones.xlane vm5;
	v18 =	vadd.s32 v19, v15;
	v15 =	vadd.f32 v20, v21  }
.LBB2_27:
0x1cc: {  	v19 =	vld [tilespmem:s1+$0xFFFFFFC0];
	s0 =	sadd.s32 $0x2, s0;
	v16 =	vadd.s32 v16, v18;
	v18 =	vmpcnt.ones.xlane vm3;
	v14 =	vnsel vm2, $0x0, v14  }
0x1cd: {  	p0 =	slt.s32 s0, s23;
	v16 =	vadd.s32 v17, v16;
	v17 =	vmpcnt.ones.xlane vm2;
	v14 =	vadd.f32 v14, v15  }
0x1ce: {  	v13 =	vnsel vm1, $0x0, v13;
	v15 =	vld [tilespmem:s1+$0xFFFFFFD0];
	v16 =	vadd.s32 v18, v16;
	v18 =	vmpcnt.ones.xlane vm1  }
0x1cf: {  	v20 =	vld [tilespmem:s1+$0x30];
	v16 =	vadd.s32 v17, v16;
	v14 =	vadd.f32 v13, v14;
	v17 =	vmpcnt.ones.xlane vm0  }
0x1d0: {  	v12 =	vnsel vm0, $0x0, v12;
	v21 =	vld [tilespmem:s1+$0xFFFFFFE0];
	v16 =	vadd.s32 v18, v16  }
0x1d1: {  	vm2 =	vgt.s32 v11, v19;
	v13 =	vld [tilespmem:s1+$0x20];
	v16 =	vadd.s32 v17, v16;
	v22 =	vadd.f32 v12, v14  }
0x1d2: {  	v14 =	vnsel vm2, $0x0, v19;
	v17 =	vld [tilespmem:s1+$0xFFFFFFF0]  }
0x1d3: {  	v18 =	vadd.f32 v14, v22;
	vm3 =	vgt.s32 v11, v15;
	v14 =	vld [tilespmem:s1+$0x10]  }
0x1d4: {  	v15 =	vnsel vm3, $0x0, v15;
	v19 =	vld [tilespmem:s1+$0x0];
	v12 =	vmov v20  }
0x1d5: {  	v15 =	vadd.f32 v15, v18;
	vm4 =	vgt.s32 v11, v21  }
0x1d6: {  	vm0 =	vgt.s32 v11, v12;
	v18 =	vnsel vm4, $0x0, v21  }
.Ltmp15:
0x1d7: {  	vm1 =	vgt.s32 v11, v13;
	v15 =	vadd.f32 v18, v15;
	vm5 =	vgt.s32 v11, v17;
	(pc) =	sbr.rel @p0 .LBB2_27-.Ltmp15, $4  }
0x1d8: {  	v18 =	vmpcnt.ones.xlane vm2;
	v17 =	vnsel vm5, $0x0, v17;
	vm2 =	vgt.s32 v11, v14  }
0x1d9: {  	v20 =	vmpcnt.ones.xlane vm3;
	v15 =	vadd.f32 v17, v15;
	vm3 =	vgt.s32 v11, v19  }
0x1da: {  	v17 =	vadd.s32 v16, v18;
	v16 =	vmpcnt.ones.xlane vm4;
	v19 =	vnsel vm3, $0x0, v19  }
0x1db: {  	s1 =	sadd.s32 $0x80, s1;
	v18 =	vadd.s32 v20, v17;
	v17 =	vmpcnt.ones.xlane vm5;
	v15 =	vadd.f32 v19, v15  }
.LBB2_28:
0x1dc: {  	v16 =	vadd.s32 v16, v18;
	v61 =	vmpcnt.ones.xlane vm3;
	v14 =	vnsel vm2, $0x0, v14  }
.Ltmp16:
0x1dd: {  	v62 =	vmpcnt.ones.xlane vm2;
	v16 =	vadd.s32 v17, v16;
	v14 =	vadd.f32 v14, v15;
	(pc) =	sbr.rel .LBB2_18-.Ltmp16, $4  }
0x1de: {  	v63 =	vmpcnt.ones.xlane vm1;
	v13 =	vnsel vm1, $0x0, v13;
	v15 =	vadd.s32 v61, v16  }
0x1df: {  	v15 =	vadd.s32 v62, v15;
	v14 =	vadd.f32 v13, v14;
	v13 =	vmpcnt.ones.xlane vm0  }
0x1e0: {  	v12 =	vnsel vm0, $0x0, v12;
	v15 =	vadd.s32 v63, v15  }
0x1e1: {  	v13 =	vadd.s32 v13, v15;
	v12 =	vadd.f32 v12, v14  }
.LBB2_17:
0x1e2: {  	v12 =	vimm.f32 $0.0e+00;
	v13 =	vimm.s32 $0x0  }
.LBB2_18:
0x1e3: {  	s0 =	ssub.s32 s22, s23  }
0x1e4: {  	p0 =	slt.s32 s0, $0x1  }
0x1e5: {  	s0 =	sshll.u32 @!p0 s23, $0x8  }
0x1e6: {  	s0 =	sshra.s32 @!p0 s0, $0x2  }
0x1e7: {  	v14 =	vld @!p0 [tilespmem:s0+$0x10000];
	_ =	sdelay $0x1  }
0x1e8: {  	v15 =	vld @!p0 [tilespmem:s0+$0x10010];
	_ =	sdelay $0x1  }
0x1e9: {  	v16 =	vld @!p0 [tilespmem:s0+$0x10020]  }
0x1ea: {  	vm0 =	vgt.s32 @!p0 v11, v14  }
0x1eb: {  	v17 =	vld @!p0 [tilespmem:s0+$0x10030];
	v14 =	vnsel @!p0 vm0, $0x0, v14  }
0x1ec: {  	vm1 =	vgt.s32 @!p0 v11, v15;
	v14 =	vadd.f32 @!p0 v14, v12  }
0x1ed: {  	v15 =	vnsel @!p0 vm1, $0x0, v15  }
0x1ee: {  	_ =	swait.ge [sflag:s16], $0x8000;
	v18 =	vmpcnt.ones.xlane @!p0 vm0;
	vm0 =	vgt.s32 @!p0 v11, v16;
	v14 =	vadd.f32 @!p0 v15, v14  }
0x1ef: {  	[sflag:s16] =	ssyncset.done $0x0;
	v19 =	vmpcnt.ones.xlane @!p0 vm0;
	v16 =	vnsel @!p0 vm0, $0x0, v16  }
0x1f0: {  	[sflag:s16] =	ssyncadd.s32 $0xFFFF8000;
	vm0 =	vgt.s32 @!p0 v11, v17;
	v15 =	vmpcnt.ones.xlane @!p0 vm1;
	v14 =	vadd.f32 @!p0 v16, v14  }
0x1f1: {  	_ =	swait.ge [sflag:s17], $0x8000;
	v17 =	vnsel @!p0 vm0, $0x0, v17;
	v16 =	vadd.s32 @!p0 v13, v18  }
0x1f2: {  	[sflag:s17] =	ssyncset.done $0x0;
	v18 =	vmpcnt.ones.xlane @!p0 vm0;
	v15 =	vadd.s32 @!p0 v15, v16;
	v14 =	vadd.f32 @!p0 v17, v14  }
0x1f3: {  	s30 =	simm.s32 $0x8040;
	[sflag:s17] =	ssyncadd.s32 $0xFFFF8000;
	v15 =	vadd.s32 @!p0 v19, v15  }
0x1f4: {  	s19 =	simm.s32 $0x40;
	v15 =	vadd.s32 @!p0 v18, v15;
	v12 =	vpsel p0, v12, v14;
	v14 =	vld [tilespmem:s30+$0xFFFFFFC0]  }
0x1f5: {  	v13 =	vpsel p0, v13, v15;
	v15 =	vld [tilespmem:s19+$0xFFFFFFC0];
	_ =	sdelay $0x3  }
0x1f6: {  	v16 =	vld [tilespmem:s30+$0x0]  }
0x1f7: {  	v17 =	vld [tilespmem:s19+$0x0];
	v14 =	vsub.f32 v15, v14;
	_ =	sdelay $0x1  }
0x1f8: {  	s24 =	simm.s32 $0x80C0;
	v15 =	vmul.f32 v14, v14  }
0x1f9: {  	s22 =	simm.s32 $0x10040;
	s25 =	simm.s32 $0xC0;
	v20 =	vld [tilespmem:s24+$0xFFFFFFC0]  }
0x1fa: {  	v21 =	vld [tilespmem:s25+$0xFFFFFFC0];
	[tilespmem:s22+$0xFFFFFFC0] =	vst v15  }
0x1fb: {  	v16 =	vsub.f32 v17, v16;
	v18 =	vld [tilespmem:s19+$0xFFFFFFD0]  }
0x1fc: {  	s28 =	simm.s32 $0x140;
	v19 =	vld [tilespmem:s30+$0xFFFFFFD0]  }
0x1fd: {  	s29 =	simm.s32 $0x81C0;
	v24 =	vld [tilespmem:s28+$0xFFFFFFC0];
	v16 =	vmul.f32 v16, v16  }
0x1fe: {  	v31 =	vld [tilespmem:s29+$0xFFFFFFC0]  }
0x1ff: {  	v17 =	vld [tilespmem:s25+$0x0];
	[tilespmem:s22+$0x0] =	vst v16  }
0x200: {  	v22 =	vld [tilespmem:s19+$0x10]  }
0x201: {  	v23 =	vld [tilespmem:s30+$0x10];
	v18 =	vsub.f32 v18, v19  }
0x202: {  	s0 =	simm.s32 $0x1C0;
	v14 =	vld [tilespmem:s24+$0x0]  }
0x203: {  	v33 =	vld [tilespmem:s0+$0x0];
	v20 =	vsub.f32 v21, v20;
	v18 =	vmul.f32 v18, v18  }
0x204: {  	v35 =	vld [tilespmem:s0+$0xFFFFFFC0]  }
0x205: {  	v21 =	vld [tilespmem:s28+$0x0];
	v25 =	vmul.f32 v20, v20;
	[tilespmem:s22+$0xFFFFFFD0] =	vst v18  }
0x206: {  	s23 =	simm.s32 $0x100C0;
	v20 =	vsub.f32 v22, v23;
	v22 =	vld [tilespmem:s30+$0xFFFFFFE0]  }
0x207: {  	[tilespmem:s23+$0xFFFFFFC0] =	vst v25;
	v14 =	vsub.f32 v17, v14;
	v23 =	vld [tilespmem:s19+$0xFFFFFFE0]  }
0x208: {  	s26 =	simm.s32 $0x8140;
	v29 =	vld [tilespmem:s24+$0xFFFFFFD0]  }
0x209: {  	v17 =	vld [tilespmem:s26+$0xFFFFFFC0];
	v19 =	vmul.f32 v14, v14  }
0x20a: {  	v14 =	vld [tilespmem:s26+$0x0];
	v28 =	vmul.f32 v20, v20  }
0x20b: {  	v20 =	vld [tilespmem:s25+$0xFFFFFFD0];
	[tilespmem:s23+$0x0] =	vst v19  }
0x20c: {  	[tilespmem:s22+$0x10] =	vst v28;
	v26 =	vld [tilespmem:s25+$0x10];
	v22 =	vsub.f32 v23, v22  }
0x20d: {  	v30 =	vld [tilespmem:s30+$0x20]  }
0x20e: {  	v17 =	vsub.f32 v24, v17;
	v23 =	vld [tilespmem:s19+$0x20];
	v32 =	vmul.f32 v22, v22  }
0x20f: {  	v27 =	vld [tilespmem:s24+$0x10]  }
0x210: {  	v17 =	vmul.f32 v17, v17;
	v14 =	vsub.f32 v21, v14;
	v21 =	vld [tilespmem:s29+$0x0];
	[tilespmem:s22+$0xFFFFFFE0] =	vst v32  }
0x211: {  	s1 =	simm.s32 $0x10140;
	v20 =	vsub.f32 v20, v29;
	v29 =	vld [tilespmem:s19+$0xFFFFFFF0]  }
0x212: {  	[tilespmem:s1+$0xFFFFFFC0] =	vst v17;
	v34 =	vmul.f32 v14, v14;
	v14 =	vimm.f32 $+Inf;
	v36 =	vld [tilespmem:s30+$0xFFFFFFF0]  }
0x213: {  	v24 =	vld [tilespmem:s28+$0xFFFFFFD0];
	v18 =	vmin.f32 v14, v18;
	v23 =	vsub.f32 v23, v30;
	v30 =	vmul.f32 v20, v20  }
0x214: {  	v15 =	vmin.f32 v14, v15;
	[tilespmem:s1+$0x0] =	vst v34;
	v18 =	vmin.f32 v18, v28;
	v28 =	vld [tilespmem:s26+$0xFFFFFFD0]  }
0x215: {  	v15 =	vmin.f32 v15, v16;
	v22 =	vld [tilespmem:s26+$0x10];
	[tilespmem:s23+$0xFFFFFFD0] =	vst v30;
	v37 =	vmul.f32 v23, v23  }
0x216: {  	v16 =	vsub.f32 v26, v27;
	v15 =	vmin.f32 v15, v25;
	v25 =	vld [tilespmem:s24+$0xFFFFFFE0]  }
0x217: {  	v15 =	vmin.f32 v15, v19;
	v27 =	vld [tilespmem:s25+$0xFFFFFFE0];
	[tilespmem:s22+$0x20] =	vst v37;
	v23 =	vsub.f32 v29, v36  }
0x218: {  	v26 =	vmul.f32 v16, v16;
	v15 =	vmin.f32 v15, v17;
	v19 =	vld [tilespmem:s19+$0x30]  }
0x219: {  	v16 =	vmin.f32 v18, v30;
	v30 =	vsub.f32 v35, v31;
	v18 =	vmul.f32 v23, v23;
	v23 =	vld [tilespmem:s30+$0x30]  }
0x21a: {  	s3 =	simm.s32 $0x8240;
	v17 =	vmin.f32 v15, v34;
	[tilespmem:s23+$0x10] =	vst v26;
	v15 =	vmin.f32 v14, v32;
	v20 =	vld [tilespmem:s28+$0x10];
	v29 =	vsub.f32 v33, v21  }
0x21b: {  	s31 =	simm.s32 $0x1C0;
	v16 =	vmin.f32 v16, v26;
	v26 =	vld [tilespmem:s24+$0x20];
	v15 =	vmin.f32 v15, v37;
	s19 =	simm.s32 $0x6;
	v21 =	vmul.f32 v30, v30;
	s30 =	simm.s32 $0x10140;
	[tilespmem:s22+$0xFFFFFFF0] =	vst v18  }
.LBB2_19:
0x21c: {  	s19 =	sadd.s32 $0x2, s19;
	v29 =	vmul.f32 v29, v29;
	s0 =	sadd.s32 $0x80, s0;
	s1 =	sadd.s32 $0x80, s1;
	v25 =	vsub.f32 v27, v25;
	v27 =	vld [tilespmem:s25+$0x20]  }
0x21d: {  	v30 =	vld [tilespmem:s3+$0xFFFFFFC0];
	p0 =	slt.u32 s19, $0x1FE;
	v17 =	vmin.f32 v17, v21  }
0x21e: {  	v31 =	vld [tilespmem:s3+$0x0];
	v17 =	vmin.f32 v17, v29;
	v32 =	vmul.f32 v25, v25;
	v19 =	vsub.f32 v19, v23  }
0x21f: {  	v33 =	vld [tilespmem:s0+$0x0]  }
0x220: {  	v24 =	vsub.f32 v24, v28;
	v23 =	vld [tilespmem:s0+$0xFFFFFFC0];
	[tilespmem:s23+$0xFFFFFFE0] =	vst v32;
	v19 =	vmul.f32 v19, v19  }
0x221: {  	v22 =	vsub.f32 v20, v22;
	v14 =	vmin.f32 v14, v18;
	[tilespmem:s1+$0x0] =	vst v29;
	v28 =	vld [tilespmem:s25+$0xFFFFFFF0];
	v25 =	vsub.f32 v27, v26  }
0x222: {  	v18 =	vmul.f32 v24, v24;
	v26 =	vld [tilespmem:s24+$0xFFFFFFF0];
	[tilespmem:s22+$0x30] =	vst v19;
	v14 =	vmin.f32 v14, v19;
	s22 =	smov.u32 s23;
	s23 =	smov.u32 s30;
	s30 =	smov.u32 s1  }
0x223: {  	v19 =	vmul.f32 v22, v22;
	[tilespmem:s1+$0xFFFFFFC0] =	vst v21;
	v20 =	vld [tilespmem:s31+$0x10]  }
0x224: {  	v16 =	vmin.f32 v16, v18;
	v24 =	vld [tilespmem:s31+$0xFFFFFFD0]  }
0x225: {  	v16 =	vmin.f32 v16, v19;
	v22 =	vld [tilespmem:s29+$0x10];
	[tilespmem:s23+$0xFFFFFFD0] =	vst v18;
	v18 =	vmul.f32 v25, v25  }
0x226: {  	v15 =	vmin.f32 v15, v32;
	v25 =	vld [tilespmem:s26+$0xFFFFFFE0];
	[tilespmem:s23+$0x10] =	vst v19  }
.Ltmp17:
0x227: {  	v27 =	vld [tilespmem:s28+$0xFFFFFFE0];
	v21 =	vsub.f32 v28, v26;
	[tilespmem:s22+$0x20] =	vst v18;
	v15 =	vmin.f32 v15, v18;
	(pc) =	sbr.rel @p0 .LBB2_19-.Ltmp17, $4  }
0x228: {  	v19 =	vld [tilespmem:s25+$0x30];
	s25 =	smov.u32 s28;
	s28 =	smov.u32 s31;
	s31 =	smov.u32 s0  }
0x229: {  	v26 =	vsub.f32 v23, v30;
	v18 =	vmul.f32 v21, v21;
	v23 =	vld [tilespmem:s24+$0x30];
	s24 =	smov.u32 s26;
	s26 =	smov.u32 s29;
	s29 =	smov.u32 s3  }
0x22a: {  	v29 =	vsub.f32 v33, v31;
	v28 =	vld [tilespmem:s26+$0xFFFFFFD0]  }
0x22b: {  	v21 =	vmul.f32 v26, v26;
	s3 =	sadd.s32 $0x80, s3;
	v26 =	vld [tilespmem:s24+$0x20];
	[tilespmem:s22+$0xFFFFFFF0] =	vst v18  }
0x22c: {  	s0 =	sadd.s32 $0x80, s1  }
0x22d: {  	v29 =	vmul.f32 v29, v29;
	[tilespmem:s0+$0xFFFFFFC0] =	vst v21  }
0x22e: {  	v30 =	vld [tilespmem:s31+$0xFFFFFFD0]  }
0x22f: {  	v25 =	vsub.f32 v27, v25;
	[tilespmem:s0+$0x0] =	vst v29;
	v27 =	vld [tilespmem:s29+$0xFFFFFFD0]  }
0x230: {  	v20 =	vsub.f32 v20, v22;
	v24 =	vsub.f32 v24, v28;
	v28 =	vld [tilespmem:s31+$0x10]  }
0x231: {  	v25 =	vmul.f32 v25, v25;
	v31 =	vld [tilespmem:s29+$0x10]  }
0x232: {  	v20 =	vmul.f32 v20, v20  }
0x233: {  	[tilespmem:s23+$0xFFFFFFE0] =	vst v25;
	v22 =	vmul.f32 v24, v24;
	v24 =	vld [tilespmem:s25+$0x20]  }
0x234: {  	[tilespmem:s30+$0x10] =	vst v20;
	v32 =	vld [tilespmem:s25+$0xFFFFFFF0];
	v27 =	vsub.f32 v30, v27  }
0x235: {  	v56 =	vld [tilespmem:s26+$0x20]  }
0x236: {  	v34 =	vld [tilespmem:s28+$0x20];
	[tilespmem:s30+$0xFFFFFFD0] =	vst v22;
	v28 =	vsub.f32 v28, v31;
	v27 =	vmul.f32 v27, v27  }
0x237: {  	v55 =	vld [tilespmem:s26+$0xFFFFFFE0]  }
0x238: {  	v33 =	vld [tilespmem:s28+$0xFFFFFFE0];
	v28 =	vmul.f32 v28, v28;
	[tilespmem:s0+$0xFFFFFFD0] =	vst v27  }
0x239: {  	v24 =	vsub.f32 v24, v26;
	v26 =	vld [tilespmem:s29+$0xFFFFFFE0]  }
0x23a: {  	[tilespmem:s0+$0x10] =	vst v28;
	v35 =	vld [tilespmem:s31+$0xFFFFFFE0]  }
0x23b: {  	v31 =	vsub.f32 v34, v56;
	v24 =	vmul.f32 v24, v24;
	v57 =	vld [tilespmem:s29+$0x20]  }
0x23c: {  	v36 =	vld [tilespmem:s31+$0x20]  }
0x23d: {  	v37 =	vld [tilespmem:s24+$0xFFFFFFF0];
	v31 =	vmul.f32 v31, v31;
	v30 =	vsub.f32 v33, v55;
	[tilespmem:s23+$0x20] =	vst v24  }
0x23e: {  	v58 =	vld [tilespmem:s25+$0x30]  }
0x23f: {  	[tilespmem:s30+$0x20] =	vst v31;
	v30 =	vmul.f32 v30, v30;
	v38 =	vld [tilespmem:s24+$0x30];
	v26 =	vsub.f32 v35, v26  }
0x240: {  	v60 =	vld [tilespmem:s28+$0x30]  }
0x241: {  	v40 =	vld [tilespmem:s26+$0x30];
	[tilespmem:s30+$0xFFFFFFE0] =	vst v30;
	v33 =	vsub.f32 v36, v57;
	v26 =	vmul.f32 v26, v26  }
0x242: {  	v59 =	vld [tilespmem:s28+$0xFFFFFFF0]  }
0x243: {  	v39 =	vld [tilespmem:s26+$0xFFFFFFF0];
	v33 =	vmul.f32 v33, v33;
	[tilespmem:s0+$0xFFFFFFE0] =	vst v26  }
0x244: {  	v41 =	vld [tilespmem:s31+$0xFFFFFFF0]  }
0x245: {  	v17 =	vmin.f32 v17, v21;
	v21 =	vld [tilespmem:s29+$0xFFFFFFF0];
	[tilespmem:s0+$0x20] =	vst v33  }
0x246: {  	v14 =	vmin.f32 v14, v18;
	v19 =	vsub.f32 v19, v23;
	v16 =	vmin.f32 v16, v22;
	v22 =	vld [tilespmem:s31+$0x30]  }
0x247: {  	v17 =	vmin.f32 v17, v29;
	v16 =	vmin.f32 v16, v20;
	v18 =	vsub.f32 v32, v37;
	v20 =	vld [tilespmem:s29+$0x30]  }
0x248: {  	v15 =	vmin.f32 v15, v25;
	v19 =	vmul.f32 v19, v19;
	v23 =	vsub.f32 v58, v38  }
0x249: {  	v18 =	vmul.f32 v18, v18;
	v15 =	vmin.f32 v15, v24;
	v24 =	vsub.f32 v59, v39  }
0x24a: {  	v14 =	vmin.f32 v14, v19;
	v25 =	vsub.f32 v60, v40;
	v23 =	vmul.f32 v23, v23  }
0x24b: {  	v14 =	vmin.f32 v14, v18;
	v24 =	vmul.f32 v24, v24;
	v21 =	vsub.f32 v41, v21  }
0x24c: {  	[tilespmem:s22+$0x30] =	vst v19;
	v19 =	vmul.f32 v25, v25;
	v14 =	vmin.f32 v14, v23;
	v20 =	vsub.f32 v22, v20  }
0x24d: {  	[tilespmem:s23+$0xFFFFFFF0] =	vst v18;
	v15 =	vmin.f32 v15, v30;
	v14 =	vmin.f32 v14, v24;
	v18 =	vmul.f32 v21, v21  }
0x24e: {  	v15 =	vmin.f32 v15, v31;
	v14 =	vmin.f32 v14, v19;
	v20 =	vmul.f32 v20, v20  }
0x24f: {  	v16 =	vmin.f32 v16, v27;
	v15 =	vmin.f32 v15, v26;
	[tilespmem:s23+$0x30] =	vst v23;
	v14 =	vmin.f32 v14, v18  }
0x250: {  	v16 =	vmin.f32 v16, v28;
	v15 =	vmin.f32 v15, v33;
	[tilespmem:s30+$0x30] =	vst v19;
	v14 =	vmin.f32 v14, v20  }
0x251: {  	v16 =	vmax.f32 v17, v16;
	[tilespmem:s30+$0xFFFFFFF0] =	vst v24;
	v14 =	vmax.f32 v15, v14  }
0x252: {  	[tilespmem:s0+$0xFFFFFFF0] =	vst v18;
	v14 =	vmax.f32 v16, v14  }
0x253: {  	[tilespmem:s0+$0x30] =	vst v20;
	v15 =	vperm.xlane v14, v0  }
0x254: {  	[tilespmem:s2], [sflag:$0x1] =	stream.strided.gather [hbm4b:s7+s13], $0x8000, s14, s13, $0x38;
	[tilespmem:$0x18100] =	vst v63  }
0x255: {  	s31 =	simm.s32 $0x10040;
	v14 =	vmax.f32 v14, v15  }
0x256: {  	[tilespmem:s15], [sflag:$0x2] =	stream.strided.gather [hbm4b:s8+s13], $0x8000, s14, s13, $0x38;
	v15 =	vperm.xlane v14, v1;
	[tilespmem:$0x18100] =	vst v63  }
0x257: {  	v16 =	vld [tilespmem:s31+$0x30]  }
0x258: {  	v18 =	vld [tilespmem:s31+$0x20];
	v14 =	vmax.f32 v14, v15  }
0x259: {  	v21 =	vld [tilespmem:s31+$0x0];
	v17 =	vperm.xlane v14, v2  }
0x25a: {  	v20 =	vld [tilespmem:s31+$0x10]  }
0x25b: {  	v15 =	vld [tilespmem:s31+$0xFFFFFFF0];
	v14 =	vmax.f32 v14, v17  }
0x25c: {  	v17 =	vld [tilespmem:s31+$0xFFFFFFE0];
	v19 =	vperm.xlane v14, v3  }
0x25d: {  	v22 =	vld [tilespmem:s31+$0xFFFFFFC0]  }
0x25e: {  	v14 =	vmax.f32 v14, v19;
	v19 =	vld [tilespmem:s31+$0xFFFFFFD0]  }
0x25f: {  	v24 =	vimm.s32 $0x0;
	vm0 =	vle.f32 v18, v14;
	vm1 =	vle.f32 v16, v14  }
0x260: {  	vm2 =	vle.f32 v15, v14;
	vm3 =	vle.f32 v21, v14;
	vm4 =	vle.f32 v20, v14  }
0x261: {  	vm5 =	vle.f32 v17, v14;
	v26 =	vmpcnt.ones.xlane vm0;
	v25 =	vmpcnt.ones.xlane vm1  }
0x262: {  	vm0 =	vle.f32 v22, v14;
	v27 =	vmpcnt.ones.xlane vm2;
	v28 =	vmpcnt.ones.xlane vm3  }
0x263: {  	v61 =	vmpcnt.ones.xlane vm4;
	v29 =	vmpcnt.ones.xlane vm5;
	vm1 =	vle.f32 v19, v14  }
0x264: {  	v23 =	vadd.s32 v4, v24;
	v62 =	vmpcnt.ones.xlane vm0;
	v63 =	vmpcnt.ones.xlane vm1  }
0x265: {  	vm5 =	vgt.s32 v27, $0x0;
	vm3 =	vgt.s32 v28, $0x0;
	vm2 =	vgt.s32 v26, $0x0  }
0x266: {  	vm4 =	vgt.s32 v61, $0x0;
	vm6 =	vgt.s32 v62, $0x0;
	vm0 =	vgt.s32 v63, $0x0  }
0x267: {  	s1 =	simm.s32 $0x100C0;
	s0 =	simm.s32 $0x0;
	v26 =	vsel vm6, $0x10, v5;
	vm1 =	vgt.s32 v29, $0x0;
	v27 =	vsel vm0, $0x10, v5  }
.LBB2_21:
0x268: {  	v28 =	vld [tilespmem:s1+$0x30];
	v29 =	vsel vm1, $0x10, v5;
	v27 =	vadd.s32 v26, v27;
	v30 =	vsel vm2, $0x10, v5  }
0x269: {  	v32 =	vsel vm3, $0x10, v5;
	v33 =	vsel vm4, $0x10, v5;
	v31 =	vld [tilespmem:s1+$0x20];
	v29 =	vadd.s32 v27, v29  }
0x26a: {  	s0 =	sadd.s32 $0x2, s0;
	v35 =	vsel vm5, $0x10, v5;
	v33 =	vadd.s32 v32, v33;
	v34 =	vld [tilespmem:s1+$0xFFFFFFF0];
	v24 =	vadd.s32 v24, v29  }
0x26b: {  	vm7 =	vgt.s32 v25, $0x0;
	p0 =	slt.u32 s0, $0x1FE;
	v25 =	vadd.s32 v33, v30;
	v36 =	vld [tilespmem:s1+$0x0];
	v24 =	vadd.s32 v35, v24  }
0x26c: {  	v30 =	vld [tilespmem:s1+$0x10];
	[tilespmem:v23+s18+$0x0] =	vst.idx.msk vm6, v22;
	v22 =	vsel vm7, $0x10, v5;
	v35 =	vadd.s32 v4, v24;
	v24 =	vadd.s32 v24, v25  }
0x26d: {  	v37 =	vld [tilespmem:s1+$0xFFFFFFE0];
	v32 =	vadd.s32 v35, v32;
	v33 =	vadd.s32 v35, v33;
	v24 =	vadd.s32 v22, v24  }
0x26e: {  	v29 =	vadd.s32 v23, v29;
	v39 =	vadd.s32 v35, v25;
	v22 =	vld [tilespmem:s1+$0xFFFFFFC0];
	v38 =	vadd.s32 v4, v24  }
0x26f: {  	v26 =	vadd.s32 v23, v26;
	vm8 =	vmmov vm5;
	v27 =	vadd.s32 v23, v27;
	v40 =	vld [tilespmem:s1+$0xFFFFFFD0];
	v23 =	vmovc v38  }
0x270: {  	vm6 =	vle.f32 v28, v14;
	vm5 =	vle.f32 v31, v14  }
0x271: {  	vm9 =	vle.f32 v34, v14;
	vm10 =	vle.f32 v36, v14;
	vm11 =	vle.f32 v30, v14  }
0x272: {  	v25 =	vmpcnt.ones.xlane vm6;
	v38 =	vmpcnt.ones.xlane vm5;
	vm12 =	vle.f32 v37, v14;
	[tilespmem:v35+s18+$0x0] =	vst.idx.msk vm3, v21;
	v21 =	vmovc v36  }
0x273: {  	v35 =	vmpcnt.ones.xlane vm9;
	v36 =	vmpcnt.ones.xlane vm10;
	vm3 =	vle.f32 v22, v14;
	[tilespmem:v32+s18+$0x0] =	vst.idx.msk vm4, v20;
	v20 =	vmovc v30  }
.Ltmp18:
0x274: {  	v30 =	vmpcnt.ones.xlane vm12;
	v32 =	vmpcnt.ones.xlane vm11;
	vm4 =	vle.f32 v40, v14;
	[tilespmem:v33+s18+$0x0] =	vst.idx.msk vm2, v18;
	v18 =	vmovc v31;
	(pc) =	sbr.rel @p0 .LBB2_21-.Ltmp18, $4  }
0x275: {  	v31 =	vmpcnt.ones.xlane vm3;
	v33 =	vmpcnt.ones.xlane vm4;
	[tilespmem:v39+s18+$0x0] =	vst.idx.msk vm7, v16;
	v16 =	vmov v28  }
0x276: {  	vm5 =	vgt.s32 v35, $0x0;
	vm3 =	vgt.s32 v36, $0x0;
	vm2 =	vgt.s32 v38, $0x0;
	[tilespmem:v26+s18+$0x0] =	vst.idx.msk vm0, v19;
	v19 =	vmovc v40  }
0x277: {  	vm4 =	vgt.s32 v32, $0x0;
	vm6 =	vgt.s32 v31, $0x0;
	vm0 =	vgt.s32 v33, $0x0;
	[tilespmem:v27+s18+$0x0] =	vst.idx.msk vm1, v17;
	v17 =	vmovc v37  }
0x278: {  	s1 =	sadd.s32 $0x80, s1;
	v26 =	vsel vm6, $0x10, v5;
	vm1 =	vgt.s32 v30, $0x0;
	v27 =	vsel vm0, $0x10, v5;
	[tilespmem:v29+s18+$0x0] =	vst.idx.msk vm8, v15;
	v15 =	vmovc v34  }
0x279: {  	v28 =	vsel vm1, $0x10, v5;
	v27 =	vadd.s32 v26, v27;
	v29 =	vsel vm2, $0x10, v5  }
0x27a: {  	v30 =	vsel vm3, $0x10, v5;
	v31 =	vsel vm4, $0x10, v5;
	v28 =	vadd.s32 v27, v28  }
0x27b: {  	v32 =	vsel vm5, $0x10, v5;
	v31 =	vadd.s32 v30, v31;
	v24 =	vadd.s32 v24, v28  }
0x27c: {  	vm7 =	vgt.s32 v25, $0x0;
	v57 =	vadd.s32 v31, v29;
	v24 =	vadd.s32 v32, v24  }
0x27d: {  	v58 =	vsel vm7, $0x10, v5;
	v32 =	vadd.s32 v24, v57  }
0x27e: {  	v29 =	vadd.s32 v58, v32  }
0x27f: {  	v32 =	vxor.u32 $0x80000000, v29  }
0x280: {  	(xrf0) =	vmax.scan.msk.u32 $0xffff, v32;
	_ =	sdelay $0x5  }
0x281: {  	v32, _, _ =	vpop (xrf0)  }
0x282: {  	(v2sf) =	vpush v32, $0xF;
	_ =	sdelay $0xe  }
0x283: {  	s0 =	spop (v2sf)  }
0x284: {  	v24 =	vadd.s32 v4, v24;
	s0 =	sadd.s32 $0x8000003F, s0  }
0x285: {  	v30 =	vadd.s32 v24, v30;
	s1 =	sand.u32 $0x3F, s0  }
0x286: {  	v31 =	vadd.s32 v24, v31;
	s31 =	sshra.s32 s0, $0x1F;
	p1 =	slt.s32 s0, $0x1;
	p0 =	sne.s32 s1, $0x0  }
0x287: {  	v25 =	vadd.s32 v24, v57;
	s1 =	sshrl.u32 s31, $0x1A;
	p0 =	por !p1, !p0  }
0x288: {  	[tilespmem:v23+s18+$0x0] =	vst.idx.msk vm6, v22;
	v59 =	vadd.s32 v23, v26;
	s0 =	sadd.s32 s1, s0;
	s1 =	simm.s32 $0x1;
	p0 =	por !p0, !p0  }
0x289: {  	vm15 =	vmmov vm5;
	v60 =	vadd.s32 v23, v27;
	[tilespmem:v24+s18+$0x0] =	vst.idx.msk vm3, v21;
	s0 =	sshra.s32 s0, $0x6;
	s1 =	simm.s32 @!p0 $0x0  }
0x28a: {  	v61 =	vadd.s32 v23, v28;
	[tilespmem:v30+s18+$0x0] =	vst.idx.msk vm4, v20;
	s22 =	ssub.s32 s0, s1  }
0x28b: {  	v62 =	vadd.s32 v4, v29;
	[tilespmem:v31+s18+$0x0] =	vst.idx.msk vm2, v18;
	s0 =	sshrl.u32 s22, $0x1F  }
0x28c: {  	[tilespmem:v25+s18+$0x0] =	vst.idx.msk vm7, v16;
	v16 =	vadd.s32 v7, v29;
	s0 =	sadd.s32 s0, s22  }
0x28d: {  	[tilespmem:v59+s18+$0x0] =	vst.idx.msk vm0, v19;
	v63 =	vadd.s32 v8, v29;
	s23 =	sand.u32 $0xFFFFFFFE, s0  }
0x28e: {  	[tilespmem:v60+s18+$0x0] =	vst.idx.msk vm1, v17;
	v17 =	vadd.s32 v9, v29;
	p0 =	slt.s32 s23, $0x1  }
.Ltmp19:
0x28f: {  	[tilespmem:v61+s18+$0x0] =	vst.idx.msk vm15, v15;
	(pc) =	sbr.rel @p0 .LBB2_23-.Ltmp19, $4  }
0x290: {  	[tilespmem:v62+s18+$0x0] =	vst.idx.msk $0xffff, v6  }
0x291: {  	[tilespmem:v16+s18+$0x0] =	vst.idx.msk $0xffff, v6  }
0x292: {  	[tilespmem:v63+s18+$0x0] =	vst.idx.msk $0xffff, v6  }
0x293: {  	v15 =	vimm.s32 $0x0;
	[tilespmem:v17+s18+$0x0] =	vst.idx.msk $0xffff, v6  }
0x294: {  	s24 =	simm.s32 $0x10040  }
0x295: {  	v16 =	vld [tilespmem:s24+$0xFFFFFFC0];
	_ =	sdelay $0x4  }
0x296: {  	vm0 =	vle.f32 v16, v14  }
0x297: {  	v17 =	vsel vm0, $0x1, v5  }
0x298: {  	(xrf0) =	vadd.scan.msk.s32 $0xffff, v17;
	_ =	sdelay $0x5  }
0x299: {  	v17, _, _ =	vpop (xrf0)  }
0x29a: {  	v17 =	vadd.s32 v17, v15  }
0x29b: {  	v17 =	vadd.s32 $0xFFFFFFFF, v17;
	_ =	sdelay $0x4  }
0x29c: {  	[tilespmem:v17+s18+$0x0] =	vst.idx.msk vm0, v16  }
0x29d: {  	v16 =	vld [tilespmem:s24+$0xFFFFFFD0];
	_ =	sdelay $0x4  }
0x29e: {  	vm1 =	vle.f32 v16, v14  }
0x29f: {  	v17 =	vsel vm1, $0x1, v5  }
0x2a0: {  	(xrf0) =	vadd.scan.msk.s32 $0xffff, v17;
	_ =	sdelay $0x1  }
0x2a1: {  	v17 =	vmpcnt.ones.xlane vm0;
	_ =	sdelay $0x3  }
0x2a2: {  	v15 =	vadd.s32 v15, v17;
	v17, _, _ =	vpop (xrf0)  }
0x2a3: {  	v17 =	vadd.s32 v17, v15  }
0x2a4: {  	v17 =	vadd.s32 $0xFFFFFFFF, v17;
	_ =	sdelay $0x4  }
0x2a5: {  	[tilespmem:v17+s18+$0x0] =	vst.idx.msk vm1, v16  }
0x2a6: {  	v16 =	vld [tilespmem:s24+$0xFFFFFFE0];
	_ =	sdelay $0x4  }
0x2a7: {  	vm0 =	vle.f32 v16, v14  }
0x2a8: {  	v17 =	vsel vm0, $0x1, v5  }
0x2a9: {  	(xrf0) =	vadd.scan.msk.s32 $0xffff, v17;
	_ =	sdelay $0x1  }
0x2aa: {  	v17 =	vmpcnt.ones.xlane vm1;
	_ =	sdelay $0x3  }
0x2ab: {  	v15 =	vadd.s32 v15, v17;
	v17, _, _ =	vpop (xrf0)  }
0x2ac: {  	v17 =	vadd.s32 v17, v15  }
0x2ad: {  	v17 =	vadd.s32 $0xFFFFFFFF, v17;
	_ =	sdelay $0x2  }
0x2ae: {  	v18 =	vld [tilespmem:s24+$0x0];
	_ =	sdelay $0x1  }
0x2af: {  	[tilespmem:v17+s18+$0x0] =	vst.idx.msk vm0, v16  }
0x2b0: {  	v16 =	vld [tilespmem:s24+$0xFFFFFFF0];
	_ =	sdelay $0x1  }
0x2b1: {  	vm1 =	vle.f32 v18, v14  }
0x2b2: {  	v17 =	vsel vm1, $0x1, v5  }
0x2b3: {  	(xrf0) =	vadd.scan.msk.s32 $0xffff, v17  }
0x2b4: {  	vm2 =	vle.f32 v16, v14  }
0x2b5: {  	v19 =	vmpcnt.ones.xlane vm2  }
0x2b6: {  	v17 =	vmpcnt.ones.xlane vm0;
	_ =	sdelay $0x1  }
0x2b7: {  	v17 =	vadd.s32 v15, v17  }
0x2b8: {  	v15 =	vadd.s32 v17, v19;
	v19, _, _ =	vpop (xrf0)  }
0x2b9: {  	v19 =	vadd.s32 v19, v15  }
0x2ba: {  	v19 =	vadd.s32 $0xFFFFFFFF, v19;
	_ =	sdelay $0x4  }
0x2bb: {  	[tilespmem:v19+s18+$0x0] =	vst.idx.msk vm1, v18  }
0x2bc: {  	v18 =	vld [tilespmem:s24+$0x10];
	_ =	sdelay $0x4  }
0x2bd: {  	v19 =	vsel vm2, $0x1, v5;
	vm0 =	vle.f32 v18, v14  }
0x2be: {  	(xrf0) =	vadd.scan.msk.s32 $0xffff, v19;
	v19 =	vsel vm0, $0x1, v5  }
0x2bf: {  	(xrf0) =	vadd.scan.msk.s32 $0xffff, v19;
	_ =	sdelay $0x1  }
0x2c0: {  	v19 =	vmpcnt.ones.xlane vm1;
	_ =	sdelay $0x2  }
0x2c1: {  	v20, _, _ =	vpop (xrf0)  }
0x2c2: {  	v15 =	vadd.s32 v15, v19;
	v19, _, _ =	vpop (xrf0)  }
0x2c3: {  	v19 =	vadd.s32 v19, v15  }
0x2c4: {  	v17 =	vadd.s32 v20, v17;
	v19 =	vadd.s32 $0xFFFFFFFF, v19  }
0x2c5: {  	p0 =	sgt.s32 s23, $0x2;
	v17 =	vadd.s32 $0xFFFFFFFF, v17  }
.Ltmp20:
0x2c6: {  	_ = 	snop;
	(pc) =	sbr.rel @!p0 .LBB2_31-.Ltmp20, $3  }
0x2c7: {  	_ =	sdelay $0x1  }
0x2c8: {  	[tilespmem:v19+s18+$0x0] =	vst.idx.msk vm0, v18  }
0x2c9: {  	s25 =	simm.s32 $0x2;
	s26 =	simm.s32 $0x10040;
	[tilespmem:v17+s18+$0x0] =	vst.idx.msk vm2, v16;
	v16 =	vld [tilespmem:s24+$0x20]  }
.LBB2_30:
0x2ca: {  	_ =	sdelay $0x2  }
0x2cb: {  	s25 =	sadd.s32 $0x2, s25  }
0x2cc: {  	p0 =	slt.s32 s25, s23;
	vm1 =	vle.f32 v16, v14  }
0x2cd: {  	v17 =	vsel vm1, $0x1, v5  }
0x2ce: {  	(xrf0) =	vadd.scan.msk.s32 $0xffff, v17;
	_ =	sdelay $0x3  }
0x2cf: {  	v18 =	vmpcnt.ones.xlane vm0;
	_ =	sdelay $0x1  }
0x2d0: {  	v15 =	vadd.s32 v15, v18;
	v17, _, _ =	vpop (xrf0)  }
0x2d1: {  	v17 =	vadd.s32 v17, v15  }
0x2d2: {  	s26 =	sadd.s32 $0x80, s26;
	v17 =	vadd.s32 $0xFFFFFFFF, v17  }
0x2d3: {  	v18 =	vld [tilespmem:s26+$0xFFFFFFC0];
	_ =	sdelay $0x3  }
0x2d4: {  	[tilespmem:v17+s18+$0x0] =	vst.idx.msk vm1, v16  }
0x2d5: {  	vm0 =	vle.f32 v18, v14;
	v16 =	vld [tilespmem:s24+$0x30];
	s24 =	smov.u32 s26  }
0x2d6: {  	v17 =	vsel vm0, $0x1, v5  }
0x2d7: {  	(xrf0) =	vadd.scan.msk.s32 $0xffff, v17;
	_ =	sdelay $0x2  }
0x2d8: {  	v21 =	vmpcnt.ones.xlane vm1;
	vm1 =	vle.f32 v16, v14  }
0x2d9: {  	v19 =	vsel vm1, $0x1, v5;
	v20 =	vmpcnt.ones.xlane vm1  }
0x2da: {  	v15 =	vadd.s32 v15, v21;
	(xrf0) =	vadd.scan.msk.s32 $0xffff, v19  }
0x2db: {  	v17, _, _ =	vpop (xrf0);
	v19 =	vadd.s32 v15, v20  }
0x2dc: {  	v17 =	vadd.s32 v17, v19  }
0x2dd: {  	v17 =	vadd.s32 $0xFFFFFFFF, v17;
	_ =	sdelay $0x2  }
0x2de: {  	v20, _, _ =	vpop (xrf0)  }
0x2df: {  	v15 =	vadd.s32 v20, v15  }
0x2e0: {  	[tilespmem:v17+s18+$0x0] =	vst.idx.msk vm0, v18;
	v15 =	vadd.s32 $0xFFFFFFFF, v15  }
0x2e1: {  	v17 =	vld [tilespmem:s26+$0xFFFFFFD0];
	_ =	sdelay $0x3  }
0x2e2: {  	[tilespmem:v15+s18+$0x0] =	vst.idx.msk vm1, v16  }
0x2e3: {  	vm1 =	vle.f32 v17, v14  }
0x2e4: {  	v15 =	vsel vm1, $0x1, v5  }
0x2e5: {  	(xrf0) =	vadd.scan.msk.s32 $0xffff, v15;
	_ =	sdelay $0x3  }
0x2e6: {  	v15 =	vmpcnt.ones.xlane vm0;
	_ =	sdelay $0x1  }
0x2e7: {  	v15 =	vadd.s32 v19, v15;
	v16, _, _ =	vpop (xrf0)  }
0x2e8: {  	v16 =	vadd.s32 v16, v15  }
0x2e9: {  	v16 =	vadd.s32 $0xFFFFFFFF, v16;
	_ =	sdelay $0x4  }
0x2ea: {  	[tilespmem:v16+s18+$0x0] =	vst.idx.msk vm1, v17  }
0x2eb: {  	v16 =	vld [tilespmem:s26+$0xFFFFFFE0];
	_ =	sdelay $0x4  }
0x2ec: {  	vm0 =	vle.f32 v16, v14  }
0x2ed: {  	v17 =	vsel vm0, $0x1, v5  }
0x2ee: {  	(xrf0) =	vadd.scan.msk.s32 $0xffff, v17;
	_ =	sdelay $0x3  }
0x2ef: {  	v18 =	vmpcnt.ones.xlane vm1;
	_ =	sdelay $0x1  }
0x2f0: {  	v15 =	vadd.s32 v15, v18;
	v17, _, _ =	vpop (xrf0)  }
0x2f1: {  	v17 =	vadd.s32 v17, v15  }
0x2f2: {  	v17 =	vadd.s32 $0xFFFFFFFF, v17  }
0x2f3: {  	v18 =	vld [tilespmem:s26+$0x0];
	_ =	sdelay $0x3  }
0x2f4: {  	[tilespmem:v17+s18+$0x0] =	vst.idx.msk vm0, v16  }
0x2f5: {  	v16 =	vld [tilespmem:s26+$0xFFFFFFF0];
	vm1 =	vle.f32 v18, v14  }
0x2f6: {  	v17 =	vsel vm1, $0x1, v5  }
0x2f7: {  	(xrf0) =	vadd.scan.msk.s32 $0xffff, v17;
	_ =	sdelay $0x2  }
0x2f8: {  	v17 =	vmpcnt.ones.xlane vm0;
	vm0 =	vle.f32 v16, v14  }
0x2f9: {  	v21 =	vsel vm0, $0x1, v5;
	v20 =	vmpcnt.ones.xlane vm0  }
0x2fa: {  	v15 =	vadd.s32 v15, v17;
	(xrf0) =	vadd.scan.msk.s32 $0xffff, v21  }
0x2fb: {  	v17 =	vadd.s32 v15, v20;
	v19, _, _ =	vpop (xrf0)  }
0x2fc: {  	v19 =	vadd.s32 v19, v17  }
0x2fd: {  	v19 =	vadd.s32 $0xFFFFFFFF, v19;
	_ =	sdelay $0x2  }
0x2fe: {  	v20, _, _ =	vpop (xrf0)  }
0x2ff: {  	v15 =	vadd.s32 v20, v15  }
0x300: {  	v15 =	vadd.s32 $0xFFFFFFFF, v15;
	[tilespmem:v19+s18+$0x0] =	vst.idx.msk vm1, v18  }
0x301: {  	v18 =	vld [tilespmem:s26+$0x10];
	_ =	sdelay $0x3  }
0x302: {  	[tilespmem:v15+s18+$0x0] =	vst.idx.msk vm0, v16  }
0x303: {  	vm0 =	vle.f32 v18, v14  }
0x304: {  	v15 =	vsel vm0, $0x1, v5  }
0x305: {  	(xrf0) =	vadd.scan.msk.s32 $0xffff, v15;
	_ =	sdelay $0x3  }
0x306: {  	v15 =	vmpcnt.ones.xlane vm1;
	_ =	sdelay $0x1  }
0x307: {  	v15 =	vadd.s32 v17, v15;
	v16, _, _ =	vpop (xrf0)  }
0x308: {  	v16 =	vadd.s32 v16, v15  }
0x309: {  	v16 =	vadd.s32 $0xFFFFFFFF, v16;
	_ =	sdelay $0x1  }
.Ltmp21:
0x30a: {  	(pc) =	sbr.rel @p0 .LBB2_30-.Ltmp21, $3  }
0x30b: {  	_ =	sdelay $0x1  }
0x30c: {  	[tilespmem:v16+s18+$0x0] =	vst.idx.msk vm0, v18  }
0x30d: {  	v16 =	vld [tilespmem:s26+$0x20]  }
.LBB2_31:
0x30e: {  	_ =	sdelay $0x3  }
0x30f: {  	vm1 =	vle.f32 v16, v14  }
0x310: {  	v17 =	vsel vm1, $0x1, v5  }
0x311: {  	(xrf0) =	vadd.scan.msk.s32 $0xffff, v17;
	_ =	sdelay $0x1  }
0x312: {  	v17 =	vmpcnt.ones.xlane vm0;
	_ =	sdelay $0x3  }
0x313: {  	v15 =	vadd.s32 v15, v17;
	v17, _, _ =	vpop (xrf0)  }
0x314: {  	v17 =	vadd.s32 v17, v15  }
0x315: {  	v17 =	vadd.s32 $0xFFFFFFFF, v17;
	_ =	sdelay $0x4  }
0x316: {  	[tilespmem:v17+s18+$0x0] =	vst.idx.msk vm1, v16  }
0x317: {  	v16 =	vld [tilespmem:s24+$0x30];
	_ =	sdelay $0x4  }
0x318: {  	vm15 =	vle.f32 v16, v14  }
0x319: {  	v17 =	vsel vm15, $0x1, v5  }
0x31a: {  	(xrf0) =	vadd.scan.msk.s32 $0xffff, v17;
	_ =	sdelay $0x1  }
0x31b: {  	v17 =	vmpcnt.ones.xlane vm1;
	_ =	sdelay $0x3  }
0x31c: {  	v15 =	vadd.s32 v15, v17;
	v17, _, _ =	vpop (xrf0)  }
0x31d: {  	v17 =	vadd.s32 v17, v15  }
0x31e: {  	v17 =	vadd.s32 $0xFFFFFFFF, v17;
	_ =	sdelay $0x2  }
0x31f: {  	v18 =	vmpcnt.ones.xlane vm15;
	_ =	sdelay $0x1  }
0x320: {  	v15 =	vadd.s32 v15, v18;
	[tilespmem:v17+s18+$0x0] =	vst.idx.msk vm15, v16  }
.LBB2_23:
0x321: {  	s0 =	ssub.s32 s22, s23  }
0x322: {  	p0 =	slt.s32 s0, $0x1  }
0x323: {  	s0 =	sshll.u32 @!p0 s23, $0x8  }
0x324: {  	s0 =	sshra.s32 @!p0 s0, $0x2  }
0x325: {  	v16 =	vld @!p0 [tilespmem:s0+$0x10000];
	_ =	sdelay $0x4  }
0x326: {  	v17 =	vimm.s32 @!p0 $0x0;
	vm0 =	vle.f32 @!p0 v16, v14  }
0x327: {  	v18 =	vsel @!p0 vm0, $0x1, v17  }
0x328: {  	(xrf0) =	vadd.scan.msk.s32 @!p0 $0xffff, v18;
	_ =	sdelay $0x5  }
0x329: {  	v18, _, _ =	vpop @!p0 (xrf0)  }
0x32a: {  	v18 =	vadd.s32 @!p0 v18, v15  }
0x32b: {  	v18 =	vadd.s32 @!p0 $0xFFFFFFFF, v18;
	_ =	sdelay $0x3  }
0x32c: {  	s1 =	simm.s32 @!p0 $0x10000  }
0x32d: {  	[tilespmem:v18+s1+$0x0] =	vst.idx.msk @!p0 vm0, v16  }
0x32e: {  	v16 =	vld @!p0 [tilespmem:s0+$0x10010];
	_ =	sdelay $0x4  }
0x32f: {  	vm1 =	vle.f32 @!p0 v16, v14  }
0x330: {  	v18 =	vsel @!p0 vm1, $0x1, v17  }
0x331: {  	(xrf0) =	vadd.scan.msk.s32 @!p0 $0xffff, v18;
	_ =	sdelay $0x3  }
0x332: {  	v18 =	vmpcnt.ones.xlane @!p0 vm0;
	_ =	sdelay $0x1  }
0x333: {  	v18 =	vadd.s32 @!p0 v15, v18;
	v19, _, _ =	vpop @!p0 (xrf0)  }
0x334: {  	v19 =	vadd.s32 @!p0 v19, v18  }
0x335: {  	v19 =	vadd.s32 @!p0 $0xFFFFFFFF, v19;
	_ =	sdelay $0x4  }
0x336: {  	[tilespmem:v19+s1+$0x0] =	vst.idx.msk @!p0 vm1, v16  }
0x337: {  	v16 =	vld @!p0 [tilespmem:s0+$0x10020];
	_ =	sdelay $0x4  }
0x338: {  	vm0 =	vle.f32 @!p0 v16, v14  }
0x339: {  	v19 =	vsel @!p0 vm0, $0x1, v17  }
0x33a: {  	(xrf0) =	vadd.scan.msk.s32 @!p0 $0xffff, v19;
	_ =	sdelay $0x1  }
0x33b: {  	v19 =	vmpcnt.ones.xlane @!p0 vm1;
	_ =	sdelay $0x3  }
0x33c: {  	v18 =	vadd.s32 @!p0 v18, v19;
	v19, _, _ =	vpop @!p0 (xrf0)  }
0x33d: {  	v19 =	vadd.s32 @!p0 v19, v18  }
0x33e: {  	v19 =	vadd.s32 @!p0 $0xFFFFFFFF, v19;
	_ =	sdelay $0x4  }
0x33f: {  	[tilespmem:v19+s1+$0x0] =	vst.idx.msk @!p0 vm0, v16  }
0x340: {  	v16 =	vld @!p0 [tilespmem:s0+$0x10030];
	_ =	sdelay $0x3  }
0x341: {  	v13 =	vcvt.s32.f32 v13  }
0x342: {  	vm1 =	vle.f32 @!p0 v16, v14  }
0x343: {  	v13 =	vsub.f32 $6.400000000e+01, v13;
	v14 =	vsel @!p0 vm1, $0x1, v17  }
0x344: {  	(xrf0) =	vadd.scan.msk.s32 @!p0 $0xffff, v14;
	v14 =	vmpcnt.ones.xlane @!p0 vm0  }
0x345: {  	v11 =	vmul.f32 v11, v13;
	v13 =	vmpcnt.ones.xlane @!p0 vm1  }
0x346: {  	v12 =	vadd.f32 $0.0e+00, v12;
	vm0 =	vmmov $0x1;
	v14 =	vadd.s32 @!p0 v18, v14  }
0x347: {  	v11 =	vnsel vm0, $0x0, v11;
	v13 =	vadd.s32 @!p0 v14, v13  }
0x348: {  	v11 =	vadd.f32 v11, v12;
	v12 =	vpsel p0, v15, v13  }
0x349: {  	v13 =	vxor.u32 $0x80000000, v12  }
0x34a: {  	v17, _, _ =	vpop @!p0 (xrf0);
	(xrf0) =	vmax.scan.msk.u32 $0xffff, v13;
	_ =	sdelay $0x5  }
0x34b: {  	v13, _, _ =	vpop (xrf0)  }
0x34c: {  	(v2sf) =	vpush v13, $0xF;
	_ =	sdelay $0xc  }
0x34d: {  	v17 =	vadd.s32 @!p0 v17, v14  }
0x34e: {  	v17 =	vadd.s32 @!p0 $0xFFFFFFFF, v17  }
0x34f: {  	v13 =	vadd.s32 v4, v12;
	s29 =	spop (v2sf)  }
0x350: {  	v14 =	vadd.s32 v7, v12;
	s0 =	sadd.s32 $0x8000003F, s29  }
0x351: {  	v15 =	vadd.s32 v8, v12;
	s30 =	sand.u32 $0x3F, s0  }
0x352: {  	v12 =	vadd.s32 v9, v12;
	s31 =	sshra.s32 s0, $0x1F;
	p1 =	slt.s32 s0, $0x1;
	p6 =	sne.s32 s30, $0x0  }
.Ltmp22:
0x353: {  	[tilespmem:v17+s1+$0x0] =	vst.idx.msk @!p0 vm1, v16;
	s1 =	sshrl.u32 s31, $0x1A;
	p0 =	por !p1, !p6;
	(pc) =	sbr.rel .LBB2_24-.Ltmp22, $4  }
0x354: {  	[tilespmem:v13+s18+$0x0] =	vst.idx.msk $0xffff, v6;
	s0 =	sadd.s32 s1, s0;
	s1 =	simm.s32 $0x1;
	p0 =	por !p0, !p0  }
0x355: {  	[tilespmem:v14+s18+$0x0] =	vst.idx.msk $0xffff, v6;
	s0 =	sshra.s32 s0, $0x6;
	s1 =	simm.s32 @!p0 $0x0  }
0x356: {  	[tilespmem:v15+s18+$0x0] =	vst.idx.msk $0xffff, v6;
	s22 =	ssub.s32 s0, s1  }
0x357: {  	[tilespmem:v12+s18+$0x0] =	vst.idx.msk $0xffff, v6;
	v12 =	vimm.s32 $0x0;
	s0 =	simm.s32 $0x0;
	p0 =	slt.s32 s22, $0x1  }
.LBB2_25:
0x358: {  	v12 =	vmov v13  }
.LBB2_35:
0x359: {  	s0 =	sadd.s32 $0x1, s0  }
0x35a: {  	p1 =	sne.s32 s0, $0x1F  }
.Ltmp23:
0x35b: {  	_ = 	snop;
	(pc) =	sbr.rel @!p1 .LBB2_36-.Ltmp23, $1  }
0x35c: {  	_ =	sdelay $0x3  }
.LBB2_24:
.Ltmp24:
0x35d: {  	s1 =	ssub.s32 $0x1E, s0;
	(pc) =	sbr.rel @p0 .LBB2_25-.Ltmp24, $3  }
0x35e: {  	v13 =	vshll.u32 v10, s1  }
0x35f: {  	v13 =	vbroadcast v13, $0x0;
	_ =	sdelay $0x1  }
0x360: {  	s3 =	simm.s32 $0x10020;
	v13 =	vor.u32 v12, v13  }
0x361: {  	v17 =	vld [tilespmem:s3+$0xFFFFFFE0];
	p1 =	sne.s32 s22, $0x1  }
.Ltmp25:
0x362: {  	v15 =	vld [tilespmem:s3+$0xFFFFFFF0];
	(pc) =	sbr.rel @!p1 .LBB2_34-.Ltmp25, $3  }
0x363: {  	v16 =	vld [tilespmem:s3+$0x0]  }
0x364: {  	v14 =	vld [tilespmem:s3+$0x10];
	_ =	sdelay $0x1  }
0x365: {  	s1 =	sadd.s32 $0xFFFFFFFF, s22;
	s3 =	sadd.s32 $0x40, s3;
	vm1 =	vlt.s32 v17, v13;
	v17 =	vimm.s32 $0x0  }
.LBB2_33:
0x366: {  	v18 =	vld [tilespmem:s3+$0xFFFFFFE0];
	p1 =	sne.s32 s1, $0x1;
	s1 =	sadd.s32 $0xFFFFFFFF, s1;
	v19 =	vmpcnt.ones.xlane vm1;
	vm1 =	vlt.s32 v15, v13  }
.Ltmp26:
0x367: {  	v15 =	vld [tilespmem:s3+$0xFFFFFFF0];
	v20 =	vmpcnt.ones.xlane vm1;
	vm1 =	vlt.s32 v16, v13;
	(pc) =	sbr.rel @p1 .LBB2_33-.Ltmp26, $4  }
0x368: {  	v16 =	vld [tilespmem:s3+$0x0];
	v17 =	vadd.s32 v17, v19;
	v19 =	vmpcnt.ones.xlane vm1;
	vm1 =	vlt.s32 v14, v13  }
0x369: {  	v14 =	vld [tilespmem:s3+$0x10];
	v17 =	vadd.s32 v20, v17;
	v20 =	vmpcnt.ones.xlane vm1  }
0x36a: {  	v17 =	vadd.s32 v19, v17  }
0x36b: {  	s3 =	sadd.s32 $0x40, s3;
	vm1 =	vlt.s32 v18, v13;
	v17 =	vadd.s32 v20, v17  }
.LBB2_34:
0x36c: {  	v18 =	vmpcnt.ones.xlane vm1;
	vm1 =	vlt.s32 v15, v13  }
0x36d: {  	v15 =	vmpcnt.ones.xlane vm1;
	vm1 =	vlt.s32 v16, v13  }
0x36e: {  	v62 =	vadd.s32 v17, v18;
	v63 =	vmpcnt.ones.xlane vm1;
	vm1 =	vlt.s32 v14, v13  }
.Ltmp27:
0x36f: {  	v14 =	vadd.s32 v15, v62;
	v15 =	vmpcnt.ones.xlane vm1;
	(pc) =	sbr.rel .LBB2_35-.Ltmp27, $4  }
0x370: {  	v14 =	vadd.s32 v63, v14  }
0x371: {  	v14 =	vadd.s32 v15, v14  }
0x372: {  	vm1 =	vgt.s32 v14, $0x3F  }
0x373: {  	v12 =	vsel vm1, v12, v13  }
.LBB2_36:
0x374: {  	s0 =	sshrl.u32 s22, $0x1F  }
0x375: {  	s0 =	sadd.s32 s0, s22  }
0x376: {  	s23 =	sand.u32 $0xFFFFFFFE, s0  }
0x377: {  	p0 =	slt.s32 s23, $0x1  }
.Ltmp28:
0x378: {  	_ = 	snop;
	(pc) =	sbr.rel @p0 .LBB2_37-.Ltmp28, $1  }
0x379: {  	_ =	sdelay $0x3  }
0x37a: {  	s0 =	simm.s32 $0x10040  }
0x37b: {  	v17 =	vld [tilespmem:s0+$0xFFFFFFC0];
	_ =	sdelay $0x1  }
0x37c: {  	v18 =	vld [tilespmem:s0+$0xFFFFFFD0];
	_ =	sdelay $0x1  }
0x37d: {  	v19 =	vld [tilespmem:s0+$0xFFFFFFE0]  }
0x37e: {  	v20 =	vld [tilespmem:s0+$0xFFFFFFF0];
	vm3 =	vgt.s32 v12, v17  }
0x37f: {  	v15 =	vimm.f32 $0.0e+00;
	v13 =	vld [tilespmem:s0+$0x30];
	v17 =	vnsel vm3, $0x0, v17  }
0x380: {  	v21 =	vld [tilespmem:s0+$0x0];
	vm4 =	vgt.s32 v12, v18;
	v17 =	vadd.f32 v17, v15  }
0x381: {  	v14 =	vld [tilespmem:s0+$0x20];
	v18 =	vnsel vm4, $0x0, v18  }
0x382: {  	vm5 =	vgt.s32 v12, v19;
	v15 =	vld [tilespmem:s0+$0x10];
	v17 =	vadd.f32 v18, v17  }
0x383: {  	v16 =	vimm.s32 $0x0;
	p0 =	sgt.s32 s23, $0x2;
	vm6 =	vgt.s32 v12, v20;
	v18 =	vnsel vm5, $0x0, v19  }
.Ltmp29:
0x384: {  	vm1 =	vgt.s32 v12, v13;
	v19 =	vnsel vm6, $0x0, v20;
	v17 =	vadd.f32 v18, v17;
	(pc) =	sbr.rel @!p0 .LBB2_48-.Ltmp29, $4  }
0x385: {  	v20 =	vmpcnt.ones.xlane vm4;
	vm4 =	vgt.s32 v12, v21;
	v18 =	vmpcnt.ones.xlane vm3  }
0x386: {  	vm2 =	vgt.s32 v12, v14;
	v21 =	vnsel vm4, $0x0, v21;
	v22 =	vadd.f32 v19, v17  }
0x387: {  	vm3 =	vgt.s32 v12, v15;
	v16 =	vadd.s32 v16, v18;
	v17 =	vmpcnt.ones.xlane vm5  }
0x388: {  	s1 =	simm.s32 $0x100C0;
	s0 =	simm.s32 $0x2;
	v18 =	vmpcnt.ones.xlane vm6;
	v19 =	vadd.s32 v20, v16;
	v16 =	vadd.f32 v21, v22  }
.LBB2_47:
0x389: {  	v20 =	vld [tilespmem:s1+$0xFFFFFFC0];
	s0 =	sadd.s32 $0x2, s0;
	v17 =	vadd.s32 v17, v19;
	v19 =	vmpcnt.ones.xlane vm4;
	v15 =	vnsel vm3, $0x0, v15  }
0x38a: {  	p0 =	slt.s32 s0, s23;
	v17 =	vadd.s32 v18, v17;
	v18 =	vmpcnt.ones.xlane vm3;
	v15 =	vadd.f32 v15, v16  }
0x38b: {  	v14 =	vnsel vm2, $0x0, v14;
	v16 =	vld [tilespmem:s1+$0xFFFFFFD0];
	v17 =	vadd.s32 v19, v17;
	v19 =	vmpcnt.ones.xlane vm2  }
0x38c: {  	v21 =	vld [tilespmem:s1+$0x30];
	v17 =	vadd.s32 v18, v17;
	v15 =	vadd.f32 v14, v15;
	v18 =	vmpcnt.ones.xlane vm1  }
0x38d: {  	v13 =	vnsel vm1, $0x0, v13;
	v22 =	vld [tilespmem:s1+$0xFFFFFFE0];
	v17 =	vadd.s32 v19, v17  }
0x38e: {  	vm3 =	vgt.s32 v12, v20;
	v14 =	vld [tilespmem:s1+$0x20];
	v17 =	vadd.s32 v18, v17;
	v23 =	vadd.f32 v13, v15  }
0x38f: {  	v15 =	vnsel vm3, $0x0, v20;
	v18 =	vld [tilespmem:s1+$0xFFFFFFF0]  }
0x390: {  	v19 =	vadd.f32 v15, v23;
	vm4 =	vgt.s32 v12, v16;
	v15 =	vld [tilespmem:s1+$0x10]  }
0x391: {  	v16 =	vnsel vm4, $0x0, v16;
	v20 =	vld [tilespmem:s1+$0x0];
	v13 =	vmov v21  }
0x392: {  	v16 =	vadd.f32 v16, v19;
	vm5 =	vgt.s32 v12, v22  }
0x393: {  	vm1 =	vgt.s32 v12, v13;
	v19 =	vnsel vm5, $0x0, v22  }
.Ltmp30:
0x394: {  	vm2 =	vgt.s32 v12, v14;
	v16 =	vadd.f32 v19, v16;
	vm6 =	vgt.s32 v12, v18;
	(pc) =	sbr.rel @p0 .LBB2_47-.Ltmp30, $4  }
0x395: {  	v19 =	vmpcnt.ones.xlane vm3;
	v18 =	vnsel vm6, $0x0, v18;
	vm3 =	vgt.s32 v12, v15  }
0x396: {  	v21 =	vmpcnt.ones.xlane vm4;
	v16 =	vadd.f32 v18, v16;
	vm4 =	vgt.s32 v12, v20  }
0x397: {  	v18 =	vadd.s32 v17, v19;
	v17 =	vmpcnt.ones.xlane vm5;
	v20 =	vnsel vm4, $0x0, v20  }
0x398: {  	s1 =	sadd.s32 $0x80, s1;
	v19 =	vadd.s32 v21, v18;
	v18 =	vmpcnt.ones.xlane vm6;
	v16 =	vadd.f32 v20, v16  }
.LBB2_48:
0x399: {  	v17 =	vadd.s32 v17, v19;
	v60 =	vmpcnt.ones.xlane vm4;
	v15 =	vnsel vm3, $0x0, v15  }
.Ltmp31:
0x39a: {  	v61 =	vmpcnt.ones.xlane vm3;
	v17 =	vadd.s32 v18, v17;
	v15 =	vadd.f32 v15, v16;
	(pc) =	sbr.rel .LBB2_38-.Ltmp31, $4  }
0x39b: {  	v63 =	vmpcnt.ones.xlane vm2;
	v14 =	vnsel vm2, $0x0, v14;
	v62 =	vadd.s32 v60, v17  }
0x39c: {  	v16 =	vadd.s32 v61, v62;
	v15 =	vadd.f32 v14, v15;
	v14 =	vmpcnt.ones.xlane vm1  }
0x39d: {  	v13 =	vnsel vm1, $0x0, v13;
	v16 =	vadd.s32 v63, v16  }
0x39e: {  	v14 =	vadd.s32 v14, v16;
	v13 =	vadd.f32 v13, v15  }
.LBB2_37:
0x39f: {  	v13 =	vimm.f32 $0.0e+00;
	v14 =	vimm.s32 $0x0  }
.LBB2_38:
0x3a0: {  	s0 =	ssub.s32 s22, s23  }
0x3a1: {  	p0 =	slt.s32 s0, $0x1  }
0x3a2: {  	s0 =	sshll.u32 @!p0 s23, $0x8  }
0x3a3: {  	s0 =	sshra.s32 @!p0 s0, $0x2  }
0x3a4: {  	v15 =	vld @!p0 [tilespmem:s0+$0x10000];
	_ =	sdelay $0x1  }
0x3a5: {  	v16 =	vld @!p0 [tilespmem:s0+$0x10010];
	_ =	sdelay $0x1  }
0x3a6: {  	v17 =	vld @!p0 [tilespmem:s0+$0x10020]  }
0x3a7: {  	vm1 =	vgt.s32 @!p0 v12, v15  }
0x3a8: {  	v18 =	vld @!p0 [tilespmem:s0+$0x10030];
	v15 =	vnsel @!p0 vm1, $0x0, v15  }
0x3a9: {  	vm2 =	vgt.s32 @!p0 v12, v16;
	v15 =	vadd.f32 @!p0 v15, v13  }
0x3aa: {  	v16 =	vnsel @!p0 vm2, $0x0, v16  }
0x3ab: {  	_ =	swait.ge [sflag:s16], $0x8000;
	v19 =	vmpcnt.ones.xlane @!p0 vm1;
	vm1 =	vgt.s32 @!p0 v12, v17;
	v15 =	vadd.f32 @!p0 v16, v15  }
0x3ac: {  	[sflag:s16] =	ssyncset.done $0x0;
	v20 =	vmpcnt.ones.xlane @!p0 vm1;
	v17 =	vnsel @!p0 vm1, $0x0, v17  }
0x3ad: {  	[sflag:s16] =	ssyncadd.s32 $0xFFFF8000;
	vm1 =	vgt.s32 @!p0 v12, v18;
	v16 =	vmpcnt.ones.xlane @!p0 vm2;
	v15 =	vadd.f32 @!p0 v17, v15  }
0x3ae: {  	_ =	swait.ge [sflag:s17], $0x8000;
	v18 =	vnsel @!p0 vm1, $0x0, v18;
	v17 =	vadd.s32 @!p0 v14, v19  }
0x3af: {  	[sflag:s17] =	ssyncset.done $0x0;
	v19 =	vmpcnt.ones.xlane @!p0 vm1;
	v16 =	vadd.s32 @!p0 v16, v17;
	v15 =	vadd.f32 @!p0 v18, v15  }
0x3b0: {  	s30 =	simm.s32 $0x8040;
	[sflag:s17] =	ssyncadd.s32 $0xFFFF8000;
	v16 =	vadd.s32 @!p0 v20, v16  }
0x3b1: {  	s19 =	simm.s32 $0x40;
	v16 =	vadd.s32 @!p0 v19, v16;
	v13 =	vpsel p0, v13, v15;
	v15 =	vld [tilespmem:s30+$0xFFFFFFC0]  }
0x3b2: {  	v14 =	vpsel p0, v14, v16;
	v16 =	vld [tilespmem:s19+$0xFFFFFFC0];
	_ =	sdelay $0x3  }
0x3b3: {  	v17 =	vld [tilespmem:s30+$0x0]  }
0x3b4: {  	v18 =	vld [tilespmem:s19+$0x0];
	v15 =	vsub.f32 v16, v15;
	_ =	sdelay $0x1  }
0x3b5: {  	s24 =	simm.s32 $0x80C0;
	v16 =	vmul.f32 v15, v15  }
0x3b6: {  	s22 =	simm.s32 $0x10040;
	s25 =	simm.s32 $0xC0;
	v21 =	vld [tilespmem:s24+$0xFFFFFFC0]  }
0x3b7: {  	v22 =	vld [tilespmem:s25+$0xFFFFFFC0];
	[tilespmem:s22+$0xFFFFFFC0] =	vst v16  }
0x3b8: {  	v17 =	vsub.f32 v18, v17;
	v19 =	vld [tilespmem:s19+$0xFFFFFFD0]  }
0x3b9: {  	s28 =	simm.s32 $0x140;
	v20 =	vld [tilespmem:s30+$0xFFFFFFD0]  }
0x3ba: {  	s29 =	simm.s32 $0x81C0;
	v25 =	vld [tilespmem:s28+$0xFFFFFFC0];
	v17 =	vmul.f32 v17, v17  }
0x3bb: {  	v32 =	vld [tilespmem:s29+$0xFFFFFFC0]  }
0x3bc: {  	v18 =	vld [tilespmem:s25+$0x0];
	[tilespmem:s22+$0x0] =	vst v17  }
0x3bd: {  	v23 =	vld [tilespmem:s19+$0x10]  }
0x3be: {  	v24 =	vld [tilespmem:s30+$0x10];
	v19 =	vsub.f32 v19, v20  }
0x3bf: {  	s0 =	simm.s32 $0x1C0;
	v15 =	vld [tilespmem:s24+$0x0]  }
0x3c0: {  	v34 =	vld [tilespmem:s0+$0x0];
	v21 =	vsub.f32 v22, v21;
	v19 =	vmul.f32 v19, v19  }
0x3c1: {  	v36 =	vld [tilespmem:s0+$0xFFFFFFC0]  }
0x3c2: {  	v22 =	vld [tilespmem:s28+$0x0];
	v26 =	vmul.f32 v21, v21;
	[tilespmem:s22+$0xFFFFFFD0] =	vst v19  }
0x3c3: {  	s23 =	simm.s32 $0x100C0;
	v21 =	vsub.f32 v23, v24;
	v23 =	vld [tilespmem:s30+$0xFFFFFFE0]  }
0x3c4: {  	[tilespmem:s23+$0xFFFFFFC0] =	vst v26;
	v15 =	vsub.f32 v18, v15;
	v24 =	vld [tilespmem:s19+$0xFFFFFFE0]  }
0x3c5: {  	s26 =	simm.s32 $0x8140;
	v30 =	vld [tilespmem:s24+$0xFFFFFFD0]  }
0x3c6: {  	v18 =	vld [tilespmem:s26+$0xFFFFFFC0];
	v20 =	vmul.f32 v15, v15  }
0x3c7: {  	v15 =	vld [tilespmem:s26+$0x0];
	v29 =	vmul.f32 v21, v21  }
0x3c8: {  	v21 =	vld [tilespmem:s25+$0xFFFFFFD0];
	[tilespmem:s23+$0x0] =	vst v20  }
0x3c9: {  	[tilespmem:s22+$0x10] =	vst v29;
	v27 =	vld [tilespmem:s25+$0x10];
	v23 =	vsub.f32 v24, v23  }
0x3ca: {  	v31 =	vld [tilespmem:s30+$0x20]  }
0x3cb: {  	v18 =	vsub.f32 v25, v18;
	v24 =	vld [tilespmem:s19+$0x20];
	v33 =	vmul.f32 v23, v23  }
0x3cc: {  	v28 =	vld [tilespmem:s24+$0x10]  }
0x3cd: {  	v18 =	vmul.f32 v18, v18;
	v15 =	vsub.f32 v22, v15;
	v22 =	vld [tilespmem:s29+$0x0];
	[tilespmem:s22+$0xFFFFFFE0] =	vst v33  }
0x3ce: {  	s1 =	simm.s32 $0x10140;
	v21 =	vsub.f32 v21, v30;
	v30 =	vld [tilespmem:s19+$0xFFFFFFF0]  }
0x3cf: {  	[tilespmem:s1+$0xFFFFFFC0] =	vst v18;
	v35 =	vmul.f32 v15, v15;
	v15 =	vimm.f32 $+Inf;
	v37 =	vld [tilespmem:s30+$0xFFFFFFF0]  }
0x3d0: {  	v25 =	vld [tilespmem:s28+$0xFFFFFFD0];
	v19 =	vmin.f32 v15, v19;
	v24 =	vsub.f32 v24, v31;
	v31 =	vmul.f32 v21, v21  }
0x3d1: {  	v16 =	vmin.f32 v15, v16;
	[tilespmem:s1+$0x0] =	vst v35;
	v19 =	vmin.f32 v19, v29;
	v29 =	vld [tilespmem:s26+$0xFFFFFFD0]  }
0x3d2: {  	v16 =	vmin.f32 v16, v17;
	v23 =	vld [tilespmem:s26+$0x10];
	[tilespmem:s23+$0xFFFFFFD0] =	vst v31;
	v38 =	vmul.f32 v24, v24  }
0x3d3: {  	v17 =	vsub.f32 v27, v28;
	v16 =	vmin.f32 v16, v26;
	v26 =	vld [tilespmem:s24+$0xFFFFFFE0]  }
0x3d4: {  	v16 =	vmin.f32 v16, v20;
	v28 =	vld [tilespmem:s25+$0xFFFFFFE0];
	[tilespmem:s22+$0x20] =	vst v38;
	v24 =	vsub.f32 v30, v37  }
0x3d5: {  	v27 =	vmul.f32 v17, v17;
	v16 =	vmin.f32 v16, v18;
	v20 =	vld [tilespmem:s19+$0x30]  }
0x3d6: {  	v17 =	vmin.f32 v19, v31;
	v31 =	vsub.f32 v36, v32;
	v19 =	vmul.f32 v24, v24;
	v24 =	vld [tilespmem:s30+$0x30]  }
0x3d7: {  	s3 =	simm.s32 $0x8240;
	v18 =	vmin.f32 v16, v35;
	[tilespmem:s23+$0x10] =	vst v27;
	v16 =	vmin.f32 v15, v33;
	v21 =	vld [tilespmem:s28+$0x10];
	v30 =	vsub.f32 v34, v22  }
0x3d8: {  	s31 =	simm.s32 $0x1C0;
	v17 =	vmin.f32 v17, v27;
	v27 =	vld [tilespmem:s24+$0x20];
	v16 =	vmin.f32 v16, v38;
	s19 =	simm.s32 $0x6;
	v22 =	vmul.f32 v31, v31;
	s30 =	simm.s32 $0x10140;
	[tilespmem:s22+$0xFFFFFFF0] =	vst v19  }
.LBB2_39:
0x3d9: {  	s19 =	sadd.s32 $0x2, s19;
	v30 =	vmul.f32 v30, v30;
	s0 =	sadd.s32 $0x80, s0;
	s1 =	sadd.s32 $0x80, s1;
	v26 =	vsub.f32 v28, v26;
	v28 =	vld [tilespmem:s25+$0x20]  }
0x3da: {  	v31 =	vld [tilespmem:s3+$0xFFFFFFC0];
	p0 =	slt.u32 s19, $0x1FE;
	v18 =	vmin.f32 v18, v22  }
0x3db: {  	v32 =	vld [tilespmem:s3+$0x0];
	v18 =	vmin.f32 v18, v30;
	v33 =	vmul.f32 v26, v26;
	v20 =	vsub.f32 v20, v24  }
0x3dc: {  	v34 =	vld [tilespmem:s0+$0x0]  }
0x3dd: {  	v25 =	vsub.f32 v25, v29;
	v24 =	vld [tilespmem:s0+$0xFFFFFFC0];
	[tilespmem:s23+$0xFFFFFFE0] =	vst v33;
	v20 =	vmul.f32 v20, v20  }
0x3de: {  	v23 =	vsub.f32 v21, v23;
	v15 =	vmin.f32 v15, v19;
	[tilespmem:s1+$0x0] =	vst v30;
	v29 =	vld [tilespmem:s25+$0xFFFFFFF0];
	v26 =	vsub.f32 v28, v27  }
0x3df: {  	v19 =	vmul.f32 v25, v25;
	v27 =	vld [tilespmem:s24+$0xFFFFFFF0];
	[tilespmem:s22+$0x30] =	vst v20;
	v15 =	vmin.f32 v15, v20;
	s22 =	smov.u32 s23;
	s23 =	smov.u32 s30;
	s30 =	smov.u32 s1  }
0x3e0: {  	v20 =	vmul.f32 v23, v23;
	[tilespmem:s1+$0xFFFFFFC0] =	vst v22;
	v21 =	vld [tilespmem:s31+$0x10]  }
0x3e1: {  	v17 =	vmin.f32 v17, v19;
	v25 =	vld [tilespmem:s31+$0xFFFFFFD0]  }
0x3e2: {  	v17 =	vmin.f32 v17, v20;
	v23 =	vld [tilespmem:s29+$0x10];
	[tilespmem:s23+$0xFFFFFFD0] =	vst v19;
	v19 =	vmul.f32 v26, v26  }
0x3e3: {  	v16 =	vmin.f32 v16, v33;
	v26 =	vld [tilespmem:s26+$0xFFFFFFE0];
	[tilespmem:s23+$0x10] =	vst v20  }
.Ltmp32:
0x3e4: {  	v28 =	vld [tilespmem:s28+$0xFFFFFFE0];
	v22 =	vsub.f32 v29, v27;
	[tilespmem:s22+$0x20] =	vst v19;
	v16 =	vmin.f32 v16, v19;
	(pc) =	sbr.rel @p0 .LBB2_39-.Ltmp32, $4  }
0x3e5: {  	v20 =	vld [tilespmem:s25+$0x30];
	s25 =	smov.u32 s28;
	s28 =	smov.u32 s31;
	s31 =	smov.u32 s0  }
0x3e6: {  	v27 =	vsub.f32 v24, v31;
	v19 =	vmul.f32 v22, v22;
	v24 =	vld [tilespmem:s24+$0x30];
	s24 =	smov.u32 s26;
	s26 =	smov.u32 s29;
	s29 =	smov.u32 s3  }
0x3e7: {  	v30 =	vsub.f32 v34, v32;
	v29 =	vld [tilespmem:s26+$0xFFFFFFD0]  }
0x3e8: {  	v22 =	vmul.f32 v27, v27;
	s3 =	sadd.s32 $0x80, s3;
	v27 =	vld [tilespmem:s24+$0x20];
	[tilespmem:s22+$0xFFFFFFF0] =	vst v19  }
0x3e9: {  	s0 =	sadd.s32 $0x80, s1  }
0x3ea: {  	v30 =	vmul.f32 v30, v30;
	[tilespmem:s0+$0xFFFFFFC0] =	vst v22  }
0x3eb: {  	v31 =	vld [tilespmem:s31+$0xFFFFFFD0]  }
0x3ec: {  	v26 =	vsub.f32 v28, v26;
	[tilespmem:s0+$0x0] =	vst v30;
	v28 =	vld [tilespmem:s29+$0xFFFFFFD0]  }
0x3ed: {  	v21 =	vsub.f32 v21, v23;
	v25 =	vsub.f32 v25, v29;
	v29 =	vld [tilespmem:s31+$0x10]  }
0x3ee: {  	v26 =	vmul.f32 v26, v26;
	v32 =	vld [tilespmem:s29+$0x10]  }
0x3ef: {  	v21 =	vmul.f32 v21, v21  }
0x3f0: {  	[tilespmem:s23+$0xFFFFFFE0] =	vst v26;
	v23 =	vmul.f32 v25, v25;
	v25 =	vld [tilespmem:s25+$0x20]  }
0x3f1: {  	[tilespmem:s30+$0x10] =	vst v21;
	v33 =	vld [tilespmem:s25+$0xFFFFFFF0];
	v28 =	vsub.f32 v31, v28  }
0x3f2: {  	v57 =	vld [tilespmem:s26+$0x20]  }
0x3f3: {  	v35 =	vld [tilespmem:s28+$0x20];
	[tilespmem:s30+$0xFFFFFFD0] =	vst v23;
	v29 =	vsub.f32 v29, v32;
	v28 =	vmul.f32 v28, v28  }
0x3f4: {  	v31 =	vld [tilespmem:s26+$0xFFFFFFE0]  }
0x3f5: {  	v34 =	vld [tilespmem:s28+$0xFFFFFFE0];
	v29 =	vmul.f32 v29, v29;
	[tilespmem:s0+$0xFFFFFFD0] =	vst v28  }
0x3f6: {  	v25 =	vsub.f32 v25, v27;
	v27 =	vld [tilespmem:s29+$0xFFFFFFE0]  }
0x3f7: {  	[tilespmem:s0+$0x10] =	vst v29;
	v36 =	vld [tilespmem:s31+$0xFFFFFFE0]  }
0x3f8: {  	v32 =	vsub.f32 v35, v57;
	v25 =	vmul.f32 v25, v25;
	v58 =	vld [tilespmem:s29+$0x20]  }
0x3f9: {  	v37 =	vld [tilespmem:s31+$0x20]  }
0x3fa: {  	v38 =	vld [tilespmem:s24+$0xFFFFFFF0];
	v32 =	vmul.f32 v32, v32;
	v31 =	vsub.f32 v34, v31;
	[tilespmem:s23+$0x20] =	vst v25  }
0x3fb: {  	v59 =	vld [tilespmem:s25+$0x30]  }
0x3fc: {  	[tilespmem:s30+$0x20] =	vst v32;
	v31 =	vmul.f32 v31, v31;
	v39 =	vld [tilespmem:s24+$0x30];
	v27 =	vsub.f32 v36, v27  }
0x3fd: {  	v61 =	vld [tilespmem:s28+$0x30]  }
0x3fe: {  	v41 =	vld [tilespmem:s26+$0x30];
	[tilespmem:s30+$0xFFFFFFE0] =	vst v31;
	v34 =	vsub.f32 v37, v58;
	v27 =	vmul.f32 v27, v27  }
0x3ff: {  	v60 =	vld [tilespmem:s28+$0xFFFFFFF0]  }
0x400: {  	v40 =	vld [tilespmem:s26+$0xFFFFFFF0];
	v34 =	vmul.f32 v34, v34;
	[tilespmem:s0+$0xFFFFFFE0] =	vst v27  }
0x401: {  	v42 =	vld [tilespmem:s31+$0xFFFFFFF0]  }
0x402: {  	v18 =	vmin.f32 v18, v22;
	v22 =	vld [tilespmem:s29+$0xFFFFFFF0];
	[tilespmem:s0+$0x20] =	vst v34  }
0x403: {  	v15 =	vmin.f32 v15, v19;
	v20 =	vsub.f32 v20, v24;
	v17 =	vmin.f32 v17, v23;
	v23 =	vld [tilespmem:s31+$0x30]  }
0x404: {  	v18 =	vmin.f32 v18, v30;
	v17 =	vmin.f32 v17, v21;
	v19 =	vsub.f32 v33, v38;
	v21 =	vld [tilespmem:s29+$0x30]  }
0x405: {  	v16 =	vmin.f32 v16, v26;
	v20 =	vmul.f32 v20, v20;
	v24 =	vsub.f32 v59, v39  }
0x406: {  	v19 =	vmul.f32 v19, v19;
	v16 =	vmin.f32 v16, v25;
	v25 =	vsub.f32 v60, v40  }
0x407: {  	v15 =	vmin.f32 v15, v20;
	v26 =	vsub.f32 v61, v41;
	v24 =	vmul.f32 v24, v24  }
0x408: {  	v15 =	vmin.f32 v15, v19;
	v25 =	vmul.f32 v25, v25;
	v22 =	vsub.f32 v42, v22  }
0x409: {  	[tilespmem:s22+$0x30] =	vst v20;
	v20 =	vmul.f32 v26, v26;
	v15 =	vmin.f32 v15, v24;
	v21 =	vsub.f32 v23, v21  }
0x40a: {  	[tilespmem:s23+$0xFFFFFFF0] =	vst v19;
	v16 =	vmin.f32 v16, v31;
	v15 =	vmin.f32 v15, v25;
	v19 =	vmul.f32 v22, v22  }
0x40b: {  	v16 =	vmin.f32 v16, v32;
	v15 =	vmin.f32 v15, v20;
	v21 =	vmul.f32 v21, v21  }
0x40c: {  	v17 =	vmin.f32 v17, v28;
	v16 =	vmin.f32 v16, v27;
	[tilespmem:s23+$0x30] =	vst v24;
	v15 =	vmin.f32 v15, v19  }
0x40d: {  	v17 =	vmin.f32 v17, v29;
	v16 =	vmin.f32 v16, v34;
	[tilespmem:s30+$0x30] =	vst v20;
	v15 =	vmin.f32 v15, v21  }
0x40e: {  	v17 =	vmax.f32 v18, v17;
	[tilespmem:s30+$0xFFFFFFF0] =	vst v25;
	v15 =	vmax.f32 v16, v15  }
0x40f: {  	[tilespmem:s0+$0xFFFFFFF0] =	vst v19;
	v15 =	vmax.f32 v17, v15  }
0x410: {  	[tilespmem:s0+$0x30] =	vst v21;
	v16 =	vperm.xlane v15, v0  }
0x411: {  	[tilespmem:s2], [sflag:$0x1] =	stream.strided.gather [hbm4b:s9+s13], $0x8000, s14, s13, $0x38;
	[tilespmem:$0x18100] =	vst v63  }
0x412: {  	s31 =	simm.s32 $0x10040;
	v15 =	vmax.f32 v15, v16  }
0x413: {  	[tilespmem:s15], [sflag:$0x2] =	stream.strided.gather [hbm4b:s10+s13], $0x8000, s14, s13, $0x38;
	v16 =	vperm.xlane v15, v1;
	[tilespmem:$0x18100] =	vst v63  }
0x414: {  	v17 =	vld [tilespmem:s31+$0x30]  }
0x415: {  	v19 =	vld [tilespmem:s31+$0x20];
	v15 =	vmax.f32 v15, v16  }
0x416: {  	v22 =	vld [tilespmem:s31+$0x0];
	v18 =	vperm.xlane v15, v2  }
0x417: {  	v21 =	vld [tilespmem:s31+$0x10]  }
0x418: {  	v16 =	vld [tilespmem:s31+$0xFFFFFFF0];
	v15 =	vmax.f32 v15, v18  }
0x419: {  	v18 =	vld [tilespmem:s31+$0xFFFFFFE0];
	v20 =	vperm.xlane v15, v3  }
0x41a: {  	v23 =	vld [tilespmem:s31+$0xFFFFFFC0]  }
0x41b: {  	v15 =	vmax.f32 v15, v20;
	v20 =	vld [tilespmem:s31+$0xFFFFFFD0]  }
0x41c: {  	v25 =	vimm.s32 $0x0;
	vm1 =	vle.f32 v19, v15;
	vm2 =	vle.f32 v17, v15  }
0x41d: {  	vm3 =	vle.f32 v16, v15;
	vm4 =	vle.f32 v22, v15;
	vm5 =	vle.f32 v21, v15  }
0x41e: {  	vm6 =	vle.f32 v18, v15;
	v27 =	vmpcnt.ones.xlane vm1;
	v26 =	vmpcnt.ones.xlane vm2  }
0x41f: {  	vm1 =	vle.f32 v23, v15;
	v28 =	vmpcnt.ones.xlane vm3;
	v29 =	vmpcnt.ones.xlane vm4  }
0x420: {  	v31 =	vmpcnt.ones.xlane vm5;
	v30 =	vmpcnt.ones.xlane vm6;
	vm2 =	vle.f32 v20, v15  }
0x421: {  	v24 =	vadd.s32 v4, v25;
	v62 =	vmpcnt.ones.xlane vm1;
	v63 =	vmpcnt.ones.xlane vm2  }
0x422: {  	vm6 =	vgt.s32 v28, $0x0;
	vm4 =	vgt.s32 v29, $0x0;
	vm3 =	vgt.s32 v27, $0x0  }
0x423: {  	vm5 =	vgt.s32 v31, $0x0;
	vm7 =	vgt.s32 v62, $0x0;
	vm1 =	vgt.s32 v63, $0x0  }
0x424: {  	s1 =	simm.s32 $0x100C0;
	s0 =	simm.s32 $0x0;
	v27 =	vsel vm7, $0x10, v5;
	vm2 =	vgt.s32 v30, $0x0;
	v28 =	vsel vm1, $0x10, v5  }
.LBB2_41:
0x425: {  	v29 =	vld [tilespmem:s1+$0x30];
	v30 =	vsel vm2, $0x10, v5;
	v28 =	vadd.s32 v27, v28;
	v31 =	vsel vm3, $0x10, v5  }
0x426: {  	v33 =	vsel vm4, $0x10, v5;
	v34 =	vsel vm5, $0x10, v5;
	v32 =	vld [tilespmem:s1+$0x20];
	v30 =	vadd.s32 v28, v30  }
0x427: {  	s0 =	sadd.s32 $0x2, s0;
	v36 =	vsel vm6, $0x10, v5;
	v34 =	vadd.s32 v33, v34;
	v35 =	vld [tilespmem:s1+$0xFFFFFFF0];
	v25 =	vadd.s32 v25, v30  }
0x428: {  	vm8 =	vgt.s32 v26, $0x0;
	p0 =	slt.u32 s0, $0x1FE;
	v26 =	vadd.s32 v34, v31;
	v37 =	vld [tilespmem:s1+$0x0];
	v25 =	vadd.s32 v36, v25  }
0x429: {  	v31 =	vld [tilespmem:s1+$0x10];
	[tilespmem:v24+s18+$0x0] =	vst.idx.msk vm7, v23;
	v23 =	vsel vm8, $0x10, v5;
	v36 =	vadd.s32 v4, v25;
	v25 =	vadd.s32 v25, v26  }
0x42a: {  	v38 =	vld [tilespmem:s1+$0xFFFFFFE0];
	v33 =	vadd.s32 v36, v33;
	v34 =	vadd.s32 v36, v34;
	v25 =	vadd.s32 v23, v25  }
0x42b: {  	v30 =	vadd.s32 v24, v30;
	v40 =	vadd.s32 v36, v26;
	v23 =	vld [tilespmem:s1+$0xFFFFFFC0];
	v39 =	vadd.s32 v4, v25  }
0x42c: {  	v27 =	vadd.s32 v24, v27;
	vm9 =	vmmov vm6;
	v28 =	vadd.s32 v24, v28;
	v41 =	vld [tilespmem:s1+$0xFFFFFFD0];
	v24 =	vmovc v39  }
0x42d: {  	vm7 =	vle.f32 v29, v15;
	vm6 =	vle.f32 v32, v15  }
0x42e: {  	vm10 =	vle.f32 v35, v15;
	vm11 =	vle.f32 v37, v15;
	vm12 =	vle.f32 v31, v15  }
0x42f: {  	v26 =	vmpcnt.ones.xlane vm7;
	v39 =	vmpcnt.ones.xlane vm6;
	vm13 =	vle.f32 v38, v15;
	[tilespmem:v36+s18+$0x0] =	vst.idx.msk vm4, v22;
	v22 =	vmovc v37  }
0x430: {  	v36 =	vmpcnt.ones.xlane vm10;
	v37 =	vmpcnt.ones.xlane vm11;
	vm4 =	vle.f32 v23, v15;
	[tilespmem:v33+s18+$0x0] =	vst.idx.msk vm5, v21;
	v21 =	vmovc v31  }
.Ltmp33:
0x431: {  	v31 =	vmpcnt.ones.xlane vm13;
	v33 =	vmpcnt.ones.xlane vm12;
	vm5 =	vle.f32 v41, v15;
	[tilespmem:v34+s18+$0x0] =	vst.idx.msk vm3, v19;
	v19 =	vmovc v32;
	(pc) =	sbr.rel @p0 .LBB2_41-.Ltmp33, $4  }
0x432: {  	v32 =	vmpcnt.ones.xlane vm4;
	v34 =	vmpcnt.ones.xlane vm5;
	[tilespmem:v40+s18+$0x0] =	vst.idx.msk vm8, v17;
	v17 =	vmov v29  }
0x433: {  	vm6 =	vgt.s32 v36, $0x0;
	vm4 =	vgt.s32 v37, $0x0;
	vm3 =	vgt.s32 v39, $0x0;
	[tilespmem:v27+s18+$0x0] =	vst.idx.msk vm1, v20;
	v20 =	vmovc v41  }
0x434: {  	vm5 =	vgt.s32 v33, $0x0;
	vm7 =	vgt.s32 v32, $0x0;
	vm1 =	vgt.s32 v34, $0x0;
	[tilespmem:v28+s18+$0x0] =	vst.idx.msk vm2, v18;
	v18 =	vmovc v38  }
0x435: {  	s1 =	sadd.s32 $0x80, s1;
	v27 =	vsel vm7, $0x10, v5;
	vm2 =	vgt.s32 v31, $0x0;
	v28 =	vsel vm1, $0x10, v5;
	[tilespmem:v30+s18+$0x0] =	vst.idx.msk vm9, v16;
	v16 =	vmovc v35  }
0x436: {  	v29 =	vsel vm2, $0x10, v5;
	v28 =	vadd.s32 v27, v28;
	v30 =	vsel vm3, $0x10, v5  }
0x437: {  	v31 =	vsel vm4, $0x10, v5;
	v32 =	vsel vm5, $0x10, v5;
	v29 =	vadd.s32 v28, v29  }
0x438: {  	v33 =	vsel vm6, $0x10, v5;
	v32 =	vadd.s32 v31, v32;
	v25 =	vadd.s32 v25, v29  }
0x439: {  	vm8 =	vgt.s32 v26, $0x0;
	v58 =	vadd.s32 v32, v30;
	v25 =	vadd.s32 v33, v25  }
0x43a: {  	v59 =	vsel vm8, $0x10, v5;
	v33 =	vadd.s32 v25, v58  }
0x43b: {  	v30 =	vadd.s32 v59, v33  }
0x43c: {  	v33 =	vxor.u32 $0x80000000, v30  }
0x43d: {  	(xrf0) =	vmax.scan.msk.u32 $0xffff, v33;
	_ =	sdelay $0x5  }
0x43e: {  	v33, _, _ =	vpop (xrf0)  }
0x43f: {  	(v2sf) =	vpush v33, $0xF;
	_ =	sdelay $0xe  }
0x440: {  	s0 =	spop (v2sf)  }
0x441: {  	v25 =	vadd.s32 v4, v25;
	s0 =	sadd.s32 $0x8000003F, s0  }
0x442: {  	v31 =	vadd.s32 v25, v31;
	s1 =	sand.u32 $0x3F, s0  }
0x443: {  	v32 =	vadd.s32 v25, v32;
	s31 =	sshra.s32 s0, $0x1F;
	p1 =	slt.s32 s0, $0x1;
	p0 =	sne.s32 s1, $0x0  }
0x444: {  	v26 =	vadd.s32 v25, v58;
	s1 =	sshrl.u32 s31, $0x1A;
	p0 =	por !p1, !p0  }
0x445: {  	[tilespmem:v24+s18+$0x0] =	vst.idx.msk vm7, v23;
	v60 =	vadd.s32 v24, v27;
	s0 =	sadd.s32 s1, s0;
	s1 =	simm.s32 $0x1;
	p0 =	por !p0, !p0  }
0x446: {  	vm15 =	vmmov vm6;
	v61 =	vadd.s32 v24, v28;
	[tilespmem:v25+s18+$0x0] =	vst.idx.msk vm4, v22;
	s0 =	sshra.s32 s0, $0x6;
	s1 =	simm.s32 @!p0 $0x0  }
0x447: {  	v62 =	vadd.s32 v24, v29;
	[tilespmem:v31+s18+$0x0] =	vst.idx.msk vm5, v21;
	s22 =	ssub.s32 s0, s1  }
0x448: {  	[tilespmem:v32+s18+$0x0] =	vst.idx.msk vm3, v19;
	v19 =	vadd.s32 v4, v30;
	s0 =	sshrl.u32 s22, $0x1F  }
0x449: {  	[tilespmem:v26+s18+$0x0] =	vst.idx.msk vm8, v17;
	v17 =	vadd.s32 v7, v30;
	s0 =	sadd.s32 s0, s22  }
0x44a: {  	[tilespmem:v60+s18+$0x0] =	vst.idx.msk vm1, v20;
	v63 =	vadd.s32 v8, v30;
	s23 =	sand.u32 $0xFFFFFFFE, s0  }
0x44b: {  	[tilespmem:v61+s18+$0x0] =	vst.idx.msk vm2, v18;
	v18 =	vadd.s32 v9, v30;
	p0 =	slt.s32 s23, $0x1  }
.Ltmp34:
0x44c: {  	[tilespmem:v62+s18+$0x0] =	vst.idx.msk vm15, v16;
	(pc) =	sbr.rel @p0 .LBB2_43-.Ltmp34, $4  }
0x44d: {  	[tilespmem:v19+s18+$0x0] =	vst.idx.msk $0xffff, v6  }
0x44e: {  	[tilespmem:v17+s18+$0x0] =	vst.idx.msk $0xffff, v6  }
0x44f: {  	[tilespmem:v63+s18+$0x0] =	vst.idx.msk $0xffff, v6  }
0x450: {  	v16 =	vimm.s32 $0x0;
	[tilespmem:v18+s18+$0x0] =	vst.idx.msk $0xffff, v6  }
0x451: {  	s24 =	simm.s32 $0x10040  }
0x452: {  	v17 =	vld [tilespmem:s24+$0xFFFFFFC0];
	_ =	sdelay $0x4  }
0x453: {  	vm1 =	vle.f32 v17, v15  }
0x454: {  	v18 =	vsel vm1, $0x1, v5  }
0x455: {  	(xrf0) =	vadd.scan.msk.s32 $0xffff, v18;
	_ =	sdelay $0x5  }
0x456: {  	v18, _, _ =	vpop (xrf0)  }
0x457: {  	v18 =	vadd.s32 v18, v16  }
0x458: {  	v18 =	vadd.s32 $0xFFFFFFFF, v18;
	_ =	sdelay $0x4  }
0x459: {  	[tilespmem:v18+s18+$0x0] =	vst.idx.msk vm1, v17  }
0x45a: {  	v17 =	vld [tilespmem:s24+$0xFFFFFFD0];
	_ =	sdelay $0x4  }
0x45b: {  	vm2 =	vle.f32 v17, v15  }
0x45c: {  	v18 =	vsel vm2, $0x1, v5  }
0x45d: {  	(xrf0) =	vadd.scan.msk.s32 $0xffff, v18;
	_ =	sdelay $0x1  }
0x45e: {  	v18 =	vmpcnt.ones.xlane vm1;
	_ =	sdelay $0x3  }
0x45f: {  	v16 =	vadd.s32 v16, v18;
	v18, _, _ =	vpop (xrf0)  }
0x460: {  	v18 =	vadd.s32 v18, v16  }
0x461: {  	v18 =	vadd.s32 $0xFFFFFFFF, v18;
	_ =	sdelay $0x4  }
0x462: {  	[tilespmem:v18+s18+$0x0] =	vst.idx.msk vm2, v17  }
0x463: {  	v17 =	vld [tilespmem:s24+$0xFFFFFFE0];
	_ =	sdelay $0x4  }
0x464: {  	vm1 =	vle.f32 v17, v15  }
0x465: {  	v18 =	vsel vm1, $0x1, v5  }
0x466: {  	(xrf0) =	vadd.scan.msk.s32 $0xffff, v18;
	_ =	sdelay $0x1  }
0x467: {  	v18 =	vmpcnt.ones.xlane vm2;
	_ =	sdelay $0x3  }
0x468: {  	v16 =	vadd.s32 v16, v18;
	v18, _, _ =	vpop (xrf0)  }
0x469: {  	v18 =	vadd.s32 v18, v16  }
0x46a: {  	v18 =	vadd.s32 $0xFFFFFFFF, v18  }
0x46b: {  	v19 =	vld [tilespmem:s24+$0x0];
	_ =	sdelay $0x3  }
0x46c: {  	[tilespmem:v18+s18+$0x0] =	vst.idx.msk vm1, v17  }
0x46d: {  	vm2 =	vle.f32 v19, v15;
	v17 =	vld [tilespmem:s24+$0xFFFFFFF0]  }
0x46e: {  	v18 =	vsel vm2, $0x1, v5  }
0x46f: {  	(xrf0) =	vadd.scan.msk.s32 $0xffff, v18;
	_ =	sdelay $0x2  }
0x470: {  	v18 =	vmpcnt.ones.xlane vm1;
	vm3 =	vle.f32 v17, v15  }
0x471: {  	v20 =	vmpcnt.ones.xlane vm3  }
0x472: {  	v18 =	vadd.s32 v16, v18  }
0x473: {  	v59, _, _ =	vpop (xrf0);
	v16 =	vadd.s32 v18, v20  }
0x474: {  	v20 =	vadd.s32 v59, v16  }
0x475: {  	v20 =	vadd.s32 $0xFFFFFFFF, v20;
	_ =	sdelay $0x4  }
0x476: {  	[tilespmem:v20+s18+$0x0] =	vst.idx.msk vm2, v19  }
0x477: {  	v19 =	vld [tilespmem:s24+$0x10];
	_ =	sdelay $0x4  }
0x478: {  	v60 =	vsel vm3, $0x1, v5;
	vm1 =	vle.f32 v19, v15  }
0x479: {  	(xrf0) =	vadd.scan.msk.s32 $0xffff, v60;
	v61 =	vsel vm1, $0x1, v5  }
0x47a: {  	(xrf0) =	vadd.scan.msk.s32 $0xffff, v61;
	_ =	sdelay $0x3  }
0x47b: {  	v62 =	vmpcnt.ones.xlane vm2  }
0x47c: {  	v21, _, _ =	vpop (xrf0)  }
0x47d: {  	v16 =	vadd.s32 v16, v62;
	v63, _, _ =	vpop (xrf0)  }
0x47e: {  	v20 =	vadd.s32 v63, v16  }
0x47f: {  	v18 =	vadd.s32 v21, v18;
	v20 =	vadd.s32 $0xFFFFFFFF, v20  }
0x480: {  	p0 =	sgt.s32 s23, $0x2;
	v18 =	vadd.s32 $0xFFFFFFFF, v18  }
.Ltmp35:
0x481: {  	_ = 	snop;
	(pc) =	sbr.rel @!p0 .LBB2_51-.Ltmp35, $3  }
0x482: {  	_ =	sdelay $0x1  }
0x483: {  	[tilespmem:v20+s18+$0x0] =	vst.idx.msk vm1, v19  }
0x484: {  	s25 =	simm.s32 $0x2;
	s26 =	simm.s32 $0x10040;
	[tilespmem:v18+s18+$0x0] =	vst.idx.msk vm3, v17;
	v17 =	vld [tilespmem:s24+$0x20]  }
.LBB2_50:
0x485: {  	_ =	sdelay $0x2  }
0x486: {  	s25 =	sadd.s32 $0x2, s25  }
0x487: {  	p0 =	slt.s32 s25, s23;
	vm2 =	vle.f32 v17, v15  }
0x488: {  	v18 =	vsel vm2, $0x1, v5  }
0x489: {  	(xrf0) =	vadd.scan.msk.s32 $0xffff, v18;
	_ =	sdelay $0x3  }
0x48a: {  	v19 =	vmpcnt.ones.xlane vm1;
	_ =	sdelay $0x1  }
0x48b: {  	v16 =	vadd.s32 v16, v19;
	v18, _, _ =	vpop (xrf0)  }
0x48c: {  	v18 =	vadd.s32 v18, v16  }
0x48d: {  	s26 =	sadd.s32 $0x80, s26;
	v18 =	vadd.s32 $0xFFFFFFFF, v18  }
0x48e: {  	v19 =	vld [tilespmem:s26+$0xFFFFFFC0];
	_ =	sdelay $0x3  }
0x48f: {  	[tilespmem:v18+s18+$0x0] =	vst.idx.msk vm2, v17  }
0x490: {  	vm1 =	vle.f32 v19, v15;
	v17 =	vld [tilespmem:s24+$0x30];
	s24 =	smov.u32 s26  }
0x491: {  	v18 =	vsel vm1, $0x1, v5  }
0x492: {  	(xrf0) =	vadd.scan.msk.s32 $0xffff, v18;
	_ =	sdelay $0x2  }
0x493: {  	v22 =	vmpcnt.ones.xlane vm2;
	vm2 =	vle.f32 v17, v15  }
0x494: {  	v20 =	vsel vm2, $0x1, v5;
	v21 =	vmpcnt.ones.xlane vm2  }
0x495: {  	v16 =	vadd.s32 v16, v22;
	(xrf0) =	vadd.scan.msk.s32 $0xffff, v20  }
0x496: {  	v18, _, _ =	vpop (xrf0);
	v20 =	vadd.s32 v16, v21  }
0x497: {  	v18 =	vadd.s32 v18, v20  }
0x498: {  	v18 =	vadd.s32 $0xFFFFFFFF, v18;
	_ =	sdelay $0x2  }
0x499: {  	v21, _, _ =	vpop (xrf0)  }
0x49a: {  	v16 =	vadd.s32 v21, v16  }
0x49b: {  	[tilespmem:v18+s18+$0x0] =	vst.idx.msk vm1, v19;
	v16 =	vadd.s32 $0xFFFFFFFF, v16  }
0x49c: {  	v18 =	vld [tilespmem:s26+$0xFFFFFFD0];
	_ =	sdelay $0x3  }
0x49d: {  	[tilespmem:v16+s18+$0x0] =	vst.idx.msk vm2, v17  }
0x49e: {  	vm2 =	vle.f32 v18, v15  }
0x49f: {  	v16 =	vsel vm2, $0x1, v5  }
0x4a0: {  	(xrf0) =	vadd.scan.msk.s32 $0xffff, v16;
	_ =	sdelay $0x3  }
0x4a1: {  	v16 =	vmpcnt.ones.xlane vm1;
	_ =	sdelay $0x1  }
0x4a2: {  	v16 =	vadd.s32 v20, v16;
	v17, _, _ =	vpop (xrf0)  }
0x4a3: {  	v17 =	vadd.s32 v17, v16  }
0x4a4: {  	v17 =	vadd.s32 $0xFFFFFFFF, v17;
	_ =	sdelay $0x4  }
0x4a5: {  	[tilespmem:v17+s18+$0x0] =	vst.idx.msk vm2, v18  }
0x4a6: {  	v17 =	vld [tilespmem:s26+$0xFFFFFFE0];
	_ =	sdelay $0x4  }
0x4a7: {  	vm1 =	vle.f32 v17, v15  }
0x4a8: {  	v18 =	vsel vm1, $0x1, v5  }
0x4a9: {  	(xrf0) =	vadd.scan.msk.s32 $0xffff, v18;
	_ =	sdelay $0x3  }
0x4aa: {  	v19 =	vmpcnt.ones.xlane vm2;
	_ =	sdelay $0x1  }
0x4ab: {  	v16 =	vadd.s32 v16, v19;
	v18, _, _ =	vpop (xrf0)  }
0x4ac: {  	v18 =	vadd.s32 v18, v16  }
0x4ad: {  	v18 =	vadd.s32 $0xFFFFFFFF, v18  }
0x4ae: {  	v19 =	vld [tilespmem:s26+$0x0];
	_ =	sdelay $0x3  }
0x4af: {  	[tilespmem:v18+s18+$0x0] =	vst.idx.msk vm1, v17  }
0x4b0: {  	v17 =	vld [tilespmem:s26+$0xFFFFFFF0];
	vm2 =	vle.f32 v19, v15  }
0x4b1: {  	v18 =	vsel vm2, $0x1, v5  }
0x4b2: {  	(xrf0) =	vadd.scan.msk.s32 $0xffff, v18;
	_ =	sdelay $0x2  }
0x4b3: {  	v18 =	vmpcnt.ones.xlane vm1;
	vm1 =	vle.f32 v17, v15  }
0x4b4: {  	v22 =	vsel vm1, $0x1, v5;
	v21 =	vmpcnt.ones.xlane vm1  }
0x4b5: {  	v16 =	vadd.s32 v16, v18;
	(xrf0) =	vadd.scan.msk.s32 $0xffff, v22  }
0x4b6: {  	v18 =	vadd.s32 v16, v21;
	v20, _, _ =	vpop (xrf0)  }
0x4b7: {  	v20 =	vadd.s32 v20, v18  }
0x4b8: {  	v20 =	vadd.s32 $0xFFFFFFFF, v20;
	_ =	sdelay $0x2  }
0x4b9: {  	v21, _, _ =	vpop (xrf0)  }
0x4ba: {  	v16 =	vadd.s32 v21, v16  }
0x4bb: {  	v16 =	vadd.s32 $0xFFFFFFFF, v16;
	[tilespmem:v20+s18+$0x0] =	vst.idx.msk vm2, v19  }
0x4bc: {  	v19 =	vld [tilespmem:s26+$0x10];
	_ =	sdelay $0x3  }
0x4bd: {  	[tilespmem:v16+s18+$0x0] =	vst.idx.msk vm1, v17  }
0x4be: {  	vm1 =	vle.f32 v19, v15  }
0x4bf: {  	v16 =	vsel vm1, $0x1, v5  }
0x4c0: {  	(xrf0) =	vadd.scan.msk.s32 $0xffff, v16;
	_ =	sdelay $0x3  }
0x4c1: {  	v16 =	vmpcnt.ones.xlane vm2;
	_ =	sdelay $0x1  }
0x4c2: {  	v16 =	vadd.s32 v18, v16;
	v17, _, _ =	vpop (xrf0)  }
0x4c3: {  	v17 =	vadd.s32 v17, v16  }
0x4c4: {  	v17 =	vadd.s32 $0xFFFFFFFF, v17;
	_ =	sdelay $0x1  }
.Ltmp36:
0x4c5: {  	(pc) =	sbr.rel @p0 .LBB2_50-.Ltmp36, $3  }
0x4c6: {  	_ =	sdelay $0x1  }
0x4c7: {  	[tilespmem:v17+s18+$0x0] =	vst.idx.msk vm1, v19  }
0x4c8: {  	v17 =	vld [tilespmem:s26+$0x20]  }
.LBB2_51:
0x4c9: {  	_ =	sdelay $0x3  }
0x4ca: {  	vm2 =	vle.f32 v17, v15  }
0x4cb: {  	v18 =	vsel vm2, $0x1, v5  }
0x4cc: {  	(xrf0) =	vadd.scan.msk.s32 $0xffff, v18;
	_ =	sdelay $0x1  }
0x4cd: {  	v18 =	vmpcnt.ones.xlane vm1;
	_ =	sdelay $0x3  }
0x4ce: {  	v16 =	vadd.s32 v16, v18;
	v18, _, _ =	vpop (xrf0)  }
0x4cf: {  	v18 =	vadd.s32 v18, v16  }
0x4d0: {  	v18 =	vadd.s32 $0xFFFFFFFF, v18;
	_ =	sdelay $0x4  }
0x4d1: {  	[tilespmem:v18+s18+$0x0] =	vst.idx.msk vm2, v17  }
0x4d2: {  	v17 =	vld [tilespmem:s24+$0x30];
	_ =	sdelay $0x4  }
0x4d3: {  	vm1 =	vle.f32 v17, v15  }
0x4d4: {  	v18 =	vsel vm1, $0x1, v5  }
0x4d5: {  	(xrf0) =	vadd.scan.msk.s32 $0xffff, v18;
	_ =	sdelay $0x1  }
0x4d6: {  	v18 =	vmpcnt.ones.xlane vm2;
	_ =	sdelay $0x3  }
0x4d7: {  	v16 =	vadd.s32 v16, v18;
	v18, _, _ =	vpop (xrf0)  }
0x4d8: {  	v18 =	vadd.s32 v18, v16  }
0x4d9: {  	v18 =	vadd.s32 $0xFFFFFFFF, v18;
	_ =	sdelay $0x2  }
0x4da: {  	v19 =	vmpcnt.ones.xlane vm1;
	_ =	sdelay $0x1  }
0x4db: {  	v16 =	vadd.s32 v16, v19;
	[tilespmem:v18+s18+$0x0] =	vst.idx.msk vm1, v17  }
.LBB2_43:
0x4dc: {  	s0 =	ssub.s32 s22, s23  }
0x4dd: {  	p0 =	slt.s32 s0, $0x1  }
0x4de: {  	s0 =	sshll.u32 @!p0 s23, $0x8  }
0x4df: {  	s0 =	sshra.s32 @!p0 s0, $0x2  }
0x4e0: {  	v17 =	vld @!p0 [tilespmem:s0+$0x10000];
	_ =	sdelay $0x4  }
0x4e1: {  	v18 =	vimm.s32 @!p0 $0x0;
	vm1 =	vle.f32 @!p0 v17, v15  }
0x4e2: {  	v19 =	vsel @!p0 vm1, $0x1, v18  }
0x4e3: {  	(xrf0) =	vadd.scan.msk.s32 @!p0 $0xffff, v19;
	_ =	sdelay $0x5  }
0x4e4: {  	v19, _, _ =	vpop @!p0 (xrf0)  }
0x4e5: {  	v19 =	vadd.s32 @!p0 v19, v16  }
0x4e6: {  	v19 =	vadd.s32 @!p0 $0xFFFFFFFF, v19;
	_ =	sdelay $0x3  }
0x4e7: {  	s1 =	simm.s32 @!p0 $0x10000  }
0x4e8: {  	[tilespmem:v19+s1+$0x0] =	vst.idx.msk @!p0 vm1, v17  }
0x4e9: {  	v17 =	vld @!p0 [tilespmem:s0+$0x10010];
	_ =	sdelay $0x4  }
0x4ea: {  	vm2 =	vle.f32 @!p0 v17, v15  }
0x4eb: {  	v19 =	vsel @!p0 vm2, $0x1, v18  }
0x4ec: {  	(xrf0) =	vadd.scan.msk.s32 @!p0 $0xffff, v19;
	_ =	sdelay $0x3  }
0x4ed: {  	v19 =	vmpcnt.ones.xlane @!p0 vm1;
	_ =	sdelay $0x1  }
0x4ee: {  	v19 =	vadd.s32 @!p0 v16, v19;
	v20, _, _ =	vpop @!p0 (xrf0)  }
0x4ef: {  	v20 =	vadd.s32 @!p0 v20, v19  }
0x4f0: {  	v20 =	vadd.s32 @!p0 $0xFFFFFFFF, v20;
	_ =	sdelay $0x4  }
0x4f1: {  	[tilespmem:v20+s1+$0x0] =	vst.idx.msk @!p0 vm2, v17  }
0x4f2: {  	v17 =	vld @!p0 [tilespmem:s0+$0x10020];
	_ =	sdelay $0x4  }
0x4f3: {  	vm1 =	vle.f32 @!p0 v17, v15  }
0x4f4: {  	v20 =	vsel @!p0 vm1, $0x1, v18  }
0x4f5: {  	(xrf0) =	vadd.scan.msk.s32 @!p0 $0xffff, v20;
	_ =	sdelay $0x1  }
0x4f6: {  	v20 =	vmpcnt.ones.xlane @!p0 vm2;
	_ =	sdelay $0x3  }
0x4f7: {  	v19 =	vadd.s32 @!p0 v19, v20;
	v20, _, _ =	vpop @!p0 (xrf0)  }
0x4f8: {  	v20 =	vadd.s32 @!p0 v20, v19  }
0x4f9: {  	v20 =	vadd.s32 @!p0 $0xFFFFFFFF, v20;
	_ =	sdelay $0x4  }
0x4fa: {  	[tilespmem:v20+s1+$0x0] =	vst.idx.msk @!p0 vm1, v17  }
0x4fb: {  	v17 =	vld @!p0 [tilespmem:s0+$0x10030];
	_ =	sdelay $0x3  }
0x4fc: {  	v14 =	vcvt.s32.f32 v14  }
0x4fd: {  	vm2 =	vle.f32 @!p0 v17, v15  }
0x4fe: {  	v14 =	vsub.f32 $6.400000000e+01, v14;
	v15 =	vsel @!p0 vm2, $0x1, v18  }
0x4ff: {  	(xrf0) =	vadd.scan.msk.s32 @!p0 $0xffff, v15;
	v15 =	vmpcnt.ones.xlane @!p0 vm1  }
0x500: {  	v12 =	vmul.f32 v12, v14;
	v14 =	vmpcnt.ones.xlane @!p0 vm2  }
0x501: {  	v11 =	vadd.f32 v13, v11;
	v15 =	vadd.s32 @!p0 v19, v15  }
0x502: {  	v12 =	vnsel vm0, $0x0, v12;
	v13 =	vadd.s32 @!p0 v15, v14  }
0x503: {  	v11 =	vadd.f32 v12, v11;
	v12 =	vpsel p0, v16, v13  }
0x504: {  	v13 =	vxor.u32 $0x80000000, v12  }
0x505: {  	v18, _, _ =	vpop @!p0 (xrf0);
	(xrf0) =	vmax.scan.msk.u32 $0xffff, v13;
	_ =	sdelay $0x5  }
0x506: {  	v13, _, _ =	vpop (xrf0)  }
0x507: {  	(v2sf) =	vpush v13, $0xF;
	_ =	sdelay $0xc  }
0x508: {  	v18 =	vadd.s32 @!p0 v18, v15  }
0x509: {  	v18 =	vadd.s32 @!p0 $0xFFFFFFFF, v18  }
0x50a: {  	v13 =	vadd.s32 v4, v12;
	s29 =	spop (v2sf)  }
0x50b: {  	v14 =	vadd.s32 v7, v12;
	s0 =	sadd.s32 $0x8000003F, s29  }
0x50c: {  	v15 =	vadd.s32 v8, v12;
	s30 =	sand.u32 $0x3F, s0  }
0x50d: {  	v12 =	vadd.s32 v9, v12;
	s31 =	sshra.s32 s0, $0x1F;
	p1 =	slt.s32 s0, $0x1;
	p6 =	sne.s32 s30, $0x0  }
.Ltmp37:
0x50e: {  	[tilespmem:v18+s1+$0x0] =	vst.idx.msk @!p0 vm2, v17;
	s1 =	sshrl.u32 s31, $0x1A;
	p0 =	por !p1, !p6;
	(pc) =	sbr.rel .LBB2_44-.Ltmp37, $4  }
0x50f: {  	[tilespmem:v13+s18+$0x0] =	vst.idx.msk $0xffff, v6;
	s0 =	sadd.s32 s1, s0;
	s1 =	simm.s32 $0x1;
	p0 =	por !p0, !p0  }
0x510: {  	[tilespmem:v14+s18+$0x0] =	vst.idx.msk $0xffff, v6;
	s0 =	sshra.s32 s0, $0x6;
	s1 =	simm.s32 @!p0 $0x0  }
0x511: {  	[tilespmem:v15+s18+$0x0] =	vst.idx.msk $0xffff, v6;
	s22 =	ssub.s32 s0, s1  }
0x512: {  	[tilespmem:v12+s18+$0x0] =	vst.idx.msk $0xffff, v6;
	v12 =	vimm.s32 $0x0;
	s0 =	simm.s32 $0x0;
	p0 =	slt.s32 s22, $0x1  }
.LBB2_45:
0x513: {  	v12 =	vmov v13  }
.LBB2_55:
0x514: {  	s0 =	sadd.s32 $0x1, s0  }
0x515: {  	p1 =	sne.s32 s0, $0x1F  }
.Ltmp38:
0x516: {  	_ = 	snop;
	(pc) =	sbr.rel @!p1 .LBB2_56-.Ltmp38, $1  }
0x517: {  	_ =	sdelay $0x3  }
.LBB2_44:
.Ltmp39:
0x518: {  	s1 =	ssub.s32 $0x1E, s0;
	(pc) =	sbr.rel @p0 .LBB2_45-.Ltmp39, $3  }
0x519: {  	v13 =	vshll.u32 v10, s1  }
0x51a: {  	v13 =	vbroadcast v13, $0x0;
	_ =	sdelay $0x1  }
0x51b: {  	s3 =	simm.s32 $0x10020;
	v13 =	vor.u32 v12, v13  }
0x51c: {  	v17 =	vld [tilespmem:s3+$0xFFFFFFE0];
	p1 =	sne.s32 s22, $0x1  }
.Ltmp40:
0x51d: {  	v15 =	vld [tilespmem:s3+$0xFFFFFFF0];
	(pc) =	sbr.rel @!p1 .LBB2_54-.Ltmp40, $3  }
0x51e: {  	v16 =	vld [tilespmem:s3+$0x0]  }
0x51f: {  	v14 =	vld [tilespmem:s3+$0x10];
	_ =	sdelay $0x1  }
0x520: {  	s1 =	sadd.s32 $0xFFFFFFFF, s22;
	s3 =	sadd.s32 $0x40, s3;
	vm1 =	vlt.s32 v17, v13;
	v17 =	vimm.s32 $0x0  }
.LBB2_53:
0x521: {  	v18 =	vld [tilespmem:s3+$0xFFFFFFE0];
	p1 =	sne.s32 s1, $0x1;
	s1 =	sadd.s32 $0xFFFFFFFF, s1;
	v19 =	vmpcnt.ones.xlane vm1;
	vm1 =	vlt.s32 v15, v13  }
.Ltmp41:
0x522: {  	v15 =	vld [tilespmem:s3+$0xFFFFFFF0];
	v20 =	vmpcnt.ones.xlane vm1;
	vm1 =	vlt.s32 v16, v13;
	(pc) =	sbr.rel @p1 .LBB2_53-.Ltmp41, $4  }
0x523: {  	v16 =	vld [tilespmem:s3+$0x0];
	v17 =	vadd.s32 v17, v19;
	v19 =	vmpcnt.ones.xlane vm1;
	vm1 =	vlt.s32 v14, v13  }
0x524: {  	v14 =	vld [tilespmem:s3+$0x10];
	v17 =	vadd.s32 v20, v17;
	v20 =	vmpcnt.ones.xlane vm1  }
0x525: {  	v17 =	vadd.s32 v19, v17  }
0x526: {  	s3 =	sadd.s32 $0x40, s3;
	vm1 =	vlt.s32 v18, v13;
	v17 =	vadd.s32 v20, v17  }
.LBB2_54:
0x527: {  	v18 =	vmpcnt.ones.xlane vm1;
	vm1 =	vlt.s32 v15, v13  }
0x528: {  	v15 =	vmpcnt.ones.xlane vm1;
	vm1 =	vlt.s32 v16, v13  }
0x529: {  	v62 =	vadd.s32 v17, v18;
	v63 =	vmpcnt.ones.xlane vm1;
	vm1 =	vlt.s32 v14, v13  }
.Ltmp42:
0x52a: {  	v14 =	vadd.s32 v15, v62;
	v15 =	vmpcnt.ones.xlane vm1;
	(pc) =	sbr.rel .LBB2_55-.Ltmp42, $4  }
0x52b: {  	v14 =	vadd.s32 v63, v14  }
0x52c: {  	v14 =	vadd.s32 v15, v14  }
0x52d: {  	vm1 =	vgt.s32 v14, $0x3F  }
0x52e: {  	v12 =	vsel vm1, v12, v13  }
.LBB2_56:
0x52f: {  	s0 =	sshrl.u32 s22, $0x1F  }
0x530: {  	s0 =	sadd.s32 s0, s22  }
0x531: {  	s23 =	sand.u32 $0xFFFFFFFE, s0  }
0x532: {  	p0 =	slt.s32 s23, $0x1  }
.Ltmp43:
0x533: {  	_ = 	snop;
	(pc) =	sbr.rel @p0 .LBB2_57-.Ltmp43, $1  }
0x534: {  	_ =	sdelay $0x3  }
0x535: {  	s0 =	simm.s32 $0x10040  }
0x536: {  	v17 =	vld [tilespmem:s0+$0xFFFFFFC0];
	_ =	sdelay $0x1  }
0x537: {  	v18 =	vld [tilespmem:s0+$0xFFFFFFD0];
	_ =	sdelay $0x1  }
0x538: {  	v19 =	vld [tilespmem:s0+$0xFFFFFFE0]  }
0x539: {  	v20 =	vld [tilespmem:s0+$0xFFFFFFF0];
	vm3 =	vgt.s32 v12, v17  }
0x53a: {  	v15 =	vimm.f32 $0.0e+00;
	v13 =	vld [tilespmem:s0+$0x30];
	v17 =	vnsel vm3, $0x0, v17  }
0x53b: {  	v21 =	vld [tilespmem:s0+$0x0];
	vm4 =	vgt.s32 v12, v18;
	v17 =	vadd.f32 v17, v15  }
0x53c: {  	v14 =	vld [tilespmem:s0+$0x20];
	v18 =	vnsel vm4, $0x0, v18  }
0x53d: {  	vm5 =	vgt.s32 v12, v19;
	v15 =	vld [tilespmem:s0+$0x10];
	v17 =	vadd.f32 v18, v17  }
0x53e: {  	v16 =	vimm.s32 $0x0;
	p0 =	sgt.s32 s23, $0x2;
	vm6 =	vgt.s32 v12, v20;
	v18 =	vnsel vm5, $0x0, v19  }
.Ltmp44:
0x53f: {  	vm1 =	vgt.s32 v12, v13;
	v19 =	vnsel vm6, $0x0, v20;
	v17 =	vadd.f32 v18, v17;
	(pc) =	sbr.rel @!p0 .LBB2_68-.Ltmp44, $4  }
0x540: {  	v20 =	vmpcnt.ones.xlane vm4;
	vm4 =	vgt.s32 v12, v21;
	v18 =	vmpcnt.ones.xlane vm3  }
0x541: {  	vm2 =	vgt.s32 v12, v14;
	v21 =	vnsel vm4, $0x0, v21;
	v22 =	vadd.f32 v19, v17  }
0x542: {  	vm3 =	vgt.s32 v12, v15;
	v16 =	vadd.s32 v16, v18;
	v17 =	vmpcnt.ones.xlane vm5  }
0x543: {  	s1 =	simm.s32 $0x100C0;
	s0 =	simm.s32 $0x2;
	v18 =	vmpcnt.ones.xlane vm6;
	v19 =	vadd.s32 v20, v16;
	v16 =	vadd.f32 v21, v22  }
.LBB2_67:
0x544: {  	v20 =	vld [tilespmem:s1+$0xFFFFFFC0];
	s0 =	sadd.s32 $0x2, s0;
	v17 =	vadd.s32 v17, v19;
	v19 =	vmpcnt.ones.xlane vm4;
	v15 =	vnsel vm3, $0x0, v15  }
0x545: {  	p0 =	slt.s32 s0, s23;
	v17 =	vadd.s32 v18, v17;
	v18 =	vmpcnt.ones.xlane vm3;
	v15 =	vadd.f32 v15, v16  }
0x546: {  	v14 =	vnsel vm2, $0x0, v14;
	v16 =	vld [tilespmem:s1+$0xFFFFFFD0];
	v17 =	vadd.s32 v19, v17;
	v19 =	vmpcnt.ones.xlane vm2  }
0x547: {  	v21 =	vld [tilespmem:s1+$0x30];
	v17 =	vadd.s32 v18, v17;
	v15 =	vadd.f32 v14, v15;
	v18 =	vmpcnt.ones.xlane vm1  }
0x548: {  	v13 =	vnsel vm1, $0x0, v13;
	v22 =	vld [tilespmem:s1+$0xFFFFFFE0];
	v17 =	vadd.s32 v19, v17  }
0x549: {  	vm3 =	vgt.s32 v12, v20;
	v14 =	vld [tilespmem:s1+$0x20];
	v17 =	vadd.s32 v18, v17;
	v23 =	vadd.f32 v13, v15  }
0x54a: {  	v15 =	vnsel vm3, $0x0, v20;
	v18 =	vld [tilespmem:s1+$0xFFFFFFF0]  }
0x54b: {  	v19 =	vadd.f32 v15, v23;
	vm4 =	vgt.s32 v12, v16;
	v15 =	vld [tilespmem:s1+$0x10]  }
0x54c: {  	v16 =	vnsel vm4, $0x0, v16;
	v20 =	vld [tilespmem:s1+$0x0];
	v13 =	vmov v21  }
0x54d: {  	v16 =	vadd.f32 v16, v19;
	vm5 =	vgt.s32 v12, v22  }
0x54e: {  	vm1 =	vgt.s32 v12, v13;
	v19 =	vnsel vm5, $0x0, v22  }
.Ltmp45:
0x54f: {  	vm2 =	vgt.s32 v12, v14;
	v16 =	vadd.f32 v19, v16;
	vm6 =	vgt.s32 v12, v18;
	(pc) =	sbr.rel @p0 .LBB2_67-.Ltmp45, $4  }
0x550: {  	v19 =	vmpcnt.ones.xlane vm3;
	v18 =	vnsel vm6, $0x0, v18;
	vm3 =	vgt.s32 v12, v15  }
0x551: {  	v21 =	vmpcnt.ones.xlane vm4;
	v16 =	vadd.f32 v18, v16;
	vm4 =	vgt.s32 v12, v20  }
0x552: {  	v18 =	vadd.s32 v17, v19;
	v17 =	vmpcnt.ones.xlane vm5;
	v20 =	vnsel vm4, $0x0, v20  }
0x553: {  	s1 =	sadd.s32 $0x80, s1;
	v19 =	vadd.s32 v21, v18;
	v18 =	vmpcnt.ones.xlane vm6;
	v16 =	vadd.f32 v20, v16  }
.LBB2_68:
0x554: {  	v17 =	vadd.s32 v17, v19;
	v60 =	vmpcnt.ones.xlane vm4;
	v15 =	vnsel vm3, $0x0, v15  }
.Ltmp46:
0x555: {  	v61 =	vmpcnt.ones.xlane vm3;
	v17 =	vadd.s32 v18, v17;
	v15 =	vadd.f32 v15, v16;
	(pc) =	sbr.rel .LBB2_58-.Ltmp46, $4  }
0x556: {  	v63 =	vmpcnt.ones.xlane vm2;
	v14 =	vnsel vm2, $0x0, v14;
	v62 =	vadd.s32 v60, v17  }
0x557: {  	v16 =	vadd.s32 v61, v62;
	v15 =	vadd.f32 v14, v15;
	v14 =	vmpcnt.ones.xlane vm1  }
0x558: {  	v13 =	vnsel vm1, $0x0, v13;
	v16 =	vadd.s32 v63, v16  }
0x559: {  	v14 =	vadd.s32 v14, v16;
	v13 =	vadd.f32 v13, v15  }
.LBB2_57:
0x55a: {  	v13 =	vimm.f32 $0.0e+00;
	v14 =	vimm.s32 $0x0  }
.LBB2_58:
0x55b: {  	s0 =	ssub.s32 s22, s23  }
0x55c: {  	p0 =	slt.s32 s0, $0x1  }
0x55d: {  	s0 =	sshll.u32 @!p0 s23, $0x8  }
0x55e: {  	s0 =	sshra.s32 @!p0 s0, $0x2  }
0x55f: {  	v15 =	vld @!p0 [tilespmem:s0+$0x10000];
	_ =	sdelay $0x1  }
0x560: {  	v16 =	vld @!p0 [tilespmem:s0+$0x10010];
	_ =	sdelay $0x1  }
0x561: {  	v17 =	vld @!p0 [tilespmem:s0+$0x10020]  }
0x562: {  	vm1 =	vgt.s32 @!p0 v12, v15  }
0x563: {  	v18 =	vld @!p0 [tilespmem:s0+$0x10030];
	v15 =	vnsel @!p0 vm1, $0x0, v15  }
0x564: {  	vm2 =	vgt.s32 @!p0 v12, v16;
	v15 =	vadd.f32 @!p0 v15, v13  }
0x565: {  	v16 =	vnsel @!p0 vm2, $0x0, v16  }
0x566: {  	_ =	swait.ge [sflag:s16], $0x8000;
	v19 =	vmpcnt.ones.xlane @!p0 vm1;
	vm1 =	vgt.s32 @!p0 v12, v17;
	v15 =	vadd.f32 @!p0 v16, v15  }
0x567: {  	[sflag:s16] =	ssyncset.done $0x0;
	v20 =	vmpcnt.ones.xlane @!p0 vm1;
	v17 =	vnsel @!p0 vm1, $0x0, v17  }
0x568: {  	[sflag:s16] =	ssyncadd.s32 $0xFFFF8000;
	vm1 =	vgt.s32 @!p0 v12, v18;
	v16 =	vmpcnt.ones.xlane @!p0 vm2;
	v15 =	vadd.f32 @!p0 v17, v15  }
0x569: {  	_ =	swait.ge [sflag:s17], $0x8000;
	v18 =	vnsel @!p0 vm1, $0x0, v18;
	v17 =	vadd.s32 @!p0 v14, v19  }
0x56a: {  	[sflag:s17] =	ssyncset.done $0x0;
	v19 =	vmpcnt.ones.xlane @!p0 vm1;
	v16 =	vadd.s32 @!p0 v16, v17;
	v15 =	vadd.f32 @!p0 v18, v15  }
0x56b: {  	s30 =	simm.s32 $0x8040;
	[sflag:s17] =	ssyncadd.s32 $0xFFFF8000;
	v16 =	vadd.s32 @!p0 v20, v16  }
0x56c: {  	s19 =	simm.s32 $0x40;
	v16 =	vadd.s32 @!p0 v19, v16;
	v13 =	vpsel p0, v13, v15;
	v15 =	vld [tilespmem:s30+$0xFFFFFFC0]  }
0x56d: {  	v14 =	vpsel p0, v14, v16;
	v16 =	vld [tilespmem:s19+$0xFFFFFFC0];
	_ =	sdelay $0x3  }
0x56e: {  	v17 =	vld [tilespmem:s30+$0x0]  }
0x56f: {  	v18 =	vld [tilespmem:s19+$0x0];
	v15 =	vsub.f32 v16, v15;
	_ =	sdelay $0x1  }
0x570: {  	s24 =	simm.s32 $0x80C0;
	v16 =	vmul.f32 v15, v15  }
0x571: {  	s22 =	simm.s32 $0x10040;
	s25 =	simm.s32 $0xC0;
	v21 =	vld [tilespmem:s24+$0xFFFFFFC0]  }
0x572: {  	v22 =	vld [tilespmem:s25+$0xFFFFFFC0];
	[tilespmem:s22+$0xFFFFFFC0] =	vst v16  }
0x573: {  	v17 =	vsub.f32 v18, v17;
	v19 =	vld [tilespmem:s19+$0xFFFFFFD0]  }
0x574: {  	s28 =	simm.s32 $0x140;
	v20 =	vld [tilespmem:s30+$0xFFFFFFD0]  }
0x575: {  	s29 =	simm.s32 $0x81C0;
	v25 =	vld [tilespmem:s28+$0xFFFFFFC0];
	v17 =	vmul.f32 v17, v17  }
0x576: {  	v32 =	vld [tilespmem:s29+$0xFFFFFFC0]  }
0x577: {  	v18 =	vld [tilespmem:s25+$0x0];
	[tilespmem:s22+$0x0] =	vst v17  }
0x578: {  	v23 =	vld [tilespmem:s19+$0x10]  }
0x579: {  	v24 =	vld [tilespmem:s30+$0x10];
	v19 =	vsub.f32 v19, v20  }
0x57a: {  	s0 =	simm.s32 $0x1C0;
	v15 =	vld [tilespmem:s24+$0x0]  }
0x57b: {  	v34 =	vld [tilespmem:s0+$0x0];
	v21 =	vsub.f32 v22, v21;
	v19 =	vmul.f32 v19, v19  }
0x57c: {  	v36 =	vld [tilespmem:s0+$0xFFFFFFC0]  }
0x57d: {  	v22 =	vld [tilespmem:s28+$0x0];
	v26 =	vmul.f32 v21, v21;
	[tilespmem:s22+$0xFFFFFFD0] =	vst v19  }
0x57e: {  	s23 =	simm.s32 $0x100C0;
	v21 =	vsub.f32 v23, v24;
	v23 =	vld [tilespmem:s30+$0xFFFFFFE0]  }
0x57f: {  	[tilespmem:s23+$0xFFFFFFC0] =	vst v26;
	v15 =	vsub.f32 v18, v15;
	v24 =	vld [tilespmem:s19+$0xFFFFFFE0]  }
0x580: {  	s26 =	simm.s32 $0x8140;
	v30 =	vld [tilespmem:s24+$0xFFFFFFD0]  }
0x581: {  	v18 =	vld [tilespmem:s26+$0xFFFFFFC0];
	v20 =	vmul.f32 v15, v15  }
0x582: {  	v15 =	vld [tilespmem:s26+$0x0];
	v29 =	vmul.f32 v21, v21  }
0x583: {  	v21 =	vld [tilespmem:s25+$0xFFFFFFD0];
	[tilespmem:s23+$0x0] =	vst v20  }
0x584: {  	[tilespmem:s22+$0x10] =	vst v29;
	v27 =	vld [tilespmem:s25+$0x10];
	v23 =	vsub.f32 v24, v23  }
0x585: {  	v31 =	vld [tilespmem:s30+$0x20]  }
0x586: {  	v18 =	vsub.f32 v25, v18;
	v24 =	vld [tilespmem:s19+$0x20];
	v33 =	vmul.f32 v23, v23  }
0x587: {  	v28 =	vld [tilespmem:s24+$0x10]  }
0x588: {  	v18 =	vmul.f32 v18, v18;
	v15 =	vsub.f32 v22, v15;
	v22 =	vld [tilespmem:s29+$0x0];
	[tilespmem:s22+$0xFFFFFFE0] =	vst v33  }
0x589: {  	s1 =	simm.s32 $0x10140;
	v21 =	vsub.f32 v21, v30;
	v30 =	vld [tilespmem:s19+$0xFFFFFFF0]  }
0x58a: {  	[tilespmem:s1+$0xFFFFFFC0] =	vst v18;
	v35 =	vmul.f32 v15, v15;
	v15 =	vimm.f32 $+Inf;
	v37 =	vld [tilespmem:s30+$0xFFFFFFF0]  }
0x58b: {  	v25 =	vld [tilespmem:s28+$0xFFFFFFD0];
	v19 =	vmin.f32 v15, v19;
	v24 =	vsub.f32 v24, v31;
	v31 =	vmul.f32 v21, v21  }
0x58c: {  	v16 =	vmin.f32 v15, v16;
	[tilespmem:s1+$0x0] =	vst v35;
	v19 =	vmin.f32 v19, v29;
	v29 =	vld [tilespmem:s26+$0xFFFFFFD0]  }
0x58d: {  	v16 =	vmin.f32 v16, v17;
	v23 =	vld [tilespmem:s26+$0x10];
	[tilespmem:s23+$0xFFFFFFD0] =	vst v31;
	v38 =	vmul.f32 v24, v24  }
0x58e: {  	v17 =	vsub.f32 v27, v28;
	v16 =	vmin.f32 v16, v26;
	v26 =	vld [tilespmem:s24+$0xFFFFFFE0]  }
0x58f: {  	v16 =	vmin.f32 v16, v20;
	v28 =	vld [tilespmem:s25+$0xFFFFFFE0];
	[tilespmem:s22+$0x20] =	vst v38;
	v24 =	vsub.f32 v30, v37  }
0x590: {  	v27 =	vmul.f32 v17, v17;
	v16 =	vmin.f32 v16, v18;
	v20 =	vld [tilespmem:s19+$0x30]  }
0x591: {  	v17 =	vmin.f32 v19, v31;
	v31 =	vsub.f32 v36, v32;
	v19 =	vmul.f32 v24, v24;
	v24 =	vld [tilespmem:s30+$0x30]  }
0x592: {  	s3 =	simm.s32 $0x8240;
	v18 =	vmin.f32 v16, v35;
	[tilespmem:s23+$0x10] =	vst v27;
	v16 =	vmin.f32 v15, v33;
	v21 =	vld [tilespmem:s28+$0x10];
	v30 =	vsub.f32 v34, v22  }
0x593: {  	s31 =	simm.s32 $0x1C0;
	v17 =	vmin.f32 v17, v27;
	v27 =	vld [tilespmem:s24+$0x20];
	v16 =	vmin.f32 v16, v38;
	s19 =	simm.s32 $0x6;
	v22 =	vmul.f32 v31, v31;
	s30 =	simm.s32 $0x10140;
	[tilespmem:s22+$0xFFFFFFF0] =	vst v19  }
.LBB2_59:
0x594: {  	s19 =	sadd.s32 $0x2, s19;
	v30 =	vmul.f32 v30, v30;
	s0 =	sadd.s32 $0x80, s0;
	s1 =	sadd.s32 $0x80, s1;
	v26 =	vsub.f32 v28, v26;
	v28 =	vld [tilespmem:s25+$0x20]  }
0x595: {  	v31 =	vld [tilespmem:s3+$0xFFFFFFC0];
	p0 =	slt.u32 s19, $0x1FE;
	v18 =	vmin.f32 v18, v22  }
0x596: {  	v32 =	vld [tilespmem:s3+$0x0];
	v18 =	vmin.f32 v18, v30;
	v33 =	vmul.f32 v26, v26;
	v20 =	vsub.f32 v20, v24  }
0x597: {  	v34 =	vld [tilespmem:s0+$0x0]  }
0x598: {  	v25 =	vsub.f32 v25, v29;
	v24 =	vld [tilespmem:s0+$0xFFFFFFC0];
	[tilespmem:s23+$0xFFFFFFE0] =	vst v33;
	v20 =	vmul.f32 v20, v20  }
0x599: {  	v23 =	vsub.f32 v21, v23;
	v15 =	vmin.f32 v15, v19;
	[tilespmem:s1+$0x0] =	vst v30;
	v29 =	vld [tilespmem:s25+$0xFFFFFFF0];
	v26 =	vsub.f32 v28, v27  }
0x59a: {  	v19 =	vmul.f32 v25, v25;
	v27 =	vld [tilespmem:s24+$0xFFFFFFF0];
	[tilespmem:s22+$0x30] =	vst v20;
	v15 =	vmin.f32 v15, v20;
	s22 =	smov.u32 s23;
	s23 =	smov.u32 s30;
	s30 =	smov.u32 s1  }
0x59b: {  	v20 =	vmul.f32 v23, v23;
	[tilespmem:s1+$0xFFFFFFC0] =	vst v22;
	v21 =	vld [tilespmem:s31+$0x10]  }
0x59c: {  	v17 =	vmin.f32 v17, v19;
	v25 =	vld [tilespmem:s31+$0xFFFFFFD0]  }
0x59d: {  	v17 =	vmin.f32 v17, v20;
	v23 =	vld [tilespmem:s29+$0x10];
	[tilespmem:s23+$0xFFFFFFD0] =	vst v19;
	v19 =	vmul.f32 v26, v26  }
0x59e: {  	v16 =	vmin.f32 v16, v33;
	v26 =	vld [tilespmem:s26+$0xFFFFFFE0];
	[tilespmem:s23+$0x10] =	vst v20  }
.Ltmp47:
0x59f: {  	v28 =	vld [tilespmem:s28+$0xFFFFFFE0];
	v22 =	vsub.f32 v29, v27;
	[tilespmem:s22+$0x20] =	vst v19;
	v16 =	vmin.f32 v16, v19;
	(pc) =	sbr.rel @p0 .LBB2_59-.Ltmp47, $4  }
0x5a0: {  	v20 =	vld [tilespmem:s25+$0x30];
	s25 =	smov.u32 s28;
	s28 =	smov.u32 s31;
	s31 =	smov.u32 s0  }
0x5a1: {  	v27 =	vsub.f32 v24, v31;
	v19 =	vmul.f32 v22, v22;
	v24 =	vld [tilespmem:s24+$0x30];
	s24 =	smov.u32 s26;
	s26 =	smov.u32 s29;
	s29 =	smov.u32 s3  }
0x5a2: {  	v30 =	vsub.f32 v34, v32;
	v29 =	vld [tilespmem:s26+$0xFFFFFFD0]  }
0x5a3: {  	v22 =	vmul.f32 v27, v27;
	s3 =	sadd.s32 $0x80, s3;
	v27 =	vld [tilespmem:s24+$0x20];
	[tilespmem:s22+$0xFFFFFFF0] =	vst v19  }
0x5a4: {  	s0 =	sadd.s32 $0x80, s1  }
0x5a5: {  	v30 =	vmul.f32 v30, v30;
	[tilespmem:s0+$0xFFFFFFC0] =	vst v22  }
0x5a6: {  	v31 =	vld [tilespmem:s31+$0xFFFFFFD0]  }
0x5a7: {  	v26 =	vsub.f32 v28, v26;
	[tilespmem:s0+$0x0] =	vst v30;
	v28 =	vld [tilespmem:s29+$0xFFFFFFD0]  }
0x5a8: {  	v21 =	vsub.f32 v21, v23;
	v25 =	vsub.f32 v25, v29;
	v29 =	vld [tilespmem:s31+$0x10]  }
0x5a9: {  	v26 =	vmul.f32 v26, v26;
	v32 =	vld [tilespmem:s29+$0x10]  }
0x5aa: {  	v21 =	vmul.f32 v21, v21  }
0x5ab: {  	[tilespmem:s23+$0xFFFFFFE0] =	vst v26;
	v23 =	vmul.f32 v25, v25;
	v25 =	vld [tilespmem:s25+$0x20]  }
0x5ac: {  	[tilespmem:s30+$0x10] =	vst v21;
	v33 =	vld [tilespmem:s25+$0xFFFFFFF0];
	v28 =	vsub.f32 v31, v28  }
0x5ad: {  	v57 =	vld [tilespmem:s26+$0x20]  }
0x5ae: {  	v35 =	vld [tilespmem:s28+$0x20];
	[tilespmem:s30+$0xFFFFFFD0] =	vst v23;
	v29 =	vsub.f32 v29, v32;
	v28 =	vmul.f32 v28, v28  }
0x5af: {  	v31 =	vld [tilespmem:s26+$0xFFFFFFE0]  }
0x5b0: {  	v34 =	vld [tilespmem:s28+$0xFFFFFFE0];
	v29 =	vmul.f32 v29, v29;
	[tilespmem:s0+$0xFFFFFFD0] =	vst v28  }
0x5b1: {  	v25 =	vsub.f32 v25, v27;
	v27 =	vld [tilespmem:s29+$0xFFFFFFE0]  }
0x5b2: {  	[tilespmem:s0+$0x10] =	vst v29;
	v36 =	vld [tilespmem:s31+$0xFFFFFFE0]  }
0x5b3: {  	v32 =	vsub.f32 v35, v57;
	v25 =	vmul.f32 v25, v25;
	v58 =	vld [tilespmem:s29+$0x20]  }
0x5b4: {  	v37 =	vld [tilespmem:s31+$0x20]  }
0x5b5: {  	v38 =	vld [tilespmem:s24+$0xFFFFFFF0];
	v32 =	vmul.f32 v32, v32;
	v31 =	vsub.f32 v34, v31;
	[tilespmem:s23+$0x20] =	vst v25  }
0x5b6: {  	v59 =	vld [tilespmem:s25+$0x30]  }
0x5b7: {  	[tilespmem:s30+$0x20] =	vst v32;
	v31 =	vmul.f32 v31, v31;
	v39 =	vld [tilespmem:s24+$0x30];
	v27 =	vsub.f32 v36, v27  }
0x5b8: {  	v61 =	vld [tilespmem:s28+$0x30]  }
0x5b9: {  	v41 =	vld [tilespmem:s26+$0x30];
	[tilespmem:s30+$0xFFFFFFE0] =	vst v31;
	v34 =	vsub.f32 v37, v58;
	v27 =	vmul.f32 v27, v27  }
0x5ba: {  	v60 =	vld [tilespmem:s28+$0xFFFFFFF0]  }
0x5bb: {  	v40 =	vld [tilespmem:s26+$0xFFFFFFF0];
	v34 =	vmul.f32 v34, v34;
	[tilespmem:s0+$0xFFFFFFE0] =	vst v27  }
0x5bc: {  	v42 =	vld [tilespmem:s31+$0xFFFFFFF0]  }
0x5bd: {  	v18 =	vmin.f32 v18, v22;
	v22 =	vld [tilespmem:s29+$0xFFFFFFF0];
	[tilespmem:s0+$0x20] =	vst v34  }
0x5be: {  	v15 =	vmin.f32 v15, v19;
	v20 =	vsub.f32 v20, v24;
	v17 =	vmin.f32 v17, v23;
	v23 =	vld [tilespmem:s31+$0x30]  }
0x5bf: {  	v18 =	vmin.f32 v18, v30;
	v17 =	vmin.f32 v17, v21;
	v19 =	vsub.f32 v33, v38;
	v21 =	vld [tilespmem:s29+$0x30]  }
0x5c0: {  	v16 =	vmin.f32 v16, v26;
	v20 =	vmul.f32 v20, v20;
	v24 =	vsub.f32 v59, v39  }
0x5c1: {  	v19 =	vmul.f32 v19, v19;
	v16 =	vmin.f32 v16, v25;
	v25 =	vsub.f32 v60, v40  }
0x5c2: {  	v15 =	vmin.f32 v15, v20;
	v26 =	vsub.f32 v61, v41;
	v24 =	vmul.f32 v24, v24  }
0x5c3: {  	v15 =	vmin.f32 v15, v19;
	v25 =	vmul.f32 v25, v25;
	v22 =	vsub.f32 v42, v22  }
0x5c4: {  	v26 =	vmul.f32 v26, v26;
	v15 =	vmin.f32 v15, v24;
	v21 =	vsub.f32 v23, v21  }
0x5c5: {  	v16 =	vmin.f32 v16, v31;
	v15 =	vmin.f32 v15, v25;
	v22 =	vmul.f32 v22, v22  }
0x5c6: {  	v16 =	vmin.f32 v16, v32;
	v15 =	vmin.f32 v15, v26;
	v21 =	vmul.f32 v21, v21  }
0x5c7: {  	v17 =	vmin.f32 v17, v28;
	v16 =	vmin.f32 v16, v27;
	v15 =	vmin.f32 v15, v22  }
0x5c8: {  	[tilespmem:s22+$0x30] =	vst v20;
	v17 =	vmin.f32 v17, v29;
	v16 =	vmin.f32 v16, v34;
	v15 =	vmin.f32 v15, v21  }
0x5c9: {  	v17 =	vmax.f32 v18, v17;
	[tilespmem:s23+$0xFFFFFFF0] =	vst v19;
	v15 =	vmax.f32 v16, v15  }
0x5ca: {  	[tilespmem:s23+$0x30] =	vst v24;
	v15 =	vmax.f32 v17, v15  }
0x5cb: {  	[tilespmem:s30+$0x30] =	vst v26;
	v16 =	vperm.xlane v15, v0  }
0x5cc: {  	[tilespmem:s30+$0xFFFFFFF0] =	vst v25  }
0x5cd: {  	[tilespmem:s0+$0xFFFFFFF0] =	vst v22;
	v15 =	vmax.f32 v15, v16  }
0x5ce: {  	s31 =	simm.s32 $0x10040;
	[tilespmem:s0+$0x30] =	vst v21;
	v16 =	vperm.xlane v15, v1  }
0x5cf: {  	v19 =	vld [tilespmem:s31+$0x20]  }
0x5d0: {  	v22 =	vld [tilespmem:s31+$0x0];
	v15 =	vmax.f32 v15, v16  }
0x5d1: {  	v21 =	vld [tilespmem:s31+$0x10];
	v18 =	vperm.xlane v15, v2  }
0x5d2: {  	v17 =	vld [tilespmem:s31+$0x30]  }
0x5d3: {  	v16 =	vld [tilespmem:s31+$0xFFFFFFF0];
	v15 =	vmax.f32 v15, v18  }
0x5d4: {  	v18 =	vld [tilespmem:s31+$0xFFFFFFE0];
	v20 =	vperm.xlane v15, v3  }
0x5d5: {  	v23 =	vld [tilespmem:s31+$0xFFFFFFC0]  }
0x5d6: {  	v15 =	vmax.f32 v15, v20;
	v20 =	vld [tilespmem:s31+$0xFFFFFFD0]  }
0x5d7: {  	v25 =	vimm.s32 $0x0;
	vm1 =	vle.f32 v19, v15;
	vm2 =	vle.f32 v17, v15  }
0x5d8: {  	vm3 =	vle.f32 v16, v15;
	vm4 =	vle.f32 v22, v15;
	vm5 =	vle.f32 v21, v15  }
0x5d9: {  	vm6 =	vle.f32 v18, v15;
	v27 =	vmpcnt.ones.xlane vm1;
	v26 =	vmpcnt.ones.xlane vm2  }
0x5da: {  	vm1 =	vle.f32 v23, v15;
	v28 =	vmpcnt.ones.xlane vm3;
	v29 =	vmpcnt.ones.xlane vm4  }
0x5db: {  	v31 =	vmpcnt.ones.xlane vm5;
	v30 =	vmpcnt.ones.xlane vm6;
	vm2 =	vle.f32 v20, v15  }
0x5dc: {  	v24 =	vadd.s32 v4, v25;
	v62 =	vmpcnt.ones.xlane vm1;
	v63 =	vmpcnt.ones.xlane vm2  }
0x5dd: {  	vm6 =	vgt.s32 v28, $0x0;
	vm4 =	vgt.s32 v29, $0x0;
	vm3 =	vgt.s32 v27, $0x0  }
0x5de: {  	vm5 =	vgt.s32 v31, $0x0;
	vm7 =	vgt.s32 v62, $0x0;
	vm1 =	vgt.s32 v63, $0x0  }
0x5df: {  	s1 =	simm.s32 $0x100C0;
	s0 =	simm.s32 $0x0;
	v27 =	vsel vm7, $0x10, v5;
	vm2 =	vgt.s32 v30, $0x0;
	v28 =	vsel vm1, $0x10, v5  }
.LBB2_61:
0x5e0: {  	v29 =	vld [tilespmem:s1+$0x30];
	v30 =	vsel vm2, $0x10, v5;
	v28 =	vadd.s32 v27, v28;
	v31 =	vsel vm3, $0x10, v5  }
0x5e1: {  	v33 =	vsel vm4, $0x10, v5;
	v34 =	vsel vm5, $0x10, v5;
	v32 =	vld [tilespmem:s1+$0x20];
	v30 =	vadd.s32 v28, v30  }
0x5e2: {  	s0 =	sadd.s32 $0x2, s0;
	v36 =	vsel vm6, $0x10, v5;
	v34 =	vadd.s32 v33, v34;
	v35 =	vld [tilespmem:s1+$0xFFFFFFF0];
	v25 =	vadd.s32 v25, v30  }
0x5e3: {  	vm8 =	vgt.s32 v26, $0x0;
	p0 =	slt.u32 s0, $0x1FE;
	v26 =	vadd.s32 v34, v31;
	v37 =	vld [tilespmem:s1+$0x0];
	v25 =	vadd.s32 v36, v25  }
0x5e4: {  	v31 =	vld [tilespmem:s1+$0x10];
	[tilespmem:v24+s18+$0x0] =	vst.idx.msk vm7, v23;
	v23 =	vsel vm8, $0x10, v5;
	v36 =	vadd.s32 v4, v25;
	v25 =	vadd.s32 v25, v26  }
0x5e5: {  	v38 =	vld [tilespmem:s1+$0xFFFFFFE0];
	v33 =	vadd.s32 v36, v33;
	v34 =	vadd.s32 v36, v34;
	v25 =	vadd.s32 v23, v25  }
0x5e6: {  	v30 =	vadd.s32 v24, v30;
	v40 =	vadd.s32 v36, v26;
	v23 =	vld [tilespmem:s1+$0xFFFFFFC0];
	v39 =	vadd.s32 v4, v25  }
0x5e7: {  	v27 =	vadd.s32 v24, v27;
	vm9 =	vmmov vm6;
	v28 =	vadd.s32 v24, v28;
	v41 =	vld [tilespmem:s1+$0xFFFFFFD0];
	v24 =	vmovc v39  }
0x5e8: {  	vm7 =	vle.f32 v29, v15;
	vm6 =	vle.f32 v32, v15  }
0x5e9: {  	vm10 =	vle.f32 v35, v15;
	vm11 =	vle.f32 v37, v15;
	vm12 =	vle.f32 v31, v15  }
0x5ea: {  	v26 =	vmpcnt.ones.xlane vm7;
	v39 =	vmpcnt.ones.xlane vm6;
	vm13 =	vle.f32 v38, v15;
	[tilespmem:v36+s18+$0x0] =	vst.idx.msk vm4, v22;
	v22 =	vmovc v37  }
0x5eb: {  	v36 =	vmpcnt.ones.xlane vm10;
	v37 =	vmpcnt.ones.xlane vm11;
	vm4 =	vle.f32 v23, v15;
	[tilespmem:v33+s18+$0x0] =	vst.idx.msk vm5, v21;
	v21 =	vmovc v31  }
.Ltmp48:
0x5ec: {  	v31 =	vmpcnt.ones.xlane vm13;
	v33 =	vmpcnt.ones.xlane vm12;
	vm5 =	vle.f32 v41, v15;
	[tilespmem:v34+s18+$0x0] =	vst.idx.msk vm3, v19;
	v19 =	vmovc v32;
	(pc) =	sbr.rel @p0 .LBB2_61-.Ltmp48, $4  }
0x5ed: {  	v32 =	vmpcnt.ones.xlane vm4;
	v34 =	vmpcnt.ones.xlane vm5;
	[tilespmem:v40+s18+$0x0] =	vst.idx.msk vm8, v17;
	v17 =	vmov v29  }
0x5ee: {  	vm6 =	vgt.s32 v36, $0x0;
	vm4 =	vgt.s32 v37, $0x0;
	vm3 =	vgt.s32 v39, $0x0;
	[tilespmem:v27+s18+$0x0] =	vst.idx.msk vm1, v20;
	v20 =	vmovc v41  }
0x5ef: {  	vm5 =	vgt.s32 v33, $0x0;
	vm7 =	vgt.s32 v32, $0x0;
	vm1 =	vgt.s32 v34, $0x0;
	[tilespmem:v28+s18+$0x0] =	vst.idx.msk vm2, v18;
	v18 =	vmovc v38  }
0x5f0: {  	s1 =	sadd.s32 $0x80, s1;
	v27 =	vsel vm7, $0x10, v5;
	vm2 =	vgt.s32 v31, $0x0;
	v28 =	vsel vm1, $0x10, v5;
	[tilespmem:v30+s18+$0x0] =	vst.idx.msk vm9, v16;
	v16 =	vmovc v35  }
0x5f1: {  	v29 =	vsel vm2, $0x10, v5;
	v28 =	vadd.s32 v27, v28;
	v30 =	vsel vm3, $0x10, v5  }
0x5f2: {  	v31 =	vsel vm4, $0x10, v5;
	v32 =	vsel vm5, $0x10, v5;
	v29 =	vadd.s32 v28, v29  }
0x5f3: {  	v33 =	vsel vm6, $0x10, v5;
	v32 =	vadd.s32 v31, v32;
	v25 =	vadd.s32 v25, v29  }
0x5f4: {  	vm8 =	vgt.s32 v26, $0x0;
	v58 =	vadd.s32 v32, v30;
	v25 =	vadd.s32 v33, v25  }
0x5f5: {  	v59 =	vsel vm8, $0x10, v5;
	v33 =	vadd.s32 v25, v58  }
0x5f6: {  	v30 =	vadd.s32 v59, v33  }
0x5f7: {  	v33 =	vxor.u32 $0x80000000, v30  }
0x5f8: {  	(xrf0) =	vmax.scan.msk.u32 $0xffff, v33;
	_ =	sdelay $0x5  }
0x5f9: {  	v33, _, _ =	vpop (xrf0)  }
0x5fa: {  	(v2sf) =	vpush v33, $0xF;
	_ =	sdelay $0xe  }
0x5fb: {  	s0 =	spop (v2sf)  }
0x5fc: {  	v25 =	vadd.s32 v4, v25;
	s0 =	sadd.s32 $0x8000003F, s0  }
0x5fd: {  	v31 =	vadd.s32 v25, v31;
	s1 =	sand.u32 $0x3F, s0  }
0x5fe: {  	v32 =	vadd.s32 v25, v32;
	s31 =	sshra.s32 s0, $0x1F;
	p1 =	slt.s32 s0, $0x1;
	p0 =	sne.s32 s1, $0x0  }
0x5ff: {  	v26 =	vadd.s32 v25, v58;
	s1 =	sshrl.u32 s31, $0x1A;
	p0 =	por !p1, !p0  }
0x600: {  	[tilespmem:v24+s18+$0x0] =	vst.idx.msk vm7, v23;
	v60 =	vadd.s32 v24, v27;
	s0 =	sadd.s32 s1, s0;
	s1 =	simm.s32 $0x1;
	p0 =	por !p0, !p0  }
0x601: {  	vm15 =	vmmov vm6;
	v61 =	vadd.s32 v24, v28;
	[tilespmem:v25+s18+$0x0] =	vst.idx.msk vm4, v22;
	s0 =	sshra.s32 s0, $0x6;
	s1 =	simm.s32 @!p0 $0x0  }
0x602: {  	v62 =	vadd.s32 v24, v29;
	[tilespmem:v31+s18+$0x0] =	vst.idx.msk vm5, v21;
	s22 =	ssub.s32 s0, s1  }
0x603: {  	[tilespmem:v32+s18+$0x0] =	vst.idx.msk vm3, v19;
	v19 =	vadd.s32 v4, v30;
	s0 =	sshrl.u32 s22, $0x1F  }
0x604: {  	[tilespmem:v26+s18+$0x0] =	vst.idx.msk vm8, v17;
	v17 =	vadd.s32 v7, v30;
	s0 =	sadd.s32 s0, s22  }
0x605: {  	[tilespmem:v60+s18+$0x0] =	vst.idx.msk vm1, v20;
	v63 =	vadd.s32 v8, v30;
	s23 =	sand.u32 $0xFFFFFFFE, s0  }
0x606: {  	[tilespmem:v61+s18+$0x0] =	vst.idx.msk vm2, v18;
	v18 =	vadd.s32 v9, v30;
	p0 =	slt.s32 s23, $0x1  }
.Ltmp49:
0x607: {  	[tilespmem:v62+s18+$0x0] =	vst.idx.msk vm15, v16;
	(pc) =	sbr.rel @p0 .LBB2_63-.Ltmp49, $4  }
0x608: {  	[tilespmem:v19+s18+$0x0] =	vst.idx.msk $0xffff, v6  }
0x609: {  	[tilespmem:v17+s18+$0x0] =	vst.idx.msk $0xffff, v6  }
0x60a: {  	[tilespmem:v63+s18+$0x0] =	vst.idx.msk $0xffff, v6  }
0x60b: {  	v16 =	vimm.s32 $0x0;
	[tilespmem:v18+s18+$0x0] =	vst.idx.msk $0xffff, v6  }
0x60c: {  	s24 =	simm.s32 $0x10040  }
0x60d: {  	v17 =	vld [tilespmem:s24+$0xFFFFFFC0];
	_ =	sdelay $0x4  }
0x60e: {  	vm1 =	vle.f32 v17, v15  }
0x60f: {  	v18 =	vsel vm1, $0x1, v5  }
0x610: {  	(xrf0) =	vadd.scan.msk.s32 $0xffff, v18;
	_ =	sdelay $0x5  }
0x611: {  	v18, _, _ =	vpop (xrf0)  }
0x612: {  	v18 =	vadd.s32 v18, v16  }
0x613: {  	v18 =	vadd.s32 $0xFFFFFFFF, v18;
	_ =	sdelay $0x4  }
0x614: {  	[tilespmem:v18+s18+$0x0] =	vst.idx.msk vm1, v17  }
0x615: {  	v17 =	vld [tilespmem:s24+$0xFFFFFFD0];
	_ =	sdelay $0x4  }
0x616: {  	vm2 =	vle.f32 v17, v15  }
0x617: {  	v18 =	vsel vm2, $0x1, v5  }
0x618: {  	(xrf0) =	vadd.scan.msk.s32 $0xffff, v18;
	_ =	sdelay $0x1  }
0x619: {  	v18 =	vmpcnt.ones.xlane vm1;
	_ =	sdelay $0x3  }
0x61a: {  	v16 =	vadd.s32 v16, v18;
	v18, _, _ =	vpop (xrf0)  }
0x61b: {  	v18 =	vadd.s32 v18, v16  }
0x61c: {  	v18 =	vadd.s32 $0xFFFFFFFF, v18;
	_ =	sdelay $0x4  }
0x61d: {  	[tilespmem:v18+s18+$0x0] =	vst.idx.msk vm2, v17  }
0x61e: {  	v17 =	vld [tilespmem:s24+$0xFFFFFFE0];
	_ =	sdelay $0x4  }
0x61f: {  	vm1 =	vle.f32 v17, v15  }
0x620: {  	v18 =	vsel vm1, $0x1, v5  }
0x621: {  	(xrf0) =	vadd.scan.msk.s32 $0xffff, v18;
	_ =	sdelay $0x1  }
0x622: {  	v18 =	vmpcnt.ones.xlane vm2;
	_ =	sdelay $0x3  }
0x623: {  	v16 =	vadd.s32 v16, v18;
	v18, _, _ =	vpop (xrf0)  }
0x624: {  	v18 =	vadd.s32 v18, v16  }
0x625: {  	v18 =	vadd.s32 $0xFFFFFFFF, v18  }
0x626: {  	v19 =	vld [tilespmem:s24+$0x0];
	_ =	sdelay $0x3  }
0x627: {  	[tilespmem:v18+s18+$0x0] =	vst.idx.msk vm1, v17  }
0x628: {  	vm2 =	vle.f32 v19, v15;
	v17 =	vld [tilespmem:s24+$0xFFFFFFF0]  }
0x629: {  	v18 =	vsel vm2, $0x1, v5  }
0x62a: {  	(xrf0) =	vadd.scan.msk.s32 $0xffff, v18;
	_ =	sdelay $0x2  }
0x62b: {  	v18 =	vmpcnt.ones.xlane vm1;
	vm3 =	vle.f32 v17, v15  }
0x62c: {  	v20 =	vmpcnt.ones.xlane vm3  }
0x62d: {  	v18 =	vadd.s32 v16, v18  }
0x62e: {  	v59, _, _ =	vpop (xrf0);
	v16 =	vadd.s32 v18, v20  }
0x62f: {  	v20 =	vadd.s32 v59, v16  }
0x630: {  	v20 =	vadd.s32 $0xFFFFFFFF, v20;
	_ =	sdelay $0x4  }
0x631: {  	[tilespmem:v20+s18+$0x0] =	vst.idx.msk vm2, v19  }
0x632: {  	v19 =	vld [tilespmem:s24+$0x10];
	_ =	sdelay $0x4  }
0x633: {  	v60 =	vsel vm3, $0x1, v5;
	vm1 =	vle.f32 v19, v15  }
0x634: {  	(xrf0) =	vadd.scan.msk.s32 $0xffff, v60;
	v61 =	vsel vm1, $0x1, v5  }
0x635: {  	(xrf0) =	vadd.scan.msk.s32 $0xffff, v61;
	_ =	sdelay $0x3  }
0x636: {  	v62 =	vmpcnt.ones.xlane vm2  }
0x637: {  	v21, _, _ =	vpop (xrf0)  }
0x638: {  	v16 =	vadd.s32 v16, v62;
	v63, _, _ =	vpop (xrf0)  }
0x639: {  	v20 =	vadd.s32 v63, v16  }
0x63a: {  	v18 =	vadd.s32 v21, v18;
	v20 =	vadd.s32 $0xFFFFFFFF, v20  }
0x63b: {  	p0 =	sgt.s32 s23, $0x2;
	v18 =	vadd.s32 $0xFFFFFFFF, v18  }
.Ltmp50:
0x63c: {  	_ = 	snop;
	(pc) =	sbr.rel @!p0 .LBB2_71-.Ltmp50, $3  }
0x63d: {  	_ =	sdelay $0x1  }
0x63e: {  	[tilespmem:v20+s18+$0x0] =	vst.idx.msk vm1, v19  }
0x63f: {  	s25 =	simm.s32 $0x2;
	s26 =	simm.s32 $0x10040;
	[tilespmem:v18+s18+$0x0] =	vst.idx.msk vm3, v17;
	v17 =	vld [tilespmem:s24+$0x20]  }
.LBB2_70:
0x640: {  	_ =	sdelay $0x2  }
0x641: {  	s25 =	sadd.s32 $0x2, s25  }
0x642: {  	p0 =	slt.s32 s25, s23;
	vm2 =	vle.f32 v17, v15  }
0x643: {  	v18 =	vsel vm2, $0x1, v5  }
0x644: {  	(xrf0) =	vadd.scan.msk.s32 $0xffff, v18;
	_ =	sdelay $0x3  }
0x645: {  	v19 =	vmpcnt.ones.xlane vm1;
	_ =	sdelay $0x1  }
0x646: {  	v16 =	vadd.s32 v16, v19;
	v18, _, _ =	vpop (xrf0)  }
0x647: {  	v18 =	vadd.s32 v18, v16  }
0x648: {  	s26 =	sadd.s32 $0x80, s26;
	v18 =	vadd.s32 $0xFFFFFFFF, v18  }
0x649: {  	v19 =	vld [tilespmem:s26+$0xFFFFFFC0];
	_ =	sdelay $0x3  }
0x64a: {  	[tilespmem:v18+s18+$0x0] =	vst.idx.msk vm2, v17  }
0x64b: {  	vm1 =	vle.f32 v19, v15;
	v17 =	vld [tilespmem:s24+$0x30];
	s24 =	smov.u32 s26  }
0x64c: {  	v18 =	vsel vm1, $0x1, v5  }
0x64d: {  	(xrf0) =	vadd.scan.msk.s32 $0xffff, v18;
	_ =	sdelay $0x2  }
0x64e: {  	v22 =	vmpcnt.ones.xlane vm2;
	vm2 =	vle.f32 v17, v15  }
0x64f: {  	v20 =	vsel vm2, $0x1, v5;
	v21 =	vmpcnt.ones.xlane vm2  }
0x650: {  	v16 =	vadd.s32 v16, v22;
	(xrf0) =	vadd.scan.msk.s32 $0xffff, v20  }
0x651: {  	v18, _, _ =	vpop (xrf0);
	v20 =	vadd.s32 v16, v21  }
0x652: {  	v18 =	vadd.s32 v18, v20  }
0x653: {  	v18 =	vadd.s32 $0xFFFFFFFF, v18;
	_ =	sdelay $0x2  }
0x654: {  	v21, _, _ =	vpop (xrf0)  }
0x655: {  	v16 =	vadd.s32 v21, v16  }
0x656: {  	[tilespmem:v18+s18+$0x0] =	vst.idx.msk vm1, v19;
	v16 =	vadd.s32 $0xFFFFFFFF, v16  }
0x657: {  	v18 =	vld [tilespmem:s26+$0xFFFFFFD0];
	_ =	sdelay $0x3  }
0x658: {  	[tilespmem:v16+s18+$0x0] =	vst.idx.msk vm2, v17  }
0x659: {  	vm2 =	vle.f32 v18, v15  }
0x65a: {  	v16 =	vsel vm2, $0x1, v5  }
0x65b: {  	(xrf0) =	vadd.scan.msk.s32 $0xffff, v16;
	_ =	sdelay $0x3  }
0x65c: {  	v16 =	vmpcnt.ones.xlane vm1;
	_ =	sdelay $0x1  }
0x65d: {  	v16 =	vadd.s32 v20, v16;
	v17, _, _ =	vpop (xrf0)  }
0x65e: {  	v17 =	vadd.s32 v17, v16  }
0x65f: {  	v17 =	vadd.s32 $0xFFFFFFFF, v17;
	_ =	sdelay $0x4  }
0x660: {  	[tilespmem:v17+s18+$0x0] =	vst.idx.msk vm2, v18  }
0x661: {  	v17 =	vld [tilespmem:s26+$0xFFFFFFE0];
	_ =	sdelay $0x4  }
0x662: {  	vm1 =	vle.f32 v17, v15  }
0x663: {  	v18 =	vsel vm1, $0x1, v5  }
0x664: {  	(xrf0) =	vadd.scan.msk.s32 $0xffff, v18;
	_ =	sdelay $0x3  }
0x665: {  	v19 =	vmpcnt.ones.xlane vm2;
	_ =	sdelay $0x1  }
0x666: {  	v16 =	vadd.s32 v16, v19;
	v18, _, _ =	vpop (xrf0)  }
0x667: {  	v18 =	vadd.s32 v18, v16  }
0x668: {  	v18 =	vadd.s32 $0xFFFFFFFF, v18  }
0x669: {  	v19 =	vld [tilespmem:s26+$0x0];
	_ =	sdelay $0x3  }
0x66a: {  	[tilespmem:v18+s18+$0x0] =	vst.idx.msk vm1, v17  }
0x66b: {  	v17 =	vld [tilespmem:s26+$0xFFFFFFF0];
	vm2 =	vle.f32 v19, v15  }
0x66c: {  	v18 =	vsel vm2, $0x1, v5  }
0x66d: {  	(xrf0) =	vadd.scan.msk.s32 $0xffff, v18;
	_ =	sdelay $0x2  }
0x66e: {  	v18 =	vmpcnt.ones.xlane vm1;
	vm1 =	vle.f32 v17, v15  }
0x66f: {  	v22 =	vsel vm1, $0x1, v5;
	v21 =	vmpcnt.ones.xlane vm1  }
0x670: {  	v16 =	vadd.s32 v16, v18;
	(xrf0) =	vadd.scan.msk.s32 $0xffff, v22  }
0x671: {  	v18 =	vadd.s32 v16, v21;
	v20, _, _ =	vpop (xrf0)  }
0x672: {  	v20 =	vadd.s32 v20, v18  }
0x673: {  	v20 =	vadd.s32 $0xFFFFFFFF, v20;
	_ =	sdelay $0x2  }
0x674: {  	v21, _, _ =	vpop (xrf0)  }
0x675: {  	v16 =	vadd.s32 v21, v16  }
0x676: {  	v16 =	vadd.s32 $0xFFFFFFFF, v16;
	[tilespmem:v20+s18+$0x0] =	vst.idx.msk vm2, v19  }
0x677: {  	v19 =	vld [tilespmem:s26+$0x10];
	_ =	sdelay $0x3  }
0x678: {  	[tilespmem:v16+s18+$0x0] =	vst.idx.msk vm1, v17  }
0x679: {  	vm1 =	vle.f32 v19, v15  }
0x67a: {  	v16 =	vsel vm1, $0x1, v5  }
0x67b: {  	(xrf0) =	vadd.scan.msk.s32 $0xffff, v16;
	_ =	sdelay $0x3  }
0x67c: {  	v16 =	vmpcnt.ones.xlane vm2;
	_ =	sdelay $0x1  }
0x67d: {  	v16 =	vadd.s32 v18, v16;
	v17, _, _ =	vpop (xrf0)  }
0x67e: {  	v17 =	vadd.s32 v17, v16  }
0x67f: {  	v17 =	vadd.s32 $0xFFFFFFFF, v17;
	_ =	sdelay $0x1  }
.Ltmp51:
0x680: {  	(pc) =	sbr.rel @p0 .LBB2_70-.Ltmp51, $3  }
0x681: {  	_ =	sdelay $0x1  }
0x682: {  	[tilespmem:v17+s18+$0x0] =	vst.idx.msk vm1, v19  }
0x683: {  	v17 =	vld [tilespmem:s26+$0x20]  }
.LBB2_71:
0x684: {  	_ =	sdelay $0x3  }
0x685: {  	vm2 =	vle.f32 v17, v15  }
0x686: {  	v18 =	vsel vm2, $0x1, v5  }
0x687: {  	(xrf0) =	vadd.scan.msk.s32 $0xffff, v18;
	_ =	sdelay $0x1  }
0x688: {  	v18 =	vmpcnt.ones.xlane vm1;
	_ =	sdelay $0x3  }
0x689: {  	v16 =	vadd.s32 v16, v18;
	v18, _, _ =	vpop (xrf0)  }
0x68a: {  	v18 =	vadd.s32 v18, v16  }
0x68b: {  	v18 =	vadd.s32 $0xFFFFFFFF, v18;
	_ =	sdelay $0x4  }
0x68c: {  	[tilespmem:v18+s18+$0x0] =	vst.idx.msk vm2, v17  }
0x68d: {  	v17 =	vld [tilespmem:s24+$0x30];
	_ =	sdelay $0x4  }
0x68e: {  	vm1 =	vle.f32 v17, v15  }
0x68f: {  	v18 =	vsel vm1, $0x1, v5  }
0x690: {  	(xrf0) =	vadd.scan.msk.s32 $0xffff, v18;
	_ =	sdelay $0x1  }
0x691: {  	v18 =	vmpcnt.ones.xlane vm2;
	_ =	sdelay $0x3  }
0x692: {  	v16 =	vadd.s32 v16, v18;
	v18, _, _ =	vpop (xrf0)  }
0x693: {  	v18 =	vadd.s32 v18, v16  }
0x694: {  	v18 =	vadd.s32 $0xFFFFFFFF, v18;
	_ =	sdelay $0x2  }
0x695: {  	v19 =	vmpcnt.ones.xlane vm1;
	_ =	sdelay $0x1  }
0x696: {  	v16 =	vadd.s32 v16, v19;
	[tilespmem:v18+s18+$0x0] =	vst.idx.msk vm1, v17  }
.LBB2_63:
0x697: {  	s0 =	ssub.s32 s22, s23  }
0x698: {  	p0 =	slt.s32 s0, $0x1  }
0x699: {  	s0 =	sshll.u32 @!p0 s23, $0x8  }
0x69a: {  	s0 =	sshra.s32 @!p0 s0, $0x2  }
0x69b: {  	v17 =	vld @!p0 [tilespmem:s0+$0x10000];
	_ =	sdelay $0x4  }
0x69c: {  	v18 =	vimm.s32 @!p0 $0x0;
	vm1 =	vle.f32 @!p0 v17, v15  }
0x69d: {  	v19 =	vsel @!p0 vm1, $0x1, v18  }
0x69e: {  	(xrf0) =	vadd.scan.msk.s32 @!p0 $0xffff, v19;
	_ =	sdelay $0x5  }
0x69f: {  	v19, _, _ =	vpop @!p0 (xrf0)  }
0x6a0: {  	v19 =	vadd.s32 @!p0 v19, v16  }
0x6a1: {  	v19 =	vadd.s32 @!p0 $0xFFFFFFFF, v19;
	_ =	sdelay $0x3  }
0x6a2: {  	s1 =	simm.s32 @!p0 $0x10000  }
0x6a3: {  	[tilespmem:v19+s1+$0x0] =	vst.idx.msk @!p0 vm1, v17  }
0x6a4: {  	v17 =	vld @!p0 [tilespmem:s0+$0x10010];
	_ =	sdelay $0x4  }
0x6a5: {  	vm2 =	vle.f32 @!p0 v17, v15  }
0x6a6: {  	v19 =	vsel @!p0 vm2, $0x1, v18  }
0x6a7: {  	(xrf0) =	vadd.scan.msk.s32 @!p0 $0xffff, v19;
	_ =	sdelay $0x3  }
0x6a8: {  	v19 =	vmpcnt.ones.xlane @!p0 vm1;
	_ =	sdelay $0x1  }
0x6a9: {  	v19 =	vadd.s32 @!p0 v16, v19;
	v20, _, _ =	vpop @!p0 (xrf0)  }
0x6aa: {  	v20 =	vadd.s32 @!p0 v20, v19  }
0x6ab: {  	v20 =	vadd.s32 @!p0 $0xFFFFFFFF, v20;
	_ =	sdelay $0x4  }
0x6ac: {  	[tilespmem:v20+s1+$0x0] =	vst.idx.msk @!p0 vm2, v17  }
0x6ad: {  	v17 =	vld @!p0 [tilespmem:s0+$0x10020];
	_ =	sdelay $0x4  }
0x6ae: {  	vm1 =	vle.f32 @!p0 v17, v15  }
0x6af: {  	v20 =	vsel @!p0 vm1, $0x1, v18  }
0x6b0: {  	(xrf0) =	vadd.scan.msk.s32 @!p0 $0xffff, v20;
	_ =	sdelay $0x1  }
0x6b1: {  	v20 =	vmpcnt.ones.xlane @!p0 vm2;
	_ =	sdelay $0x3  }
0x6b2: {  	v19 =	vadd.s32 @!p0 v19, v20;
	v20, _, _ =	vpop @!p0 (xrf0)  }
0x6b3: {  	v20 =	vadd.s32 @!p0 v20, v19  }
0x6b4: {  	v20 =	vadd.s32 @!p0 $0xFFFFFFFF, v20;
	_ =	sdelay $0x4  }
0x6b5: {  	[tilespmem:v20+s1+$0x0] =	vst.idx.msk @!p0 vm1, v17  }
0x6b6: {  	v17 =	vld @!p0 [tilespmem:s0+$0x10030];
	_ =	sdelay $0x3  }
0x6b7: {  	v14 =	vcvt.s32.f32 v14  }
0x6b8: {  	vm2 =	vle.f32 @!p0 v17, v15  }
0x6b9: {  	v14 =	vsub.f32 $6.400000000e+01, v14;
	v15 =	vsel @!p0 vm2, $0x1, v18  }
0x6ba: {  	(xrf0) =	vadd.scan.msk.s32 @!p0 $0xffff, v15;
	v15 =	vmpcnt.ones.xlane @!p0 vm1  }
0x6bb: {  	v12 =	vmul.f32 v12, v14;
	v14 =	vmpcnt.ones.xlane @!p0 vm2  }
0x6bc: {  	v11 =	vadd.f32 v13, v11;
	v15 =	vadd.s32 @!p0 v19, v15  }
0x6bd: {  	v12 =	vnsel vm0, $0x0, v12;
	v13 =	vadd.s32 @!p0 v15, v14  }
0x6be: {  	v11 =	vadd.f32 v12, v11;
	v12 =	vpsel p0, v16, v13  }
0x6bf: {  	v13 =	vxor.u32 $0x80000000, v12  }
0x6c0: {  	v18, _, _ =	vpop @!p0 (xrf0);
	(xrf0) =	vmax.scan.msk.u32 $0xffff, v13;
	_ =	sdelay $0x5  }
0x6c1: {  	v13, _, _ =	vpop (xrf0)  }
0x6c2: {  	(v2sf) =	vpush v13, $0xF;
	_ =	sdelay $0xc  }
0x6c3: {  	v18 =	vadd.s32 @!p0 v18, v15  }
0x6c4: {  	v18 =	vadd.s32 @!p0 $0xFFFFFFFF, v18  }
0x6c5: {  	v13 =	vadd.s32 v4, v12;
	s29 =	spop (v2sf)  }
0x6c6: {  	v14 =	vadd.s32 v7, v12;
	s0 =	sadd.s32 $0x8000003F, s29  }
0x6c7: {  	v15 =	vadd.s32 v8, v12;
	s30 =	sand.u32 $0x3F, s0  }
0x6c8: {  	v12 =	vadd.s32 v9, v12;
	s31 =	sshra.s32 s0, $0x1F;
	p1 =	slt.s32 s0, $0x1;
	p6 =	sne.s32 s30, $0x0  }
.Ltmp52:
0x6c9: {  	[tilespmem:v18+s1+$0x0] =	vst.idx.msk @!p0 vm2, v17;
	s1 =	sshrl.u32 s31, $0x1A;
	p0 =	por !p1, !p6;
	(pc) =	sbr.rel .LBB2_64-.Ltmp52, $4  }
0x6ca: {  	[tilespmem:v13+s18+$0x0] =	vst.idx.msk $0xffff, v6;
	s0 =	sadd.s32 s1, s0;
	s1 =	simm.s32 $0x1;
	p0 =	por !p0, !p0  }
0x6cb: {  	[tilespmem:v14+s18+$0x0] =	vst.idx.msk $0xffff, v6;
	s0 =	sshra.s32 s0, $0x6;
	s1 =	simm.s32 @!p0 $0x0  }
0x6cc: {  	[tilespmem:v15+s18+$0x0] =	vst.idx.msk $0xffff, v6;
	s22 =	ssub.s32 s0, s1  }
0x6cd: {  	[tilespmem:v12+s18+$0x0] =	vst.idx.msk $0xffff, v6;
	v12 =	vimm.s32 $0x0;
	s0 =	simm.s32 $0x0;
	p0 =	slt.s32 s22, $0x1  }
.LBB2_65:
0x6ce: {  	v12 =	vmov v13  }
.LBB2_75:
0x6cf: {  	s0 =	sadd.s32 $0x1, s0  }
0x6d0: {  	p1 =	sne.s32 s0, $0x1F  }
.Ltmp53:
0x6d1: {  	_ = 	snop;
	(pc) =	sbr.rel @!p1 .LBB2_76-.Ltmp53, $1  }
0x6d2: {  	_ =	sdelay $0x3  }
.LBB2_64:
.Ltmp54:
0x6d3: {  	s1 =	ssub.s32 $0x1E, s0;
	(pc) =	sbr.rel @p0 .LBB2_65-.Ltmp54, $3  }
0x6d4: {  	v13 =	vshll.u32 v10, s1  }
0x6d5: {  	v13 =	vbroadcast v13, $0x0;
	_ =	sdelay $0x1  }
0x6d6: {  	s3 =	simm.s32 $0x10020;
	v13 =	vor.u32 v12, v13  }
0x6d7: {  	v17 =	vld [tilespmem:s3+$0xFFFFFFE0];
	p1 =	sne.s32 s22, $0x1  }
.Ltmp55:
0x6d8: {  	v15 =	vld [tilespmem:s3+$0xFFFFFFF0];
	(pc) =	sbr.rel @!p1 .LBB2_74-.Ltmp55, $3  }
0x6d9: {  	v16 =	vld [tilespmem:s3+$0x0]  }
0x6da: {  	v14 =	vld [tilespmem:s3+$0x10];
	_ =	sdelay $0x1  }
0x6db: {  	s1 =	sadd.s32 $0xFFFFFFFF, s22;
	s3 =	sadd.s32 $0x40, s3;
	vm1 =	vlt.s32 v17, v13;
	v17 =	vimm.s32 $0x0  }
.LBB2_73:
0x6dc: {  	v18 =	vld [tilespmem:s3+$0xFFFFFFE0];
	p1 =	sne.s32 s1, $0x1;
	s1 =	sadd.s32 $0xFFFFFFFF, s1;
	v19 =	vmpcnt.ones.xlane vm1;
	vm1 =	vlt.s32 v15, v13  }
.Ltmp56:
0x6dd: {  	v15 =	vld [tilespmem:s3+$0xFFFFFFF0];
	v20 =	vmpcnt.ones.xlane vm1;
	vm1 =	vlt.s32 v16, v13;
	(pc) =	sbr.rel @p1 .LBB2_73-.Ltmp56, $4  }
0x6de: {  	v16 =	vld [tilespmem:s3+$0x0];
	v17 =	vadd.s32 v17, v19;
	v19 =	vmpcnt.ones.xlane vm1;
	vm1 =	vlt.s32 v14, v13  }
0x6df: {  	v14 =	vld [tilespmem:s3+$0x10];
	v17 =	vadd.s32 v20, v17;
	v20 =	vmpcnt.ones.xlane vm1  }
0x6e0: {  	v17 =	vadd.s32 v19, v17  }
0x6e1: {  	s3 =	sadd.s32 $0x40, s3;
	vm1 =	vlt.s32 v18, v13;
	v17 =	vadd.s32 v20, v17  }
.LBB2_74:
0x6e2: {  	v18 =	vmpcnt.ones.xlane vm1;
	vm1 =	vlt.s32 v15, v13  }
0x6e3: {  	v15 =	vmpcnt.ones.xlane vm1;
	vm1 =	vlt.s32 v16, v13  }
0x6e4: {  	v62 =	vadd.s32 v17, v18;
	v63 =	vmpcnt.ones.xlane vm1;
	vm1 =	vlt.s32 v14, v13  }
.Ltmp57:
0x6e5: {  	v14 =	vadd.s32 v15, v62;
	v15 =	vmpcnt.ones.xlane vm1;
	(pc) =	sbr.rel .LBB2_75-.Ltmp57, $4  }
0x6e6: {  	v14 =	vadd.s32 v63, v14  }
0x6e7: {  	v14 =	vadd.s32 v15, v14  }
0x6e8: {  	vm1 =	vgt.s32 v14, $0x3F  }
0x6e9: {  	v12 =	vsel vm1, v12, v13  }
.LBB2_76:
0x6ea: {  	s0 =	sshrl.u32 s22, $0x1F  }
0x6eb: {  	s0 =	sadd.s32 s0, s22  }
0x6ec: {  	s23 =	sand.u32 $0xFFFFFFFE, s0  }
0x6ed: {  	p0 =	slt.s32 s23, $0x1  }
.Ltmp58:
0x6ee: {  	_ = 	snop;
	(pc) =	sbr.rel @p0 .LBB2_77-.Ltmp58, $1  }
0x6ef: {  	_ =	sdelay $0x3  }
0x6f0: {  	s0 =	simm.s32 $0x10040  }
0x6f1: {  	v17 =	vld [tilespmem:s0+$0xFFFFFFC0];
	_ =	sdelay $0x1  }
0x6f2: {  	v18 =	vld [tilespmem:s0+$0xFFFFFFD0];
	_ =	sdelay $0x1  }
0x6f3: {  	v19 =	vld [tilespmem:s0+$0xFFFFFFE0]  }
0x6f4: {  	v20 =	vld [tilespmem:s0+$0xFFFFFFF0];
	vm3 =	vgt.s32 v12, v17  }
0x6f5: {  	v15 =	vimm.f32 $0.0e+00;
	v13 =	vld [tilespmem:s0+$0x30];
	v17 =	vnsel vm3, $0x0, v17  }
0x6f6: {  	v21 =	vld [tilespmem:s0+$0x0];
	vm4 =	vgt.s32 v12, v18;
	v17 =	vadd.f32 v17, v15  }
0x6f7: {  	v14 =	vld [tilespmem:s0+$0x20];
	v18 =	vnsel vm4, $0x0, v18  }
0x6f8: {  	vm5 =	vgt.s32 v12, v19;
	v15 =	vld [tilespmem:s0+$0x10];
	v17 =	vadd.f32 v18, v17  }
0x6f9: {  	v16 =	vimm.s32 $0x0;
	p0 =	sgt.s32 s23, $0x2;
	vm6 =	vgt.s32 v12, v20;
	v18 =	vnsel vm5, $0x0, v19  }
.Ltmp59:
0x6fa: {  	vm1 =	vgt.s32 v12, v13;
	v19 =	vnsel vm6, $0x0, v20;
	v17 =	vadd.f32 v18, v17;
	(pc) =	sbr.rel @!p0 .LBB2_82-.Ltmp59, $4  }
0x6fb: {  	v20 =	vmpcnt.ones.xlane vm4;
	vm4 =	vgt.s32 v12, v21;
	v18 =	vmpcnt.ones.xlane vm3  }
0x6fc: {  	vm2 =	vgt.s32 v12, v14;
	v21 =	vnsel vm4, $0x0, v21;
	v22 =	vadd.f32 v19, v17  }
0x6fd: {  	vm3 =	vgt.s32 v12, v15;
	v16 =	vadd.s32 v16, v18;
	v17 =	vmpcnt.ones.xlane vm5  }
0x6fe: {  	s1 =	simm.s32 $0x100C0;
	s0 =	simm.s32 $0x2;
	v18 =	vmpcnt.ones.xlane vm6;
	v19 =	vadd.s32 v20, v16;
	v16 =	vadd.f32 v21, v22  }
.LBB2_81:
0x6ff: {  	v20 =	vld [tilespmem:s1+$0xFFFFFFC0];
	s0 =	sadd.s32 $0x2, s0;
	v17 =	vadd.s32 v17, v19;
	v19 =	vmpcnt.ones.xlane vm4;
	v15 =	vnsel vm3, $0x0, v15  }
0x700: {  	p0 =	slt.s32 s0, s23;
	v17 =	vadd.s32 v18, v17;
	v18 =	vmpcnt.ones.xlane vm3;
	v15 =	vadd.f32 v15, v16  }
0x701: {  	v14 =	vnsel vm2, $0x0, v14;
	v16 =	vld [tilespmem:s1+$0xFFFFFFD0];
	v17 =	vadd.s32 v19, v17;
	v19 =	vmpcnt.ones.xlane vm2  }
0x702: {  	v21 =	vld [tilespmem:s1+$0x30];
	v17 =	vadd.s32 v18, v17;
	v15 =	vadd.f32 v14, v15;
	v18 =	vmpcnt.ones.xlane vm1  }
0x703: {  	v13 =	vnsel vm1, $0x0, v13;
	v22 =	vld [tilespmem:s1+$0xFFFFFFE0];
	v17 =	vadd.s32 v19, v17  }
0x704: {  	vm3 =	vgt.s32 v12, v20;
	v14 =	vld [tilespmem:s1+$0x20];
	v17 =	vadd.s32 v18, v17;
	v23 =	vadd.f32 v13, v15  }
0x705: {  	v15 =	vnsel vm3, $0x0, v20;
	v18 =	vld [tilespmem:s1+$0xFFFFFFF0]  }
0x706: {  	v19 =	vadd.f32 v15, v23;
	vm4 =	vgt.s32 v12, v16;
	v15 =	vld [tilespmem:s1+$0x10]  }
0x707: {  	v16 =	vnsel vm4, $0x0, v16;
	v20 =	vld [tilespmem:s1+$0x0];
	v13 =	vmov v21  }
0x708: {  	v16 =	vadd.f32 v16, v19;
	vm5 =	vgt.s32 v12, v22  }
0x709: {  	vm1 =	vgt.s32 v12, v13;
	v19 =	vnsel vm5, $0x0, v22  }
.Ltmp60:
0x70a: {  	vm2 =	vgt.s32 v12, v14;
	v16 =	vadd.f32 v19, v16;
	vm6 =	vgt.s32 v12, v18;
	(pc) =	sbr.rel @p0 .LBB2_81-.Ltmp60, $4  }
0x70b: {  	v19 =	vmpcnt.ones.xlane vm3;
	v18 =	vnsel vm6, $0x0, v18;
	vm3 =	vgt.s32 v12, v15  }
0x70c: {  	v21 =	vmpcnt.ones.xlane vm4;
	v16 =	vadd.f32 v18, v16;
	vm4 =	vgt.s32 v12, v20  }
0x70d: {  	v18 =	vadd.s32 v17, v19;
	v17 =	vmpcnt.ones.xlane vm5;
	v20 =	vnsel vm4, $0x0, v20  }
0x70e: {  	s1 =	sadd.s32 $0x80, s1;
	v19 =	vadd.s32 v21, v18;
	v18 =	vmpcnt.ones.xlane vm6;
	v16 =	vadd.f32 v20, v16  }
.LBB2_82:
0x70f: {  	v17 =	vadd.s32 v17, v19;
	v60 =	vmpcnt.ones.xlane vm4;
	v15 =	vnsel vm3, $0x0, v15  }
.Ltmp61:
0x710: {  	v61 =	vmpcnt.ones.xlane vm3;
	v17 =	vadd.s32 v18, v17;
	v15 =	vadd.f32 v15, v16;
	(pc) =	sbr.rel .LBB2_78-.Ltmp61, $4  }
0x711: {  	v63 =	vmpcnt.ones.xlane vm2;
	v14 =	vnsel vm2, $0x0, v14;
	v62 =	vadd.s32 v60, v17  }
0x712: {  	v16 =	vadd.s32 v61, v62;
	v15 =	vadd.f32 v14, v15;
	v14 =	vmpcnt.ones.xlane vm1  }
0x713: {  	v13 =	vnsel vm1, $0x0, v13;
	v16 =	vadd.s32 v63, v16  }
0x714: {  	v14 =	vadd.s32 v14, v16;
	v13 =	vadd.f32 v13, v15  }
.LBB2_79:
0x715: {  	_ =	sfence.sel $0x180000  }
0x716: {  	[bflag:$0x0] =	sbarrier.arrive $0xFFFF  }
0x717: {  	_ =	strace $0x90000047  }
0x718: {  	s0 =	stileid.u32;
	[bflag:$0x2] =	sbarrier.arrive $0xFFFF  }
0x719: {  	p0 =	sne.s32 s0, $0x0;
	s0 =	rddreg [dreg:$0x3]  }
0x71a: {  	s0 =	sadd.s32 @!p0 $0x100000, s0  }
0x71b: {  	[sflag:s0] =	ssyncadd.tile.s32 @!p0 $0x1;
	_ =	shalt  }
.Lfunc_end2:
_tile_overlayer_lowered:
.L_overlay_start_2:
0x71c: {  	(tag) =	ssettag $0x2  }
0x71d: {  	s0 =	rddreg [dreg:$0x0];
	s2 =	stileid.u32  }
0x71e: {  	s1 =	rddreg [dreg:$0x1];
	p0 =	sne.s32 s2, $0x0  }
0x71f: {  	s3 =	rddreg [dreg:$0x2];
	[bflag:$0x3] =	sbarrier.arrive $0xFFFF;
	s2 =	simm.s32 @!p0 $0x1C03  }
0x720: {  	[timem:s3], [sflag:s2] =	dma.local @!p0 [hbm:s0], s1  }
0x721: {  	s0 =	simm.s32 @!p0 $0x3  }
0x722: {  	_ =	swait.ge @!p0 [sflag:s0], s1  }
0x723: {  	s1 =	ssub.s32 @!p0 $0x0, s1;
	[sflag:s0] =	ssyncset.done @!p0 $0x0  }
0x724: {  	[sflag:s0] =	ssyncadd.s32 @!p0 s1  }
0x725: {  	[bflag:$0x3] =	sbarrier.arrive $0xFFFF  }
0x726: {  	_ =	shalt  }

</sc_bundles>
